<compile_context>
chip_gen: v7x
topology: tpu7x:2x2x1
jax: 0.10.2.dev20260603
libtpu: 0.0.44.dev20260713+nightly
codegen_flags: <defaults>
</compile_context>

<pallas_src>
import functools

import jax
import jax.numpy as jnp
from jax import lax
from jax.experimental import pallas as pl
from jax.experimental.pallas import tpu as pltpu
from jax.experimental.pallas import tpu_sc as plsc

F = 128
S = 10
NC = 2
NS = 16
NW = NC * NS
CHUNK = 32


def _sc_body(nchunks, feat_hbm, nodes_hbm, neigh_hbm, self_out, nsum_out,
             nidx0, nidx1, sidx0, sidx1, gbuf0, gbuf1, sbuf0, sbuf1,
             acc0, acc1, gsem0, gsem1, ssem0, ssem1, osem0, osem1):
    wid = lax.axis_index("s") * NC + lax.axis_index("c")
    bufs = ((nidx0, sidx0, gbuf0, sbuf0, acc0, gsem0, ssem0, osem0),
            (nidx1, sidx1, gbuf1, sbuf1, acc1, gsem1, ssem1, osem1))

    def load_idx(c, b):
        nidx, sidx = bufs[b][0], bufs[b][1]
        base = (wid * nchunks + c) * CHUNK
        pltpu.sync_copy(nodes_hbm.at[pl.ds(base, CHUNK)], sidx)
        pltpu.sync_copy(neigh_hbm.at[pl.ds(base * S, S * CHUNK)], nidx)

    total = S * CHUNK
    nsplit = -(-total // 128)
    base_n = (total // nsplit) // 8 * 8
    splits = [(k * base_n, base_n) for k in range(nsplit - 1)]
    splits.append(((nsplit - 1) * base_n, total - (nsplit - 1) * base_n))

    def gather_handles(b):
        nidx, sidx, gbuf, sbuf = bufs[b][:4]
        gsem, ssem = bufs[b][5], bufs[b][6]
        hs = [pltpu.make_async_copy(feat_hbm.at[sidx], sbuf, ssem)]
        for off, n in splits:
            hs.append(pltpu.make_async_copy(
                feat_hbm.at[nidx.at[pl.ds(off, n)]],
                gbuf.at[pl.ds(off, n)], gsem))
        return hs

    def fire_gathers(b):
        for h in gather_handles(b):
            h.start()

    def wait_gathers(b):
        for h in gather_handles(b):
            h.wait()

    def out_copies(c, b):
        sbuf, acc, osem = bufs[b][3], bufs[b][4], bufs[b][7]
        base = (wid * nchunks + c) * CHUNK
        return (pltpu.make_async_copy(sbuf, self_out.at[pl.ds(base, CHUNK)],
                                      osem),
                pltpu.make_async_copy(acc, nsum_out.at[pl.ds(base, CHUNK)],
                                      osem))

    def reduce(b):
        gbuf, acc = bufs[b][2], bufs[b][4]

        def row_body(r, carry2):
            for j in range(F // 16):
                vs = [gbuf[s * CHUNK + r, pl.ds(j * 16, 16)] for s in range(S)]
                while len(vs) > 1:
                    vs = [vs[k] + vs[k + 1] for k in range(0, len(vs) - 1, 2)] \
                        + ([vs[-1]] if len(vs) % 2 else [])
                acc[r, pl.ds(j * 16, 16)] = vs[0]
            return carry2

        lax.fori_loop(0, CHUNK, row_body, 0)

    load_idx(0, 0)
    fire_gathers(0)
    load_idx(1, 1)
    fire_gathers(1)

    wait_gathers(0)
    reduce(0)
    for h in out_copies(0, 0):
        h.start()
    for h in out_copies(0, 0):
        h.wait()
    load_idx(2, 0)
    fire_gathers(0)
    wait_gathers(1)
    reduce(1)
    for h in out_copies(1, 1):
        h.start()

    def pair_body(cp, carry):
        c0 = cp * 2
        for h in out_copies(c0 - 1, 1):
            h.wait()
        load_idx(c0 + 1, 1)
        fire_gathers(1)
        wait_gathers(0)
        reduce(0)
        for h in out_copies(c0, 0):
            h.start()

        for h in out_copies(c0, 0):
            h.wait()
        load_idx(c0 + 2, 0)
        fire_gathers(0)
        wait_gathers(1)
        reduce(1)
        for h in out_copies(c0 + 1, 1):
            h.start()
        return carry

    lax.fori_loop(1, nchunks // 2 - 1, pair_body, 0)

    clast = nchunks - 2
    for h in out_copies(clast - 1, 1):
        h.wait()
    load_idx(clast + 1, 1)
    fire_gathers(1)
    wait_gathers(0)
    reduce(0)
    for h in out_copies(clast, 0):
        h.start()
    for h in out_copies(clast, 0):
        h.wait()
    wait_gathers(1)
    reduce(1)
    for h in out_copies(clast + 1, 1):
        h.start()
    for h in out_copies(clast + 1, 1):
        h.wait()


def _sc_gather(features, nodes_l, neigh_l, Bp):
    nchunks = Bp // NW // CHUNK
    mesh = plsc.VectorSubcoreMesh(core_axis_name="c", subcore_axis_name="s",
                                  num_cores=NC, num_subcores=NS)
    f32 = jnp.float32
    kern = pl.kernel(
        functools.partial(_sc_body, nchunks),
        out_type=[jax.ShapeDtypeStruct((Bp, F), f32),
                  jax.ShapeDtypeStruct((Bp, F), f32)],
        mesh=mesh,
        scratch_types=[
            pltpu.VMEM((S * CHUNK,), jnp.int32),
            pltpu.VMEM((S * CHUNK,), jnp.int32),
            pltpu.VMEM((CHUNK,), jnp.int32),
            pltpu.VMEM((CHUNK,), jnp.int32),
            pltpu.VMEM((S * CHUNK, F), f32),
            pltpu.VMEM((S * CHUNK, F), f32),
            pltpu.VMEM((CHUNK, F), f32),
            pltpu.VMEM((CHUNK, F), f32),
            pltpu.VMEM((CHUNK, F), f32),
            pltpu.VMEM((CHUNK, F), f32),
            pltpu.SemaphoreType.DMA,
            pltpu.SemaphoreType.DMA,
            pltpu.SemaphoreType.DMA,
            pltpu.SemaphoreType.DMA,
            pltpu.SemaphoreType.DMA,
            pltpu.SemaphoreType.DMA,
        ],
    )
    return kern(features, nodes_l, neigh_l)


def _tc_body(w_ref, self_ref, nsum_ref, out_ref):
    w = w_ref[...]
    ws = w[:, :F]
    wn = w[:, F:] * (1.0 / S)
    sf = self_ref[...]
    nf = nsum_ref[...]
    o = lax.dot_general(ws, sf, (((1,), (1,)), ((), ())),
                        preferred_element_type=jnp.float32)
    o = o + lax.dot_general(wn, nf, (((1,), (1,)), ((), ())),
                            preferred_element_type=jnp.float32)
    out_ref[...] = jnp.maximum(o, 0.0)


def _tc_matmul(weight, self_feats, nsum, B):
    BLK = 2048
    grid = (pl.cdiv(B, BLK),)
    return pl.pallas_call(
        _tc_body,
        grid=grid,
        in_specs=[
            pl.BlockSpec((EMB := weight.shape[0], 2 * F), lambda i: (0, 0)),
            pl.BlockSpec((BLK, F), lambda i: (i, 0)),
            pl.BlockSpec((BLK, F), lambda i: (i, 0)),
        ],
        out_specs=pl.BlockSpec((EMB, BLK), lambda i: (0, i)),
        out_shape=jax.ShapeDtypeStruct((EMB, B), jnp.float32),
    )(weight, self_feats, nsum)


def kernel(nodes, neigh_idx, features, weight):
    B = nodes.shape[0]
    tile = NW * CHUNK
    Bp = ((B + tile - 1) // tile) * tile
    pad = Bp - B
    nodes_p = jnp.pad(nodes, (0, pad)).astype(jnp.int32)
    neigh_p = jnp.pad(neigh_idx, ((0, pad), (0, 0))).astype(jnp.int32)
    nrows = Bp // CHUNK
    nodes_l = jnp.pad(nodes_p, (0, 2 * CHUNK))
    neigh_l = jnp.pad((neigh_p.reshape(nrows, CHUNK, S)
                       .transpose(0, 2, 1)
                       .reshape(-1)), (0, 2 * CHUNK * S))
    self_feats, nsum = _sc_gather(features, nodes_l, neigh_l, Bp)
    return _tc_matmul(weight, self_feats, nsum, B)

# --- scband reference (transcript-rebuilt; emitter-appended) ---
"""Pipeline reference for scband-encoder-83880711290997 (READ-ONLY COPY).

The authoritative reference and input builder live on the scoring server;
editing this copy changes nothing except your own understanding.
"""

import jax, jax.numpy as jnp
import numpy as np

N_NODES = 100000
FEAT_DIM = 128
EMBED_DIM = 128
NUM_SAMPLE = 10
BATCH = 50000


def setup_inputs(seed: int = 0) -> dict:
    key = jax.random.key(seed)
    k1, k2, k3, k4 = jax.random.split(key, 4)
    # forward args (int index tensors)
    nodes = jax.random.randint(k1, (BATCH,), 0, N_NODES)
    neigh_idx = jax.random.randint(k2, (BATCH, NUM_SAMPLE), 0, N_NODES)
    # learned parameters
    # features: nn.Embedding(N_NODES, FEAT_DIM) weight table
    features = jax.random.normal(k3, (N_NODES, FEAT_DIM), dtype=jnp.float32)
    # weight: xavier_uniform, shape [embed_dim, 2*feat_dim] since gcn=False
    bound = float(np.sqrt(6.0 / (EMBED_DIM + 2 * FEAT_DIM)))
    weight = jax.random.uniform(k4, (EMBED_DIM, 2 * FEAT_DIM), minval=-bound, maxval=bound, dtype=jnp.float32)
    return {"nodes": nodes, "neigh_idx": neigh_idx, "features": features, "weight": weight}


def reference(nodes, neigh_idx, features, weight):
    # MeanAggregator over num_sample sampled neighbors per node:
    # gather neighbor features [B, S, F] then mean over S -> [B, F]
    neigh_feats = jnp.mean(jnp.take(features, neigh_idx, axis=0), axis=1)
    # self features via embedding lookup (gcn=False path)
    self_feats = jnp.take(features, nodes, axis=0)
    combined = jnp.concatenate([self_feats, neigh_feats], axis=1)  # [B, 2F]
    # combined = F.relu(self.weight.mm(combined.t())) -> [embed_dim, B]
    out = jax.nn.relu(weight @ combined.T)
    return out

if __name__ == "__main__":
    import jax
    _d = setup_inputs()
    print(jax.jit(kernel)(*tuple(_d.values())))

</pallas_src>

<mosaic_0001>
#map = affine_map<(d0, d1) -> (0, 0)>
#map1 = affine_map<(d0, d1) -> (0)>
module attributes {stable_mosaic.version = 14 : i64} {
  func.func @_sc_body(%arg0: i32, %arg1: i32, %arg2: memref<100000x128xf32, #tpu.memory_space<hbm>>, %arg3: memref<50240xi32, #tpu.memory_space<hbm>>, %arg4: memref<502400xi32, #tpu.memory_space<hbm>>, %arg5: memref<50176x128xf32, #tpu.memory_space<hbm>>, %arg6: memref<50176x128xf32, #tpu.memory_space<hbm>>, %arg7: memref<320xi32, #tpu.memory_space<vmem>>, %arg8: memref<320xi32, #tpu.memory_space<vmem>>, %arg9: memref<32xi32, #tpu.memory_space<vmem>>, %arg10: memref<32xi32, #tpu.memory_space<vmem>>, %arg11: memref<320x128xf32, #tpu.memory_space<vmem>>, %arg12: memref<320x128xf32, #tpu.memory_space<vmem>>, %arg13: memref<32x128xf32, #tpu.memory_space<vmem>>, %arg14: memref<32x128xf32, #tpu.memory_space<vmem>>, %arg15: memref<32x128xf32, #tpu.memory_space<vmem>>, %arg16: memref<32x128xf32, #tpu.memory_space<vmem>>, %arg17: memref<!tpu.dma_semaphore, #tpu.memory_space<semaphore_mem>>, %arg18: memref<!tpu.dma_semaphore, #tpu.memory_space<semaphore_mem>>, %arg19: memref<!tpu.dma_semaphore, #tpu.memory_space<semaphore_mem>>, %arg20: memref<!tpu.dma_semaphore, #tpu.memory_space<semaphore_mem>>, %arg21: memref<!tpu.dma_semaphore, #tpu.memory_space<semaphore_mem>>, %arg22: memref<!tpu.dma_semaphore, #tpu.memory_space<semaphore_mem>>) attributes {dimension_semantics = [#tpu.dimension_semantics<core_parallel>, #tpu.dimension_semantics<subcore_parallel>], iteration_bounds = array<i64: 2, 16>, scalar_prefetch = 0 : i64, scratch_operands = 16 : i64, tpu.core_type = #tpu.core_type<sc_vector_subcore>, window_params = [{transform_indices = #map}, {transform_indices = #map1}, {transform_indices = #map1}, {transform_indices = #map}, {transform_indices = #map}]} {
    %mul3A = arith.constant 2 : i32
    %mul3A_0 = arith.muli %arg1, %mul3A : i32
    %add3A = arith.addi %mul3A_0, %arg0 : i32
    %mul3A_1 = arith.constant 49 : i32
    %mul3A_2 = arith.muli %add3A, %mul3A_1 : i32
    %add3A_3 = arith.constant 0 : i32
    %add3A_4 = arith.addi %mul3A_2, %add3A_3 : i32
    %mul3A_5 = arith.constant 32 : i32
    %mul3A_6 = arith.muli %add3A_4, %mul3A_5 : i32
    "tpu.region"() ({
      %run_scoped3A = tpu.sem_alloc : memref<!tpu.dma_semaphore, #tpu.memory_space<semaphore_mem>>
      %dma_start3A_388 = tpu.memref_slice %arg3[%mul3A_6] : memref<50240xi32, #tpu.memory_space<hbm>> -> memref<32xi32, #tpu.memory_space<hbm>>
      %dma_start3A_389 = tpu.memref_slice %arg3[%mul3A_6] : memref<50240xi32, #tpu.memory_space<hbm>> -> memref<32xi32, #tpu.memory_space<hbm>>
      tpu.enqueue_dma source(%dma_start3A_389 : memref<32xi32, #tpu.memory_space<hbm>>) target(%arg9 : memref<32xi32, #tpu.memory_space<vmem>>) target_semaphore(%run_scoped3A : memref<!tpu.dma_semaphore, #tpu.memory_space<semaphore_mem>>)
      %dma_wait3A_390 = tpu.memref_slice %arg3[%mul3A_6] : memref<50240xi32, #tpu.memory_space<hbm>> -> memref<32xi32, #tpu.memory_space<hbm>>
      %dma_wait3A_391 = tpu.memref_slice %arg3[%mul3A_6] : memref<50240xi32, #tpu.memory_space<hbm>> -> memref<32xi32, #tpu.memory_space<hbm>>
      tpu.wait_dma2 semaphore(%run_scoped3A : memref<!tpu.dma_semaphore, #tpu.memory_space<semaphore_mem>>) src(%dma_wait3A_391 : memref<32xi32, #tpu.memory_space<hbm>>) dst(%arg9 : memref<32xi32, #tpu.memory_space<vmem>>)
      tpu.yield
    }) : () -> ()
    %mul3A_7 = arith.constant 10 : i32
    %mul3A_8 = arith.muli %mul3A_6, %mul3A_7 : i32
    "tpu.region"() ({
      %run_scoped3A = tpu.sem_alloc : memref<!tpu.dma_semaphore, #tpu.memory_space<semaphore_mem>>
      %dma_start3A_388 = tpu.memref_slice %arg4[%mul3A_8] : memref<502400xi32, #tpu.memory_space<hbm>> -> memref<320xi32, #tpu.memory_space<hbm>>
      %dma_start3A_389 = tpu.memref_slice %arg4[%mul3A_8] : memref<502400xi32, #tpu.memory_space<hbm>> -> memref<320xi32, #tpu.memory_space<hbm>>
      tpu.enqueue_dma source(%dma_start3A_389 : memref<320xi32, #tpu.memory_space<hbm>>) target(%arg7 : memref<320xi32, #tpu.memory_space<vmem>>) target_semaphore(%run_scoped3A : memref<!tpu.dma_semaphore, #tpu.memory_space<semaphore_mem>>)
      %dma_wait3A_390 = tpu.memref_slice %arg4[%mul3A_8] : memref<502400xi32, #tpu.memory_space<hbm>> -> memref<320xi32, #tpu.memory_space<hbm>>
      %dma_wait3A_391 = tpu.memref_slice %arg4[%mul3A_8] : memref<502400xi32, #tpu.memory_space<hbm>> -> memref<320xi32, #tpu.memory_space<hbm>>
      tpu.wait_dma2 semaphore(%run_scoped3A : memref<!tpu.dma_semaphore, #tpu.memory_space<semaphore_mem>>) src(%dma_wait3A_391 : memref<320xi32, #tpu.memory_space<hbm>>) dst(%arg7 : memref<320xi32, #tpu.memory_space<vmem>>)
      tpu.yield
    }) : () -> ()
    %dma_start3A = arith.constant 0 : i32
    %dma_start3A_9 = arith.constant 0 : i32
    %dma_start3A_10 = tpu.memref_slice %arg2[%dma_start3A, %dma_start3A_9] : memref<100000x128xf32, #tpu.memory_space<hbm>> -> memref<100000x128xf32, #tpu.memory_space<hbm>>
    tpu.enqueue_indirect_dma source(%dma_start3A_10 : memref<100000x128xf32, #tpu.memory_space<hbm>>) target(%arg13 : memref<32x128xf32, #tpu.memory_space<vmem>>) offsets(%arg9 : memref<32xi32, #tpu.memory_space<vmem>>) semaphore(%arg19 : memref<!tpu.dma_semaphore, #tpu.memory_space<semaphore_mem>>)
    %dma_start3A_11 = arith.constant 0 : i32
    %dma_start3A_12 = arith.constant 0 : i32
    %dma_start3A_13 = tpu.memref_slice %arg11[%dma_start3A_11, %dma_start3A_12] : memref<320x128xf32, #tpu.memory_space<vmem>> -> memref<104x128xf32, #tpu.memory_space<vmem>>
    %dma_start3A_14 = arith.constant 0 : i32
    %dma_start3A_15 = tpu.memref_slice %arg7[%dma_start3A_14] : memref<320xi32, #tpu.memory_space<vmem>> -> memref<104xi32, #tpu.memory_space<vmem>>
    %dma_start3A_16 = arith.constant 0 : i32
    %dma_start3A_17 = arith.constant 0 : i32
    %dma_start3A_18 = tpu.memref_slice %arg2[%dma_start3A_16, %dma_start3A_17] : memref<100000x128xf32, #tpu.memory_space<hbm>> -> memref<100000x128xf32, #tpu.memory_space<hbm>>
    tpu.enqueue_indirect_dma source(%dma_start3A_18 : memref<100000x128xf32, #tpu.memory_space<hbm>>) target(%dma_start3A_13 : memref<104x128xf32, #tpu.memory_space<vmem>>) offsets(%dma_start3A_15 : memref<104xi32, #tpu.memory_space<vmem>>) semaphore(%arg17 : memref<!tpu.dma_semaphore, #tpu.memory_space<semaphore_mem>>)
    %dma_start3A_19 = arith.constant 104 : i32
    %dma_start3A_20 = arith.constant 0 : i32
    %dma_start3A_21 = tpu.memref_slice %arg11[%dma_start3A_19, %dma_start3A_20] : memref<320x128xf32, #tpu.memory_space<vmem>> -> memref<104x128xf32, #tpu.memory_space<vmem>>
    %dma_start3A_22 = arith.constant 104 : i32
    %dma_start3A_23 = tpu.memref_slice %arg7[%dma_start3A_22] : memref<320xi32, #tpu.memory_space<vmem>> -> memref<104xi32, #tpu.memory_space<vmem>>
    %dma_start3A_24 = arith.constant 0 : i32
    %dma_start3A_25 = arith.constant 0 : i32
    %dma_start3A_26 = tpu.memref_slice %arg2[%dma_start3A_24, %dma_start3A_25] : memref<100000x128xf32, #tpu.memory_space<hbm>> -> memref<100000x128xf32, #tpu.memory_space<hbm>>
    tpu.enqueue_indirect_dma source(%dma_start3A_26 : memref<100000x128xf32, #tpu.memory_space<hbm>>) target(%dma_start3A_21 : memref<104x128xf32, #tpu.memory_space<vmem>>) offsets(%dma_start3A_23 : memref<104xi32, #tpu.memory_space<vmem>>) semaphore(%arg17 : memref<!tpu.dma_semaphore, #tpu.memory_space<semaphore_mem>>)
    %dma_start3A_27 = arith.constant 208 : i32
    %dma_start3A_28 = arith.constant 0 : i32
    %dma_start3A_29 = tpu.memref_slice %arg11[%dma_start3A_27, %dma_start3A_28] : memref<320x128xf32, #tpu.memory_space<vmem>> -> memref<112x128xf32, #tpu.memory_space<vmem>>
    %dma_start3A_30 = arith.constant 208 : i32
    %dma_start3A_31 = tpu.memref_slice %arg7[%dma_start3A_30] : memref<320xi32, #tpu.memory_space<vmem>> -> memref<112xi32, #tpu.memory_space<vmem>>
    %dma_start3A_32 = arith.constant 0 : i32
    %dma_start3A_33 = arith.constant 0 : i32
    %dma_start3A_34 = tpu.memref_slice %arg2[%dma_start3A_32, %dma_start3A_33] : memref<100000x128xf32, #tpu.memory_space<hbm>> -> memref<100000x128xf32, #tpu.memory_space<hbm>>
    tpu.enqueue_indirect_dma source(%dma_start3A_34 : memref<100000x128xf32, #tpu.memory_space<hbm>>) target(%dma_start3A_29 : memref<112x128xf32, #tpu.memory_space<vmem>>) offsets(%dma_start3A_31 : memref<112xi32, #tpu.memory_space<vmem>>) semaphore(%arg17 : memref<!tpu.dma_semaphore, #tpu.memory_space<semaphore_mem>>)
    %mul3A_35 = arith.constant 49 : i32
    %mul3A_36 = arith.muli %add3A, %mul3A_35 : i32
    %add3A_37 = arith.constant 1 : i32
    %add3A_38 = arith.addi %mul3A_36, %add3A_37 : i32
    %mul3A_39 = arith.constant 32 : i32
    %mul3A_40 = arith.muli %add3A_38, %mul3A_39 : i32
    "tpu.region"() ({
      %run_scoped3A = tpu.sem_alloc : memref<!tpu.dma_semaphore, #tpu.memory_space<semaphore_mem>>
      %dma_start3A_388 = tpu.memref_slice %arg3[%mul3A_40] : memref<50240xi32, #tpu.memory_space<hbm>> -> memref<32xi32, #tpu.memory_space<hbm>>
      %dma_start3A_389 = tpu.memref_slice %arg3[%mul3A_40] : memref<50240xi32, #tpu.memory_space<hbm>> -> memref<32xi32, #tpu.memory_space<hbm>>
      tpu.enqueue_dma source(%dma_start3A_389 : memref<32xi32, #tpu.memory_space<hbm>>) target(%arg10 : memref<32xi32, #tpu.memory_space<vmem>>) target_semaphore(%run_scoped3A : memref<!tpu.dma_semaphore, #tpu.memory_space<semaphore_mem>>)
      %dma_wait3A_390 = tpu.memref_slice %arg3[%mul3A_40] : memref<50240xi32, #tpu.memory_space<hbm>> -> memref<32xi32, #tpu.memory_space<hbm>>
      %dma_wait3A_391 = tpu.memref_slice %arg3[%mul3A_40] : memref<50240xi32, #tpu.memory_space<hbm>> -> memref<32xi32, #tpu.memory_space<hbm>>
      tpu.wait_dma2 semaphore(%run_scoped3A : memref<!tpu.dma_semaphore, #tpu.memory_space<semaphore_mem>>) src(%dma_wait3A_391 : memref<32xi32, #tpu.memory_space<hbm>>) dst(%arg10 : memref<32xi32, #tpu.memory_space<vmem>>)
      tpu.yield
    }) : () -> ()
    %mul3A_41 = arith.constant 10 : i32
    %mul3A_42 = arith.muli %mul3A_40, %mul3A_41 : i32
    "tpu.region"() ({
      %run_scoped3A = tpu.sem_alloc : memref<!tpu.dma_semaphore, #tpu.memory_space<semaphore_mem>>
      %dma_start3A_388 = tpu.memref_slice %arg4[%mul3A_42] : memref<502400xi32, #tpu.memory_space<hbm>> -> memref<320xi32, #tpu.memory_space<hbm>>
      %dma_start3A_389 = tpu.memref_slice %arg4[%mul3A_42] : memref<502400xi32, #tpu.memory_space<hbm>> -> memref<320xi32, #tpu.memory_space<hbm>>
      tpu.enqueue_dma source(%dma_start3A_389 : memref<320xi32, #tpu.memory_space<hbm>>) target(%arg8 : memref<320xi32, #tpu.memory_space<vmem>>) target_semaphore(%run_scoped3A : memref<!tpu.dma_semaphore, #tpu.memory_space<semaphore_mem>>)
      %dma_wait3A_390 = tpu.memref_slice %arg4[%mul3A_42] : memref<502400xi32, #tpu.memory_space<hbm>> -> memref<320xi32, #tpu.memory_space<hbm>>
      %dma_wait3A_391 = tpu.memref_slice %arg4[%mul3A_42] : memref<502400xi32, #tpu.memory_space<hbm>> -> memref<320xi32, #tpu.memory_space<hbm>>
      tpu.wait_dma2 semaphore(%run_scoped3A : memref<!tpu.dma_semaphore, #tpu.memory_space<semaphore_mem>>) src(%dma_wait3A_391 : memref<320xi32, #tpu.memory_space<hbm>>) dst(%arg8 : memref<320xi32, #tpu.memory_space<vmem>>)
      tpu.yield
    }) : () -> ()
    %dma_start3A_43 = arith.constant 0 : i32
    %dma_start3A_44 = arith.constant 0 : i32
    %dma_start3A_45 = tpu.memref_slice %arg2[%dma_start3A_43, %dma_start3A_44] : memref<100000x128xf32, #tpu.memory_space<hbm>> -> memref<100000x128xf32, #tpu.memory_space<hbm>>
    tpu.enqueue_indirect_dma source(%dma_start3A_45 : memref<100000x128xf32, #tpu.memory_space<hbm>>) target(%arg14 : memref<32x128xf32, #tpu.memory_space<vmem>>) offsets(%arg10 : memref<32xi32, #tpu.memory_space<vmem>>) semaphore(%arg20 : memref<!tpu.dma_semaphore, #tpu.memory_space<semaphore_mem>>)
    %dma_start3A_46 = arith.constant 0 : i32
    %dma_start3A_47 = arith.constant 0 : i32
    %dma_start3A_48 = tpu.memref_slice %arg12[%dma_start3A_46, %dma_start3A_47] : memref<320x128xf32, #tpu.memory_space<vmem>> -> memref<104x128xf32, #tpu.memory_space<vmem>>
    %dma_start3A_49 = arith.constant 0 : i32
    %dma_start3A_50 = tpu.memref_slice %arg8[%dma_start3A_49] : memref<320xi32, #tpu.memory_space<vmem>> -> memref<104xi32, #tpu.memory_space<vmem>>
    %dma_start3A_51 = arith.constant 0 : i32
    %dma_start3A_52 = arith.constant 0 : i32
    %dma_start3A_53 = tpu.memref_slice %arg2[%dma_start3A_51, %dma_start3A_52] : memref<100000x128xf32, #tpu.memory_space<hbm>> -> memref<100000x128xf32, #tpu.memory_space<hbm>>
    tpu.enqueue_indirect_dma source(%dma_start3A_53 : memref<100000x128xf32, #tpu.memory_space<hbm>>) target(%dma_start3A_48 : memref<104x128xf32, #tpu.memory_space<vmem>>) offsets(%dma_start3A_50 : memref<104xi32, #tpu.memory_space<vmem>>) semaphore(%arg18 : memref<!tpu.dma_semaphore, #tpu.memory_space<semaphore_mem>>)
    %dma_start3A_54 = arith.constant 104 : i32
    %dma_start3A_55 = arith.constant 0 : i32
    %dma_start3A_56 = tpu.memref_slice %arg12[%dma_start3A_54, %dma_start3A_55] : memref<320x128xf32, #tpu.memory_space<vmem>> -> memref<104x128xf32, #tpu.memory_space<vmem>>
    %dma_start3A_57 = arith.constant 104 : i32
    %dma_start3A_58 = tpu.memref_slice %arg8[%dma_start3A_57] : memref<320xi32, #tpu.memory_space<vmem>> -> memref<104xi32, #tpu.memory_space<vmem>>
    %dma_start3A_59 = arith.constant 0 : i32
    %dma_start3A_60 = arith.constant 0 : i32
    %dma_start3A_61 = tpu.memref_slice %arg2[%dma_start3A_59, %dma_start3A_60] : memref<100000x128xf32, #tpu.memory_space<hbm>> -> memref<100000x128xf32, #tpu.memory_space<hbm>>
    tpu.enqueue_indirect_dma source(%dma_start3A_61 : memref<100000x128xf32, #tpu.memory_space<hbm>>) target(%dma_start3A_56 : memref<104x128xf32, #tpu.memory_space<vmem>>) offsets(%dma_start3A_58 : memref<104xi32, #tpu.memory_space<vmem>>) semaphore(%arg18 : memref<!tpu.dma_semaphore, #tpu.memory_space<semaphore_mem>>)
    %dma_start3A_62 = arith.constant 208 : i32
    %dma_start3A_63 = arith.constant 0 : i32
    %dma_start3A_64 = tpu.memref_slice %arg12[%dma_start3A_62, %dma_start3A_63] : memref<320x128xf32, #tpu.memory_space<vmem>> -> memref<112x128xf32, #tpu.memory_space<vmem>>
    %dma_start3A_65 = arith.constant 208 : i32
    %dma_start3A_66 = tpu.memref_slice %arg8[%dma_start3A_65] : memref<320xi32, #tpu.memory_space<vmem>> -> memref<112xi32, #tpu.memory_space<vmem>>
    %dma_start3A_67 = arith.constant 0 : i32
    %dma_start3A_68 = arith.constant 0 : i32
    %dma_start3A_69 = tpu.memref_slice %arg2[%dma_start3A_67, %dma_start3A_68] : memref<100000x128xf32, #tpu.memory_space<hbm>> -> memref<100000x128xf32, #tpu.memory_space<hbm>>
    tpu.enqueue_indirect_dma source(%dma_start3A_69 : memref<100000x128xf32, #tpu.memory_space<hbm>>) target(%dma_start3A_64 : memref<112x128xf32, #tpu.memory_space<vmem>>) offsets(%dma_start3A_66 : memref<112xi32, #tpu.memory_space<vmem>>) semaphore(%arg18 : memref<!tpu.dma_semaphore, #tpu.memory_space<semaphore_mem>>)
    %dma_wait3A = arith.constant 0 : i32
    %dma_wait3A_70 = arith.constant 0 : i32
    %dma_wait3A_71 = tpu.memref_slice %arg2[%dma_wait3A, %dma_wait3A_70] : memref<100000x128xf32, #tpu.memory_space<hbm>> -> memref<100000x128xf32, #tpu.memory_space<hbm>>
    tpu.wait_indirect_dma semaphore(%arg19 : memref<!tpu.dma_semaphore, #tpu.memory_space<semaphore_mem>>) src(%dma_wait3A_71 : memref<100000x128xf32, #tpu.memory_space<hbm>>) dst(%arg13 : memref<32x128xf32, #tpu.memory_space<vmem>>)
    %dma_wait3A_72 = arith.constant 0 : i32
    %dma_wait3A_73 = arith.constant 0 : i32
    %dma_wait3A_74 = tpu.memref_slice %arg11[%dma_wait3A_72, %dma_wait3A_73] : memref<320x128xf32, #tpu.memory_space<vmem>> -> memref<104x128xf32, #tpu.memory_space<vmem>>
    %dma_wait3A_75 = arith.constant 0 : i32
    %dma_wait3A_76 = tpu.memref_slice %arg7[%dma_wait3A_75] : memref<320xi32, #tpu.memory_space<vmem>> -> memref<104xi32, #tpu.memory_space<vmem>>
    %dma_wait3A_77 = arith.constant 0 : i32
    %dma_wait3A_78 = arith.constant 0 : i32
    %dma_wait3A_79 = tpu.memref_slice %arg2[%dma_wait3A_77, %dma_wait3A_78] : memref<100000x128xf32, #tpu.memory_space<hbm>> -> memref<100000x128xf32, #tpu.memory_space<hbm>>
    tpu.wait_indirect_dma semaphore(%arg17 : memref<!tpu.dma_semaphore, #tpu.memory_space<semaphore_mem>>) src(%dma_wait3A_79 : memref<100000x128xf32, #tpu.memory_space<hbm>>) dst(%dma_wait3A_74 : memref<104x128xf32, #tpu.memory_space<vmem>>)
    %dma_wait3A_80 = arith.constant 104 : i32
    %dma_wait3A_81 = arith.constant 0 : i32
    %dma_wait3A_82 = tpu.memref_slice %arg11[%dma_wait3A_80, %dma_wait3A_81] : memref<320x128xf32, #tpu.memory_space<vmem>> -> memref<104x128xf32, #tpu.memory_space<vmem>>
    %dma_wait3A_83 = arith.constant 104 : i32
    %dma_wait3A_84 = tpu.memref_slice %arg7[%dma_wait3A_83] : memref<320xi32, #tpu.memory_space<vmem>> -> memref<104xi32, #tpu.memory_space<vmem>>
    %dma_wait3A_85 = arith.constant 0 : i32
    %dma_wait3A_86 = arith.constant 0 : i32
    %dma_wait3A_87 = tpu.memref_slice %arg2[%dma_wait3A_85, %dma_wait3A_86] : memref<100000x128xf32, #tpu.memory_space<hbm>> -> memref<100000x128xf32, #tpu.memory_space<hbm>>
    tpu.wait_indirect_dma semaphore(%arg17 : memref<!tpu.dma_semaphore, #tpu.memory_space<semaphore_mem>>) src(%dma_wait3A_87 : memref<100000x128xf32, #tpu.memory_space<hbm>>) dst(%dma_wait3A_82 : memref<104x128xf32, #tpu.memory_space<vmem>>)
    %dma_wait3A_88 = arith.constant 208 : i32
    %dma_wait3A_89 = arith.constant 0 : i32
    %dma_wait3A_90 = tpu.memref_slice %arg11[%dma_wait3A_88, %dma_wait3A_89] : memref<320x128xf32, #tpu.memory_space<vmem>> -> memref<112x128xf32, #tpu.memory_space<vmem>>
    %dma_wait3A_91 = arith.constant 208 : i32
    %dma_wait3A_92 = tpu.memref_slice %arg7[%dma_wait3A_91] : memref<320xi32, #tpu.memory_space<vmem>> -> memref<112xi32, #tpu.memory_space<vmem>>
    %dma_wait3A_93 = arith.constant 0 : i32
    %dma_wait3A_94 = arith.constant 0 : i32
    %dma_wait3A_95 = tpu.memref_slice %arg2[%dma_wait3A_93, %dma_wait3A_94] : memref<100000x128xf32, #tpu.memory_space<hbm>> -> memref<100000x128xf32, #tpu.memory_space<hbm>>
    tpu.wait_indirect_dma semaphore(%arg17 : memref<!tpu.dma_semaphore, #tpu.memory_space<semaphore_mem>>) src(%dma_wait3A_95 : memref<100000x128xf32, #tpu.memory_space<hbm>>) dst(%dma_wait3A_90 : memref<112x128xf32, #tpu.memory_space<vmem>>)
    %scan3A = arith.constant 0 : i32
    %scan3A_96 = arith.constant 0 : i32
    %scan3A_97 = arith.constant 32 : i32
    %scan3A_98 = arith.addi %scan3A_96, %scan3A_97 : i32
    %scan3A_99 = arith.constant 1 : i32
    scf.for %scan3A_388 = %scan3A_96 to %scan3A_98 step %scan3A_99  : i32 {
      %add3A_389 = arith.constant 0 : i32
      %add3A_390 = arith.addi %add3A_389, %scan3A_388 : i32
      %get3A = arith.index_cast %add3A_390 : i32 to index
      %get3A_391 = arith.constant 0 : index
      %get3A_392 = tpu.vector_load %arg11[%get3A, %get3A_391] {strides = array<i32>} : memref<320x128xf32, #tpu.memory_space<vmem>>, vector<1x16xf32>,
      %get3A_393 = vector.shape_cast %get3A_392 : vector<1x16xf32> to vector<16xf32>
      %add3A_394 = arith.constant 32 : i32
      %add3A_395 = arith.addi %add3A_394, %scan3A_388 : i32
      %get3A_396 = arith.index_cast %add3A_395 : i32 to index
      %get3A_397 = arith.constant 0 : index
      %get3A_398 = tpu.vector_load %arg11[%get3A_396, %get3A_397] {strides = array<i32>} : memref<320x128xf32, #tpu.memory_space<vmem>>, vector<1x16xf32>,
      %get3A_399 = vector.shape_cast %get3A_398 : vector<1x16xf32> to vector<16xf32>
      %add3A_400 = arith.constant 64 : i32
      %add3A_401 = arith.addi %add3A_400, %scan3A_388 : i32
      %get3A_402 = arith.index_cast %add3A_401 : i32 to index
      %get3A_403 = arith.constant 0 : index
      %get3A_404 = tpu.vector_load %arg11[%get3A_402, %get3A_403] {strides = array<i32>} : memref<320x128xf32, #tpu.memory_space<vmem>>, vector<1x16xf32>,
      %get3A_405 = vector.shape_cast %get3A_404 : vector<1x16xf32> to vector<16xf32>
      %add3A_406 = arith.constant 96 : i32
      %add3A_407 = arith.addi %add3A_406, %scan3A_388 : i32
      %get3A_408 = arith.index_cast %add3A_407 : i32 to index
      %get3A_409 = arith.constant 0 : index
      %get3A_410 = tpu.vector_load %arg11[%get3A_408, %get3A_409] {strides = array<i32>} : memref<320x128xf32, #tpu.memory_space<vmem>>, vector<1x16xf32>,
      %get3A_411 = vector.shape_cast %get3A_410 : vector<1x16xf32> to vector<16xf32>
      %add3A_412 = arith.constant 128 : i32
      %add3A_413 = arith.addi %add3A_412, %scan3A_388 : i32
      %get3A_414 = arith.index_cast %add3A_413 : i32 to index
      %get3A_415 = arith.constant 0 : index
      %get3A_416 = tpu.vector_load %arg11[%get3A_414, %get3A_415] {strides = array<i32>} : memref<320x128xf32, #tpu.memory_space<vmem>>, vector<1x16xf32>,
      %get3A_417 = vector.shape_cast %get3A_416 : vector<1x16xf32> to vector<16xf32>
      %add3A_418 = arith.constant 160 : i32
      %add3A_419 = arith.addi %add3A_418, %scan3A_388 : i32
      %get3A_420 = arith.index_cast %add3A_419 : i32 to index
      %get3A_421 = arith.constant 0 : index
      %get3A_422 = tpu.vector_load %arg11[%get3A_420, %get3A_421] {strides = array<i32>} : memref<320x128xf32, #tpu.memory_space<vmem>>, vector<1x16xf32>,
      %get3A_423 = vector.shape_cast %get3A_422 : vector<1x16xf32> to vector<16xf32>
      %add3A_424 = arith.constant 192 : i32
      %add3A_425 = arith.addi %add3A_424, %scan3A_388 : i32
      %get3A_426 = arith.index_cast %add3A_425 : i32 to index
      %get3A_427 = arith.constant 0 : index
      %get3A_428 = tpu.vector_load %arg11[%get3A_426, %get3A_427] {strides = array<i32>} : memref<320x128xf32, #tpu.memory_space<vmem>>, vector<1x16xf32>,
      %get3A_429 = vector.shape_cast %get3A_428 : vector<1x16xf32> to vector<16xf32>
      %add3A_430 = arith.constant 224 : i32
      %add3A_431 = arith.addi %add3A_430, %scan3A_388 : i32
      %get3A_432 = arith.index_cast %add3A_431 : i32 to index
      %get3A_433 = arith.constant 0 : index
      %get3A_434 = tpu.vector_load %arg11[%get3A_432, %get3A_433] {strides = array<i32>} : memref<320x128xf32, #tpu.memory_space<vmem>>, vector<1x16xf32>,
      %get3A_435 = vector.shape_cast %get3A_434 : vector<1x16xf32> to vector<16xf32>
      %add3A_436 = arith.constant 256 : i32
      %add3A_437 = arith.addi %add3A_436, %scan3A_388 : i32
      %get3A_438 = arith.index_cast %add3A_437 : i32 to index
      %get3A_439 = arith.constant 0 : index
      %get3A_440 = tpu.vector_load %arg11[%get3A_438, %get3A_439] {strides = array<i32>} : memref<320x128xf32, #tpu.memory_space<vmem>>, vector<1x16xf32>,
      %get3A_441 = vector.shape_cast %get3A_440 : vector<1x16xf32> to vector<16xf32>
      %add3A_442 = arith.constant 288 : i32
      %add3A_443 = arith.addi %add3A_442, %scan3A_388 : i32
      %get3A_444 = arith.index_cast %add3A_443 : i32 to index
      %get3A_445 = arith.constant 0 : index
      %get3A_446 = tpu.vector_load %arg11[%get3A_444, %get3A_445] {strides = array<i32>} : memref<320x128xf32, #tpu.memory_space<vmem>>, vector<1x16xf32>,
      %get3A_447 = vector.shape_cast %get3A_446 : vector<1x16xf32> to vector<16xf32>
      %add3A_448 = arith.addf %get3A_393, %get3A_399 : vector<16xf32>
      %add3A_449 = arith.addf %get3A_405, %get3A_411 : vector<16xf32>
      %add3A_450 = arith.addf %get3A_417, %get3A_423 : vector<16xf32>
      %add3A_451 = arith.addf %get3A_429, %get3A_435 : vector<16xf32>
      %add3A_452 = arith.addf %get3A_441, %get3A_447 : vector<16xf32>
      %add3A_453 = arith.addf %add3A_448, %add3A_449 : vector<16xf32>
      %add3A_454 = arith.addf %add3A_450, %add3A_451 : vector<16xf32>
      %add3A_455 = arith.addf %add3A_453, %add3A_454 : vector<16xf32>
      %add3A_456 = arith.addf %add3A_455, %add3A_452 : vector<16xf32>
      %swap3A = arith.index_cast %scan3A_388 : i32 to index
      %swap3A_457 = arith.constant 0 : index
      %swap3A_458 = tpu.vector_load %arg15[%swap3A, %swap3A_457] {strides = array<i32>} : memref<32x128xf32, #tpu.memory_space<vmem>>, vector<1x16xf32>,
      %swap3A_459 = vector.shape_cast %swap3A_458 : vector<1x16xf32> to vector<16xf32>
      %swap3A_460 = vector.shape_cast %add3A_456 : vector<16xf32> to vector<1x16xf32>
      tpu.vector_store %arg15[%swap3A, %swap3A_457], %swap3A_460 {strides = array<i32>} : memref<32x128xf32, #tpu.memory_space<vmem>>, vector<1x16xf32>,
      %add3A_461 = arith.constant 0 : i32
      %add3A_462 = arith.addi %add3A_461, %scan3A_388 : i32
      %get3A_463 = arith.index_cast %add3A_462 : i32 to index
      %get3A_464 = arith.constant 16 : index
      %get3A_465 = tpu.vector_load %arg11[%get3A_463, %get3A_464] {strides = array<i32>} : memref<320x128xf32, #tpu.memory_space<vmem>>, vector<1x16xf32>,
      %get3A_466 = vector.shape_cast %get3A_465 : vector<1x16xf32> to vector<16xf32>
      %add3A_467 = arith.constant 32 : i32
      %add3A_468 = arith.addi %add3A_467, %scan3A_388 : i32
      %get3A_469 = arith.index_cast %add3A_468 : i32 to index
      %get3A_470 = arith.constant 16 : index
      %get3A_471 = tpu.vector_load %arg11[%get3A_469, %get3A_470] {strides = array<i32>} : memref<320x128xf32, #tpu.memory_space<vmem>>, vector<1x16xf32>,
      %get3A_472 = vector.shape_cast %get3A_471 : vector<1x16xf32> to vector<16xf32>
      %add3A_473 = arith.constant 64 : i32
      %add3A_474 = arith.addi %add3A_473, %scan3A_388 : i32
      %get3A_475 = arith.index_cast %add3A_474 : i32 to index
      %get3A_476 = arith.constant 16 : index
      %get3A_477 = tpu.vector_load %arg11[%get3A_475, %get3A_476] {strides = array<i32>} : memref<320x128xf32, #tpu.memory_space<vmem>>, vector<1x16xf32>,
      %get3A_478 = vector.shape_cast %get3A_477 : vector<1x16xf32> to vector<16xf32>
      %add3A_479 = arith.constant 96 : i32
      %add3A_480 = arith.addi %add3A_479, %scan3A_388 : i32
      %get3A_481 = arith.index_cast %add3A_480 : i32 to index
      %get3A_482 = arith.constant 16 : index
      %get3A_483 = tpu.vector_load %arg11[%get3A_481, %get3A_482] {strides = array<i32>} : memref<320x128xf32, #tpu.memory_space<vmem>>, vector<1x16xf32>,
      %get3A_484 = vector.shape_cast %get3A_483 : vector<1x16xf32> to vector<16xf32>
      %add3A_485 = arith.constant 128 : i32
      %add3A_486 = arith.addi %add3A_485, %scan3A_388 : i32
      %get3A_487 = arith.index_cast %add3A_486 : i32 to index
      %get3A_488 = arith.constant 16 : index
      %get3A_489 = tpu.vector_load %arg11[%get3A_487, %get3A_488] {strides = array<i32>} : memref<320x128xf32, #tpu.memory_space<vmem>>, vector<1x16xf32>,
      %get3A_490 = vector.shape_cast %get3A_489 : vector<1x16xf32> to vector<16xf32>
      %add3A_491 = arith.constant 160 : i32
      %add3A_492 = arith.addi %add3A_491, %scan3A_388 : i32
      %get3A_493 = arith.index_cast %add3A_492 : i32 to index
      %get3A_494 = arith.constant 16 : index
      %get3A_495 = tpu.vector_load %arg11[%get3A_493, %get3A_494] {strides = array<i32>} : memref<320x128xf32, #tpu.memory_space<vmem>>, vector<1x16xf32>,
      %get3A_496 = vector.shape_cast %get3A_495 : vector<1x16xf32> to vector<16xf32>
      %add3A_497 = arith.constant 192 : i32
      %add3A_498 = arith.addi %add3A_497, %scan3A_388 : i32
      %get3A_499 = arith.index_cast %add3A_498 : i32 to index
      %get3A_500 = arith.constant 16 : index
      %get3A_501 = tpu.vector_load %arg11[%get3A_499, %get3A_500] {strides = array<i32>} : memref<320x128xf32, #tpu.memory_space<vmem>>, vector<1x16xf32>,
      %get3A_502 = vector.shape_cast %get3A_501 : vector<1x16xf32> to vector<16xf32>
      %add3A_503 = arith.constant 224 : i32
      %add3A_504 = arith.addi %add3A_503, %scan3A_388 : i32
      %get3A_505 = arith.index_cast %add3A_504 : i32 to index
      %get3A_506 = arith.constant 16 : index
      %get3A_507 = tpu.vector_load %arg11[%get3A_505, %get3A_506] {strides = array<i32>} : memref<320x128xf32, #tpu.memory_space<vmem>>, vector<1x16xf32>,
      %get3A_508 = vector.shape_cast %get3A_507 : vector<1x16xf32> to vector<16xf32>
      %add3A_509 = arith.constant 256 : i32
      %add3A_510 = arith.addi %add3A_509, %scan3A_388 : i32
      %get3A_511 = arith.index_cast %add3A_510 : i32 to index
      %get3A_512 = arith.constant 16 : index
      %get3A_513 = tpu.vector_load %arg11[%get3A_511, %get3A_512] {strides = array<i32>} : memref<320x128xf32, #tpu.memory_space<vmem>>, vector<1x16xf32>,
      %get3A_514 = vector.shape_cast %get3A_513 : vector<1x16xf32> to vector<16xf32>
      %add3A_515 = arith.constant 288 : i32
      %add3A_516 = arith.addi %add3A_515, %scan3A_388 : i32
      %get3A_517 = arith.index_cast %add3A_516 : i32 to index
      %get3A_518 = arith.constant 16 : index
      %get3A_519 = tpu.vector_load %arg11[%get3A_517, %get3A_518] {strides = array<i32>} : memref<320x128xf32, #tpu.memory_space<vmem>>, vector<1x16xf32>,
      %get3A_520 = vector.shape_cast %get3A_519 : vector<1x16xf32> to vector<16xf32>
      %add3A_521 = arith.addf %get3A_466, %get3A_472 : vector<16xf32>
      %add3A_522 = arith.addf %get3A_478, %get3A_484 : vector<16xf32>
      %add3A_523 = arith.addf %get3A_490, %get3A_496 : vector<16xf32>
      %add3A_524 = arith.addf %get3A_502, %get3A_508 : vector<16xf32>
      %add3A_525 = arith.addf %get3A_514, %get3A_520 : vector<16xf32>
      %add3A_526 = arith.addf %add3A_521, %add3A_522 : vector<16xf32>
      %add3A_527 = arith.addf %add3A_523, %add3A_524 : vector<16xf32>
      %add3A_528 = arith.addf %add3A_526, %add3A_527 : vector<16xf32>
      %add3A_529 = arith.addf %add3A_528, %add3A_525 : vector<16xf32>
      %swap3A_530 = arith.index_cast %scan3A_388 : i32 to index
      %swap3A_531 = arith.constant 16 : index
      %swap3A_532 = tpu.vector_load %arg15[%swap3A_530, %swap3A_531] {strides = array<i32>} : memref<32x128xf32, #tpu.memory_space<vmem>>, vector<1x16xf32>,
      %swap3A_533 = vector.shape_cast %swap3A_532 : vector<1x16xf32> to vector<16xf32>
      %swap3A_534 = vector.shape_cast %add3A_529 : vector<16xf32> to vector<1x16xf32>
      tpu.vector_store %arg15[%swap3A_530, %swap3A_531], %swap3A_534 {strides = array<i32>} : memref<32x128xf32, #tpu.memory_space<vmem>>, vector<1x16xf32>,
      %add3A_535 = arith.constant 0 : i32
      %add3A_536 = arith.addi %add3A_535, %scan3A_388 : i32
      %get3A_537 = arith.index_cast %add3A_536 : i32 to index
      %get3A_538 = arith.constant 32 : index
      %get3A_539 = tpu.vector_load %arg11[%get3A_537, %get3A_538] {strides = array<i32>} : memref<320x128xf32, #tpu.memory_space<vmem>>, vector<1x16xf32>,
      %get3A_540 = vector.shape_cast %get3A_539 : vector<1x16xf32> to vector<16xf32>
      %add3A_541 = arith.constant 32 : i32
      %add3A_542 = arith.addi %add3A_541, %scan3A_388 : i32
      %get3A_543 = arith.index_cast %add3A_542 : i32 to index
      %get3A_544 = arith.constant 32 : index
      %get3A_545 = tpu.vector_load %arg11[%get3A_543, %get3A_544] {strides = array<i32>} : memref<320x128xf32, #tpu.memory_space<vmem>>, vector<1x16xf32>,
      %get3A_546 = vector.shape_cast %get3A_545 : vector<1x16xf32> to vector<16xf32>
      %add3A_547 = arith.constant 64 : i32
      %add3A_548 = arith.addi %add3A_547, %scan3A_388 : i32
      %get3A_549 = arith.index_cast %add3A_548 : i32 to index
      %get3A_550 = arith.constant 32 : index
      %get3A_551 = tpu.vector_load %arg11[%get3A_549, %get3A_550] {strides = array<i32>} : memref<320x128xf32, #tpu.memory_space<vmem>>, vector<1x16xf32>,
      %get3A_552 = vector.shape_cast %get3A_551 : vector<1x16xf32> to vector<16xf32>
      %add3A_553 = arith.constant 96 : i32
      %add3A_554 = arith.addi %add3A_553, %scan3A_388 : i32
      %get3A_555 = arith.index_cast %add3A_554 : i32 to index
      %get3A_556 = arith.constant 32 : index
      %get3A_557 = tpu.vector_load %arg11[%get3A_555, %get3A_556] {strides = array<i32>} : memref<320x128xf32, #tpu.memory_space<vmem>>, vector<1x16xf32>,
      %get3A_558 = vector.shape_cast %get3A_557 : vector<1x16xf32> to vector<16xf32>
      %add3A_559 = arith.constant 128 : i32
      %add3A_560 = arith.addi %add3A_559, %scan3A_388 : i32
      %get3A_561 = arith.index_cast %add3A_560 : i32 to index
      %get3A_562 = arith.constant 32 : index
      %get3A_563 = tpu.vector_load %arg11[%get3A_561, %get3A_562] {strides = array<i32>} : memref<320x128xf32, #tpu.memory_space<vmem>>, vector<1x16xf32>,
      %get3A_564 = vector.shape_cast %get3A_563 : vector<1x16xf32> to vector<16xf32>
      %add3A_565 = arith.constant 160 : i32
      %add3A_566 = arith.addi %add3A_565, %scan3A_388 : i32
      %get3A_567 = arith.index_cast %add3A_566 : i32 to index
      %get3A_568 = arith.constant 32 : index
      %get3A_569 = tpu.vector_load %arg11[%get3A_567, %get3A_568] {strides = array<i32>} : memref<320x128xf32, #tpu.memory_space<vmem>>, vector<1x16xf32>,
      %get3A_570 = vector.shape_cast %get3A_569 : vector<1x16xf32> to vector<16xf32>
      %add3A_571 = arith.constant 192 : i32
      %add3A_572 = arith.addi %add3A_571, %scan3A_388 : i32
      %get3A_573 = arith.index_cast %add3A_572 : i32 to index
      %get3A_574 = arith.constant 32 : index
      %get3A_575 = tpu.vector_load %arg11[%get3A_573, %get3A_574] {strides = array<i32>} : memref<320x128xf32, #tpu.memory_space<vmem>>, vector<1x16xf32>,
      %get3A_576 = vector.shape_cast %get3A_575 : vector<1x16xf32> to vector<16xf32>
      %add3A_577 = arith.constant 224 : i32
      %add3A_578 = arith.addi %add3A_577, %scan3A_388 : i32
      %get3A_579 = arith.index_cast %add3A_578 : i32 to index
      %get3A_580 = arith.constant 32 : index
      %get3A_581 = tpu.vector_load %arg11[%get3A_579, %get3A_580] {strides = array<i32>} : memref<320x128xf32, #tpu.memory_space<vmem>>, vector<1x16xf32>,
      %get3A_582 = vector.shape_cast %get3A_581 : vector<1x16xf32> to vector<16xf32>
      %add3A_583 = arith.constant 256 : i32
      %add3A_584 = arith.addi %add3A_583, %scan3A_388 : i32
      %get3A_585 = arith.index_cast %add3A_584 : i32 to index
      %get3A_586 = arith.constant 32 : index
      %get3A_587 = tpu.vector_load %arg11[%get3A_585, %get3A_586] {strides = array<i32>} : memref<320x128xf32, #tpu.memory_space<vmem>>, vector<1x16xf32>,
      %get3A_588 = vector.shape_cast %get3A_587 : vector<1x16xf32> to vector<16xf32>
      %add3A_589 = arith.constant 288 : i32
      %add3A_590 = arith.addi %add3A_589, %scan3A_388 : i32
      %get3A_591 = arith.index_cast %add3A_590 : i32 to index
      %get3A_592 = arith.constant 32 : index
      %get3A_593 = tpu.vector_load %arg11[%get3A_591, %get3A_592] {strides = array<i32>} : memref<320x128xf32, #tpu.memory_space<vmem>>, vector<1x16xf32>,
      %get3A_594 = vector.shape_cast %get3A_593 : vector<1x16xf32> to vector<16xf32>
      %add3A_595 = arith.addf %get3A_540, %get3A_546 : vector<16xf32>
      %add3A_596 = arith.addf %get3A_552, %get3A_558 : vector<16xf32>
      %add3A_597 = arith.addf %get3A_564, %get3A_570 : vector<16xf32>
      %add3A_598 = arith.addf %get3A_576, %get3A_582 : vector<16xf32>
      %add3A_599 = arith.addf %get3A_588, %get3A_594 : vector<16xf32>
      %add3A_600 = arith.addf %add3A_595, %add3A_596 : vector<16xf32>
      %add3A_601 = arith.addf %add3A_597, %add3A_598 : vector<16xf32>
      %add3A_602 = arith.addf %add3A_600, %add3A_601 : vector<16xf32>
      %add3A_603 = arith.addf %add3A_602, %add3A_599 : vector<16xf32>
      %swap3A_604 = arith.index_cast %scan3A_388 : i32 to index
      %swap3A_605 = arith.constant 32 : index
      %swap3A_606 = tpu.vector_load %arg15[%swap3A_604, %swap3A_605] {strides = array<i32>} : memref<32x128xf32, #tpu.memory_space<vmem>>, vector<1x16xf32>,
      %swap3A_607 = vector.shape_cast %swap3A_606 : vector<1x16xf32> to vector<16xf32>
      %swap3A_608 = vector.shape_cast %add3A_603 : vector<16xf32> to vector<1x16xf32>
      tpu.vector_store %arg15[%swap3A_604, %swap3A_605], %swap3A_608 {strides = array<i32>} : memref<32x128xf32, #tpu.memory_space<vmem>>, vector<1x16xf32>,
      %add3A_609 = arith.constant 0 : i32
      %add3A_610 = arith.addi %add3A_609, %scan3A_388 : i32
      %get3A_611 = arith.index_cast %add3A_610 : i32 to index
      %get3A_612 = arith.constant 48 : index
      %get3A_613 = tpu.vector_load %arg11[%get3A_611, %get3A_612] {strides = array<i32>} : memref<320x128xf32, #tpu.memory_space<vmem>>, vector<1x16xf32>,
      %get3A_614 = vector.shape_cast %get3A_613 : vector<1x16xf32> to vector<16xf32>
      %add3A_615 = arith.constant 32 : i32
      %add3A_616 = arith.addi %add3A_615, %scan3A_388 : i32
      %get3A_617 = arith.index_cast %add3A_616 : i32 to index
      %get3A_618 = arith.constant 48 : index
      %get3A_619 = tpu.vector_load %arg11[%get3A_617, %get3A_618] {strides = array<i32>} : memref<320x128xf32, #tpu.memory_space<vmem>>, vector<1x16xf32>,
      %get3A_620 = vector.shape_cast %get3A_619 : vector<1x16xf32> to vector<16xf32>
      %add3A_621 = arith.constant 64 : i32
      %add3A_622 = arith.addi %add3A_621, %scan3A_388 : i32
      %get3A_623 = arith.index_cast %add3A_622 : i32 to index
      %get3A_624 = arith.constant 48 : index
      %get3A_625 = tpu.vector_load %arg11[%get3A_623, %get3A_624] {strides = array<i32>} : memref<320x128xf32, #tpu.memory_space<vmem>>, vector<1x16xf32>,
      %get3A_626 = vector.shape_cast %get3A_625 : vector<1x16xf32> to vector<16xf32>
      %add3A_627 = arith.constant 96 : i32
      %add3A_628 = arith.addi %add3A_627, %scan3A_388 : i32
      %get3A_629 = arith.index_cast %add3A_628 : i32 to index
      %get3A_630 = arith.constant 48 : index
      %get3A_631 = tpu.vector_load %arg11[%get3A_629, %get3A_630] {strides = array<i32>} : memref<320x128xf32, #tpu.memory_space<vmem>>, vector<1x16xf32>,
      %get3A_632 = vector.shape_cast %get3A_631 : vector<1x16xf32> to vector<16xf32>
      %add3A_633 = arith.constant 128 : i32
      %add3A_634 = arith.addi %add3A_633, %scan3A_388 : i32
      %get3A_635 = arith.index_cast %add3A_634 : i32 to index
      %get3A_636 = arith.constant 48 : index
      %get3A_637 = tpu.vector_load %arg11[%get3A_635, %get3A_636] {strides = array<i32>} : memref<320x128xf32, #tpu.memory_space<vmem>>, vector<1x16xf32>,
      %get3A_638 = vector.shape_cast %get3A_637 : vector<1x16xf32> to vector<16xf32>
      %add3A_639 = arith.constant 160 : i32
      %add3A_640 = arith.addi %add3A_639, %scan3A_388 : i32
      %get3A_641 = arith.index_cast %add3A_640 : i32 to index
      %get3A_642 = arith.constant 48 : index
      %get3A_643 = tpu.vector_load %arg11[%get3A_641, %get3A_642] {strides = array<i32>} : memref<320x128xf32, #tpu.memory_space<vmem>>, vector<1x16xf32>,
      %get3A_644 = vector.shape_cast %get3A_643 : vector<1x16xf32> to vector<16xf32>
      %add3A_645 = arith.constant 192 : i32
      %add3A_646 = arith.addi %add3A_645, %scan3A_388 : i32
      %get3A_647 = arith.index_cast %add3A_646 : i32 to index
      %get3A_648 = arith.constant 48 : index
      %get3A_649 = tpu.vector_load %arg11[%get3A_647, %get3A_648] {strides = array<i32>} : memref<320x128xf32, #tpu.memory_space<vmem>>, vector<1x16xf32>,
      %get3A_650 = vector.shape_cast %get3A_649 : vector<1x16xf32> to vector<16xf32>
      %add3A_651 = arith.constant 224 : i32
      %add3A_652 = arith.addi %add3A_651, %scan3A_388 : i32
      %get3A_653 = arith.index_cast %add3A_652 : i32 to index
      %get3A_654 = arith.constant 48 : index
      %get3A_655 = tpu.vector_load %arg11[%get3A_653, %get3A_654] {strides = array<i32>} : memref<320x128xf32, #tpu.memory_space<vmem>>, vector<1x16xf32>,
      %get3A_656 = vector.shape_cast %get3A_655 : vector<1x16xf32> to vector<16xf32>
      %add3A_657 = arith.constant 256 : i32
      %add3A_658 = arith.addi %add3A_657, %scan3A_388 : i32
      %get3A_659 = arith.index_cast %add3A_658 : i32 to index
      %get3A_660 = arith.constant 48 : index
      %get3A_661 = tpu.vector_load %arg11[%get3A_659, %get3A_660] {strides = array<i32>} : memref<320x128xf32, #tpu.memory_space<vmem>>, vector<1x16xf32>,
      %get3A_662 = vector.shape_cast %get3A_661 : vector<1x16xf32> to vector<16xf32>
      %add3A_663 = arith.constant 288 : i32
      %add3A_664 = arith.addi %add3A_663, %scan3A_388 : i32
      %get3A_665 = arith.index_cast %add3A_664 : i32 to index
      %get3A_666 = arith.constant 48 : index
      %get3A_667 = tpu.vector_load %arg11[%get3A_665, %get3A_666] {strides = array<i32>} : memref<320x128xf32, #tpu.memory_space<vmem>>, vector<1x16xf32>,
      %get3A_668 = vector.shape_cast %get3A_667 : vector<1x16xf32> to vector<16xf32>
      %add3A_669 = arith.addf %get3A_614, %get3A_620 : vector<16xf32>
      %add3A_670 = arith.addf %get3A_626, %get3A_632 : vector<16xf32>
      %add3A_671 = arith.addf %get3A_638, %get3A_644 : vector<16xf32>
      %add3A_672 = arith.addf %get3A_650, %get3A_656 : vector<16xf32>
      %add3A_673 = arith.addf %get3A_662, %get3A_668 : vector<16xf32>
      %add3A_674 = arith.addf %add3A_669, %add3A_670 : vector<16xf32>
      %add3A_675 = arith.addf %add3A_671, %add3A_672 : vector<16xf32>
      %add3A_676 = arith.addf %add3A_674, %add3A_675 : vector<16xf32>
      %add3A_677 = arith.addf %add3A_676, %add3A_673 : vector<16xf32>
      %swap3A_678 = arith.index_cast %scan3A_388 : i32 to index
      %swap3A_679 = arith.constant 48 : index
      %swap3A_680 = tpu.vector_load %arg15[%swap3A_678, %swap3A_679] {strides = array<i32>} : memref<32x128xf32, #tpu.memory_space<vmem>>, vector<1x16xf32>,
      %swap3A_681 = vector.shape_cast %swap3A_680 : vector<1x16xf32> to vector<16xf32>
      %swap3A_682 = vector.shape_cast %add3A_677 : vector<16xf32> to vector<1x16xf32>
      tpu.vector_store %arg15[%swap3A_678, %swap3A_679], %swap3A_682 {strides = array<i32>} : memref<32x128xf32, #tpu.memory_space<vmem>>, vector<1x16xf32>,
      %add3A_683 = arith.constant 0 : i32
      %add3A_684 = arith.addi %add3A_683, %scan3A_388 : i32
      %get3A_685 = arith.index_cast %add3A_684 : i32 to index
      %get3A_686 = arith.constant 64 : index
      %get3A_687 = tpu.vector_load %arg11[%get3A_685, %get3A_686] {strides = array<i32>} : memref<320x128xf32, #tpu.memory_space<vmem>>, vector<1x16xf32>,
      %get3A_688 = vector.shape_cast %get3A_687 : vector<1x16xf32> to vector<16xf32>
      %add3A_689 = arith.constant 32 : i32
      %add3A_690 = arith.addi %add3A_689, %scan3A_388 : i32
      %get3A_691 = arith.index_cast %add3A_690 : i32 to index
      %get3A_692 = arith.constant 64 : index
      %get3A_693 = tpu.vector_load %arg11[%get3A_691, %get3A_692] {strides = array<i32>} : memref<320x128xf32, #tpu.memory_space<vmem>>, vector<1x16xf32>,
      %get3A_694 = vector.shape_cast %get3A_693 : vector<1x16xf32> to vector<16xf32>
      %add3A_695 = arith.constant 64 : i32
      %add3A_696 = arith.addi %add3A_695, %scan3A_388 : i32
      %get3A_697 = arith.index_cast %add3A_696 : i32 to index
      %get3A_698 = arith.constant 64 : index
      %get3A_699 = tpu.vector_load %arg11[%get3A_697, %get3A_698] {strides = array<i32>} : memref<320x128xf32, #tpu.memory_space<vmem>>, vector<1x16xf32>,
      %get3A_700 = vector.shape_cast %get3A_699 : vector<1x16xf32> to vector<16xf32>
      %add3A_701 = arith.constant 96 : i32
      %add3A_702 = arith.addi %add3A_701, %scan3A_388 : i32
      %get3A_703 = arith.index_cast %add3A_702 : i32 to index
      %get3A_704 = arith.constant 64 : index
      %get3A_705 = tpu.vector_load %arg11[%get3A_703, %get3A_704] {strides = array<i32>} : memref<320x128xf32, #tpu.memory_space<vmem>>, vector<1x16xf32>,
      %get3A_706 = vector.shape_cast %get3A_705 : vector<1x16xf32> to vector<16xf32>
      %add3A_707 = arith.constant 128 : i32
      %add3A_708 = arith.addi %add3A_707, %scan3A_388 : i32
      %get3A_709 = arith.index_cast %add3A_708 : i32 to index
      %get3A_710 = arith.constant 64 : index
      %get3A_711 = tpu.vector_load %arg11[%get3A_709, %get3A_710] {strides = array<i32>} : memref<320x128xf32, #tpu.memory_space<vmem>>, vector<1x16xf32>,
      %get3A_712 = vector.shape_cast %get3A_711 : vector<1x16xf32> to vector<16xf32>
      %add3A_713 = arith.constant 160 : i32
      %add3A_714 = arith.addi %add3A_713, %scan3A_388 : i32
      %get3A_715 = arith.index_cast %add3A_714 : i32 to index
      %get3A_716 = arith.constant 64 : index
      %get3A_717 = tpu.vector_load %arg11[%get3A_715, %get3A_716] {strides = array<i32>} : memref<320x128xf32, #tpu.memory_space<vmem>>, vector<1x16xf32>,
      %get3A_718 = vector.shape_cast %get3A_717 : vector<1x16xf32> to vector<16xf32>
      %add3A_719 = arith.constant 192 : i32
      %add3A_720 = arith.addi %add3A_719, %scan3A_388 : i32
      %get3A_721 = arith.index_cast %add3A_720 : i32 to index
      %get3A_722 = arith.constant 64 : index
      %get3A_723 = tpu.vector_load %arg11[%get3A_721, %get3A_722] {strides = array<i32>} : memref<320x128xf32, #tpu.memory_space<vmem>>, vector<1x16xf32>,
      %get3A_724 = vector.shape_cast %get3A_723 : vector<1x16xf32> to vector<16xf32>
      %add3A_725 = arith.constant 224 : i32
      %add3A_726 = arith.addi %add3A_725, %scan3A_388 : i32
      %get3A_727 = arith.index_cast %add3A_726 : i32 to index
      %get3A_728 = arith.constant 64 : index
      %get3A_729 = tpu.vector_load %arg11[%get3A_727, %get3A_728] {strides = array<i32>} : memref<320x128xf32, #tpu.memory_space<vmem>>, vector<1x16xf32>,
      %get3A_730 = vector.shape_cast %get3A_729 : vector<1x16xf32> to vector<16xf32>
      %add3A_731 = arith.constant 256 : i32
      %add3A_732 = arith.addi %add3A_731, %scan3A_388 : i32
      %get3A_733 = arith.index_cast %add3A_732 : i32 to index
      %get3A_734 = arith.constant 64 : index
      %get3A_735 = tpu.vector_load %arg11[%get3A_733, %get3A_734] {strides = array<i32>} : memref<320x128xf32, #tpu.memory_space<vmem>>, vector<1x16xf32>,
      %get3A_736 = vector.shape_cast %get3A_735 : vector<1x16xf32> to vector<16xf32>
      %add3A_737 = arith.constant 288 : i32
      %add3A_738 = arith.addi %add3A_737, %scan3A_388 : i32
      %get3A_739 = arith.index_cast %add3A_738 : i32 to index
      %get3A_740 = arith.constant 64 : index
      %get3A_741 = tpu.vector_load %arg11[%get3A_739, %get3A_740] {strides = array<i32>} : memref<320x128xf32, #tpu.memory_space<vmem>>, vector<1x16xf32>,
      %get3A_742 = vector.shape_cast %get3A_741 : vector<1x16xf32> to vector<16xf32>
      %add3A_743 = arith.addf %get3A_688, %get3A_694 : vector<16xf32>
      %add3A_744 = arith.addf %get3A_700, %get3A_706 : vector<16xf32>
      %add3A_745 = arith.addf %get3A_712, %get3A_718 : vector<16xf32>
      %add3A_746 = arith.addf %get3A_724, %get3A_730 : vector<16xf32>
      %add3A_747 = arith.addf %get3A_736, %get3A_742 : vector<16xf32>
      %add3A_748 = arith.addf %add3A_743, %add3A_744 : vector<16xf32>
      %add3A_749 = arith.addf %add3A_745, %add3A_746 : vector<16xf32>
      %add3A_750 = arith.addf %add3A_748, %add3A_749 : vector<16xf32>
      %add3A_751 = arith.addf %add3A_750, %add3A_747 : vector<16xf32>
      %swap3A_752 = arith.index_cast %scan3A_388 : i32 to index
      %swap3A_753 = arith.constant 64 : index
      %swap3A_754 = tpu.vector_load %arg15[%swap3A_752, %swap3A_753] {strides = array<i32>} : memref<32x128xf32, #tpu.memory_space<vmem>>, vector<1x16xf32>,
      %swap3A_755 = vector.shape_cast %swap3A_754 : vector<1x16xf32> to vector<16xf32>
      %swap3A_756 = vector.shape_cast %add3A_751 : vector<16xf32> to vector<1x16xf32>
      tpu.vector_store %arg15[%swap3A_752, %swap3A_753], %swap3A_756 {strides = array<i32>} : memref<32x128xf32, #tpu.memory_space<vmem>>, vector<1x16xf32>,
      %add3A_757 = arith.constant 0 : i32
      %add3A_758 = arith.addi %add3A_757, %scan3A_388 : i32
      %get3A_759 = arith.index_cast %add3A_758 : i32 to index
      %get3A_760 = arith.constant 80 : index
      %get3A_761 = tpu.vector_load %arg11[%get3A_759, %get3A_760] {strides = array<i32>} : memref<320x128xf32, #tpu.memory_space<vmem>>, vector<1x16xf32>,
      %get3A_762 = vector.shape_cast %get3A_761 : vector<1x16xf32> to vector<16xf32>
      %add3A_763 = arith.constant 32 : i32
      %add3A_764 = arith.addi %add3A_763, %scan3A_388 : i32
      %get3A_765 = arith.index_cast %add3A_764 : i32 to index
      %get3A_766 = arith.constant 80 : index
      %get3A_767 = tpu.vector_load %arg11[%get3A_765, %get3A_766] {strides = array<i32>} : memref<320x128xf32, #tpu.memory_space<vmem>>, vector<1x16xf32>,
      %get3A_768 = vector.shape_cast %get3A_767 : vector<1x16xf32> to vector<16xf32>
      %add3A_769 = arith.constant 64 : i32
      %add3A_770 = arith.addi %add3A_769, %scan3A_388 : i32
      %get3A_771 = arith.index_cast %add3A_770 : i32 to index
      %get3A_772 = arith.constant 80 : index
      %get3A_773 = tpu.vector_load %arg11[%get3A_771, %get3A_772] {strides = array<i32>} : memref<320x128xf32, #tpu.memory_space<vmem>>, vector<1x16xf32>,
      %get3A_774 = vector.shape_cast %get3A_773 : vector<1x16xf32> to vector<16xf32>
      %add3A_775 = arith.constant 96 : i32
      %add3A_776 = arith.addi %add3A_775, %scan3A_388 : i32
      %get3A_777 = arith.index_cast %add3A_776 : i32 to index
      %get3A_778 = arith.constant 80 : index
      %get3A_779 = tpu.vector_load %arg11[%get3A_777, %get3A_778] {strides = array<i32>} : memref<320x128xf32, #tpu.memory_space<vmem>>, vector<1x16xf32>,
      %get3A_780 = vector.shape_cast %get3A_779 : vector<1x16xf32> to vector<16xf32>
      %add3A_781 = arith.constant 128 : i32
      %add3A_782 = arith.addi %add3A_781, %scan3A_388 : i32
      %get3A_783 = arith.index_cast %add3A_782 : i32 to index
      %get3A_784 = arith.constant 80 : index
      %get3A_785 = tpu.vector_load %arg11[%get3A_783, %get3A_784] {strides = array<i32>} : memref<320x128xf32, #tpu.memory_space<vmem>>, vector<1x16xf32>,
      %get3A_786 = vector.shape_cast %get3A_785 : vector<1x16xf32> to vector<16xf32>
      %add3A_787 = arith.constant 160 : i32
      %add3A_788 = arith.addi %add3A_787, %scan3A_388 : i32
      %get3A_789 = arith.index_cast %add3A_788 : i32 to index
      %get3A_790 = arith.constant 80 : index
      %get3A_791 = tpu.vector_load %arg11[%get3A_789, %get3A_790] {strides = array<i32>} : memref<320x128xf32, #tpu.memory_space<vmem>>, vector<1x16xf32>,
      %get3A_792 = vector.shape_cast %get3A_791 : vector<1x16xf32> to vector<16xf32>
      %add3A_793 = arith.constant 192 : i32
      %add3A_794 = arith.addi %add3A_793, %scan3A_388 : i32
      %get3A_795 = arith.index_cast %add3A_794 : i32 to index
      %get3A_796 = arith.constant 80 : index
      %get3A_797 = tpu.vector_load %arg11[%get3A_795, %get3A_796] {strides = array<i32>} : memref<320x128xf32, #tpu.memory_space<vmem>>, vector<1x16xf32>,
      %get3A_798 = vector.shape_cast %get3A_797 : vector<1x16xf32> to vector<16xf32>
      %add3A_799 = arith.constant 224 : i32
      %add3A_800 = arith.addi %add3A_799, %scan3A_388 : i32
      %get3A_801 = arith.index_cast %add3A_800 : i32 to index
      %get3A_802 = arith.constant 80 : index
      %get3A_803 = tpu.vector_load %arg11[%get3A_801, %get3A_802] {strides = array<i32>} : memref<320x128xf32, #tpu.memory_space<vmem>>, vector<1x16xf32>,
      %get3A_804 = vector.shape_cast %get3A_803 : vector<1x16xf32> to vector<16xf32>
      %add3A_805 = arith.constant 256 : i32
      %add3A_806 = arith.addi %add3A_805, %scan3A_388 : i32
      %get3A_807 = arith.index_cast %add3A_806 : i32 to index
      %get3A_808 = arith.constant 80 : index
      %get3A_809 = tpu.vector_load %arg11[%get3A_807, %get3A_808] {strides = array<i32>} : memref<320x128xf32, #tpu.memory_space<vmem>>, vector<1x16xf32>,
      %get3A_810 = vector.shape_cast %get3A_809 : vector<1x16xf32> to vector<16xf32>
      %add3A_811 = arith.constant 288 : i32
      %add3A_812 = arith.addi %add3A_811, %scan3A_388 : i32
      %get3A_813 = arith.index_cast %add3A_812 : i32 to index
      %get3A_814 = arith.constant 80 : index
      %get3A_815 = tpu.vector_load %arg11[%get3A_813, %get3A_814] {strides = array<i32>} : memref<320x128xf32, #tpu.memory_space<vmem>>, vector<1x16xf32>,
      %get3A_816 = vector.shape_cast %get3A_815 : vector<1x16xf32> to vector<16xf32>
      %add3A_817 = arith.addf %get3A_762, %get3A_768 : vector<16xf32>
      %add3A_818 = arith.addf %get3A_774, %get3A_780 : vector<16xf32>
      %add3A_819 = arith.addf %get3A_786, %get3A_792 : vector<16xf32>
      %add3A_820 = arith.addf %get3A_798, %get3A_804 : vector<16xf32>
      %add3A_821 = arith.addf %get3A_810, %get3A_816 : vector<16xf32>
      %add3A_822 = arith.addf %add3A_817, %add3A_818 : vector<16xf32>
      %add3A_823 = arith.addf %add3A_819, %add3A_820 : vector<16xf32>
      %add3A_824 = arith.addf %add3A_822, %add3A_823 : vector<16xf32>
      %add3A_825 = arith.addf %add3A_824, %add3A_821 : vector<16xf32>
      %swap3A_826 = arith.index_cast %scan3A_388 : i32 to index
      %swap3A_827 = arith.constant 80 : index
      %swap3A_828 = tpu.vector_load %arg15[%swap3A_826, %swap3A_827] {strides = array<i32>} : memref<32x128xf32, #tpu.memory_space<vmem>>, vector<1x16xf32>,
      %swap3A_829 = vector.shape_cast %swap3A_828 : vector<1x16xf32> to vector<16xf32>
      %swap3A_830 = vector.shape_cast %add3A_825 : vector<16xf32> to vector<1x16xf32>
      tpu.vector_store %arg15[%swap3A_826, %swap3A_827], %swap3A_830 {strides = array<i32>} : memref<32x128xf32, #tpu.memory_space<vmem>>, vector<1x16xf32>,
      %add3A_831 = arith.constant 0 : i32
      %add3A_832 = arith.addi %add3A_831, %scan3A_388 : i32
      %get3A_833 = arith.index_cast %add3A_832 : i32 to index
      %get3A_834 = arith.constant 96 : index
      %get3A_835 = tpu.vector_load %arg11[%get3A_833, %get3A_834] {strides = array<i32>} : memref<320x128xf32, #tpu.memory_space<vmem>>, vector<1x16xf32>,
      %get3A_836 = vector.shape_cast %get3A_835 : vector<1x16xf32> to vector<16xf32>
      %add3A_837 = arith.constant 32 : i32
      %add3A_838 = arith.addi %add3A_837, %scan3A_388 : i32
      %get3A_839 = arith.index_cast %add3A_838 : i32 to index
      %get3A_840 = arith.constant 96 : index
      %get3A_841 = tpu.vector_load %arg11[%get3A_839, %get3A_840] {strides = array<i32>} : memref<320x128xf32, #tpu.memory_space<vmem>>, vector<1x16xf32>,
      %get3A_842 = vector.shape_cast %get3A_841 : vector<1x16xf32> to vector<16xf32>
      %add3A_843 = arith.constant 64 : i32
      %add3A_844 = arith.addi %add3A_843, %scan3A_388 : i32
      %get3A_845 = arith.index_cast %add3A_844 : i32 to index
      %get3A_846 = arith.constant 96 : index
      %get3A_847 = tpu.vector_load %arg11[%get3A_845, %get3A_846] {strides = array<i32>} : memref<320x128xf32, #tpu.memory_space<vmem>>, vector<1x16xf32>,
      %get3A_848 = vector.shape_cast %get3A_847 : vector<1x16xf32> to vector<16xf32>
      %add3A_849 = arith.constant 96 : i32
      %add3A_850 = arith.addi %add3A_849, %scan3A_388 : i32
      %get3A_851 = arith.index_cast %add3A_850 : i32 to index
      %get3A_852 = arith.constant 96 : index
      %get3A_853 = tpu.vector_load %arg11[%get3A_851, %get3A_852] {strides = array<i32>} : memref<320x128xf32, #tpu.memory_space<vmem>>, vector<1x16xf32>,
      %get3A_854 = vector.shape_cast %get3A_853 : vector<1x16xf32> to vector<16xf32>
      %add3A_855 = arith.constant 128 : i32
      %add3A_856 = arith.addi %add3A_855, %scan3A_388 : i32
      %get3A_857 = arith.index_cast %add3A_856 : i32 to index
      %get3A_858 = arith.constant 96 : index
      %get3A_859 = tpu.vector_load %arg11[%get3A_857, %get3A_858] {strides = array<i32>} : memref<320x128xf32, #tpu.memory_space<vmem>>, vector<1x16xf32>,
      %get3A_860 = vector.shape_cast %get3A_859 : vector<1x16xf32> to vector<16xf32>
      %add3A_861 = arith.constant 160 : i32
      %add3A_862 = arith.addi %add3A_861, %scan3A_388 : i32
      %get3A_863 = arith.index_cast %add3A_862 : i32 to index
      %get3A_864 = arith.constant 96 : index
      %get3A_865 = tpu.vector_load %arg11[%get3A_863, %get3A_864] {strides = array<i32>} : memref<320x128xf32, #tpu.memory_space<vmem>>, vector<1x16xf32>,
      %get3A_866 = vector.shape_cast %get3A_865 : vector<1x16xf32> to vector<16xf32>
      %add3A_867 = arith.constant 192 : i32
      %add3A_868 = arith.addi %add3A_867, %scan3A_388 : i32
      %get3A_869 = arith.index_cast %add3A_868 : i32 to index
      %get3A_870 = arith.constant 96 : index
      %get3A_871 = tpu.vector_load %arg11[%get3A_869, %get3A_870] {strides = array<i32>} : memref<320x128xf32, #tpu.memory_space<vmem>>, vector<1x16xf32>,
      %get3A_872 = vector.shape_cast %get3A_871 : vector<1x16xf32> to vector<16xf32>
      %add3A_873 = arith.constant 224 : i32
      %add3A_874 = arith.addi %add3A_873, %scan3A_388 : i32
      %get3A_875 = arith.index_cast %add3A_874 : i32 to index
      %get3A_876 = arith.constant 96 : index
      %get3A_877 = tpu.vector_load %arg11[%get3A_875, %get3A_876] {strides = array<i32>} : memref<320x128xf32, #tpu.memory_space<vmem>>, vector<1x16xf32>,
      %get3A_878 = vector.shape_cast %get3A_877 : vector<1x16xf32> to vector<16xf32>
      %add3A_879 = arith.constant 256 : i32
      %add3A_880 = arith.addi %add3A_879, %scan3A_388 : i32
      %get3A_881 = arith.index_cast %add3A_880 : i32 to index
      %get3A_882 = arith.constant 96 : index
      %get3A_883 = tpu.vector_load %arg11[%get3A_881, %get3A_882] {strides = array<i32>} : memref<320x128xf32, #tpu.memory_space<vmem>>, vector<1x16xf32>,
      %get3A_884 = vector.shape_cast %get3A_883 : vector<1x16xf32> to vector<16xf32>
      %add3A_885 = arith.constant 288 : i32
      %add3A_886 = arith.addi %add3A_885, %scan3A_388 : i32
      %get3A_887 = arith.index_cast %add3A_886 : i32 to index
      %get3A_888 = arith.constant 96 : index
      %get3A_889 = tpu.vector_load %arg11[%get3A_887, %get3A_888] {strides = array<i32>} : memref<320x128xf32, #tpu.memory_space<vmem>>, vector<1x16xf32>,
      %get3A_890 = vector.shape_cast %get3A_889 : vector<1x16xf32> to vector<16xf32>
      %add3A_891 = arith.addf %get3A_836, %get3A_842 : vector<16xf32>
      %add3A_892 = arith.addf %get3A_848, %get3A_854 : vector<16xf32>
      %add3A_893 = arith.addf %get3A_860, %get3A_866 : vector<16xf32>
      %add3A_894 = arith.addf %get3A_872, %get3A_878 : vector<16xf32>
      %add3A_895 = arith.addf %get3A_884, %get3A_890 : vector<16xf32>
      %add3A_896 = arith.addf %add3A_891, %add3A_892 : vector<16xf32>
      %add3A_897 = arith.addf %add3A_893, %add3A_894 : vector<16xf32>
      %add3A_898 = arith.addf %add3A_896, %add3A_897 : vector<16xf32>
      %add3A_899 = arith.addf %add3A_898, %add3A_895 : vector<16xf32>
      %swap3A_900 = arith.index_cast %scan3A_388 : i32 to index
      %swap3A_901 = arith.constant 96 : index
      %swap3A_902 = tpu.vector_load %arg15[%swap3A_900, %swap3A_901] {strides = array<i32>} : memref<32x128xf32, #tpu.memory_space<vmem>>, vector<1x16xf32>,
      %swap3A_903 = vector.shape_cast %swap3A_902 : vector<1x16xf32> to vector<16xf32>
      %swap3A_904 = vector.shape_cast %add3A_899 : vector<16xf32> to vector<1x16xf32>
      tpu.vector_store %arg15[%swap3A_900, %swap3A_901], %swap3A_904 {strides = array<i32>} : memref<32x128xf32, #tpu.memory_space<vmem>>, vector<1x16xf32>,
      %add3A_905 = arith.constant 0 : i32
      %add3A_906 = arith.addi %add3A_905, %scan3A_388 : i32
      %get3A_907 = arith.index_cast %add3A_906 : i32 to index
      %get3A_908 = arith.constant 112 : index
      %get3A_909 = tpu.vector_load %arg11[%get3A_907, %get3A_908] {strides = array<i32>} : memref<320x128xf32, #tpu.memory_space<vmem>>, vector<1x16xf32>,
      %get3A_910 = vector.shape_cast %get3A_909 : vector<1x16xf32> to vector<16xf32>
      %add3A_911 = arith.constant 32 : i32
      %add3A_912 = arith.addi %add3A_911, %scan3A_388 : i32
      %get3A_913 = arith.index_cast %add3A_912 : i32 to index
      %get3A_914 = arith.constant 112 : index
      %get3A_915 = tpu.vector_load %arg11[%get3A_913, %get3A_914] {strides = array<i32>} : memref<320x128xf32, #tpu.memory_space<vmem>>, vector<1x16xf32>,
      %get3A_916 = vector.shape_cast %get3A_915 : vector<1x16xf32> to vector<16xf32>
      %add3A_917 = arith.constant 64 : i32
      %add3A_918 = arith.addi %add3A_917, %scan3A_388 : i32
      %get3A_919 = arith.index_cast %add3A_918 : i32 to index
      %get3A_920 = arith.constant 112 : index
      %get3A_921 = tpu.vector_load %arg11[%get3A_919, %get3A_920] {strides = array<i32>} : memref<320x128xf32, #tpu.memory_space<vmem>>, vector<1x16xf32>,
      %get3A_922 = vector.shape_cast %get3A_921 : vector<1x16xf32> to vector<16xf32>
      %add3A_923 = arith.constant 96 : i32
      %add3A_924 = arith.addi %add3A_923, %scan3A_388 : i32
      %get3A_925 = arith.index_cast %add3A_924 : i32 to index
      %get3A_926 = arith.constant 112 : index
      %get3A_927 = tpu.vector_load %arg11[%get3A_925, %get3A_926] {strides = array<i32>} : memref<320x128xf32, #tpu.memory_space<vmem>>, vector<1x16xf32>,
      %get3A_928 = vector.shape_cast %get3A_927 : vector<1x16xf32> to vector<16xf32>
      %add3A_929 = arith.constant 128 : i32
      %add3A_930 = arith.addi %add3A_929, %scan3A_388 : i32
      %get3A_931 = arith.index_cast %add3A_930 : i32 to index
      %get3A_932 = arith.constant 112 : index
      %get3A_933 = tpu.vector_load %arg11[%get3A_931, %get3A_932] {strides = array<i32>} : memref<320x128xf32, #tpu.memory_space<vmem>>, vector<1x16xf32>,
      %get3A_934 = vector.shape_cast %get3A_933 : vector<1x16xf32> to vector<16xf32>
      %add3A_935 = arith.constant 160 : i32
      %add3A_936 = arith.addi %add3A_935, %scan3A_388 : i32
      %get3A_937 = arith.index_cast %add3A_936 : i32 to index
      %get3A_938 = arith.constant 112 : index
      %get3A_939 = tpu.vector_load %arg11[%get3A_937, %get3A_938] {strides = array<i32>} : memref<320x128xf32, #tpu.memory_space<vmem>>, vector<1x16xf32>,
      %get3A_940 = vector.shape_cast %get3A_939 : vector<1x16xf32> to vector<16xf32>
      %add3A_941 = arith.constant 192 : i32
      %add3A_942 = arith.addi %add3A_941, %scan3A_388 : i32
      %get3A_943 = arith.index_cast %add3A_942 : i32 to index
      %get3A_944 = arith.constant 112 : index
      %get3A_945 = tpu.vector_load %arg11[%get3A_943, %get3A_944] {strides = array<i32>} : memref<320x128xf32, #tpu.memory_space<vmem>>, vector<1x16xf32>,
      %get3A_946 = vector.shape_cast %get3A_945 : vector<1x16xf32> to vector<16xf32>
      %add3A_947 = arith.constant 224 : i32
      %add3A_948 = arith.addi %add3A_947, %scan3A_388 : i32
      %get3A_949 = arith.index_cast %add3A_948 : i32 to index
      %get3A_950 = arith.constant 112 : index
      %get3A_951 = tpu.vector_load %arg11[%get3A_949, %get3A_950] {strides = array<i32>} : memref<320x128xf32, #tpu.memory_space<vmem>>, vector<1x16xf32>,
      %get3A_952 = vector.shape_cast %get3A_951 : vector<1x16xf32> to vector<16xf32>
      %add3A_953 = arith.constant 256 : i32
      %add3A_954 = arith.addi %add3A_953, %scan3A_388 : i32
      %get3A_955 = arith.index_cast %add3A_954 : i32 to index
      %get3A_956 = arith.constant 112 : index
      %get3A_957 = tpu.vector_load %arg11[%get3A_955, %get3A_956] {strides = array<i32>} : memref<320x128xf32, #tpu.memory_space<vmem>>, vector<1x16xf32>,
      %get3A_958 = vector.shape_cast %get3A_957 : vector<1x16xf32> to vector<16xf32>
      %add3A_959 = arith.constant 288 : i32
      %add3A_960 = arith.addi %add3A_959, %scan3A_388 : i32
      %get3A_961 = arith.index_cast %add3A_960 : i32 to index
      %get3A_962 = arith.constant 112 : index
      %get3A_963 = tpu.vector_load %arg11[%get3A_961, %get3A_962] {strides = array<i32>} : memref<320x128xf32, #tpu.memory_space<vmem>>, vector<1x16xf32>,
      %get3A_964 = vector.shape_cast %get3A_963 : vector<1x16xf32> to vector<16xf32>
      %add3A_965 = arith.addf %get3A_910, %get3A_916 : vector<16xf32>
      %add3A_966 = arith.addf %get3A_922, %get3A_928 : vector<16xf32>
      %add3A_967 = arith.addf %get3A_934, %get3A_940 : vector<16xf32>
      %add3A_968 = arith.addf %get3A_946, %get3A_952 : vector<16xf32>
      %add3A_969 = arith.addf %get3A_958, %get3A_964 : vector<16xf32>
      %add3A_970 = arith.addf %add3A_965, %add3A_966 : vector<16xf32>
      %add3A_971 = arith.addf %add3A_967, %add3A_968 : vector<16xf32>
      %add3A_972 = arith.addf %add3A_970, %add3A_971 : vector<16xf32>
      %add3A_973 = arith.addf %add3A_972, %add3A_969 : vector<16xf32>
      %swap3A_974 = arith.index_cast %scan3A_388 : i32 to index
      %swap3A_975 = arith.constant 112 : index
      %swap3A_976 = tpu.vector_load %arg15[%swap3A_974, %swap3A_975] {strides = array<i32>} : memref<32x128xf32, #tpu.memory_space<vmem>>, vector<1x16xf32>,
      %swap3A_977 = vector.shape_cast %swap3A_976 : vector<1x16xf32> to vector<16xf32>
      %swap3A_978 = vector.shape_cast %add3A_973 : vector<16xf32> to vector<1x16xf32>
      tpu.vector_store %arg15[%swap3A_974, %swap3A_975], %swap3A_978 {strides = array<i32>} : memref<32x128xf32, #tpu.memory_space<vmem>>, vector<1x16xf32>,
    }
    %scan3A_100 = arith.constant 32 : i32
    %mul3A_101 = arith.constant 49 : i32
    %mul3A_102 = arith.muli %add3A, %mul3A_101 : i32
    %add3A_103 = arith.constant 0 : i32
    %add3A_104 = arith.addi %mul3A_102, %add3A_103 : i32
    %mul3A_105 = arith.constant 32 : i32
    %mul3A_106 = arith.muli %add3A_104, %mul3A_105 : i32
    %dma_start3A_107 = arith.constant 0 : i32
    %dma_start3A_108 = tpu.memref_slice %arg5[%mul3A_106, %dma_start3A_107] : memref<50176x128xf32, #tpu.memory_space<hbm>> -> memref<32x128xf32, #tpu.memory_space<hbm>>
    %dma_start3A_109 = arith.constant 0 : i32
    %dma_start3A_110 = tpu.memref_slice %arg5[%mul3A_106, %dma_start3A_109] : memref<50176x128xf32, #tpu.memory_space<hbm>> -> memref<32x128xf32, #tpu.memory_space<hbm>>
    tpu.enqueue_dma source(%arg13 : memref<32x128xf32, #tpu.memory_space<vmem>>) target(%dma_start3A_110 : memref<32x128xf32, #tpu.memory_space<hbm>>) target_semaphore(%arg21 : memref<!tpu.dma_semaphore, #tpu.memory_space<semaphore_mem>>)
    %dma_start3A_111 = arith.constant 0 : i32
    %dma_start3A_112 = tpu.memref_slice %arg6[%mul3A_106, %dma_start3A_111] : memref<50176x128xf32, #tpu.memory_space<hbm>> -> memref<32x128xf32, #tpu.memory_space<hbm>>
    %dma_start3A_113 = arith.constant 0 : i32
    %dma_start3A_114 = tpu.memref_slice %arg6[%mul3A_106, %dma_start3A_113] : memref<50176x128xf32, #tpu.memory_space<hbm>> -> memref<32x128xf32, #tpu.memory_space<hbm>>
    tpu.enqueue_dma source(%arg15 : memref<32x128xf32, #tpu.memory_space<vmem>>) target(%dma_start3A_114 : memref<32x128xf32, #tpu.memory_space<hbm>>) target_semaphore(%arg21 : memref<!tpu.dma_semaphore, #tpu.memory_space<semaphore_mem>>)
    %mul3A_115 = arith.constant 49 : i32
    %mul3A_116 = arith.muli %add3A, %mul3A_115 : i32
    %add3A_117 = arith.constant 0 : i32
    %add3A_118 = arith.addi %mul3A_116, %add3A_117 : i32
    %mul3A_119 = arith.constant 32 : i32
    %mul3A_120 = arith.muli %add3A_118, %mul3A_119 : i32
    %dma_wait3A_121 = arith.constant 0 : i32
    %dma_wait3A_122 = tpu.memref_slice %arg5[%mul3A_120, %dma_wait3A_121] : memref<50176x128xf32, #tpu.memory_space<hbm>> -> memref<32x128xf32, #tpu.memory_space<hbm>>
    %dma_wait3A_123 = arith.constant 0 : i32
    %dma_wait3A_124 = tpu.memref_slice %arg5[%mul3A_120, %dma_wait3A_123] : memref<50176x128xf32, #tpu.memory_space<hbm>> -> memref<32x128xf32, #tpu.memory_space<hbm>>
    tpu.wait_dma2 semaphore(%arg21 : memref<!tpu.dma_semaphore, #tpu.memory_space<semaphore_mem>>) src(%arg13 : memref<32x128xf32, #tpu.memory_space<vmem>>) dst(%dma_wait3A_124 : memref<32x128xf32, #tpu.memory_space<hbm>>)
    %dma_wait3A_125 = arith.constant 0 : i32
    %dma_wait3A_126 = tpu.memref_slice %arg6[%mul3A_120, %dma_wait3A_125] : memref<50176x128xf32, #tpu.memory_space<hbm>> -> memref<32x128xf32, #tpu.memory_space<hbm>>
    %dma_wait3A_127 = arith.constant 0 : i32
    %dma_wait3A_128 = tpu.memref_slice %arg6[%mul3A_120, %dma_wait3A_127] : memref<50176x128xf32, #tpu.memory_space<hbm>> -> memref<32x128xf32, #tpu.memory_space<hbm>>
    tpu.wait_dma2 semaphore(%arg21 : memref<!tpu.dma_semaphore, #tpu.memory_space<semaphore_mem>>) src(%arg15 : memref<32x128xf32, #tpu.memory_space<vmem>>) dst(%dma_wait3A_128 : memref<32x128xf32, #tpu.memory_space<hbm>>)
    %mul3A_129 = arith.constant 49 : i32
    %mul3A_130 = arith.muli %add3A, %mul3A_129 : i32
    %add3A_131 = arith.constant 2 : i32
    %add3A_132 = arith.addi %mul3A_130, %add3A_131 : i32
    %mul3A_133 = arith.constant 32 : i32
    %mul3A_134 = arith.muli %add3A_132, %mul3A_133 : i32
    "tpu.region"() ({
      %run_scoped3A = tpu.sem_alloc : memref<!tpu.dma_semaphore, #tpu.memory_space<semaphore_mem>>
      %dma_start3A_388 = tpu.memref_slice %arg3[%mul3A_134] : memref<50240xi32, #tpu.memory_space<hbm>> -> memref<32xi32, #tpu.memory_space<hbm>>
      %dma_start3A_389 = tpu.memref_slice %arg3[%mul3A_134] : memref<50240xi32, #tpu.memory_space<hbm>> -> memref<32xi32, #tpu.memory_space<hbm>>
      tpu.enqueue_dma source(%dma_start3A_389 : memref<32xi32, #tpu.memory_space<hbm>>) target(%arg9 : memref<32xi32, #tpu.memory_space<vmem>>) target_semaphore(%run_scoped3A : memref<!tpu.dma_semaphore, #tpu.memory_space<semaphore_mem>>)
      %dma_wait3A_390 = tpu.memref_slice %arg3[%mul3A_134] : memref<50240xi32, #tpu.memory_space<hbm>> -> memref<32xi32, #tpu.memory_space<hbm>>
      %dma_wait3A_391 = tpu.memref_slice %arg3[%mul3A_134] : memref<50240xi32, #tpu.memory_space<hbm>> -> memref<32xi32, #tpu.memory_space<hbm>>
      tpu.wait_dma2 semaphore(%run_scoped3A : memref<!tpu.dma_semaphore, #tpu.memory_space<semaphore_mem>>) src(%dma_wait3A_391 : memref<32xi32, #tpu.memory_space<hbm>>) dst(%arg9 : memref<32xi32, #tpu.memory_space<vmem>>)
      tpu.yield
    }) : () -> ()
    %mul3A_135 = arith.constant 10 : i32
    %mul3A_136 = arith.muli %mul3A_134, %mul3A_135 : i32
    "tpu.region"() ({
      %run_scoped3A = tpu.sem_alloc : memref<!tpu.dma_semaphore, #tpu.memory_space<semaphore_mem>>
      %dma_start3A_388 = tpu.memref_slice %arg4[%mul3A_136] : memref<502400xi32, #tpu.memory_space<hbm>> -> memref<320xi32, #tpu.memory_space<hbm>>
      %dma_start3A_389 = tpu.memref_slice %arg4[%mul3A_136] : memref<502400xi32, #tpu.memory_space<hbm>> -> memref<320xi32, #tpu.memory_space<hbm>>
      tpu.enqueue_dma source(%dma_start3A_389 : memref<320xi32, #tpu.memory_space<hbm>>) target(%arg7 : memref<320xi32, #tpu.memory_space<vmem>>) target_semaphore(%run_scoped3A : memref<!tpu.dma_semaphore, #tpu.memory_space<semaphore_mem>>)
      %dma_wait3A_390 = tpu.memref_slice %arg4[%mul3A_136] : memref<502400xi32, #tpu.memory_space<hbm>> -> memref<320xi32, #tpu.memory_space<hbm>>
      %dma_wait3A_391 = tpu.memref_slice %arg4[%mul3A_136] : memref<502400xi32, #tpu.memory_space<hbm>> -> memref<320xi32, #tpu.memory_space<hbm>>
      tpu.wait_dma2 semaphore(%run_scoped3A : memref<!tpu.dma_semaphore, #tpu.memory_space<semaphore_mem>>) src(%dma_wait3A_391 : memref<320xi32, #tpu.memory_space<hbm>>) dst(%arg7 : memref<320xi32, #tpu.memory_space<vmem>>)
      tpu.yield
    }) : () -> ()
    %dma_start3A_137 = arith.constant 0 : i32
    %dma_start3A_138 = arith.constant 0 : i32
    %dma_start3A_139 = tpu.memref_slice %arg2[%dma_start3A_137, %dma_start3A_138] : memref<100000x128xf32, #tpu.memory_space<hbm>> -> memref<100000x128xf32, #tpu.memory_space<hbm>>
    tpu.enqueue_indirect_dma source(%dma_start3A_139 : memref<100000x128xf32, #tpu.memory_space<hbm>>) target(%arg13 : memref<32x128xf32, #tpu.memory_space<vmem>>) offsets(%arg9 : memref<32xi32, #tpu.memory_space<vmem>>) semaphore(%arg19 : memref<!tpu.dma_semaphore, #tpu.memory_space<semaphore_mem>>)
    %dma_start3A_140 = arith.constant 0 : i32
    %dma_start3A_141 = arith.constant 0 : i32
    %dma_start3A_142 = tpu.memref_slice %arg11[%dma_start3A_140, %dma_start3A_141] : memref<320x128xf32, #tpu.memory_space<vmem>> -> memref<104x128xf32, #tpu.memory_space<vmem>>
    %dma_start3A_143 = arith.constant 0 : i32
    %dma_start3A_144 = tpu.memref_slice %arg7[%dma_start3A_143] : memref<320xi32, #tpu.memory_space<vmem>> -> memref<104xi32, #tpu.memory_space<vmem>>
    %dma_start3A_145 = arith.constant 0 : i32
    %dma_start3A_146 = arith.constant 0 : i32
    %dma_start3A_147 = tpu.memref_slice %arg2[%dma_start3A_145, %dma_start3A_146] : memref<100000x128xf32, #tpu.memory_space<hbm>> -> memref<100000x128xf32, #tpu.memory_space<hbm>>
    tpu.enqueue_indirect_dma source(%dma_start3A_147 : memref<100000x128xf32, #tpu.memory_space<hbm>>) target(%dma_start3A_142 : memref<104x128xf32, #tpu.memory_space<vmem>>) offsets(%dma_start3A_144 : memref<104xi32, #tpu.memory_space<vmem>>) semaphore(%arg17 : memref<!tpu.dma_semaphore, #tpu.memory_space<semaphore_mem>>)
    %dma_start3A_148 = arith.constant 104 : i32
    %dma_start3A_149 = arith.constant 0 : i32
    %dma_start3A_150 = tpu.memref_slice %arg11[%dma_start3A_148, %dma_start3A_149] : memref<320x128xf32, #tpu.memory_space<vmem>> -> memref<104x128xf32, #tpu.memory_space<vmem>>
    %dma_start3A_151 = arith.constant 104 : i32
    %dma_start3A_152 = tpu.memref_slice %arg7[%dma_start3A_151] : memref<320xi32, #tpu.memory_space<vmem>> -> memref<104xi32, #tpu.memory_space<vmem>>
    %dma_start3A_153 = arith.constant 0 : i32
    %dma_start3A_154 = arith.constant 0 : i32
    %dma_start3A_155 = tpu.memref_slice %arg2[%dma_start3A_153, %dma_start3A_154] : memref<100000x128xf32, #tpu.memory_space<hbm>> -> memref<100000x128xf32, #tpu.memory_space<hbm>>
    tpu.enqueue_indirect_dma source(%dma_start3A_155 : memref<100000x128xf32, #tpu.memory_space<hbm>>) target(%dma_start3A_150 : memref<104x128xf32, #tpu.memory_space<vmem>>) offsets(%dma_start3A_152 : memref<104xi32, #tpu.memory_space<vmem>>) semaphore(%arg17 : memref<!tpu.dma_semaphore, #tpu.memory_space<semaphore_mem>>)
    %dma_start3A_156 = arith.constant 208 : i32
    %dma_start3A_157 = arith.constant 0 : i32
    %dma_start3A_158 = tpu.memref_slice %arg11[%dma_start3A_156, %dma_start3A_157] : memref<320x128xf32, #tpu.memory_space<vmem>> -> memref<112x128xf32, #tpu.memory_space<vmem>>
    %dma_start3A_159 = arith.constant 208 : i32
    %dma_start3A_160 = tpu.memref_slice %arg7[%dma_start3A_159] : memref<320xi32, #tpu.memory_space<vmem>> -> memref<112xi32, #tpu.memory_space<vmem>>
    %dma_start3A_161 = arith.constant 0 : i32
    %dma_start3A_162 = arith.constant 0 : i32
    %dma_start3A_163 = tpu.memref_slice %arg2[%dma_start3A_161, %dma_start3A_162] : memref<100000x128xf32, #tpu.memory_space<hbm>> -> memref<100000x128xf32, #tpu.memory_space<hbm>>
    tpu.enqueue_indirect_dma source(%dma_start3A_163 : memref<100000x128xf32, #tpu.memory_space<hbm>>) target(%dma_start3A_158 : memref<112x128xf32, #tpu.memory_space<vmem>>) offsets(%dma_start3A_160 : memref<112xi32, #tpu.memory_space<vmem>>) semaphore(%arg17 : memref<!tpu.dma_semaphore, #tpu.memory_space<semaphore_mem>>)
    %dma_wait3A_164 = arith.constant 0 : i32
    %dma_wait3A_165 = arith.constant 0 : i32
    %dma_wait3A_166 = tpu.memref_slice %arg2[%dma_wait3A_164, %dma_wait3A_165] : memref<100000x128xf32, #tpu.memory_space<hbm>> -> memref<100000x128xf32, #tpu.memory_space<hbm>>
    tpu.wait_indirect_dma semaphore(%arg20 : memref<!tpu.dma_semaphore, #tpu.memory_space<semaphore_mem>>) src(%dma_wait3A_166 : memref<100000x128xf32, #tpu.memory_space<hbm>>) dst(%arg14 : memref<32x128xf32, #tpu.memory_space<vmem>>)
    %dma_wait3A_167 = arith.constant 0 : i32
    %dma_wait3A_168 = arith.constant 0 : i32
    %dma_wait3A_169 = tpu.memref_slice %arg12[%dma_wait3A_167, %dma_wait3A_168] : memref<320x128xf32, #tpu.memory_space<vmem>> -> memref<104x128xf32, #tpu.memory_space<vmem>>
    %dma_wait3A_170 = arith.constant 0 : i32
    %dma_wait3A_171 = tpu.memref_slice %arg8[%dma_wait3A_170] : memref<320xi32, #tpu.memory_space<vmem>> -> memref<104xi32, #tpu.memory_space<vmem>>
    %dma_wait3A_172 = arith.constant 0 : i32
    %dma_wait3A_173 = arith.constant 0 : i32
    %dma_wait3A_174 = tpu.memref_slice %arg2[%dma_wait3A_172, %dma_wait3A_173] : memref<100000x128xf32, #tpu.memory_space<hbm>> -> memref<100000x128xf32, #tpu.memory_space<hbm>>
    tpu.wait_indirect_dma semaphore(%arg18 : memref<!tpu.dma_semaphore, #tpu.memory_space<semaphore_mem>>) src(%dma_wait3A_174 : memref<100000x128xf32, #tpu.memory_space<hbm>>) dst(%dma_wait3A_169 : memref<104x128xf32, #tpu.memory_space<vmem>>)
    %dma_wait3A_175 = arith.constant 104 : i32
    %dma_wait3A_176 = arith.constant 0 : i32
    %dma_wait3A_177 = tpu.memref_slice %arg12[%dma_wait3A_175, %dma_wait3A_176] : memref<320x128xf32, #tpu.memory_space<vmem>> -> memref<104x128xf32, #tpu.memory_space<vmem>>
    %dma_wait3A_178 = arith.constant 104 : i32
    %dma_wait3A_179 = tpu.memref_slice %arg8[%dma_wait3A_178] : memref<320xi32, #tpu.memory_space<vmem>> -> memref<104xi32, #tpu.memory_space<vmem>>
    %dma_wait3A_180 = arith.constant 0 : i32
    %dma_wait3A_181 = arith.constant 0 : i32
    %dma_wait3A_182 = tpu.memref_slice %arg2[%dma_wait3A_180, %dma_wait3A_181] : memref<100000x128xf32, #tpu.memory_space<hbm>> -> memref<100000x128xf32, #tpu.memory_space<hbm>>
    tpu.wait_indirect_dma semaphore(%arg18 : memref<!tpu.dma_semaphore, #tpu.memory_space<semaphore_mem>>) src(%dma_wait3A_182 : memref<100000x128xf32, #tpu.memory_space<hbm>>) dst(%dma_wait3A_177 : memref<104x128xf32, #tpu.memory_space<vmem>>)
    %dma_wait3A_183 = arith.constant 208 : i32
    %dma_wait3A_184 = arith.constant 0 : i32
    %dma_wait3A_185 = tpu.memref_slice %arg12[%dma_wait3A_183, %dma_wait3A_184] : memref<320x128xf32, #tpu.memory_space<vmem>> -> memref<112x128xf32, #tpu.memory_space<vmem>>
    %dma_wait3A_186 = arith.constant 208 : i32
    %dma_wait3A_187 = tpu.memref_slice %arg8[%dma_wait3A_186] : memref<320xi32, #tpu.memory_space<vmem>> -> memref<112xi32, #tpu.memory_space<vmem>>
    %dma_wait3A_188 = arith.constant 0 : i32
    %dma_wait3A_189 = arith.constant 0 : i32
    %dma_wait3A_190 = tpu.memref_slice %arg2[%dma_wait3A_188, %dma_wait3A_189] : memref<100000x128xf32, #tpu.memory_space<hbm>> -> memref<100000x128xf32, #tpu.memory_space<hbm>>
    tpu.wait_indirect_dma semaphore(%arg18 : memref<!tpu.dma_semaphore, #tpu.memory_space<semaphore_mem>>) src(%dma_wait3A_190 : memref<100000x128xf32, #tpu.memory_space<hbm>>) dst(%dma_wait3A_185 : memref<112x128xf32, #tpu.memory_space<vmem>>)
    %scan3A_191 = arith.constant 0 : i32
    %scan3A_192 = arith.constant 0 : i32
    %scan3A_193 = arith.constant 32 : i32
    %scan3A_194 = arith.addi %scan3A_192, %scan3A_193 : i32
    %scan3A_195 = arith.constant 1 : i32
    scf.for %scan3A_388 = %scan3A_192 to %scan3A_194 step %scan3A_195  : i32 {
      %add3A_389 = arith.constant 0 : i32
      %add3A_390 = arith.addi %add3A_389, %scan3A_388 : i32
      %get3A = arith.index_cast %add3A_390 : i32 to index
      %get3A_391 = arith.constant 0 : index
      %get3A_392 = tpu.vector_load %arg12[%get3A, %get3A_391] {strides = array<i32>} : memref<320x128xf32, #tpu.memory_space<vmem>>, vector<1x16xf32>,
      %get3A_393 = vector.shape_cast %get3A_392 : vector<1x16xf32> to vector<16xf32>
      %add3A_394 = arith.constant 32 : i32
      %add3A_395 = arith.addi %add3A_394, %scan3A_388 : i32
      %get3A_396 = arith.index_cast %add3A_395 : i32 to index
      %get3A_397 = arith.constant 0 : index
      %get3A_398 = tpu.vector_load %arg12[%get3A_396, %get3A_397] {strides = array<i32>} : memref<320x128xf32, #tpu.memory_space<vmem>>, vector<1x16xf32>,
      %get3A_399 = vector.shape_cast %get3A_398 : vector<1x16xf32> to vector<16xf32>
      %add3A_400 = arith.constant 64 : i32
      %add3A_401 = arith.addi %add3A_400, %scan3A_388 : i32
      %get3A_402 = arith.index_cast %add3A_401 : i32 to index
      %get3A_403 = arith.constant 0 : index
      %get3A_404 = tpu.vector_load %arg12[%get3A_402, %get3A_403] {strides = array<i32>} : memref<320x128xf32, #tpu.memory_space<vmem>>, vector<1x16xf32>,
      %get3A_405 = vector.shape_cast %get3A_404 : vector<1x16xf32> to vector<16xf32>
      %add3A_406 = arith.constant 96 : i32
      %add3A_407 = arith.addi %add3A_406, %scan3A_388 : i32
      %get3A_408 = arith.index_cast %add3A_407 : i32 to index
      %get3A_409 = arith.constant 0 : index
      %get3A_410 = tpu.vector_load %arg12[%get3A_408, %get3A_409] {strides = array<i32>} : memref<320x128xf32, #tpu.memory_space<vmem>>, vector<1x16xf32>,
      %get3A_411 = vector.shape_cast %get3A_410 : vector<1x16xf32> to vector<16xf32>
      %add3A_412 = arith.constant 128 : i32
      %add3A_413 = arith.addi %add3A_412, %scan3A_388 : i32
      %get3A_414 = arith.index_cast %add3A_413 : i32 to index
      %get3A_415 = arith.constant 0 : index
      %get3A_416 = tpu.vector_load %arg12[%get3A_414, %get3A_415] {strides = array<i32>} : memref<320x128xf32, #tpu.memory_space<vmem>>, vector<1x16xf32>,
      %get3A_417 = vector.shape_cast %get3A_416 : vector<1x16xf32> to vector<16xf32>
      %add3A_418 = arith.constant 160 : i32
      %add3A_419 = arith.addi %add3A_418, %scan3A_388 : i32
      %get3A_420 = arith.index_cast %add3A_419 : i32 to index
      %get3A_421 = arith.constant 0 : index
      %get3A_422 = tpu.vector_load %arg12[%get3A_420, %get3A_421] {strides = array<i32>} : memref<320x128xf32, #tpu.memory_space<vmem>>, vector<1x16xf32>,
      %get3A_423 = vector.shape_cast %get3A_422 : vector<1x16xf32> to vector<16xf32>
      %add3A_424 = arith.constant 192 : i32
      %add3A_425 = arith.addi %add3A_424, %scan3A_388 : i32
      %get3A_426 = arith.index_cast %add3A_425 : i32 to index
      %get3A_427 = arith.constant 0 : index
      %get3A_428 = tpu.vector_load %arg12[%get3A_426, %get3A_427] {strides = array<i32>} : memref<320x128xf32, #tpu.memory_space<vmem>>, vector<1x16xf32>,
      %get3A_429 = vector.shape_cast %get3A_428 : vector<1x16xf32> to vector<16xf32>
      %add3A_430 = arith.constant 224 : i32
      %add3A_431 = arith.addi %add3A_430, %scan3A_388 : i32
      %get3A_432 = arith.index_cast %add3A_431 : i32 to index
      %get3A_433 = arith.constant 0 : index
      %get3A_434 = tpu.vector_load %arg12[%get3A_432, %get3A_433] {strides = array<i32>} : memref<320x128xf32, #tpu.memory_space<vmem>>, vector<1x16xf32>,
      %get3A_435 = vector.shape_cast %get3A_434 : vector<1x16xf32> to vector<16xf32>
      %add3A_436 = arith.constant 256 : i32
      %add3A_437 = arith.addi %add3A_436, %scan3A_388 : i32
      %get3A_438 = arith.index_cast %add3A_437 : i32 to index
      %get3A_439 = arith.constant 0 : index
      %get3A_440 = tpu.vector_load %arg12[%get3A_438, %get3A_439] {strides = array<i32>} : memref<320x128xf32, #tpu.memory_space<vmem>>, vector<1x16xf32>,
      %get3A_441 = vector.shape_cast %get3A_440 : vector<1x16xf32> to vector<16xf32>
      %add3A_442 = arith.constant 288 : i32
      %add3A_443 = arith.addi %add3A_442, %scan3A_388 : i32
      %get3A_444 = arith.index_cast %add3A_443 : i32 to index
      %get3A_445 = arith.constant 0 : index
      %get3A_446 = tpu.vector_load %arg12[%get3A_444, %get3A_445] {strides = array<i32>} : memref<320x128xf32, #tpu.memory_space<vmem>>, vector<1x16xf32>,
      %get3A_447 = vector.shape_cast %get3A_446 : vector<1x16xf32> to vector<16xf32>
      %add3A_448 = arith.addf %get3A_393, %get3A_399 : vector<16xf32>
      %add3A_449 = arith.addf %get3A_405, %get3A_411 : vector<16xf32>
      %add3A_450 = arith.addf %get3A_417, %get3A_423 : vector<16xf32>
      %add3A_451 = arith.addf %get3A_429, %get3A_435 : vector<16xf32>
      %add3A_452 = arith.addf %get3A_441, %get3A_447 : vector<16xf32>
      %add3A_453 = arith.addf %add3A_448, %add3A_449 : vector<16xf32>
      %add3A_454 = arith.addf %add3A_450, %add3A_451 : vector<16xf32>
      %add3A_455 = arith.addf %add3A_453, %add3A_454 : vector<16xf32>
      %add3A_456 = arith.addf %add3A_455, %add3A_452 : vector<16xf32>
      %swap3A = arith.index_cast %scan3A_388 : i32 to index
      %swap3A_457 = arith.constant 0 : index
      %swap3A_458 = tpu.vector_load %arg16[%swap3A, %swap3A_457] {strides = array<i32>} : memref<32x128xf32, #tpu.memory_space<vmem>>, vector<1x16xf32>,
      %swap3A_459 = vector.shape_cast %swap3A_458 : vector<1x16xf32> to vector<16xf32>
      %swap3A_460 = vector.shape_cast %add3A_456 : vector<16xf32> to vector<1x16xf32>
      tpu.vector_store %arg16[%swap3A, %swap3A_457], %swap3A_460 {strides = array<i32>} : memref<32x128xf32, #tpu.memory_space<vmem>>, vector<1x16xf32>,
      %add3A_461 = arith.constant 0 : i32
      %add3A_462 = arith.addi %add3A_461, %scan3A_388 : i32
      %get3A_463 = arith.index_cast %add3A_462 : i32 to index
      %get3A_464 = arith.constant 16 : index
      %get3A_465 = tpu.vector_load %arg12[%get3A_463, %get3A_464] {strides = array<i32>} : memref<320x128xf32, #tpu.memory_space<vmem>>, vector<1x16xf32>,
      %get3A_466 = vector.shape_cast %get3A_465 : vector<1x16xf32> to vector<16xf32>
      %add3A_467 = arith.constant 32 : i32
      %add3A_468 = arith.addi %add3A_467, %scan3A_388 : i32
      %get3A_469 = arith.index_cast %add3A_468 : i32 to index
      %get3A_470 = arith.constant 16 : index
      %get3A_471 = tpu.vector_load %arg12[%get3A_469, %get3A_470] {strides = array<i32>} : memref<320x128xf32, #tpu.memory_space<vmem>>, vector<1x16xf32>,
      %get3A_472 = vector.shape_cast %get3A_471 : vector<1x16xf32> to vector<16xf32>
      %add3A_473 = arith.constant 64 : i32
      %add3A_474 = arith.addi %add3A_473, %scan3A_388 : i32
      %get3A_475 = arith.index_cast %add3A_474 : i32 to index
      %get3A_476 = arith.constant 16 : index
      %get3A_477 = tpu.vector_load %arg12[%get3A_475, %get3A_476] {strides = array<i32>} : memref<320x128xf32, #tpu.memory_space<vmem>>, vector<1x16xf32>,
      %get3A_478 = vector.shape_cast %get3A_477 : vector<1x16xf32> to vector<16xf32>
      %add3A_479 = arith.constant 96 : i32
      %add3A_480 = arith.addi %add3A_479, %scan3A_388 : i32
      %get3A_481 = arith.index_cast %add3A_480 : i32 to index
      %get3A_482 = arith.constant 16 : index
      %get3A_483 = tpu.vector_load %arg12[%get3A_481, %get3A_482] {strides = array<i32>} : memref<320x128xf32, #tpu.memory_space<vmem>>, vector<1x16xf32>,
      %get3A_484 = vector.shape_cast %get3A_483 : vector<1x16xf32> to vector<16xf32>
      %add3A_485 = arith.constant 128 : i32
      %add3A_486 = arith.addi %add3A_485, %scan3A_388 : i32
      %get3A_487 = arith.index_cast %add3A_486 : i32 to index
      %get3A_488 = arith.constant 16 : index
      %get3A_489 = tpu.vector_load %arg12[%get3A_487, %get3A_488] {strides = array<i32>} : memref<320x128xf32, #tpu.memory_space<vmem>>, vector<1x16xf32>,
      %get3A_490 = vector.shape_cast %get3A_489 : vector<1x16xf32> to vector<16xf32>
      %add3A_491 = arith.constant 160 : i32
      %add3A_492 = arith.addi %add3A_491, %scan3A_388 : i32
      %get3A_493 = arith.index_cast %add3A_492 : i32 to index
      %get3A_494 = arith.constant 16 : index
      %get3A_495 = tpu.vector_load %arg12[%get3A_493, %get3A_494] {strides = array<i32>} : memref<320x128xf32, #tpu.memory_space<vmem>>, vector<1x16xf32>,
      %get3A_496 = vector.shape_cast %get3A_495 : vector<1x16xf32> to vector<16xf32>
      %add3A_497 = arith.constant 192 : i32
      %add3A_498 = arith.addi %add3A_497, %scan3A_388 : i32
      %get3A_499 = arith.index_cast %add3A_498 : i32 to index
      %get3A_500 = arith.constant 16 : index
      %get3A_501 = tpu.vector_load %arg12[%get3A_499, %get3A_500] {strides = array<i32>} : memref<320x128xf32, #tpu.memory_space<vmem>>, vector<1x16xf32>,
      %get3A_502 = vector.shape_cast %get3A_501 : vector<1x16xf32> to vector<16xf32>
      %add3A_503 = arith.constant 224 : i32
      %add3A_504 = arith.addi %add3A_503, %scan3A_388 : i32
      %get3A_505 = arith.index_cast %add3A_504 : i32 to index
      %get3A_506 = arith.constant 16 : index
      %get3A_507 = tpu.vector_load %arg12[%get3A_505, %get3A_506] {strides = array<i32>} : memref<320x128xf32, #tpu.memory_space<vmem>>, vector<1x16xf32>,
      %get3A_508 = vector.shape_cast %get3A_507 : vector<1x16xf32> to vector<16xf32>
      %add3A_509 = arith.constant 256 : i32
      %add3A_510 = arith.addi %add3A_509, %scan3A_388 : i32
      %get3A_511 = arith.index_cast %add3A_510 : i32 to index
      %get3A_512 = arith.constant 16 : index
      %get3A_513 = tpu.vector_load %arg12[%get3A_511, %get3A_512] {strides = array<i32>} : memref<320x128xf32, #tpu.memory_space<vmem>>, vector<1x16xf32>,
      %get3A_514 = vector.shape_cast %get3A_513 : vector<1x16xf32> to vector<16xf32>
      %add3A_515 = arith.constant 288 : i32
      %add3A_516 = arith.addi %add3A_515, %scan3A_388 : i32
      %get3A_517 = arith.index_cast %add3A_516 : i32 to index
      %get3A_518 = arith.constant 16 : index
      %get3A_519 = tpu.vector_load %arg12[%get3A_517, %get3A_518] {strides = array<i32>} : memref<320x128xf32, #tpu.memory_space<vmem>>, vector<1x16xf32>,
      %get3A_520 = vector.shape_cast %get3A_519 : vector<1x16xf32> to vector<16xf32>
      %add3A_521 = arith.addf %get3A_466, %get3A_472 : vector<16xf32>
      %add3A_522 = arith.addf %get3A_478, %get3A_484 : vector<16xf32>
      %add3A_523 = arith.addf %get3A_490, %get3A_496 : vector<16xf32>
      %add3A_524 = arith.addf %get3A_502, %get3A_508 : vector<16xf32>
      %add3A_525 = arith.addf %get3A_514, %get3A_520 : vector<16xf32>
      %add3A_526 = arith.addf %add3A_521, %add3A_522 : vector<16xf32>
      %add3A_527 = arith.addf %add3A_523, %add3A_524 : vector<16xf32>
      %add3A_528 = arith.addf %add3A_526, %add3A_527 : vector<16xf32>
      %add3A_529 = arith.addf %add3A_528, %add3A_525 : vector<16xf32>
      %swap3A_530 = arith.index_cast %scan3A_388 : i32 to index
      %swap3A_531 = arith.constant 16 : index
      %swap3A_532 = tpu.vector_load %arg16[%swap3A_530, %swap3A_531] {strides = array<i32>} : memref<32x128xf32, #tpu.memory_space<vmem>>, vector<1x16xf32>,
      %swap3A_533 = vector.shape_cast %swap3A_532 : vector<1x16xf32> to vector<16xf32>
      %swap3A_534 = vector.shape_cast %add3A_529 : vector<16xf32> to vector<1x16xf32>
      tpu.vector_store %arg16[%swap3A_530, %swap3A_531], %swap3A_534 {strides = array<i32>} : memref<32x128xf32, #tpu.memory_space<vmem>>, vector<1x16xf32>,
      %add3A_535 = arith.constant 0 : i32
      %add3A_536 = arith.addi %add3A_535, %scan3A_388 : i32
      %get3A_537 = arith.index_cast %add3A_536 : i32 to index
      %get3A_538 = arith.constant 32 : index
      %get3A_539 = tpu.vector_load %arg12[%get3A_537, %get3A_538] {strides = array<i32>} : memref<320x128xf32, #tpu.memory_space<vmem>>, vector<1x16xf32>,
      %get3A_540 = vector.shape_cast %get3A_539 : vector<1x16xf32> to vector<16xf32>
      %add3A_541 = arith.constant 32 : i32
      %add3A_542 = arith.addi %add3A_541, %scan3A_388 : i32
      %get3A_543 = arith.index_cast %add3A_542 : i32 to index
      %get3A_544 = arith.constant 32 : index
      %get3A_545 = tpu.vector_load %arg12[%get3A_543, %get3A_544] {strides = array<i32>} : memref<320x128xf32, #tpu.memory_space<vmem>>, vector<1x16xf32>,
      %get3A_546 = vector.shape_cast %get3A_545 : vector<1x16xf32> to vector<16xf32>
      %add3A_547 = arith.constant 64 : i32
      %add3A_548 = arith.addi %add3A_547, %scan3A_388 : i32
      %get3A_549 = arith.index_cast %add3A_548 : i32 to index
      %get3A_550 = arith.constant 32 : index
      %get3A_551 = tpu.vector_load %arg12[%get3A_549, %get3A_550] {strides = array<i32>} : memref<320x128xf32, #tpu.memory_space<vmem>>, vector<1x16xf32>,
      %get3A_552 = vector.shape_cast %get3A_551 : vector<1x16xf32> to vector<16xf32>
      %add3A_553 = arith.constant 96 : i32
      %add3A_554 = arith.addi %add3A_553, %scan3A_388 : i32
      %get3A_555 = arith.index_cast %add3A_554 : i32 to index
      %get3A_556 = arith.constant 32 : index
      %get3A_557 = tpu.vector_load %arg12[%get3A_555, %get3A_556] {strides = array<i32>} : memref<320x128xf32, #tpu.memory_space<vmem>>, vector<1x16xf32>,
      %get3A_558 = vector.shape_cast %get3A_557 : vector<1x16xf32> to vector<16xf32>
      %add3A_559 = arith.constant 128 : i32
      %add3A_560 = arith.addi %add3A_559, %scan3A_388 : i32
      %get3A_561 = arith.index_cast %add3A_560 : i32 to index
      %get3A_562 = arith.constant 32 : index
      %get3A_563 = tpu.vector_load %arg12[%get3A_561, %get3A_562] {strides = array<i32>} : memref<320x128xf32, #tpu.memory_space<vmem>>, vector<1x16xf32>,
      %get3A_564 = vector.shape_cast %get3A_563 : vector<1x16xf32> to vector<16xf32>
      %add3A_565 = arith.constant 160 : i32
      %add3A_566 = arith.addi %add3A_565, %scan3A_388 : i32
      %get3A_567 = arith.index_cast %add3A_566 : i32 to index
      %get3A_568 = arith.constant 32 : index
      %get3A_569 = tpu.vector_load %arg12[%get3A_567, %get3A_568] {strides = array<i32>} : memref<320x128xf32, #tpu.memory_space<vmem>>, vector<1x16xf32>,
      %get3A_570 = vector.shape_cast %get3A_569 : vector<1x16xf32> to vector<16xf32>
      %add3A_571 = arith.constant 192 : i32
      %add3A_572 = arith.addi %add3A_571, %scan3A_388 : i32
      %get3A_573 = arith.index_cast %add3A_572 : i32 to index
      %get3A_574 = arith.constant 32 : index
      %get3A_575 = tpu.vector_load %arg12[%get3A_573, %get3A_574] {strides = array<i32>} : memref<320x128xf32, #tpu.memory_space<vmem>>, vector<1x16xf32>,
      %get3A_576 = vector.shape_cast %get3A_575 : vector<1x16xf32> to vector<16xf32>
      %add3A_577 = arith.constant 224 : i32
      %add3A_578 = arith.addi %add3A_577, %scan3A_388 : i32
      %get3A_579 = arith.index_cast %add3A_578 : i32 to index
      %get3A_580 = arith.constant 32 : index
      %get3A_581 = tpu.vector_load %arg12[%get3A_579, %get3A_580] {strides = array<i32>} : memref<320x128xf32, #tpu.memory_space<vmem>>, vector<1x16xf32>,
      %get3A_582 = vector.shape_cast %get3A_581 : vector<1x16xf32> to vector<16xf32>
      %add3A_583 = arith.constant 256 : i32
      %add3A_584 = arith.addi %add3A_583, %scan3A_388 : i32
      %get3A_585 = arith.index_cast %add3A_584 : i32 to index
      %get3A_586 = arith.constant 32 : index
      %get3A_587 = tpu.vector_load %arg12[%get3A_585, %get3A_586] {strides = array<i32>} : memref<320x128xf32, #tpu.memory_space<vmem>>, vector<1x16xf32>,
      %get3A_588 = vector.shape_cast %get3A_587 : vector<1x16xf32> to vector<16xf32>
      %add3A_589 = arith.constant 288 : i32
      %add3A_590 = arith.addi %add3A_589, %scan3A_388 : i32
      %get3A_591 = arith.index_cast %add3A_590 : i32 to index
      %get3A_592 = arith.constant 32 : index
      %get3A_593 = tpu.vector_load %arg12[%get3A_591, %get3A_592] {strides = array<i32>} : memref<320x128xf32, #tpu.memory_space<vmem>>, vector<1x16xf32>,
      %get3A_594 = vector.shape_cast %get3A_593 : vector<1x16xf32> to vector<16xf32>
      %add3A_595 = arith.addf %get3A_540, %get3A_546 : vector<16xf32>
      %add3A_596 = arith.addf %get3A_552, %get3A_558 : vector<16xf32>
      %add3A_597 = arith.addf %get3A_564, %get3A_570 : vector<16xf32>
      %add3A_598 = arith.addf %get3A_576, %get3A_582 : vector<16xf32>
      %add3A_599 = arith.addf %get3A_588, %get3A_594 : vector<16xf32>
      %add3A_600 = arith.addf %add3A_595, %add3A_596 : vector<16xf32>
      %add3A_601 = arith.addf %add3A_597, %add3A_598 : vector<16xf32>
      %add3A_602 = arith.addf %add3A_600, %add3A_601 : vector<16xf32>
      %add3A_603 = arith.addf %add3A_602, %add3A_599 : vector<16xf32>
      %swap3A_604 = arith.index_cast %scan3A_388 : i32 to index
      %swap3A_605 = arith.constant 32 : index
      %swap3A_606 = tpu.vector_load %arg16[%swap3A_604, %swap3A_605] {strides = array<i32>} : memref<32x128xf32, #tpu.memory_space<vmem>>, vector<1x16xf32>,
      %swap3A_607 = vector.shape_cast %swap3A_606 : vector<1x16xf32> to vector<16xf32>
      %swap3A_608 = vector.shape_cast %add3A_603 : vector<16xf32> to vector<1x16xf32>
      tpu.vector_store %arg16[%swap3A_604, %swap3A_605], %swap3A_608 {strides = array<i32>} : memref<32x128xf32, #tpu.memory_space<vmem>>, vector<1x16xf32>,
      %add3A_609 = arith.constant 0 : i32
      %add3A_610 = arith.addi %add3A_609, %scan3A_388 : i32
      %get3A_611 = arith.index_cast %add3A_610 : i32 to index
      %get3A_612 = arith.constant 48 : index
      %get3A_613 = tpu.vector_load %arg12[%get3A_611, %get3A_612] {strides = array<i32>} : memref<320x128xf32, #tpu.memory_space<vmem>>, vector<1x16xf32>,
      %get3A_614 = vector.shape_cast %get3A_613 : vector<1x16xf32> to vector<16xf32>
      %add3A_615 = arith.constant 32 : i32
      %add3A_616 = arith.addi %add3A_615, %scan3A_388 : i32
      %get3A_617 = arith.index_cast %add3A_616 : i32 to index
      %get3A_618 = arith.constant 48 : index
      %get3A_619 = tpu.vector_load %arg12[%get3A_617, %get3A_618] {strides = array<i32>} : memref<320x128xf32, #tpu.memory_space<vmem>>, vector<1x16xf32>,
      %get3A_620 = vector.shape_cast %get3A_619 : vector<1x16xf32> to vector<16xf32>
      %add3A_621 = arith.constant 64 : i32
      %add3A_622 = arith.addi %add3A_621, %scan3A_388 : i32
      %get3A_623 = arith.index_cast %add3A_622 : i32 to index
      %get3A_624 = arith.constant 48 : index
      %get3A_625 = tpu.vector_load %arg12[%get3A_623, %get3A_624] {strides = array<i32>} : memref<320x128xf32, #tpu.memory_space<vmem>>, vector<1x16xf32>,
      %get3A_626 = vector.shape_cast %get3A_625 : vector<1x16xf32> to vector<16xf32>
      %add3A_627 = arith.constant 96 : i32
      %add3A_628 = arith.addi %add3A_627, %scan3A_388 : i32
      %get3A_629 = arith.index_cast %add3A_628 : i32 to index
      %get3A_630 = arith.constant 48 : index
      %get3A_631 = tpu.vector_load %arg12[%get3A_629, %get3A_630] {strides = array<i32>} : memref<320x128xf32, #tpu.memory_space<vmem>>, vector<1x16xf32>,
      %get3A_632 = vector.shape_cast %get3A_631 : vector<1x16xf32> to vector<16xf32>
      %add3A_633 = arith.constant 128 : i32
      %add3A_634 = arith.addi %add3A_633, %scan3A_388 : i32
      %get3A_635 = arith.index_cast %add3A_634 : i32 to index
      %get3A_636 = arith.constant 48 : index
      %get3A_637 = tpu.vector_load %arg12[%get3A_635, %get3A_636] {strides = array<i32>} : memref<320x128xf32, #tpu.memory_space<vmem>>, vector<1x16xf32>,
      %get3A_638 = vector.shape_cast %get3A_637 : vector<1x16xf32> to vector<16xf32>
      %add3A_639 = arith.constant 160 : i32
      %add3A_640 = arith.addi %add3A_639, %scan3A_388 : i32
      %get3A_641 = arith.index_cast %add3A_640 : i32 to index
      %get3A_642 = arith.constant 48 : index
      %get3A_643 = tpu.vector_load %arg12[%get3A_641, %get3A_642] {strides = array<i32>} : memref<320x128xf32, #tpu.memory_space<vmem>>, vector<1x16xf32>,
      %get3A_644 = vector.shape_cast %get3A_643 : vector<1x16xf32> to vector<16xf32>
      %add3A_645 = arith.constant 192 : i32
      %add3A_646 = arith.addi %add3A_645, %scan3A_388 : i32
      %get3A_647 = arith.index_cast %add3A_646 : i32 to index
      %get3A_648 = arith.constant 48 : index
      %get3A_649 = tpu.vector_load %arg12[%get3A_647, %get3A_648] {strides = array<i32>} : memref<320x128xf32, #tpu.memory_space<vmem>>, vector<1x16xf32>,
      %get3A_650 = vector.shape_cast %get3A_649 : vector<1x16xf32> to vector<16xf32>
      %add3A_651 = arith.constant 224 : i32
      %add3A_652 = arith.addi %add3A_651, %scan3A_388 : i32
      %get3A_653 = arith.index_cast %add3A_652 : i32 to index
      %get3A_654 = arith.constant 48 : index
      %get3A_655 = tpu.vector_load %arg12[%get3A_653, %get3A_654] {strides = array<i32>} : memref<320x128xf32, #tpu.memory_space<vmem>>, vector<1x16xf32>,
      %get3A_656 = vector.shape_cast %get3A_655 : vector<1x16xf32> to vector<16xf32>
      %add3A_657 = arith.constant 256 : i32
      %add3A_658 = arith.addi %add3A_657, %scan3A_388 : i32
      %get3A_659 = arith.index_cast %add3A_658 : i32 to index
      %get3A_660 = arith.constant 48 : index
      %get3A_661 = tpu.vector_load %arg12[%get3A_659, %get3A_660] {strides = array<i32>} : memref<320x128xf32, #tpu.memory_space<vmem>>, vector<1x16xf32>,
      %get3A_662 = vector.shape_cast %get3A_661 : vector<1x16xf32> to vector<16xf32>
      %add3A_663 = arith.constant 288 : i32
      %add3A_664 = arith.addi %add3A_663, %scan3A_388 : i32
      %get3A_665 = arith.index_cast %add3A_664 : i32 to index
      %get3A_666 = arith.constant 48 : index
      %get3A_667 = tpu.vector_load %arg12[%get3A_665, %get3A_666] {strides = array<i32>} : memref<320x128xf32, #tpu.memory_space<vmem>>, vector<1x16xf32>,
      %get3A_668 = vector.shape_cast %get3A_667 : vector<1x16xf32> to vector<16xf32>
      %add3A_669 = arith.addf %get3A_614, %get3A_620 : vector<16xf32>
      %add3A_670 = arith.addf %get3A_626, %get3A_632 : vector<16xf32>
      %add3A_671 = arith.addf %get3A_638, %get3A_644 : vector<16xf32>
      %add3A_672 = arith.addf %get3A_650, %get3A_656 : vector<16xf32>
      %add3A_673 = arith.addf %get3A_662, %get3A_668 : vector<16xf32>
      %add3A_674 = arith.addf %add3A_669, %add3A_670 : vector<16xf32>
      %add3A_675 = arith.addf %add3A_671, %add3A_672 : vector<16xf32>
      %add3A_676 = arith.addf %add3A_674, %add3A_675 : vector<16xf32>
      %add3A_677 = arith.addf %add3A_676, %add3A_673 : vector<16xf32>
      %swap3A_678 = arith.index_cast %scan3A_388 : i32 to index
      %swap3A_679 = arith.constant 48 : index
      %swap3A_680 = tpu.vector_load %arg16[%swap3A_678, %swap3A_679] {strides = array<i32>} : memref<32x128xf32, #tpu.memory_space<vmem>>, vector<1x16xf32>,
      %swap3A_681 = vector.shape_cast %swap3A_680 : vector<1x16xf32> to vector<16xf32>
      %swap3A_682 = vector.shape_cast %add3A_677 : vector<16xf32> to vector<1x16xf32>
      tpu.vector_store %arg16[%swap3A_678, %swap3A_679], %swap3A_682 {strides = array<i32>} : memref<32x128xf32, #tpu.memory_space<vmem>>, vector<1x16xf32>,
      %add3A_683 = arith.constant 0 : i32
      %add3A_684 = arith.addi %add3A_683, %scan3A_388 : i32
      %get3A_685 = arith.index_cast %add3A_684 : i32 to index
      %get3A_686 = arith.constant 64 : index
      %get3A_687 = tpu.vector_load %arg12[%get3A_685, %get3A_686] {strides = array<i32>} : memref<320x128xf32, #tpu.memory_space<vmem>>, vector<1x16xf32>,
      %get3A_688 = vector.shape_cast %get3A_687 : vector<1x16xf32> to vector<16xf32>
      %add3A_689 = arith.constant 32 : i32
      %add3A_690 = arith.addi %add3A_689, %scan3A_388 : i32
      %get3A_691 = arith.index_cast %add3A_690 : i32 to index
      %get3A_692 = arith.constant 64 : index
      %get3A_693 = tpu.vector_load %arg12[%get3A_691, %get3A_692] {strides = array<i32>} : memref<320x128xf32, #tpu.memory_space<vmem>>, vector<1x16xf32>,
      %get3A_694 = vector.shape_cast %get3A_693 : vector<1x16xf32> to vector<16xf32>
      %add3A_695 = arith.constant 64 : i32
      %add3A_696 = arith.addi %add3A_695, %scan3A_388 : i32
      %get3A_697 = arith.index_cast %add3A_696 : i32 to index
      %get3A_698 = arith.constant 64 : index
      %get3A_699 = tpu.vector_load %arg12[%get3A_697, %get3A_698] {strides = array<i32>} : memref<320x128xf32, #tpu.memory_space<vmem>>, vector<1x16xf32>,
      %get3A_700 = vector.shape_cast %get3A_699 : vector<1x16xf32> to vector<16xf32>
      %add3A_701 = arith.constant 96 : i32
      %add3A_702 = arith.addi %add3A_701, %scan3A_388 : i32
      %get3A_703 = arith.index_cast %add3A_702 : i32 to index
      %get3A_704 = arith.constant 64 : index
      %get3A_705 = tpu.vector_load %arg12[%get3A_703, %get3A_704] {strides = array<i32>} : memref<320x128xf32, #tpu.memory_space<vmem>>, vector<1x16xf32>,
      %get3A_706 = vector.shape_cast %get3A_705 : vector<1x16xf32> to vector<16xf32>
      %add3A_707 = arith.constant 128 : i32
      %add3A_708 = arith.addi %add3A_707, %scan3A_388 : i32
      %get3A_709 = arith.index_cast %add3A_708 : i32 to index
      %get3A_710 = arith.constant 64 : index
      %get3A_711 = tpu.vector_load %arg12[%get3A_709, %get3A_710] {strides = array<i32>} : memref<320x128xf32, #tpu.memory_space<vmem>>, vector<1x16xf32>,
      %get3A_712 = vector.shape_cast %get3A_711 : vector<1x16xf32> to vector<16xf32>
      %add3A_713 = arith.constant 160 : i32
      %add3A_714 = arith.addi %add3A_713, %scan3A_388 : i32
      %get3A_715 = arith.index_cast %add3A_714 : i32 to index
      %get3A_716 = arith.constant 64 : index
      %get3A_717 = tpu.vector_load %arg12[%get3A_715, %get3A_716] {strides = array<i32>} : memref<320x128xf32, #tpu.memory_space<vmem>>, vector<1x16xf32>,
      %get3A_718 = vector.shape_cast %get3A_717 : vector<1x16xf32> to vector<16xf32>
      %add3A_719 = arith.constant 192 : i32
      %add3A_720 = arith.addi %add3A_719, %scan3A_388 : i32
      %get3A_721 = arith.index_cast %add3A_720 : i32 to index
      %get3A_722 = arith.constant 64 : index
      %get3A_723 = tpu.vector_load %arg12[%get3A_721, %get3A_722] {strides = array<i32>} : memref<320x128xf32, #tpu.memory_space<vmem>>, vector<1x16xf32>,
      %get3A_724 = vector.shape_cast %get3A_723 : vector<1x16xf32> to vector<16xf32>
      %add3A_725 = arith.constant 224 : i32
      %add3A_726 = arith.addi %add3A_725, %scan3A_388 : i32
      %get3A_727 = arith.index_cast %add3A_726 : i32 to index
      %get3A_728 = arith.constant 64 : index
      %get3A_729 = tpu.vector_load %arg12[%get3A_727, %get3A_728] {strides = array<i32>} : memref<320x128xf32, #tpu.memory_space<vmem>>, vector<1x16xf32>,
      %get3A_730 = vector.shape_cast %get3A_729 : vector<1x16xf32> to vector<16xf32>
      %add3A_731 = arith.constant 256 : i32
      %add3A_732 = arith.addi %add3A_731, %scan3A_388 : i32
      %get3A_733 = arith.index_cast %add3A_732 : i32 to index
      %get3A_734 = arith.constant 64 : index
      %get3A_735 = tpu.vector_load %arg12[%get3A_733, %get3A_734] {strides = array<i32>} : memref<320x128xf32, #tpu.memory_space<vmem>>, vector<1x16xf32>,
      %get3A_736 = vector.shape_cast %get3A_735 : vector<1x16xf32> to vector<16xf32>
      %add3A_737 = arith.constant 288 : i32
      %add3A_738 = arith.addi %add3A_737, %scan3A_388 : i32
      %get3A_739 = arith.index_cast %add3A_738 : i32 to index
      %get3A_740 = arith.constant 64 : index
      %get3A_741 = tpu.vector_load %arg12[%get3A_739, %get3A_740] {strides = array<i32>} : memref<320x128xf32, #tpu.memory_space<vmem>>, vector<1x16xf32>,
      %get3A_742 = vector.shape_cast %get3A_741 : vector<1x16xf32> to vector<16xf32>
      %add3A_743 = arith.addf %get3A_688, %get3A_694 : vector<16xf32>
      %add3A_744 = arith.addf %get3A_700, %get3A_706 : vector<16xf32>
      %add3A_745 = arith.addf %get3A_712, %get3A_718 : vector<16xf32>
      %add3A_746 = arith.addf %get3A_724, %get3A_730 : vector<16xf32>
      %add3A_747 = arith.addf %get3A_736, %get3A_742 : vector<16xf32>
      %add3A_748 = arith.addf %add3A_743, %add3A_744 : vector<16xf32>
      %add3A_749 = arith.addf %add3A_745, %add3A_746 : vector<16xf32>
      %add3A_750 = arith.addf %add3A_748, %add3A_749 : vector<16xf32>
      %add3A_751 = arith.addf %add3A_750, %add3A_747 : vector<16xf32>
      %swap3A_752 = arith.index_cast %scan3A_388 : i32 to index
      %swap3A_753 = arith.constant 64 : index
      %swap3A_754 = tpu.vector_load %arg16[%swap3A_752, %swap3A_753] {strides = array<i32>} : memref<32x128xf32, #tpu.memory_space<vmem>>, vector<1x16xf32>,
      %swap3A_755 = vector.shape_cast %swap3A_754 : vector<1x16xf32> to vector<16xf32>
      %swap3A_756 = vector.shape_cast %add3A_751 : vector<16xf32> to vector<1x16xf32>
      tpu.vector_store %arg16[%swap3A_752, %swap3A_753], %swap3A_756 {strides = array<i32>} : memref<32x128xf32, #tpu.memory_space<vmem>>, vector<1x16xf32>,
      %add3A_757 = arith.constant 0 : i32
      %add3A_758 = arith.addi %add3A_757, %scan3A_388 : i32
      %get3A_759 = arith.index_cast %add3A_758 : i32 to index
      %get3A_760 = arith.constant 80 : index
      %get3A_761 = tpu.vector_load %arg12[%get3A_759, %get3A_760] {strides = array<i32>} : memref<320x128xf32, #tpu.memory_space<vmem>>, vector<1x16xf32>,
      %get3A_762 = vector.shape_cast %get3A_761 : vector<1x16xf32> to vector<16xf32>
      %add3A_763 = arith.constant 32 : i32
      %add3A_764 = arith.addi %add3A_763, %scan3A_388 : i32
      %get3A_765 = arith.index_cast %add3A_764 : i32 to index
      %get3A_766 = arith.constant 80 : index
      %get3A_767 = tpu.vector_load %arg12[%get3A_765, %get3A_766] {strides = array<i32>} : memref<320x128xf32, #tpu.memory_space<vmem>>, vector<1x16xf32>,
      %get3A_768 = vector.shape_cast %get3A_767 : vector<1x16xf32> to vector<16xf32>
      %add3A_769 = arith.constant 64 : i32
      %add3A_770 = arith.addi %add3A_769, %scan3A_388 : i32
      %get3A_771 = arith.index_cast %add3A_770 : i32 to index
      %get3A_772 = arith.constant 80 : index
      %get3A_773 = tpu.vector_load %arg12[%get3A_771, %get3A_772] {strides = array<i32>} : memref<320x128xf32, #tpu.memory_space<vmem>>, vector<1x16xf32>,
      %get3A_774 = vector.shape_cast %get3A_773 : vector<1x16xf32> to vector<16xf32>
      %add3A_775 = arith.constant 96 : i32
      %add3A_776 = arith.addi %add3A_775, %scan3A_388 : i32
      %get3A_777 = arith.index_cast %add3A_776 : i32 to index
      %get3A_778 = arith.constant 80 : index
      %get3A_779 = tpu.vector_load %arg12[%get3A_777, %get3A_778] {strides = array<i32>} : memref<320x128xf32, #tpu.memory_space<vmem>>, vector<1x16xf32>,
      %get3A_780 = vector.shape_cast %get3A_779 : vector<1x16xf32> to vector<16xf32>
      %add3A_781 = arith.constant 128 : i32
      %add3A_782 = arith.addi %add3A_781, %scan3A_388 : i32
      %get3A_783 = arith.index_cast %add3A_782 : i32 to index
      %get3A_784 = arith.constant 80 : index
      %get3A_785 = tpu.vector_load %arg12[%get3A_783, %get3A_784] {strides = array<i32>} : memref<320x128xf32, #tpu.memory_space<vmem>>, vector<1x16xf32>,
      %get3A_786 = vector.shape_cast %get3A_785 : vector<1x16xf32> to vector<16xf32>
      %add3A_787 = arith.constant 160 : i32
      %add3A_788 = arith.addi %add3A_787, %scan3A_388 : i32
      %get3A_789 = arith.index_cast %add3A_788 : i32 to index
      %get3A_790 = arith.constant 80 : index
      %get3A_791 = tpu.vector_load %arg12[%get3A_789, %get3A_790] {strides = array<i32>} : memref<320x128xf32, #tpu.memory_space<vmem>>, vector<1x16xf32>,
      %get3A_792 = vector.shape_cast %get3A_791 : vector<1x16xf32> to vector<16xf32>
      %add3A_793 = arith.constant 192 : i32
      %add3A_794 = arith.addi %add3A_793, %scan3A_388 : i32
      %get3A_795 = arith.index_cast %add3A_794 : i32 to index
      %get3A_796 = arith.constant 80 : index
      %get3A_797 = tpu.vector_load %arg12[%get3A_795, %get3A_796] {strides = array<i32>} : memref<320x128xf32, #tpu.memory_space<vmem>>, vector<1x16xf32>,
      %get3A_798 = vector.shape_cast %get3A_797 : vector<1x16xf32> to vector<16xf32>
      %add3A_799 = arith.constant 224 : i32
      %add3A_800 = arith.addi %add3A_799, %scan3A_388 : i32
      %get3A_801 = arith.index_cast %add3A_800 : i32 to index
      %get3A_802 = arith.constant 80 : index
      %get3A_803 = tpu.vector_load %arg12[%get3A_801, %get3A_802] {strides = array<i32>} : memref<320x128xf32, #tpu.memory_space<vmem>>, vector<1x16xf32>,
      %get3A_804 = vector.shape_cast %get3A_803 : vector<1x16xf32> to vector<16xf32>
      %add3A_805 = arith.constant 256 : i32
      %add3A_806 = arith.addi %add3A_805, %scan3A_388 : i32
      %get3A_807 = arith.index_cast %add3A_806 : i32 to index
      %get3A_808 = arith.constant 80 : index
      %get3A_809 = tpu.vector_load %arg12[%get3A_807, %get3A_808] {strides = array<i32>} : memref<320x128xf32, #tpu.memory_space<vmem>>, vector<1x16xf32>,
      %get3A_810 = vector.shape_cast %get3A_809 : vector<1x16xf32> to vector<16xf32>
      %add3A_811 = arith.constant 288 : i32
      %add3A_812 = arith.addi %add3A_811, %scan3A_388 : i32
      %get3A_813 = arith.index_cast %add3A_812 : i32 to index
      %get3A_814 = arith.constant 80 : index
      %get3A_815 = tpu.vector_load %arg12[%get3A_813, %get3A_814] {strides = array<i32>} : memref<320x128xf32, #tpu.memory_space<vmem>>, vector<1x16xf32>,
      %get3A_816 = vector.shape_cast %get3A_815 : vector<1x16xf32> to vector<16xf32>
      %add3A_817 = arith.addf %get3A_762, %get3A_768 : vector<16xf32>
      %add3A_818 = arith.addf %get3A_774, %get3A_780 : vector<16xf32>
      %add3A_819 = arith.addf %get3A_786, %get3A_792 : vector<16xf32>
      %add3A_820 = arith.addf %get3A_798, %get3A_804 : vector<16xf32>
      %add3A_821 = arith.addf %get3A_810, %get3A_816 : vector<16xf32>
      %add3A_822 = arith.addf %add3A_817, %add3A_818 : vector<16xf32>
      %add3A_823 = arith.addf %add3A_819, %add3A_820 : vector<16xf32>
      %add3A_824 = arith.addf %add3A_822, %add3A_823 : vector<16xf32>
      %add3A_825 = arith.addf %add3A_824, %add3A_821 : vector<16xf32>
      %swap3A_826 = arith.index_cast %scan3A_388 : i32 to index
      %swap3A_827 = arith.constant 80 : index
      %swap3A_828 = tpu.vector_load %arg16[%swap3A_826, %swap3A_827] {strides = array<i32>} : memref<32x128xf32, #tpu.memory_space<vmem>>, vector<1x16xf32>,
      %swap3A_829 = vector.shape_cast %swap3A_828 : vector<1x16xf32> to vector<16xf32>
      %swap3A_830 = vector.shape_cast %add3A_825 : vector<16xf32> to vector<1x16xf32>
      tpu.vector_store %arg16[%swap3A_826, %swap3A_827], %swap3A_830 {strides = array<i32>} : memref<32x128xf32, #tpu.memory_space<vmem>>, vector<1x16xf32>,
      %add3A_831 = arith.constant 0 : i32
      %add3A_832 = arith.addi %add3A_831, %scan3A_388 : i32
      %get3A_833 = arith.index_cast %add3A_832 : i32 to index
      %get3A_834 = arith.constant 96 : index
      %get3A_835 = tpu.vector_load %arg12[%get3A_833, %get3A_834] {strides = array<i32>} : memref<320x128xf32, #tpu.memory_space<vmem>>, vector<1x16xf32>,
      %get3A_836 = vector.shape_cast %get3A_835 : vector<1x16xf32> to vector<16xf32>
      %add3A_837 = arith.constant 32 : i32
      %add3A_838 = arith.addi %add3A_837, %scan3A_388 : i32
      %get3A_839 = arith.index_cast %add3A_838 : i32 to index
      %get3A_840 = arith.constant 96 : index
      %get3A_841 = tpu.vector_load %arg12[%get3A_839, %get3A_840] {strides = array<i32>} : memref<320x128xf32, #tpu.memory_space<vmem>>, vector<1x16xf32>,
      %get3A_842 = vector.shape_cast %get3A_841 : vector<1x16xf32> to vector<16xf32>
      %add3A_843 = arith.constant 64 : i32
      %add3A_844 = arith.addi %add3A_843, %scan3A_388 : i32
      %get3A_845 = arith.index_cast %add3A_844 : i32 to index
      %get3A_846 = arith.constant 96 : index
      %get3A_847 = tpu.vector_load %arg12[%get3A_845, %get3A_846] {strides = array<i32>} : memref<320x128xf32, #tpu.memory_space<vmem>>, vector<1x16xf32>,
      %get3A_848 = vector.shape_cast %get3A_847 : vector<1x16xf32> to vector<16xf32>
      %add3A_849 = arith.constant 96 : i32
      %add3A_850 = arith.addi %add3A_849, %scan3A_388 : i32
      %get3A_851 = arith.index_cast %add3A_850 : i32 to index
      %get3A_852 = arith.constant 96 : index
      %get3A_853 = tpu.vector_load %arg12[%get3A_851, %get3A_852] {strides = array<i32>} : memref<320x128xf32, #tpu.memory_space<vmem>>, vector<1x16xf32>,
      %get3A_854 = vector.shape_cast %get3A_853 : vector<1x16xf32> to vector<16xf32>
      %add3A_855 = arith.constant 128 : i32
      %add3A_856 = arith.addi %add3A_855, %scan3A_388 : i32
      %get3A_857 = arith.index_cast %add3A_856 : i32 to index
      %get3A_858 = arith.constant 96 : index
      %get3A_859 = tpu.vector_load %arg12[%get3A_857, %get3A_858] {strides = array<i32>} : memref<320x128xf32, #tpu.memory_space<vmem>>, vector<1x16xf32>,
      %get3A_860 = vector.shape_cast %get3A_859 : vector<1x16xf32> to vector<16xf32>
      %add3A_861 = arith.constant 160 : i32
      %add3A_862 = arith.addi %add3A_861, %scan3A_388 : i32
      %get3A_863 = arith.index_cast %add3A_862 : i32 to index
      %get3A_864 = arith.constant 96 : index
      %get3A_865 = tpu.vector_load %arg12[%get3A_863, %get3A_864] {strides = array<i32>} : memref<320x128xf32, #tpu.memory_space<vmem>>, vector<1x16xf32>,
      %get3A_866 = vector.shape_cast %get3A_865 : vector<1x16xf32> to vector<16xf32>
      %add3A_867 = arith.constant 192 : i32
      %add3A_868 = arith.addi %add3A_867, %scan3A_388 : i32
      %get3A_869 = arith.index_cast %add3A_868 : i32 to index
      %get3A_870 = arith.constant 96 : index
      %get3A_871 = tpu.vector_load %arg12[%get3A_869, %get3A_870] {strides = array<i32>} : memref<320x128xf32, #tpu.memory_space<vmem>>, vector<1x16xf32>,
      %get3A_872 = vector.shape_cast %get3A_871 : vector<1x16xf32> to vector<16xf32>
      %add3A_873 = arith.constant 224 : i32
      %add3A_874 = arith.addi %add3A_873, %scan3A_388 : i32
      %get3A_875 = arith.index_cast %add3A_874 : i32 to index
      %get3A_876 = arith.constant 96 : index
      %get3A_877 = tpu.vector_load %arg12[%get3A_875, %get3A_876] {strides = array<i32>} : memref<320x128xf32, #tpu.memory_space<vmem>>, vector<1x16xf32>,
      %get3A_878 = vector.shape_cast %get3A_877 : vector<1x16xf32> to vector<16xf32>
      %add3A_879 = arith.constant 256 : i32
      %add3A_880 = arith.addi %add3A_879, %scan3A_388 : i32
      %get3A_881 = arith.index_cast %add3A_880 : i32 to index
      %get3A_882 = arith.constant 96 : index
      %get3A_883 = tpu.vector_load %arg12[%get3A_881, %get3A_882] {strides = array<i32>} : memref<320x128xf32, #tpu.memory_space<vmem>>, vector<1x16xf32>,
      %get3A_884 = vector.shape_cast %get3A_883 : vector<1x16xf32> to vector<16xf32>
      %add3A_885 = arith.constant 288 : i32
      %add3A_886 = arith.addi %add3A_885, %scan3A_388 : i32
      %get3A_887 = arith.index_cast %add3A_886 : i32 to index
      %get3A_888 = arith.constant 96 : index
      %get3A_889 = tpu.vector_load %arg12[%get3A_887, %get3A_888] {strides = array<i32>} : memref<320x128xf32, #tpu.memory_space<vmem>>, vector<1x16xf32>,
      %get3A_890 = vector.shape_cast %get3A_889 : vector<1x16xf32> to vector<16xf32>
      %add3A_891 = arith.addf %get3A_836, %get3A_842 : vector<16xf32>
      %add3A_892 = arith.addf %get3A_848, %get3A_854 : vector<16xf32>
      %add3A_893 = arith.addf %get3A_860, %get3A_866 : vector<16xf32>
      %add3A_894 = arith.addf %get3A_872, %get3A_878 : vector<16xf32>
      %add3A_895 = arith.addf %get3A_884, %get3A_890 : vector<16xf32>
      %add3A_896 = arith.addf %add3A_891, %add3A_892 : vector<16xf32>
      %add3A_897 = arith.addf %add3A_893, %add3A_894 : vector<16xf32>
      %add3A_898 = arith.addf %add3A_896, %add3A_897 : vector<16xf32>
      %add3A_899 = arith.addf %add3A_898, %add3A_895 : vector<16xf32>
      %swap3A_900 = arith.index_cast %scan3A_388 : i32 to index
      %swap3A_901 = arith.constant 96 : index
      %swap3A_902 = tpu.vector_load %arg16[%swap3A_900, %swap3A_901] {strides = array<i32>} : memref<32x128xf32, #tpu.memory_space<vmem>>, vector<1x16xf32>,
      %swap3A_903 = vector.shape_cast %swap3A_902 : vector<1x16xf32> to vector<16xf32>
      %swap3A_904 = vector.shape_cast %add3A_899 : vector<16xf32> to vector<1x16xf32>
      tpu.vector_store %arg16[%swap3A_900, %swap3A_901], %swap3A_904 {strides = array<i32>} : memref<32x128xf32, #tpu.memory_space<vmem>>, vector<1x16xf32>,
      %add3A_905 = arith.constant 0 : i32
      %add3A_906 = arith.addi %add3A_905, %scan3A_388 : i32
      %get3A_907 = arith.index_cast %add3A_906 : i32 to index
      %get3A_908 = arith.constant 112 : index
      %get3A_909 = tpu.vector_load %arg12[%get3A_907, %get3A_908] {strides = array<i32>} : memref<320x128xf32, #tpu.memory_space<vmem>>, vector<1x16xf32>,
      %get3A_910 = vector.shape_cast %get3A_909 : vector<1x16xf32> to vector<16xf32>
      %add3A_911 = arith.constant 32 : i32
      %add3A_912 = arith.addi %add3A_911, %scan3A_388 : i32
      %get3A_913 = arith.index_cast %add3A_912 : i32 to index
      %get3A_914 = arith.constant 112 : index
      %get3A_915 = tpu.vector_load %arg12[%get3A_913, %get3A_914] {strides = array<i32>} : memref<320x128xf32, #tpu.memory_space<vmem>>, vector<1x16xf32>,
      %get3A_916 = vector.shape_cast %get3A_915 : vector<1x16xf32> to vector<16xf32>
      %add3A_917 = arith.constant 64 : i32
      %add3A_918 = arith.addi %add3A_917, %scan3A_388 : i32
      %get3A_919 = arith.index_cast %add3A_918 : i32 to index
      %get3A_920 = arith.constant 112 : index
      %get3A_921 = tpu.vector_load %arg12[%get3A_919, %get3A_920] {strides = array<i32>} : memref<320x128xf32, #tpu.memory_space<vmem>>, vector<1x16xf32>,
      %get3A_922 = vector.shape_cast %get3A_921 : vector<1x16xf32> to vector<16xf32>
      %add3A_923 = arith.constant 96 : i32
      %add3A_924 = arith.addi %add3A_923, %scan3A_388 : i32
      %get3A_925 = arith.index_cast %add3A_924 : i32 to index
      %get3A_926 = arith.constant 112 : index
      %get3A_927 = tpu.vector_load %arg12[%get3A_925, %get3A_926] {strides = array<i32>} : memref<320x128xf32, #tpu.memory_space<vmem>>, vector<1x16xf32>,
      %get3A_928 = vector.shape_cast %get3A_927 : vector<1x16xf32> to vector<16xf32>
      %add3A_929 = arith.constant 128 : i32
      %add3A_930 = arith.addi %add3A_929, %scan3A_388 : i32
      %get3A_931 = arith.index_cast %add3A_930 : i32 to index
      %get3A_932 = arith.constant 112 : index
      %get3A_933 = tpu.vector_load %arg12[%get3A_931, %get3A_932] {strides = array<i32>} : memref<320x128xf32, #tpu.memory_space<vmem>>, vector<1x16xf32>,
      %get3A_934 = vector.shape_cast %get3A_933 : vector<1x16xf32> to vector<16xf32>
      %add3A_935 = arith.constant 160 : i32
      %add3A_936 = arith.addi %add3A_935, %scan3A_388 : i32
      %get3A_937 = arith.index_cast %add3A_936 : i32 to index
      %get3A_938 = arith.constant 112 : index
      %get3A_939 = tpu.vector_load %arg12[%get3A_937, %get3A_938] {strides = array<i32>} : memref<320x128xf32, #tpu.memory_space<vmem>>, vector<1x16xf32>,
      %get3A_940 = vector.shape_cast %get3A_939 : vector<1x16xf32> to vector<16xf32>
      %add3A_941 = arith.constant 192 : i32
      %add3A_942 = arith.addi %add3A_941, %scan3A_388 : i32
      %get3A_943 = arith.index_cast %add3A_942 : i32 to index
      %get3A_944 = arith.constant 112 : index
      %get3A_945 = tpu.vector_load %arg12[%get3A_943, %get3A_944] {strides = array<i32>} : memref<320x128xf32, #tpu.memory_space<vmem>>, vector<1x16xf32>,
      %get3A_946 = vector.shape_cast %get3A_945 : vector<1x16xf32> to vector<16xf32>
      %add3A_947 = arith.constant 224 : i32
      %add3A_948 = arith.addi %add3A_947, %scan3A_388 : i32
      %get3A_949 = arith.index_cast %add3A_948 : i32 to index
      %get3A_950 = arith.constant 112 : index
      %get3A_951 = tpu.vector_load %arg12[%get3A_949, %get3A_950] {strides = array<i32>} : memref<320x128xf32, #tpu.memory_space<vmem>>, vector<1x16xf32>,
      %get3A_952 = vector.shape_cast %get3A_951 : vector<1x16xf32> to vector<16xf32>
      %add3A_953 = arith.constant 256 : i32
      %add3A_954 = arith.addi %add3A_953, %scan3A_388 : i32
      %get3A_955 = arith.index_cast %add3A_954 : i32 to index
      %get3A_956 = arith.constant 112 : index
      %get3A_957 = tpu.vector_load %arg12[%get3A_955, %get3A_956] {strides = array<i32>} : memref<320x128xf32, #tpu.memory_space<vmem>>, vector<1x16xf32>,
      %get3A_958 = vector.shape_cast %get3A_957 : vector<1x16xf32> to vector<16xf32>
      %add3A_959 = arith.constant 288 : i32
      %add3A_960 = arith.addi %add3A_959, %scan3A_388 : i32
      %get3A_961 = arith.index_cast %add3A_960 : i32 to index
      %get3A_962 = arith.constant 112 : index
      %get3A_963 = tpu.vector_load %arg12[%get3A_961, %get3A_962] {strides = array<i32>} : memref<320x128xf32, #tpu.memory_space<vmem>>, vector<1x16xf32>,
      %get3A_964 = vector.shape_cast %get3A_963 : vector<1x16xf32> to vector<16xf32>
      %add3A_965 = arith.addf %get3A_910, %get3A_916 : vector<16xf32>
      %add3A_966 = arith.addf %get3A_922, %get3A_928 : vector<16xf32>
      %add3A_967 = arith.addf %get3A_934, %get3A_940 : vector<16xf32>
      %add3A_968 = arith.addf %get3A_946, %get3A_952 : vector<16xf32>
      %add3A_969 = arith.addf %get3A_958, %get3A_964 : vector<16xf32>
      %add3A_970 = arith.addf %add3A_965, %add3A_966 : vector<16xf32>
      %add3A_971 = arith.addf %add3A_967, %add3A_968 : vector<16xf32>
      %add3A_972 = arith.addf %add3A_970, %add3A_971 : vector<16xf32>
      %add3A_973 = arith.addf %add3A_972, %add3A_969 : vector<16xf32>
      %swap3A_974 = arith.index_cast %scan3A_388 : i32 to index
      %swap3A_975 = arith.constant 112 : index
      %swap3A_976 = tpu.vector_load %arg16[%swap3A_974, %swap3A_975] {strides = array<i32>} : memref<32x128xf32, #tpu.memory_space<vmem>>, vector<1x16xf32>,
      %swap3A_977 = vector.shape_cast %swap3A_976 : vector<1x16xf32> to vector<16xf32>
      %swap3A_978 = vector.shape_cast %add3A_973 : vector<16xf32> to vector<1x16xf32>
      tpu.vector_store %arg16[%swap3A_974, %swap3A_975], %swap3A_978 {strides = array<i32>} : memref<32x128xf32, #tpu.memory_space<vmem>>, vector<1x16xf32>,
    }
    %scan3A_196 = arith.constant 32 : i32
    %mul3A_197 = arith.constant 49 : i32
    %mul3A_198 = arith.muli %add3A, %mul3A_197 : i32
    %add3A_199 = arith.constant 1 : i32
    %add3A_200 = arith.addi %mul3A_198, %add3A_199 : i32
    %mul3A_201 = arith.constant 32 : i32
    %mul3A_202 = arith.muli %add3A_200, %mul3A_201 : i32
    %dma_start3A_203 = arith.constant 0 : i32
    %dma_start3A_204 = tpu.memref_slice %arg5[%mul3A_202, %dma_start3A_203] : memref<50176x128xf32, #tpu.memory_space<hbm>> -> memref<32x128xf32, #tpu.memory_space<hbm>>
    %dma_start3A_205 = arith.constant 0 : i32
    %dma_start3A_206 = tpu.memref_slice %arg5[%mul3A_202, %dma_start3A_205] : memref<50176x128xf32, #tpu.memory_space<hbm>> -> memref<32x128xf32, #tpu.memory_space<hbm>>
    tpu.enqueue_dma source(%arg14 : memref<32x128xf32, #tpu.memory_space<vmem>>) target(%dma_start3A_206 : memref<32x128xf32, #tpu.memory_space<hbm>>) target_semaphore(%arg22 : memref<!tpu.dma_semaphore, #tpu.memory_space<semaphore_mem>>)
    %dma_start3A_207 = arith.constant 0 : i32
    %dma_start3A_208 = tpu.memref_slice %arg6[%mul3A_202, %dma_start3A_207] : memref<50176x128xf32, #tpu.memory_space<hbm>> -> memref<32x128xf32, #tpu.memory_space<hbm>>
    %dma_start3A_209 = arith.constant 0 : i32
    %dma_start3A_210 = tpu.memref_slice %arg6[%mul3A_202, %dma_start3A_209] : memref<50176x128xf32, #tpu.memory_space<hbm>> -> memref<32x128xf32, #tpu.memory_space<hbm>>
    tpu.enqueue_dma source(%arg16 : memref<32x128xf32, #tpu.memory_space<vmem>>) target(%dma_start3A_210 : memref<32x128xf32, #tpu.memory_space<hbm>>) target_semaphore(%arg22 : memref<!tpu.dma_semaphore, #tpu.memory_space<semaphore_mem>>)
    %scan3A_211 = arith.constant 0 : i32
    %scan3A_212 = arith.constant 1 : i32
    %scan3A_213 = arith.constant 22 : i32
    %scan3A_214 = arith.addi %scan3A_212, %scan3A_213 : i32
    %scan3A_215 = arith.constant 1 : i32
    scf.for %scan3A_388 = %scan3A_212 to %scan3A_214 step %scan3A_215  : i32 {
      %mul3A_389 = arith.constant 2 : i32
      %mul3A_390 = arith.muli %scan3A_388, %mul3A_389 : i32
      %sub3A = arith.constant 1 : i32
      %sub3A_391 = arith.subi %mul3A_390, %sub3A : i32
      %mul3A_392 = arith.constant 49 : i32
      %mul3A_393 = arith.muli %add3A, %mul3A_392 : i32
      %add3A_394 = arith.addi %mul3A_393, %sub3A_391 : i32
      %mul3A_395 = arith.constant 32 : i32
      %mul3A_396 = arith.muli %add3A_394, %mul3A_395 : i32
      %dma_wait3A_397 = arith.constant 0 : i32
      %dma_wait3A_398 = tpu.memref_slice %arg5[%mul3A_396, %dma_wait3A_397] : memref<50176x128xf32, #tpu.memory_space<hbm>> -> memref<32x128xf32, #tpu.memory_space<hbm>>
      %dma_wait3A_399 = arith.constant 0 : i32
      %dma_wait3A_400 = tpu.memref_slice %arg5[%mul3A_396, %dma_wait3A_399] : memref<50176x128xf32, #tpu.memory_space<hbm>> -> memref<32x128xf32, #tpu.memory_space<hbm>>
      tpu.wait_dma2 semaphore(%arg22 : memref<!tpu.dma_semaphore, #tpu.memory_space<semaphore_mem>>) src(%arg14 : memref<32x128xf32, #tpu.memory_space<vmem>>) dst(%dma_wait3A_400 : memref<32x128xf32, #tpu.memory_space<hbm>>)
      %dma_wait3A_401 = arith.constant 0 : i32
      %dma_wait3A_402 = tpu.memref_slice %arg6[%mul3A_396, %dma_wait3A_401] : memref<50176x128xf32, #tpu.memory_space<hbm>> -> memref<32x128xf32, #tpu.memory_space<hbm>>
      %dma_wait3A_403 = arith.constant 0 : i32
      %dma_wait3A_404 = tpu.memref_slice %arg6[%mul3A_396, %dma_wait3A_403] : memref<50176x128xf32, #tpu.memory_space<hbm>> -> memref<32x128xf32, #tpu.memory_space<hbm>>
      tpu.wait_dma2 semaphore(%arg22 : memref<!tpu.dma_semaphore, #tpu.memory_space<semaphore_mem>>) src(%arg16 : memref<32x128xf32, #tpu.memory_space<vmem>>) dst(%dma_wait3A_404 : memref<32x128xf32, #tpu.memory_space<hbm>>)
      %add3A_405 = arith.constant 1 : i32
      %add3A_406 = arith.addi %mul3A_390, %add3A_405 : i32
      %mul3A_407 = arith.constant 49 : i32
      %mul3A_408 = arith.muli %add3A, %mul3A_407 : i32
      %add3A_409 = arith.addi %mul3A_408, %add3A_406 : i32
      %mul3A_410 = arith.constant 32 : i32
      %mul3A_411 = arith.muli %add3A_409, %mul3A_410 : i32
      "tpu.region"() ({
        %run_scoped3A = tpu.sem_alloc : memref<!tpu.dma_semaphore, #tpu.memory_space<semaphore_mem>>
        %dma_start3A_584 = tpu.memref_slice %arg3[%mul3A_411] : memref<50240xi32, #tpu.memory_space<hbm>> -> memref<32xi32, #tpu.memory_space<hbm>>
        %dma_start3A_585 = tpu.memref_slice %arg3[%mul3A_411] : memref<50240xi32, #tpu.memory_space<hbm>> -> memref<32xi32, #tpu.memory_space<hbm>>
        tpu.enqueue_dma source(%dma_start3A_585 : memref<32xi32, #tpu.memory_space<hbm>>) target(%arg10 : memref<32xi32, #tpu.memory_space<vmem>>) target_semaphore(%run_scoped3A : memref<!tpu.dma_semaphore, #tpu.memory_space<semaphore_mem>>)
        %dma_wait3A_586 = tpu.memref_slice %arg3[%mul3A_411] : memref<50240xi32, #tpu.memory_space<hbm>> -> memref<32xi32, #tpu.memory_space<hbm>>
        %dma_wait3A_587 = tpu.memref_slice %arg3[%mul3A_411] : memref<50240xi32, #tpu.memory_space<hbm>> -> memref<32xi32, #tpu.memory_space<hbm>>
        tpu.wait_dma2 semaphore(%run_scoped3A : memref<!tpu.dma_semaphore, #tpu.memory_space<semaphore_mem>>) src(%dma_wait3A_587 : memref<32xi32, #tpu.memory_space<hbm>>) dst(%arg10 : memref<32xi32, #tpu.memory_space<vmem>>)
        tpu.yield
      }) : () -> ()
      %mul3A_412 = arith.constant 10 : i32
      %mul3A_413 = arith.muli %mul3A_411, %mul3A_412 : i32
      "tpu.region"() ({
        %run_scoped3A = tpu.sem_alloc : memref<!tpu.dma_semaphore, #tpu.memory_space<semaphore_mem>>
        %dma_start3A_584 = tpu.memref_slice %arg4[%mul3A_413] : memref<502400xi32, #tpu.memory_space<hbm>> -> memref<320xi32, #tpu.memory_space<hbm>>
        %dma_start3A_585 = tpu.memref_slice %arg4[%mul3A_413] : memref<502400xi32, #tpu.memory_space<hbm>> -> memref<320xi32, #tpu.memory_space<hbm>>
        tpu.enqueue_dma source(%dma_start3A_585 : memref<320xi32, #tpu.memory_space<hbm>>) target(%arg8 : memref<320xi32, #tpu.memory_space<vmem>>) target_semaphore(%run_scoped3A : memref<!tpu.dma_semaphore, #tpu.memory_space<semaphore_mem>>)
        %dma_wait3A_586 = tpu.memref_slice %arg4[%mul3A_413] : memref<502400xi32, #tpu.memory_space<hbm>> -> memref<320xi32, #tpu.memory_space<hbm>>
        %dma_wait3A_587 = tpu.memref_slice %arg4[%mul3A_413] : memref<502400xi32, #tpu.memory_space<hbm>> -> memref<320xi32, #tpu.memory_space<hbm>>
        tpu.wait_dma2 semaphore(%run_scoped3A : memref<!tpu.dma_semaphore, #tpu.memory_space<semaphore_mem>>) src(%dma_wait3A_587 : memref<320xi32, #tpu.memory_space<hbm>>) dst(%arg8 : memref<320xi32, #tpu.memory_space<vmem>>)
        tpu.yield
      }) : () -> ()
      %dma_start3A_414 = arith.constant 0 : i32
      %dma_start3A_415 = arith.constant 0 : i32
      %dma_start3A_416 = tpu.memref_slice %arg2[%dma_start3A_414, %dma_start3A_415] : memref<100000x128xf32, #tpu.memory_space<hbm>> -> memref<100000x128xf32, #tpu.memory_space<hbm>>
      tpu.enqueue_indirect_dma source(%dma_start3A_416 : memref<100000x128xf32, #tpu.memory_space<hbm>>) target(%arg14 : memref<32x128xf32, #tpu.memory_space<vmem>>) offsets(%arg10 : memref<32xi32, #tpu.memory_space<vmem>>) semaphore(%arg20 : memref<!tpu.dma_semaphore, #tpu.memory_space<semaphore_mem>>)
      %dma_start3A_417 = arith.constant 0 : i32
      %dma_start3A_418 = arith.constant 0 : i32
      %dma_start3A_419 = tpu.memref_slice %arg12[%dma_start3A_417, %dma_start3A_418] : memref<320x128xf32, #tpu.memory_space<vmem>> -> memref<104x128xf32, #tpu.memory_space<vmem>>
      %dma_start3A_420 = arith.constant 0 : i32
      %dma_start3A_421 = tpu.memref_slice %arg8[%dma_start3A_420] : memref<320xi32, #tpu.memory_space<vmem>> -> memref<104xi32, #tpu.memory_space<vmem>>
      %dma_start3A_422 = arith.constant 0 : i32
      %dma_start3A_423 = arith.constant 0 : i32
      %dma_start3A_424 = tpu.memref_slice %arg2[%dma_start3A_422, %dma_start3A_423] : memref<100000x128xf32, #tpu.memory_space<hbm>> -> memref<100000x128xf32, #tpu.memory_space<hbm>>
      tpu.enqueue_indirect_dma source(%dma_start3A_424 : memref<100000x128xf32, #tpu.memory_space<hbm>>) target(%dma_start3A_419 : memref<104x128xf32, #tpu.memory_space<vmem>>) offsets(%dma_start3A_421 : memref<104xi32, #tpu.memory_space<vmem>>) semaphore(%arg18 : memref<!tpu.dma_semaphore, #tpu.memory_space<semaphore_mem>>)
      %dma_start3A_425 = arith.constant 104 : i32
      %dma_start3A_426 = arith.constant 0 : i32
      %dma_start3A_427 = tpu.memref_slice %arg12[%dma_start3A_425, %dma_start3A_426] : memref<320x128xf32, #tpu.memory_space<vmem>> -> memref<104x128xf32, #tpu.memory_space<vmem>>
      %dma_start3A_428 = arith.constant 104 : i32
      %dma_start3A_429 = tpu.memref_slice %arg8[%dma_start3A_428] : memref<320xi32, #tpu.memory_space<vmem>> -> memref<104xi32, #tpu.memory_space<vmem>>
      %dma_start3A_430 = arith.constant 0 : i32
      %dma_start3A_431 = arith.constant 0 : i32
      %dma_start3A_432 = tpu.memref_slice %arg2[%dma_start3A_430, %dma_start3A_431] : memref<100000x128xf32, #tpu.memory_space<hbm>> -> memref<100000x128xf32, #tpu.memory_space<hbm>>
      tpu.enqueue_indirect_dma source(%dma_start3A_432 : memref<100000x128xf32, #tpu.memory_space<hbm>>) target(%dma_start3A_427 : memref<104x128xf32, #tpu.memory_space<vmem>>) offsets(%dma_start3A_429 : memref<104xi32, #tpu.memory_space<vmem>>) semaphore(%arg18 : memref<!tpu.dma_semaphore, #tpu.memory_space<semaphore_mem>>)
      %dma_start3A_433 = arith.constant 208 : i32
      %dma_start3A_434 = arith.constant 0 : i32
      %dma_start3A_435 = tpu.memref_slice %arg12[%dma_start3A_433, %dma_start3A_434] : memref<320x128xf32, #tpu.memory_space<vmem>> -> memref<112x128xf32, #tpu.memory_space<vmem>>
      %dma_start3A_436 = arith.constant 208 : i32
      %dma_start3A_437 = tpu.memref_slice %arg8[%dma_start3A_436] : memref<320xi32, #tpu.memory_space<vmem>> -> memref<112xi32, #tpu.memory_space<vmem>>
      %dma_start3A_438 = arith.constant 0 : i32
      %dma_start3A_439 = arith.constant 0 : i32
      %dma_start3A_440 = tpu.memref_slice %arg2[%dma_start3A_438, %dma_start3A_439] : memref<100000x128xf32, #tpu.memory_space<hbm>> -> memref<100000x128xf32, #tpu.memory_space<hbm>>
      tpu.enqueue_indirect_dma source(%dma_start3A_440 : memref<100000x128xf32, #tpu.memory_space<hbm>>) target(%dma_start3A_435 : memref<112x128xf32, #tpu.memory_space<vmem>>) offsets(%dma_start3A_437 : memref<112xi32, #tpu.memory_space<vmem>>) semaphore(%arg18 : memref<!tpu.dma_semaphore, #tpu.memory_space<semaphore_mem>>)
      %dma_wait3A_441 = arith.constant 0 : i32
      %dma_wait3A_442 = arith.constant 0 : i32
      %dma_wait3A_443 = tpu.memref_slice %arg2[%dma_wait3A_441, %dma_wait3A_442] : memref<100000x128xf32, #tpu.memory_space<hbm>> -> memref<100000x128xf32, #tpu.memory_space<hbm>>
      tpu.wait_indirect_dma semaphore(%arg19 : memref<!tpu.dma_semaphore, #tpu.memory_space<semaphore_mem>>) src(%dma_wait3A_443 : memref<100000x128xf32, #tpu.memory_space<hbm>>) dst(%arg13 : memref<32x128xf32, #tpu.memory_space<vmem>>)
      %dma_wait3A_444 = arith.constant 0 : i32
      %dma_wait3A_445 = arith.constant 0 : i32
      %dma_wait3A_446 = tpu.memref_slice %arg11[%dma_wait3A_444, %dma_wait3A_445] : memref<320x128xf32, #tpu.memory_space<vmem>> -> memref<104x128xf32, #tpu.memory_space<vmem>>
      %dma_wait3A_447 = arith.constant 0 : i32
      %dma_wait3A_448 = tpu.memref_slice %arg7[%dma_wait3A_447] : memref<320xi32, #tpu.memory_space<vmem>> -> memref<104xi32, #tpu.memory_space<vmem>>
      %dma_wait3A_449 = arith.constant 0 : i32
      %dma_wait3A_450 = arith.constant 0 : i32
      %dma_wait3A_451 = tpu.memref_slice %arg2[%dma_wait3A_449, %dma_wait3A_450] : memref<100000x128xf32, #tpu.memory_space<hbm>> -> memref<100000x128xf32, #tpu.memory_space<hbm>>
      tpu.wait_indirect_dma semaphore(%arg17 : memref<!tpu.dma_semaphore, #tpu.memory_space<semaphore_mem>>) src(%dma_wait3A_451 : memref<100000x128xf32, #tpu.memory_space<hbm>>) dst(%dma_wait3A_446 : memref<104x128xf32, #tpu.memory_space<vmem>>)
      %dma_wait3A_452 = arith.constant 104 : i32
      %dma_wait3A_453 = arith.constant 0 : i32
      %dma_wait3A_454 = tpu.memref_slice %arg11[%dma_wait3A_452, %dma_wait3A_453] : memref<320x128xf32, #tpu.memory_space<vmem>> -> memref<104x128xf32, #tpu.memory_space<vmem>>
      %dma_wait3A_455 = arith.constant 104 : i32
      %dma_wait3A_456 = tpu.memref_slice %arg7[%dma_wait3A_455] : memref<320xi32, #tpu.memory_space<vmem>> -> memref<104xi32, #tpu.memory_space<vmem>>
      %dma_wait3A_457 = arith.constant 0 : i32
      %dma_wait3A_458 = arith.constant 0 : i32
      %dma_wait3A_459 = tpu.memref_slice %arg2[%dma_wait3A_457, %dma_wait3A_458] : memref<100000x128xf32, #tpu.memory_space<hbm>> -> memref<100000x128xf32, #tpu.memory_space<hbm>>
      tpu.wait_indirect_dma semaphore(%arg17 : memref<!tpu.dma_semaphore, #tpu.memory_space<semaphore_mem>>) src(%dma_wait3A_459 : memref<100000x128xf32, #tpu.memory_space<hbm>>) dst(%dma_wait3A_454 : memref<104x128xf32, #tpu.memory_space<vmem>>)
      %dma_wait3A_460 = arith.constant 208 : i32
      %dma_wait3A_461 = arith.constant 0 : i32
      %dma_wait3A_462 = tpu.memref_slice %arg11[%dma_wait3A_460, %dma_wait3A_461] : memref<320x128xf32, #tpu.memory_space<vmem>> -> memref<112x128xf32, #tpu.memory_space<vmem>>
      %dma_wait3A_463 = arith.constant 208 : i32
      %dma_wait3A_464 = tpu.memref_slice %arg7[%dma_wait3A_463] : memref<320xi32, #tpu.memory_space<vmem>> -> memref<112xi32, #tpu.memory_space<vmem>>
      %dma_wait3A_465 = arith.constant 0 : i32
      %dma_wait3A_466 = arith.constant 0 : i32
      %dma_wait3A_467 = tpu.memref_slice %arg2[%dma_wait3A_465, %dma_wait3A_466] : memref<100000x128xf32, #tpu.memory_space<hbm>> -> memref<100000x128xf32, #tpu.memory_space<hbm>>
      tpu.wait_indirect_dma semaphore(%arg17 : memref<!tpu.dma_semaphore, #tpu.memory_space<semaphore_mem>>) src(%dma_wait3A_467 : memref<100000x128xf32, #tpu.memory_space<hbm>>) dst(%dma_wait3A_462 : memref<112x128xf32, #tpu.memory_space<vmem>>)
      %scan3A_468 = arith.constant 0 : i32
      %scan3A_469 = arith.constant 0 : i32
      %scan3A_470 = arith.constant 32 : i32
      %scan3A_471 = arith.addi %scan3A_469, %scan3A_470 : i32
      %scan3A_472 = arith.constant 1 : i32
      scf.for %scan3A_584 = %scan3A_469 to %scan3A_471 step %scan3A_472  : i32 {
        %add3A_585 = arith.constant 0 : i32
        %add3A_586 = arith.addi %add3A_585, %scan3A_584 : i32
        %get3A = arith.index_cast %add3A_586 : i32 to index
        %get3A_587 = arith.constant 0 : index
        %get3A_588 = tpu.vector_load %arg11[%get3A, %get3A_587] {strides = array<i32>} : memref<320x128xf32, #tpu.memory_space<vmem>>, vector<1x16xf32>,
        %get3A_589 = vector.shape_cast %get3A_588 : vector<1x16xf32> to vector<16xf32>
        %add3A_590 = arith.constant 32 : i32
        %add3A_591 = arith.addi %add3A_590, %scan3A_584 : i32
        %get3A_592 = arith.index_cast %add3A_591 : i32 to index
        %get3A_593 = arith.constant 0 : index
        %get3A_594 = tpu.vector_load %arg11[%get3A_592, %get3A_593] {strides = array<i32>} : memref<320x128xf32, #tpu.memory_space<vmem>>, vector<1x16xf32>,
        %get3A_595 = vector.shape_cast %get3A_594 : vector<1x16xf32> to vector<16xf32>
        %add3A_596 = arith.constant 64 : i32
        %add3A_597 = arith.addi %add3A_596, %scan3A_584 : i32
        %get3A_598 = arith.index_cast %add3A_597 : i32 to index
        %get3A_599 = arith.constant 0 : index
        %get3A_600 = tpu.vector_load %arg11[%get3A_598, %get3A_599] {strides = array<i32>} : memref<320x128xf32, #tpu.memory_space<vmem>>, vector<1x16xf32>,
        %get3A_601 = vector.shape_cast %get3A_600 : vector<1x16xf32> to vector<16xf32>
        %add3A_602 = arith.constant 96 : i32
        %add3A_603 = arith.addi %add3A_602, %scan3A_584 : i32
        %get3A_604 = arith.index_cast %add3A_603 : i32 to index
        %get3A_605 = arith.constant 0 : index
        %get3A_606 = tpu.vector_load %arg11[%get3A_604, %get3A_605] {strides = array<i32>} : memref<320x128xf32, #tpu.memory_space<vmem>>, vector<1x16xf32>,
        %get3A_607 = vector.shape_cast %get3A_606 : vector<1x16xf32> to vector<16xf32>
        %add3A_608 = arith.constant 128 : i32
        %add3A_609 = arith.addi %add3A_608, %scan3A_584 : i32
        %get3A_610 = arith.index_cast %add3A_609 : i32 to index
        %get3A_611 = arith.constant 0 : index
        %get3A_612 = tpu.vector_load %arg11[%get3A_610, %get3A_611] {strides = array<i32>} : memref<320x128xf32, #tpu.memory_space<vmem>>, vector<1x16xf32>,
        %get3A_613 = vector.shape_cast %get3A_612 : vector<1x16xf32> to vector<16xf32>
        %add3A_614 = arith.constant 160 : i32
        %add3A_615 = arith.addi %add3A_614, %scan3A_584 : i32
        %get3A_616 = arith.index_cast %add3A_615 : i32 to index
        %get3A_617 = arith.constant 0 : index
        %get3A_618 = tpu.vector_load %arg11[%get3A_616, %get3A_617] {strides = array<i32>} : memref<320x128xf32, #tpu.memory_space<vmem>>, vector<1x16xf32>,
        %get3A_619 = vector.shape_cast %get3A_618 : vector<1x16xf32> to vector<16xf32>
        %add3A_620 = arith.constant 192 : i32
        %add3A_621 = arith.addi %add3A_620, %scan3A_584 : i32
        %get3A_622 = arith.index_cast %add3A_621 : i32 to index
        %get3A_623 = arith.constant 0 : index
        %get3A_624 = tpu.vector_load %arg11[%get3A_622, %get3A_623] {strides = array<i32>} : memref<320x128xf32, #tpu.memory_space<vmem>>, vector<1x16xf32>,
        %get3A_625 = vector.shape_cast %get3A_624 : vector<1x16xf32> to vector<16xf32>
        %add3A_626 = arith.constant 224 : i32
        %add3A_627 = arith.addi %add3A_626, %scan3A_584 : i32
        %get3A_628 = arith.index_cast %add3A_627 : i32 to index
        %get3A_629 = arith.constant 0 : index
        %get3A_630 = tpu.vector_load %arg11[%get3A_628, %get3A_629] {strides = array<i32>} : memref<320x128xf32, #tpu.memory_space<vmem>>, vector<1x16xf32>,
        %get3A_631 = vector.shape_cast %get3A_630 : vector<1x16xf32> to vector<16xf32>
        %add3A_632 = arith.constant 256 : i32
        %add3A_633 = arith.addi %add3A_632, %scan3A_584 : i32
        %get3A_634 = arith.index_cast %add3A_633 : i32 to index
        %get3A_635 = arith.constant 0 : index
        %get3A_636 = tpu.vector_load %arg11[%get3A_634, %get3A_635] {strides = array<i32>} : memref<320x128xf32, #tpu.memory_space<vmem>>, vector<1x16xf32>,
        %get3A_637 = vector.shape_cast %get3A_636 : vector<1x16xf32> to vector<16xf32>
        %add3A_638 = arith.constant 288 : i32
        %add3A_639 = arith.addi %add3A_638, %scan3A_584 : i32
        %get3A_640 = arith.index_cast %add3A_639 : i32 to index
        %get3A_641 = arith.constant 0 : index
        %get3A_642 = tpu.vector_load %arg11[%get3A_640, %get3A_641] {strides = array<i32>} : memref<320x128xf32, #tpu.memory_space<vmem>>, vector<1x16xf32>,
        %get3A_643 = vector.shape_cast %get3A_642 : vector<1x16xf32> to vector<16xf32>
        %add3A_644 = arith.addf %get3A_589, %get3A_595 : vector<16xf32>
        %add3A_645 = arith.addf %get3A_601, %get3A_607 : vector<16xf32>
        %add3A_646 = arith.addf %get3A_613, %get3A_619 : vector<16xf32>
        %add3A_647 = arith.addf %get3A_625, %get3A_631 : vector<16xf32>
        %add3A_648 = arith.addf %get3A_637, %get3A_643 : vector<16xf32>
        %add3A_649 = arith.addf %add3A_644, %add3A_645 : vector<16xf32>
        %add3A_650 = arith.addf %add3A_646, %add3A_647 : vector<16xf32>
        %add3A_651 = arith.addf %add3A_649, %add3A_650 : vector<16xf32>
        %add3A_652 = arith.addf %add3A_651, %add3A_648 : vector<16xf32>
        %swap3A = arith.index_cast %scan3A_584 : i32 to index
        %swap3A_653 = arith.constant 0 : index
        %swap3A_654 = tpu.vector_load %arg15[%swap3A, %swap3A_653] {strides = array<i32>} : memref<32x128xf32, #tpu.memory_space<vmem>>, vector<1x16xf32>,
        %swap3A_655 = vector.shape_cast %swap3A_654 : vector<1x16xf32> to vector<16xf32>
        %swap3A_656 = vector.shape_cast %add3A_652 : vector<16xf32> to vector<1x16xf32>
        tpu.vector_store %arg15[%swap3A, %swap3A_653], %swap3A_656 {strides = array<i32>} : memref<32x128xf32, #tpu.memory_space<vmem>>, vector<1x16xf32>,
        %add3A_657 = arith.constant 0 : i32
        %add3A_658 = arith.addi %add3A_657, %scan3A_584 : i32
        %get3A_659 = arith.index_cast %add3A_658 : i32 to index
        %get3A_660 = arith.constant 16 : index
        %get3A_661 = tpu.vector_load %arg11[%get3A_659, %get3A_660] {strides = array<i32>} : memref<320x128xf32, #tpu.memory_space<vmem>>, vector<1x16xf32>,
        %get3A_662 = vector.shape_cast %get3A_661 : vector<1x16xf32> to vector<16xf32>
        %add3A_663 = arith.constant 32 : i32
        %add3A_664 = arith.addi %add3A_663, %scan3A_584 : i32
        %get3A_665 = arith.index_cast %add3A_664 : i32 to index
        %get3A_666 = arith.constant 16 : index
        %get3A_667 = tpu.vector_load %arg11[%get3A_665, %get3A_666] {strides = array<i32>} : memref<320x128xf32, #tpu.memory_space<vmem>>, vector<1x16xf32>,
        %get3A_668 = vector.shape_cast %get3A_667 : vector<1x16xf32> to vector<16xf32>
        %add3A_669 = arith.constant 64 : i32
        %add3A_670 = arith.addi %add3A_669, %scan3A_584 : i32
        %get3A_671 = arith.index_cast %add3A_670 : i32 to index
        %get3A_672 = arith.constant 16 : index
        %get3A_673 = tpu.vector_load %arg11[%get3A_671, %get3A_672] {strides = array<i32>} : memref<320x128xf32, #tpu.memory_space<vmem>>, vector<1x16xf32>,
        %get3A_674 = vector.shape_cast %get3A_673 : vector<1x16xf32> to vector<16xf32>
        %add3A_675 = arith.constant 96 : i32
        %add3A_676 = arith.addi %add3A_675, %scan3A_584 : i32
        %get3A_677 = arith.index_cast %add3A_676 : i32 to index
        %get3A_678 = arith.constant 16 : index
        %get3A_679 = tpu.vector_load %arg11[%get3A_677, %get3A_678] {strides = array<i32>} : memref<320x128xf32, #tpu.memory_space<vmem>>, vector<1x16xf32>,
        %get3A_680 = vector.shape_cast %get3A_679 : vector<1x16xf32> to vector<16xf32>
        %add3A_681 = arith.constant 128 : i32
        %add3A_682 = arith.addi %add3A_681, %scan3A_584 : i32
        %get3A_683 = arith.index_cast %add3A_682 : i32 to index
        %get3A_684 = arith.constant 16 : index
        %get3A_685 = tpu.vector_load %arg11[%get3A_683, %get3A_684] {strides = array<i32>} : memref<320x128xf32, #tpu.memory_space<vmem>>, vector<1x16xf32>,
        %get3A_686 = vector.shape_cast %get3A_685 : vector<1x16xf32> to vector<16xf32>
        %add3A_687 = arith.constant 160 : i32
        %add3A_688 = arith.addi %add3A_687, %scan3A_584 : i32
        %get3A_689 = arith.index_cast %add3A_688 : i32 to index
        %get3A_690 = arith.constant 16 : index
        %get3A_691 = tpu.vector_load %arg11[%get3A_689, %get3A_690] {strides = array<i32>} : memref<320x128xf32, #tpu.memory_space<vmem>>, vector<1x16xf32>,
        %get3A_692 = vector.shape_cast %get3A_691 : vector<1x16xf32> to vector<16xf32>
        %add3A_693 = arith.constant 192 : i32
        %add3A_694 = arith.addi %add3A_693, %scan3A_584 : i32
        %get3A_695 = arith.index_cast %add3A_694 : i32 to index
        %get3A_696 = arith.constant 16 : index
        %get3A_697 = tpu.vector_load %arg11[%get3A_695, %get3A_696] {strides = array<i32>} : memref<320x128xf32, #tpu.memory_space<vmem>>, vector<1x16xf32>,
        %get3A_698 = vector.shape_cast %get3A_697 : vector<1x16xf32> to vector<16xf32>
        %add3A_699 = arith.constant 224 : i32
        %add3A_700 = arith.addi %add3A_699, %scan3A_584 : i32
        %get3A_701 = arith.index_cast %add3A_700 : i32 to index
        %get3A_702 = arith.constant 16 : index
        %get3A_703 = tpu.vector_load %arg11[%get3A_701, %get3A_702] {strides = array<i32>} : memref<320x128xf32, #tpu.memory_space<vmem>>, vector<1x16xf32>,
        %get3A_704 = vector.shape_cast %get3A_703 : vector<1x16xf32> to vector<16xf32>
        %add3A_705 = arith.constant 256 : i32
        %add3A_706 = arith.addi %add3A_705, %scan3A_584 : i32
        %get3A_707 = arith.index_cast %add3A_706 : i32 to index
        %get3A_708 = arith.constant 16 : index
        %get3A_709 = tpu.vector_load %arg11[%get3A_707, %get3A_708] {strides = array<i32>} : memref<320x128xf32, #tpu.memory_space<vmem>>, vector<1x16xf32>,
        %get3A_710 = vector.shape_cast %get3A_709 : vector<1x16xf32> to vector<16xf32>
        %add3A_711 = arith.constant 288 : i32
        %add3A_712 = arith.addi %add3A_711, %scan3A_584 : i32
        %get3A_713 = arith.index_cast %add3A_712 : i32 to index
        %get3A_714 = arith.constant 16 : index
        %get3A_715 = tpu.vector_load %arg11[%get3A_713, %get3A_714] {strides = array<i32>} : memref<320x128xf32, #tpu.memory_space<vmem>>, vector<1x16xf32>,
        %get3A_716 = vector.shape_cast %get3A_715 : vector<1x16xf32> to vector<16xf32>
        %add3A_717 = arith.addf %get3A_662, %get3A_668 : vector<16xf32>
        %add3A_718 = arith.addf %get3A_674, %get3A_680 : vector<16xf32>
        %add3A_719 = arith.addf %get3A_686, %get3A_692 : vector<16xf32>
        %add3A_720 = arith.addf %get3A_698, %get3A_704 : vector<16xf32>
        %add3A_721 = arith.addf %get3A_710, %get3A_716 : vector<16xf32>
        %add3A_722 = arith.addf %add3A_717, %add3A_718 : vector<16xf32>
        %add3A_723 = arith.addf %add3A_719, %add3A_720 : vector<16xf32>
        %add3A_724 = arith.addf %add3A_722, %add3A_723 : vector<16xf32>
        %add3A_725 = arith.addf %add3A_724, %add3A_721 : vector<16xf32>
        %swap3A_726 = arith.index_cast %scan3A_584 : i32 to index
        %swap3A_727 = arith.constant 16 : index
        %swap3A_728 = tpu.vector_load %arg15[%swap3A_726, %swap3A_727] {strides = array<i32>} : memref<32x128xf32, #tpu.memory_space<vmem>>, vector<1x16xf32>,
        %swap3A_729 = vector.shape_cast %swap3A_728 : vector<1x16xf32> to vector<16xf32>
        %swap3A_730 = vector.shape_cast %add3A_725 : vector<16xf32> to vector<1x16xf32>
        tpu.vector_store %arg15[%swap3A_726, %swap3A_727], %swap3A_730 {strides = array<i32>} : memref<32x128xf32, #tpu.memory_space<vmem>>, vector<1x16xf32>,
        %add3A_731 = arith.constant 0 : i32
        %add3A_732 = arith.addi %add3A_731, %scan3A_584 : i32
        %get3A_733 = arith.index_cast %add3A_732 : i32 to index
        %get3A_734 = arith.constant 32 : index
        %get3A_735 = tpu.vector_load %arg11[%get3A_733, %get3A_734] {strides = array<i32>} : memref<320x128xf32, #tpu.memory_space<vmem>>, vector<1x16xf32>,
        %get3A_736 = vector.shape_cast %get3A_735 : vector<1x16xf32> to vector<16xf32>
        %add3A_737 = arith.constant 32 : i32
        %add3A_738 = arith.addi %add3A_737, %scan3A_584 : i32
        %get3A_739 = arith.index_cast %add3A_738 : i32 to index
        %get3A_740 = arith.constant 32 : index
        %get3A_741 = tpu.vector_load %arg11[%get3A_739, %get3A_740] {strides = array<i32>} : memref<320x128xf32, #tpu.memory_space<vmem>>, vector<1x16xf32>,
        %get3A_742 = vector.shape_cast %get3A_741 : vector<1x16xf32> to vector<16xf32>
        %add3A_743 = arith.constant 64 : i32
        %add3A_744 = arith.addi %add3A_743, %scan3A_584 : i32
        %get3A_745 = arith.index_cast %add3A_744 : i32 to index
        %get3A_746 = arith.constant 32 : index
        %get3A_747 = tpu.vector_load %arg11[%get3A_745, %get3A_746] {strides = array<i32>} : memref<320x128xf32, #tpu.memory_space<vmem>>, vector<1x16xf32>,
        %get3A_748 = vector.shape_cast %get3A_747 : vector<1x16xf32> to vector<16xf32>
        %add3A_749 = arith.constant 96 : i32
        %add3A_750 = arith.addi %add3A_749, %scan3A_584 : i32
        %get3A_751 = arith.index_cast %add3A_750 : i32 to index
        %get3A_752 = arith.constant 32 : index
        %get3A_753 = tpu.vector_load %arg11[%get3A_751, %get3A_752] {strides = array<i32>} : memref<320x128xf32, #tpu.memory_space<vmem>>, vector<1x16xf32>,
        %get3A_754 = vector.shape_cast %get3A_753 : vector<1x16xf32> to vector<16xf32>
        %add3A_755 = arith.constant 128 : i32
        %add3A_756 = arith.addi %add3A_755, %scan3A_584 : i32
        %get3A_757 = arith.index_cast %add3A_756 : i32 to index
        %get3A_758 = arith.constant 32 : index
        %get3A_759 = tpu.vector_load %arg11[%get3A_757, %get3A_758] {strides = array<i32>} : memref<320x128xf32, #tpu.memory_space<vmem>>, vector<1x16xf32>,
        %get3A_760 = vector.shape_cast %get3A_759 : vector<1x16xf32> to vector<16xf32>
        %add3A_761 = arith.constant 160 : i32
        %add3A_762 = arith.addi %add3A_761, %scan3A_584 : i32
        %get3A_763 = arith.index_cast %add3A_762 : i32 to index
        %get3A_764 = arith.constant 32 : index
        %get3A_765 = tpu.vector_load %arg11[%get3A_763, %get3A_764] {strides = array<i32>} : memref<320x128xf32, #tpu.memory_space<vmem>>, vector<1x16xf32>,
        %get3A_766 = vector.shape_cast %get3A_765 : vector<1x16xf32> to vector<16xf32>
        %add3A_767 = arith.constant 192 : i32
        %add3A_768 = arith.addi %add3A_767, %scan3A_584 : i32
        %get3A_769 = arith.index_cast %add3A_768 : i32 to index
        %get3A_770 = arith.constant 32 : index
        %get3A_771 = tpu.vector_load %arg11[%get3A_769, %get3A_770] {strides = array<i32>} : memref<320x128xf32, #tpu.memory_space<vmem>>, vector<1x16xf32>,
        %get3A_772 = vector.shape_cast %get3A_771 : vector<1x16xf32> to vector<16xf32>
        %add3A_773 = arith.constant 224 : i32
        %add3A_774 = arith.addi %add3A_773, %scan3A_584 : i32
        %get3A_775 = arith.index_cast %add3A_774 : i32 to index
        %get3A_776 = arith.constant 32 : index
        %get3A_777 = tpu.vector_load %arg11[%get3A_775, %get3A_776] {strides = array<i32>} : memref<320x128xf32, #tpu.memory_space<vmem>>, vector<1x16xf32>,
        %get3A_778 = vector.shape_cast %get3A_777 : vector<1x16xf32> to vector<16xf32>
        %add3A_779 = arith.constant 256 : i32
        %add3A_780 = arith.addi %add3A_779, %scan3A_584 : i32
        %get3A_781 = arith.index_cast %add3A_780 : i32 to index
        %get3A_782 = arith.constant 32 : index
        %get3A_783 = tpu.vector_load %arg11[%get3A_781, %get3A_782] {strides = array<i32>} : memref<320x128xf32, #tpu.memory_space<vmem>>, vector<1x16xf32>,
        %get3A_784 = vector.shape_cast %get3A_783 : vector<1x16xf32> to vector<16xf32>
        %add3A_785 = arith.constant 288 : i32
        %add3A_786 = arith.addi %add3A_785, %scan3A_584 : i32
        %get3A_787 = arith.index_cast %add3A_786 : i32 to index
        %get3A_788 = arith.constant 32 : index
        %get3A_789 = tpu.vector_load %arg11[%get3A_787, %get3A_788] {strides = array<i32>} : memref<320x128xf32, #tpu.memory_space<vmem>>, vector<1x16xf32>,
        %get3A_790 = vector.shape_cast %get3A_789 : vector<1x16xf32> to vector<16xf32>
        %add3A_791 = arith.addf %get3A_736, %get3A_742 : vector<16xf32>
        %add3A_792 = arith.addf %get3A_748, %get3A_754 : vector<16xf32>
        %add3A_793 = arith.addf %get3A_760, %get3A_766 : vector<16xf32>
        %add3A_794 = arith.addf %get3A_772, %get3A_778 : vector<16xf32>
        %add3A_795 = arith.addf %get3A_784, %get3A_790 : vector<16xf32>
        %add3A_796 = arith.addf %add3A_791, %add3A_792 : vector<16xf32>
        %add3A_797 = arith.addf %add3A_793, %add3A_794 : vector<16xf32>
        %add3A_798 = arith.addf %add3A_796, %add3A_797 : vector<16xf32>
        %add3A_799 = arith.addf %add3A_798, %add3A_795 : vector<16xf32>
        %swap3A_800 = arith.index_cast %scan3A_584 : i32 to index
        %swap3A_801 = arith.constant 32 : index
        %swap3A_802 = tpu.vector_load %arg15[%swap3A_800, %swap3A_801] {strides = array<i32>} : memref<32x128xf32, #tpu.memory_space<vmem>>, vector<1x16xf32>,
        %swap3A_803 = vector.shape_cast %swap3A_802 : vector<1x16xf32> to vector<16xf32>
        %swap3A_804 = vector.shape_cast %add3A_799 : vector<16xf32> to vector<1x16xf32>
        tpu.vector_store %arg15[%swap3A_800, %swap3A_801], %swap3A_804 {strides = array<i32>} : memref<32x128xf32, #tpu.memory_space<vmem>>, vector<1x16xf32>,
        %add3A_805 = arith.constant 0 : i32
        %add3A_806 = arith.addi %add3A_805, %scan3A_584 : i32
        %get3A_807 = arith.index_cast %add3A_806 : i32 to index
        %get3A_808 = arith.constant 48 : index
        %get3A_809 = tpu.vector_load %arg11[%get3A_807, %get3A_808] {strides = array<i32>} : memref<320x128xf32, #tpu.memory_space<vmem>>, vector<1x16xf32>,
        %get3A_810 = vector.shape_cast %get3A_809 : vector<1x16xf32> to vector<16xf32>
        %add3A_811 = arith.constant 32 : i32
        %add3A_812 = arith.addi %add3A_811, %scan3A_584 : i32
        %get3A_813 = arith.index_cast %add3A_812 : i32 to index
        %get3A_814 = arith.constant 48 : index
        %get3A_815 = tpu.vector_load %arg11[%get3A_813, %get3A_814] {strides = array<i32>} : memref<320x128xf32, #tpu.memory_space<vmem>>, vector<1x16xf32>,
        %get3A_816 = vector.shape_cast %get3A_815 : vector<1x16xf32> to vector<16xf32>
        %add3A_817 = arith.constant 64 : i32
        %add3A_818 = arith.addi %add3A_817, %scan3A_584 : i32
        %get3A_819 = arith.index_cast %add3A_818 : i32 to index
        %get3A_820 = arith.constant 48 : index
        %get3A_821 = tpu.vector_load %arg11[%get3A_819, %get3A_820] {strides = array<i32>} : memref<320x128xf32, #tpu.memory_space<vmem>>, vector<1x16xf32>,
        %get3A_822 = vector.shape_cast %get3A_821 : vector<1x16xf32> to vector<16xf32>
        %add3A_823 = arith.constant 96 : i32
        %add3A_824 = arith.addi %add3A_823, %scan3A_584 : i32
        %get3A_825 = arith.index_cast %add3A_824 : i32 to index
        %get3A_826 = arith.constant 48 : index
        %get3A_827 = tpu.vector_load %arg11[%get3A_825, %get3A_826] {strides = array<i32>} : memref<320x128xf32, #tpu.memory_space<vmem>>, vector<1x16xf32>,
        %get3A_828 = vector.shape_cast %get3A_827 : vector<1x16xf32> to vector<16xf32>
        %add3A_829 = arith.constant 128 : i32
        %add3A_830 = arith.addi %add3A_829, %scan3A_584 : i32
        %get3A_831 = arith.index_cast %add3A_830 : i32 to index
        %get3A_832 = arith.constant 48 : index
        %get3A_833 = tpu.vector_load %arg11[%get3A_831, %get3A_832] {strides = array<i32>} : memref<320x128xf32, #tpu.memory_space<vmem>>, vector<1x16xf32>,
        %get3A_834 = vector.shape_cast %get3A_833 : vector<1x16xf32> to vector<16xf32>
        %add3A_835 = arith.constant 160 : i32
        %add3A_836 = arith.addi %add3A_835, %scan3A_584 : i32
        %get3A_837 = arith.index_cast %add3A_836 : i32 to index
        %get3A_838 = arith.constant 48 : index
        %get3A_839 = tpu.vector_load %arg11[%get3A_837, %get3A_838] {strides = array<i32>} : memref<320x128xf32, #tpu.memory_space<vmem>>, vector<1x16xf32>,
        %get3A_840 = vector.shape_cast %get3A_839 : vector<1x16xf32> to vector<16xf32>
        %add3A_841 = arith.constant 192 : i32
        %add3A_842 = arith.addi %add3A_841, %scan3A_584 : i32
        %get3A_843 = arith.index_cast %add3A_842 : i32 to index
        %get3A_844 = arith.constant 48 : index
        %get3A_845 = tpu.vector_load %arg11[%get3A_843, %get3A_844] {strides = array<i32>} : memref<320x128xf32, #tpu.memory_space<vmem>>, vector<1x16xf32>,
        %get3A_846 = vector.shape_cast %get3A_845 : vector<1x16xf32> to vector<16xf32>
        %add3A_847 = arith.constant 224 : i32
        %add3A_848 = arith.addi %add3A_847, %scan3A_584 : i32
        %get3A_849 = arith.index_cast %add3A_848 : i32 to index
        %get3A_850 = arith.constant 48 : index
        %get3A_851 = tpu.vector_load %arg11[%get3A_849, %get3A_850] {strides = array<i32>} : memref<320x128xf32, #tpu.memory_space<vmem>>, vector<1x16xf32>,
        %get3A_852 = vector.shape_cast %get3A_851 : vector<1x16xf32> to vector<16xf32>
        %add3A_853 = arith.constant 256 : i32
        %add3A_854 = arith.addi %add3A_853, %scan3A_584 : i32
        %get3A_855 = arith.index_cast %add3A_854 : i32 to index
        %get3A_856 = arith.constant 48 : index
        %get3A_857 = tpu.vector_load %arg11[%get3A_855, %get3A_856] {strides = array<i32>} : memref<320x128xf32, #tpu.memory_space<vmem>>, vector<1x16xf32>,
        %get3A_858 = vector.shape_cast %get3A_857 : vector<1x16xf32> to vector<16xf32>
        %add3A_859 = arith.constant 288 : i32
        %add3A_860 = arith.addi %add3A_859, %scan3A_584 : i32
        %get3A_861 = arith.index_cast %add3A_860 : i32 to index
        %get3A_862 = arith.constant 48 : index
        %get3A_863 = tpu.vector_load %arg11[%get3A_861, %get3A_862] {strides = array<i32>} : memref<320x128xf32, #tpu.memory_space<vmem>>, vector<1x16xf32>,
        %get3A_864 = vector.shape_cast %get3A_863 : vector<1x16xf32> to vector<16xf32>
        %add3A_865 = arith.addf %get3A_810, %get3A_816 : vector<16xf32>
        %add3A_866 = arith.addf %get3A_822, %get3A_828 : vector<16xf32>
        %add3A_867 = arith.addf %get3A_834, %get3A_840 : vector<16xf32>
        %add3A_868 = arith.addf %get3A_846, %get3A_852 : vector<16xf32>
        %add3A_869 = arith.addf %get3A_858, %get3A_864 : vector<16xf32>
        %add3A_870 = arith.addf %add3A_865, %add3A_866 : vector<16xf32>
        %add3A_871 = arith.addf %add3A_867, %add3A_868 : vector<16xf32>
        %add3A_872 = arith.addf %add3A_870, %add3A_871 : vector<16xf32>
        %add3A_873 = arith.addf %add3A_872, %add3A_869 : vector<16xf32>
        %swap3A_874 = arith.index_cast %scan3A_584 : i32 to index
        %swap3A_875 = arith.constant 48 : index
        %swap3A_876 = tpu.vector_load %arg15[%swap3A_874, %swap3A_875] {strides = array<i32>} : memref<32x128xf32, #tpu.memory_space<vmem>>, vector<1x16xf32>,
        %swap3A_877 = vector.shape_cast %swap3A_876 : vector<1x16xf32> to vector<16xf32>
        %swap3A_878 = vector.shape_cast %add3A_873 : vector<16xf32> to vector<1x16xf32>
        tpu.vector_store %arg15[%swap3A_874, %swap3A_875], %swap3A_878 {strides = array<i32>} : memref<32x128xf32, #tpu.memory_space<vmem>>, vector<1x16xf32>,
        %add3A_879 = arith.constant 0 : i32
        %add3A_880 = arith.addi %add3A_879, %scan3A_584 : i32
        %get3A_881 = arith.index_cast %add3A_880 : i32 to index
        %get3A_882 = arith.constant 64 : index
        %get3A_883 = tpu.vector_load %arg11[%get3A_881, %get3A_882] {strides = array<i32>} : memref<320x128xf32, #tpu.memory_space<vmem>>, vector<1x16xf32>,
        %get3A_884 = vector.shape_cast %get3A_883 : vector<1x16xf32> to vector<16xf32>
        %add3A_885 = arith.constant 32 : i32
        %add3A_886 = arith.addi %add3A_885, %scan3A_584 : i32
        %get3A_887 = arith.index_cast %add3A_886 : i32 to index
        %get3A_888 = arith.constant 64 : index
        %get3A_889 = tpu.vector_load %arg11[%get3A_887, %get3A_888] {strides = array<i32>} : memref<320x128xf32, #tpu.memory_space<vmem>>, vector<1x16xf32>,
        %get3A_890 = vector.shape_cast %get3A_889 : vector<1x16xf32> to vector<16xf32>
        %add3A_891 = arith.constant 64 : i32
        %add3A_892 = arith.addi %add3A_891, %scan3A_584 : i32
        %get3A_893 = arith.index_cast %add3A_892 : i32 to index
        %get3A_894 = arith.constant 64 : index
        %get3A_895 = tpu.vector_load %arg11[%get3A_893, %get3A_894] {strides = array<i32>} : memref<320x128xf32, #tpu.memory_space<vmem>>, vector<1x16xf32>,
        %get3A_896 = vector.shape_cast %get3A_895 : vector<1x16xf32> to vector<16xf32>
        %add3A_897 = arith.constant 96 : i32
        %add3A_898 = arith.addi %add3A_897, %scan3A_584 : i32
        %get3A_899 = arith.index_cast %add3A_898 : i32 to index
        %get3A_900 = arith.constant 64 : index
        %get3A_901 = tpu.vector_load %arg11[%get3A_899, %get3A_900] {strides = array<i32>} : memref<320x128xf32, #tpu.memory_space<vmem>>, vector<1x16xf32>,
        %get3A_902 = vector.shape_cast %get3A_901 : vector<1x16xf32> to vector<16xf32>
        %add3A_903 = arith.constant 128 : i32
        %add3A_904 = arith.addi %add3A_903, %scan3A_584 : i32
        %get3A_905 = arith.index_cast %add3A_904 : i32 to index
        %get3A_906 = arith.constant 64 : index
        %get3A_907 = tpu.vector_load %arg11[%get3A_905, %get3A_906] {strides = array<i32>} : memref<320x128xf32, #tpu.memory_space<vmem>>, vector<1x16xf32>,
        %get3A_908 = vector.shape_cast %get3A_907 : vector<1x16xf32> to vector<16xf32>
        %add3A_909 = arith.constant 160 : i32
        %add3A_910 = arith.addi %add3A_909, %scan3A_584 : i32
        %get3A_911 = arith.index_cast %add3A_910 : i32 to index
        %get3A_912 = arith.constant 64 : index
        %get3A_913 = tpu.vector_load %arg11[%get3A_911, %get3A_912] {strides = array<i32>} : memref<320x128xf32, #tpu.memory_space<vmem>>, vector<1x16xf32>,
        %get3A_914 = vector.shape_cast %get3A_913 : vector<1x16xf32> to vector<16xf32>
        %add3A_915 = arith.constant 192 : i32
        %add3A_916 = arith.addi %add3A_915, %scan3A_584 : i32
        %get3A_917 = arith.index_cast %add3A_916 : i32 to index
        %get3A_918 = arith.constant 64 : index
        %get3A_919 = tpu.vector_load %arg11[%get3A_917, %get3A_918] {strides = array<i32>} : memref<320x128xf32, #tpu.memory_space<vmem>>, vector<1x16xf32>,
        %get3A_920 = vector.shape_cast %get3A_919 : vector<1x16xf32> to vector<16xf32>
        %add3A_921 = arith.constant 224 : i32
        %add3A_922 = arith.addi %add3A_921, %scan3A_584 : i32
        %get3A_923 = arith.index_cast %add3A_922 : i32 to index
        %get3A_924 = arith.constant 64 : index
        %get3A_925 = tpu.vector_load %arg11[%get3A_923, %get3A_924] {strides = array<i32>} : memref<320x128xf32, #tpu.memory_space<vmem>>, vector<1x16xf32>,
        %get3A_926 = vector.shape_cast %get3A_925 : vector<1x16xf32> to vector<16xf32>
        %add3A_927 = arith.constant 256 : i32
        %add3A_928 = arith.addi %add3A_927, %scan3A_584 : i32
        %get3A_929 = arith.index_cast %add3A_928 : i32 to index
        %get3A_930 = arith.constant 64 : index
        %get3A_931 = tpu.vector_load %arg11[%get3A_929, %get3A_930] {strides = array<i32>} : memref<320x128xf32, #tpu.memory_space<vmem>>, vector<1x16xf32>,
        %get3A_932 = vector.shape_cast %get3A_931 : vector<1x16xf32> to vector<16xf32>
        %add3A_933 = arith.constant 288 : i32
        %add3A_934 = arith.addi %add3A_933, %scan3A_584 : i32
        %get3A_935 = arith.index_cast %add3A_934 : i32 to index
        %get3A_936 = arith.constant 64 : index
        %get3A_937 = tpu.vector_load %arg11[%get3A_935, %get3A_936] {strides = array<i32>} : memref<320x128xf32, #tpu.memory_space<vmem>>, vector<1x16xf32>,
        %get3A_938 = vector.shape_cast %get3A_937 : vector<1x16xf32> to vector<16xf32>
        %add3A_939 = arith.addf %get3A_884, %get3A_890 : vector<16xf32>
        %add3A_940 = arith.addf %get3A_896, %get3A_902 : vector<16xf32>
        %add3A_941 = arith.addf %get3A_908, %get3A_914 : vector<16xf32>
        %add3A_942 = arith.addf %get3A_920, %get3A_926 : vector<16xf32>
        %add3A_943 = arith.addf %get3A_932, %get3A_938 : vector<16xf32>
        %add3A_944 = arith.addf %add3A_939, %add3A_940 : vector<16xf32>
        %add3A_945 = arith.addf %add3A_941, %add3A_942 : vector<16xf32>
        %add3A_946 = arith.addf %add3A_944, %add3A_945 : vector<16xf32>
        %add3A_947 = arith.addf %add3A_946, %add3A_943 : vector<16xf32>
        %swap3A_948 = arith.index_cast %scan3A_584 : i32 to index
        %swap3A_949 = arith.constant 64 : index
        %swap3A_950 = tpu.vector_load %arg15[%swap3A_948, %swap3A_949] {strides = array<i32>} : memref<32x128xf32, #tpu.memory_space<vmem>>, vector<1x16xf32>,
        %swap3A_951 = vector.shape_cast %swap3A_950 : vector<1x16xf32> to vector<16xf32>
        %swap3A_952 = vector.shape_cast %add3A_947 : vector<16xf32> to vector<1x16xf32>
        tpu.vector_store %arg15[%swap3A_948, %swap3A_949], %swap3A_952 {strides = array<i32>} : memref<32x128xf32, #tpu.memory_space<vmem>>, vector<1x16xf32>,
        %add3A_953 = arith.constant 0 : i32
        %add3A_954 = arith.addi %add3A_953, %scan3A_584 : i32
        %get3A_955 = arith.index_cast %add3A_954 : i32 to index
        %get3A_956 = arith.constant 80 : index
        %get3A_957 = tpu.vector_load %arg11[%get3A_955, %get3A_956] {strides = array<i32>} : memref<320x128xf32, #tpu.memory_space<vmem>>, vector<1x16xf32>,
        %get3A_958 = vector.shape_cast %get3A_957 : vector<1x16xf32> to vector<16xf32>
        %add3A_959 = arith.constant 32 : i32
        %add3A_960 = arith.addi %add3A_959, %scan3A_584 : i32
        %get3A_961 = arith.index_cast %add3A_960 : i32 to index
        %get3A_962 = arith.constant 80 : index
        %get3A_963 = tpu.vector_load %arg11[%get3A_961, %get3A_962] {strides = array<i32>} : memref<320x128xf32, #tpu.memory_space<vmem>>, vector<1x16xf32>,
        %get3A_964 = vector.shape_cast %get3A_963 : vector<1x16xf32> to vector<16xf32>
        %add3A_965 = arith.constant 64 : i32
        %add3A_966 = arith.addi %add3A_965, %scan3A_584 : i32
        %get3A_967 = arith.index_cast %add3A_966 : i32 to index
        %get3A_968 = arith.constant 80 : index
        %get3A_969 = tpu.vector_load %arg11[%get3A_967, %get3A_968] {strides = array<i32>} : memref<320x128xf32, #tpu.memory_space<vmem>>, vector<1x16xf32>,
        %get3A_970 = vector.shape_cast %get3A_969 : vector<1x16xf32> to vector<16xf32>
        %add3A_971 = arith.constant 96 : i32
        %add3A_972 = arith.addi %add3A_971, %scan3A_584 : i32
        %get3A_973 = arith.index_cast %add3A_972 : i32 to index
        %get3A_974 = arith.constant 80 : index
        %get3A_975 = tpu.vector_load %arg11[%get3A_973, %get3A_974] {strides = array<i32>} : memref<320x128xf32, #tpu.memory_space<vmem>>, vector<1x16xf32>,
        %get3A_976 = vector.shape_cast %get3A_975 : vector<1x16xf32> to vector<16xf32>
        %add3A_977 = arith.constant 128 : i32
        %add3A_978 = arith.addi %add3A_977, %scan3A_584 : i32
        %get3A_979 = arith.index_cast %add3A_978 : i32 to index
        %get3A_980 = arith.constant 80 : index
        %get3A_981 = tpu.vector_load %arg11[%get3A_979, %get3A_980] {strides = array<i32>} : memref<320x128xf32, #tpu.memory_space<vmem>>, vector<1x16xf32>,
        %get3A_982 = vector.shape_cast %get3A_981 : vector<1x16xf32> to vector<16xf32>
        %add3A_983 = arith.constant 160 : i32
        %add3A_984 = arith.addi %add3A_983, %scan3A_584 : i32
        %get3A_985 = arith.index_cast %add3A_984 : i32 to index
        %get3A_986 = arith.constant 80 : index
        %get3A_987 = tpu.vector_load %arg11[%get3A_985, %get3A_986] {strides = array<i32>} : memref<320x128xf32, #tpu.memory_space<vmem>>, vector<1x16xf32>,
        %get3A_988 = vector.shape_cast %get3A_987 : vector<1x16xf32> to vector<16xf32>
        %add3A_989 = arith.constant 192 : i32
        %add3A_990 = arith.addi %add3A_989, %scan3A_584 : i32
        %get3A_991 = arith.index_cast %add3A_990 : i32 to index
        %get3A_992 = arith.constant 80 : index
        %get3A_993 = tpu.vector_load %arg11[%get3A_991, %get3A_992] {strides = array<i32>} : memref<320x128xf32, #tpu.memory_space<vmem>>, vector<1x16xf32>,
        %get3A_994 = vector.shape_cast %get3A_993 : vector<1x16xf32> to vector<16xf32>
        %add3A_995 = arith.constant 224 : i32
        %add3A_996 = arith.addi %add3A_995, %scan3A_584 : i32
        %get3A_997 = arith.index_cast %add3A_996 : i32 to index
        %get3A_998 = arith.constant 80 : index
        %get3A_999 = tpu.vector_load %arg11[%get3A_997, %get3A_998] {strides = array<i32>} : memref<320x128xf32, #tpu.memory_space<vmem>>, vector<1x16xf32>,
        %get3A_1000 = vector.shape_cast %get3A_999 : vector<1x16xf32> to vector<16xf32>
        %add3A_1001 = arith.constant 256 : i32
        %add3A_1002 = arith.addi %add3A_1001, %scan3A_584 : i32
        %get3A_1003 = arith.index_cast %add3A_1002 : i32 to index
        %get3A_1004 = arith.constant 80 : index
        %get3A_1005 = tpu.vector_load %arg11[%get3A_1003, %get3A_1004] {strides = array<i32>} : memref<320x128xf32, #tpu.memory_space<vmem>>, vector<1x16xf32>,
        %get3A_1006 = vector.shape_cast %get3A_1005 : vector<1x16xf32> to vector<16xf32>
        %add3A_1007 = arith.constant 288 : i32
        %add3A_1008 = arith.addi %add3A_1007, %scan3A_584 : i32
        %get3A_1009 = arith.index_cast %add3A_1008 : i32 to index
        %get3A_1010 = arith.constant 80 : index
        %get3A_1011 = tpu.vector_load %arg11[%get3A_1009, %get3A_1010] {strides = array<i32>} : memref<320x128xf32, #tpu.memory_space<vmem>>, vector<1x16xf32>,
        %get3A_1012 = vector.shape_cast %get3A_1011 : vector<1x16xf32> to vector<16xf32>
        %add3A_1013 = arith.addf %get3A_958, %get3A_964 : vector<16xf32>
        %add3A_1014 = arith.addf %get3A_970, %get3A_976 : vector<16xf32>
        %add3A_1015 = arith.addf %get3A_982, %get3A_988 : vector<16xf32>
        %add3A_1016 = arith.addf %get3A_994, %get3A_1000 : vector<16xf32>
        %add3A_1017 = arith.addf %get3A_1006, %get3A_1012 : vector<16xf32>
        %add3A_1018 = arith.addf %add3A_1013, %add3A_1014 : vector<16xf32>
        %add3A_1019 = arith.addf %add3A_1015, %add3A_1016 : vector<16xf32>
        %add3A_1020 = arith.addf %add3A_1018, %add3A_1019 : vector<16xf32>
        %add3A_1021 = arith.addf %add3A_1020, %add3A_1017 : vector<16xf32>
        %swap3A_1022 = arith.index_cast %scan3A_584 : i32 to index
        %swap3A_1023 = arith.constant 80 : index
        %swap3A_1024 = tpu.vector_load %arg15[%swap3A_1022, %swap3A_1023] {strides = array<i32>} : memref<32x128xf32, #tpu.memory_space<vmem>>, vector<1x16xf32>,
        %swap3A_1025 = vector.shape_cast %swap3A_1024 : vector<1x16xf32> to vector<16xf32>
        %swap3A_1026 = vector.shape_cast %add3A_1021 : vector<16xf32> to vector<1x16xf32>
        tpu.vector_store %arg15[%swap3A_1022, %swap3A_1023], %swap3A_1026 {strides = array<i32>} : memref<32x128xf32, #tpu.memory_space<vmem>>, vector<1x16xf32>,
        %add3A_1027 = arith.constant 0 : i32
        %add3A_1028 = arith.addi %add3A_1027, %scan3A_584 : i32
        %get3A_1029 = arith.index_cast %add3A_1028 : i32 to index
        %get3A_1030 = arith.constant 96 : index
        %get3A_1031 = tpu.vector_load %arg11[%get3A_1029, %get3A_1030] {strides = array<i32>} : memref<320x128xf32, #tpu.memory_space<vmem>>, vector<1x16xf32>,
        %get3A_1032 = vector.shape_cast %get3A_1031 : vector<1x16xf32> to vector<16xf32>
        %add3A_1033 = arith.constant 32 : i32
        %add3A_1034 = arith.addi %add3A_1033, %scan3A_584 : i32
        %get3A_1035 = arith.index_cast %add3A_1034 : i32 to index
        %get3A_1036 = arith.constant 96 : index
        %get3A_1037 = tpu.vector_load %arg11[%get3A_1035, %get3A_1036] {strides = array<i32>} : memref<320x128xf32, #tpu.memory_space<vmem>>, vector<1x16xf32>,
        %get3A_1038 = vector.shape_cast %get3A_1037 : vector<1x16xf32> to vector<16xf32>
        %add3A_1039 = arith.constant 64 : i32
        %add3A_1040 = arith.addi %add3A_1039, %scan3A_584 : i32
        %get3A_1041 = arith.index_cast %add3A_1040 : i32 to index
        %get3A_1042 = arith.constant 96 : index
        %get3A_1043 = tpu.vector_load %arg11[%get3A_1041, %get3A_1042] {strides = array<i32>} : memref<320x128xf32, #tpu.memory_space<vmem>>, vector<1x16xf32>,
        %get3A_1044 = vector.shape_cast %get3A_1043 : vector<1x16xf32> to vector<16xf32>
        %add3A_1045 = arith.constant 96 : i32
        %add3A_1046 = arith.addi %add3A_1045, %scan3A_584 : i32
        %get3A_1047 = arith.index_cast %add3A_1046 : i32 to index
        %get3A_1048 = arith.constant 96 : index
        %get3A_1049 = tpu.vector_load %arg11[%get3A_1047, %get3A_1048] {strides = array<i32>} : memref<320x128xf32, #tpu.memory_space<vmem>>, vector<1x16xf32>,
        %get3A_1050 = vector.shape_cast %get3A_1049 : vector<1x16xf32> to vector<16xf32>
        %add3A_1051 = arith.constant 128 : i32
        %add3A_1052 = arith.addi %add3A_1051, %scan3A_584 : i32
        %get3A_1053 = arith.index_cast %add3A_1052 : i32 to index
        %get3A_1054 = arith.constant 96 : index
        %get3A_1055 = tpu.vector_load %arg11[%get3A_1053, %get3A_1054] {strides = array<i32>} : memref<320x128xf32, #tpu.memory_space<vmem>>, vector<1x16xf32>,
        %get3A_1056 = vector.shape_cast %get3A_1055 : vector<1x16xf32> to vector<16xf32>
        %add3A_1057 = arith.constant 160 : i32
        %add3A_1058 = arith.addi %add3A_1057, %scan3A_584 : i32
        %get3A_1059 = arith.index_cast %add3A_1058 : i32 to index
        %get3A_1060 = arith.constant 96 : index
        %get3A_1061 = tpu.vector_load %arg11[%get3A_1059, %get3A_1060] {strides = array<i32>} : memref<320x128xf32, #tpu.memory_space<vmem>>, vector<1x16xf32>,
        %get3A_1062 = vector.shape_cast %get3A_1061 : vector<1x16xf32> to vector<16xf32>
        %add3A_1063 = arith.constant 192 : i32
        %add3A_1064 = arith.addi %add3A_1063, %scan3A_584 : i32
        %get3A_1065 = arith.index_cast %add3A_1064 : i32 to index
        %get3A_1066 = arith.constant 96 : index
        %get3A_1067 = tpu.vector_load %arg11[%get3A_1065, %get3A_1066] {strides = array<i32>} : memref<320x128xf32, #tpu.memory_space<vmem>>, vector<1x16xf32>,
        %get3A_1068 = vector.shape_cast %get3A_1067 : vector<1x16xf32> to vector<16xf32>
        %add3A_1069 = arith.constant 224 : i32
        %add3A_1070 = arith.addi %add3A_1069, %scan3A_584 : i32
        %get3A_1071 = arith.index_cast %add3A_1070 : i32 to index
        %get3A_1072 = arith.constant 96 : index
        %get3A_1073 = tpu.vector_load %arg11[%get3A_1071, %get3A_1072] {strides = array<i32>} : memref<320x128xf32, #tpu.memory_space<vmem>>, vector<1x16xf32>,
        %get3A_1074 = vector.shape_cast %get3A_1073 : vector<1x16xf32> to vector<16xf32>
        %add3A_1075 = arith.constant 256 : i32
        %add3A_1076 = arith.addi %add3A_1075, %scan3A_584 : i32
        %get3A_1077 = arith.index_cast %add3A_1076 : i32 to index
        %get3A_1078 = arith.constant 96 : index
        %get3A_1079 = tpu.vector_load %arg11[%get3A_1077, %get3A_1078] {strides = array<i32>} : memref<320x128xf32, #tpu.memory_space<vmem>>, vector<1x16xf32>,
        %get3A_1080 = vector.shape_cast %get3A_1079 : vector<1x16xf32> to vector<16xf32>
        %add3A_1081 = arith.constant 288 : i32
        %add3A_1082 = arith.addi %add3A_1081, %scan3A_584 : i32
        %get3A_1083 = arith.index_cast %add3A_1082 : i32 to index
        %get3A_1084 = arith.constant 96 : index
        %get3A_1085 = tpu.vector_load %arg11[%get3A_1083, %get3A_1084] {strides = array<i32>} : memref<320x128xf32, #tpu.memory_space<vmem>>, vector<1x16xf32>,
        %get3A_1086 = vector.shape_cast %get3A_1085 : vector<1x16xf32> to vector<16xf32>
        %add3A_1087 = arith.addf %get3A_1032, %get3A_1038 : vector<16xf32>
        %add3A_1088 = arith.addf %get3A_1044, %get3A_1050 : vector<16xf32>
        %add3A_1089 = arith.addf %get3A_1056, %get3A_1062 : vector<16xf32>
        %add3A_1090 = arith.addf %get3A_1068, %get3A_1074 : vector<16xf32>
        %add3A_1091 = arith.addf %get3A_1080, %get3A_1086 : vector<16xf32>
        %add3A_1092 = arith.addf %add3A_1087, %add3A_1088 : vector<16xf32>
        %add3A_1093 = arith.addf %add3A_1089, %add3A_1090 : vector<16xf32>
        %add3A_1094 = arith.addf %add3A_1092, %add3A_1093 : vector<16xf32>
        %add3A_1095 = arith.addf %add3A_1094, %add3A_1091 : vector<16xf32>
        %swap3A_1096 = arith.index_cast %scan3A_584 : i32 to index
        %swap3A_1097 = arith.constant 96 : index
        %swap3A_1098 = tpu.vector_load %arg15[%swap3A_1096, %swap3A_1097] {strides = array<i32>} : memref<32x128xf32, #tpu.memory_space<vmem>>, vector<1x16xf32>,
        %swap3A_1099 = vector.shape_cast %swap3A_1098 : vector<1x16xf32> to vector<16xf32>
        %swap3A_1100 = vector.shape_cast %add3A_1095 : vector<16xf32> to vector<1x16xf32>
        tpu.vector_store %arg15[%swap3A_1096, %swap3A_1097], %swap3A_1100 {strides = array<i32>} : memref<32x128xf32, #tpu.memory_space<vmem>>, vector<1x16xf32>,
        %add3A_1101 = arith.constant 0 : i32
        %add3A_1102 = arith.addi %add3A_1101, %scan3A_584 : i32
        %get3A_1103 = arith.index_cast %add3A_1102 : i32 to index
        %get3A_1104 = arith.constant 112 : index
        %get3A_1105 = tpu.vector_load %arg11[%get3A_1103, %get3A_1104] {strides = array<i32>} : memref<320x128xf32, #tpu.memory_space<vmem>>, vector<1x16xf32>,
        %get3A_1106 = vector.shape_cast %get3A_1105 : vector<1x16xf32> to vector<16xf32>
        %add3A_1107 = arith.constant 32 : i32
        %add3A_1108 = arith.addi %add3A_1107, %scan3A_584 : i32
        %get3A_1109 = arith.index_cast %add3A_1108 : i32 to index
        %get3A_1110 = arith.constant 112 : index
        %get3A_1111 = tpu.vector_load %arg11[%get3A_1109, %get3A_1110] {strides = array<i32>} : memref<320x128xf32, #tpu.memory_space<vmem>>, vector<1x16xf32>,
        %get3A_1112 = vector.shape_cast %get3A_1111 : vector<1x16xf32> to vector<16xf32>
        %add3A_1113 = arith.constant 64 : i32
        %add3A_1114 = arith.addi %add3A_1113, %scan3A_584 : i32
        %get3A_1115 = arith.index_cast %add3A_1114 : i32 to index
        %get3A_1116 = arith.constant 112 : index
        %get3A_1117 = tpu.vector_load %arg11[%get3A_1115, %get3A_1116] {strides = array<i32>} : memref<320x128xf32, #tpu.memory_space<vmem>>, vector<1x16xf32>,
        %get3A_1118 = vector.shape_cast %get3A_1117 : vector<1x16xf32> to vector<16xf32>
        %add3A_1119 = arith.constant 96 : i32
        %add3A_1120 = arith.addi %add3A_1119, %scan3A_584 : i32
        %get3A_1121 = arith.index_cast %add3A_1120 : i32 to index
        %get3A_1122 = arith.constant 112 : index
        %get3A_1123 = tpu.vector_load %arg11[%get3A_1121, %get3A_1122] {strides = array<i32>} : memref<320x128xf32, #tpu.memory_space<vmem>>, vector<1x16xf32>,
        %get3A_1124 = vector.shape_cast %get3A_1123 : vector<1x16xf32> to vector<16xf32>
        %add3A_1125 = arith.constant 128 : i32
        %add3A_1126 = arith.addi %add3A_1125, %scan3A_584 : i32
        %get3A_1127 = arith.index_cast %add3A_1126 : i32 to index
        %get3A_1128 = arith.constant 112 : index
        %get3A_1129 = tpu.vector_load %arg11[%get3A_1127, %get3A_1128] {strides = array<i32>} : memref<320x128xf32, #tpu.memory_space<vmem>>, vector<1x16xf32>,
        %get3A_1130 = vector.shape_cast %get3A_1129 : vector<1x16xf32> to vector<16xf32>
        %add3A_1131 = arith.constant 160 : i32
        %add3A_1132 = arith.addi %add3A_1131, %scan3A_584 : i32
        %get3A_1133 = arith.index_cast %add3A_1132 : i32 to index
        %get3A_1134 = arith.constant 112 : index
        %get3A_1135 = tpu.vector_load %arg11[%get3A_1133, %get3A_1134] {strides = array<i32>} : memref<320x128xf32, #tpu.memory_space<vmem>>, vector<1x16xf32>,
        %get3A_1136 = vector.shape_cast %get3A_1135 : vector<1x16xf32> to vector<16xf32>
        %add3A_1137 = arith.constant 192 : i32
        %add3A_1138 = arith.addi %add3A_1137, %scan3A_584 : i32
        %get3A_1139 = arith.index_cast %add3A_1138 : i32 to index
        %get3A_1140 = arith.constant 112 : index
        %get3A_1141 = tpu.vector_load %arg11[%get3A_1139, %get3A_1140] {strides = array<i32>} : memref<320x128xf32, #tpu.memory_space<vmem>>, vector<1x16xf32>,
        %get3A_1142 = vector.shape_cast %get3A_1141 : vector<1x16xf32> to vector<16xf32>
        %add3A_1143 = arith.constant 224 : i32
        %add3A_1144 = arith.addi %add3A_1143, %scan3A_584 : i32
        %get3A_1145 = arith.index_cast %add3A_1144 : i32 to index
        %get3A_1146 = arith.constant 112 : index
        %get3A_1147 = tpu.vector_load %arg11[%get3A_1145, %get3A_1146] {strides = array<i32>} : memref<320x128xf32, #tpu.memory_space<vmem>>, vector<1x16xf32>,
        %get3A_1148 = vector.shape_cast %get3A_1147 : vector<1x16xf32> to vector<16xf32>
        %add3A_1149 = arith.constant 256 : i32
        %add3A_1150 = arith.addi %add3A_1149, %scan3A_584 : i32
        %get3A_1151 = arith.index_cast %add3A_1150 : i32 to index
        %get3A_1152 = arith.constant 112 : index
        %get3A_1153 = tpu.vector_load %arg11[%get3A_1151, %get3A_1152] {strides = array<i32>} : memref<320x128xf32, #tpu.memory_space<vmem>>, vector<1x16xf32>,
        %get3A_1154 = vector.shape_cast %get3A_1153 : vector<1x16xf32> to vector<16xf32>
        %add3A_1155 = arith.constant 288 : i32
        %add3A_1156 = arith.addi %add3A_1155, %scan3A_584 : i32
        %get3A_1157 = arith.index_cast %add3A_1156 : i32 to index
        %get3A_1158 = arith.constant 112 : index
        %get3A_1159 = tpu.vector_load %arg11[%get3A_1157, %get3A_1158] {strides = array<i32>} : memref<320x128xf32, #tpu.memory_space<vmem>>, vector<1x16xf32>,
        %get3A_1160 = vector.shape_cast %get3A_1159 : vector<1x16xf32> to vector<16xf32>
        %add3A_1161 = arith.addf %get3A_1106, %get3A_1112 : vector<16xf32>
        %add3A_1162 = arith.addf %get3A_1118, %get3A_1124 : vector<16xf32>
        %add3A_1163 = arith.addf %get3A_1130, %get3A_1136 : vector<16xf32>
        %add3A_1164 = arith.addf %get3A_1142, %get3A_1148 : vector<16xf32>
        %add3A_1165 = arith.addf %get3A_1154, %get3A_1160 : vector<16xf32>
        %add3A_1166 = arith.addf %add3A_1161, %add3A_1162 : vector<16xf32>
        %add3A_1167 = arith.addf %add3A_1163, %add3A_1164 : vector<16xf32>
        %add3A_1168 = arith.addf %add3A_1166, %add3A_1167 : vector<16xf32>
        %add3A_1169 = arith.addf %add3A_1168, %add3A_1165 : vector<16xf32>
        %swap3A_1170 = arith.index_cast %scan3A_584 : i32 to index
        %swap3A_1171 = arith.constant 112 : index
        %swap3A_1172 = tpu.vector_load %arg15[%swap3A_1170, %swap3A_1171] {strides = array<i32>} : memref<32x128xf32, #tpu.memory_space<vmem>>, vector<1x16xf32>,
        %swap3A_1173 = vector.shape_cast %swap3A_1172 : vector<1x16xf32> to vector<16xf32>
        %swap3A_1174 = vector.shape_cast %add3A_1169 : vector<16xf32> to vector<1x16xf32>
        tpu.vector_store %arg15[%swap3A_1170, %swap3A_1171], %swap3A_1174 {strides = array<i32>} : memref<32x128xf32, #tpu.memory_space<vmem>>, vector<1x16xf32>,
      }
      %scan3A_473 = arith.constant 32 : i32
      %mul3A_474 = arith.constant 49 : i32
      %mul3A_475 = arith.muli %add3A, %mul3A_474 : i32
      %add3A_476 = arith.addi %mul3A_475, %mul3A_390 : i32
      %mul3A_477 = arith.constant 32 : i32
      %mul3A_478 = arith.muli %add3A_476, %mul3A_477 : i32
      %dma_start3A_479 = arith.constant 0 : i32
      %dma_start3A_480 = tpu.memref_slice %arg5[%mul3A_478, %dma_start3A_479] : memref<50176x128xf32, #tpu.memory_space<hbm>> -> memref<32x128xf32, #tpu.memory_space<hbm>>
      %dma_start3A_481 = arith.constant 0 : i32
      %dma_start3A_482 = tpu.memref_slice %arg5[%mul3A_478, %dma_start3A_481] : memref<50176x128xf32, #tpu.memory_space<hbm>> -> memref<32x128xf32, #tpu.memory_space<hbm>>
      tpu.enqueue_dma source(%arg13 : memref<32x128xf32, #tpu.memory_space<vmem>>) target(%dma_start3A_482 : memref<32x128xf32, #tpu.memory_space<hbm>>) target_semaphore(%arg21 : memref<!tpu.dma_semaphore, #tpu.memory_space<semaphore_mem>>)
      %dma_start3A_483 = arith.constant 0 : i32
      %dma_start3A_484 = tpu.memref_slice %arg6[%mul3A_478, %dma_start3A_483] : memref<50176x128xf32, #tpu.memory_space<hbm>> -> memref<32x128xf32, #tpu.memory_space<hbm>>
      %dma_start3A_485 = arith.constant 0 : i32
      %dma_start3A_486 = tpu.memref_slice %arg6[%mul3A_478, %dma_start3A_485] : memref<50176x128xf32, #tpu.memory_space<hbm>> -> memref<32x128xf32, #tpu.memory_space<hbm>>
      tpu.enqueue_dma source(%arg15 : memref<32x128xf32, #tpu.memory_space<vmem>>) target(%dma_start3A_486 : memref<32x128xf32, #tpu.memory_space<hbm>>) target_semaphore(%arg21 : memref<!tpu.dma_semaphore, #tpu.memory_space<semaphore_mem>>)
      %mul3A_487 = arith.constant 49 : i32
      %mul3A_488 = arith.muli %add3A, %mul3A_487 : i32
      %add3A_489 = arith.addi %mul3A_488, %mul3A_390 : i32
      %mul3A_490 = arith.constant 32 : i32
      %mul3A_491 = arith.muli %add3A_489, %mul3A_490 : i32
      %dma_wait3A_492 = arith.constant 0 : i32
      %dma_wait3A_493 = tpu.memref_slice %arg5[%mul3A_491, %dma_wait3A_492] : memref<50176x128xf32, #tpu.memory_space<hbm>> -> memref<32x128xf32, #tpu.memory_space<hbm>>
      %dma_wait3A_494 = arith.constant 0 : i32
      %dma_wait3A_495 = tpu.memref_slice %arg5[%mul3A_491, %dma_wait3A_494] : memref<50176x128xf32, #tpu.memory_space<hbm>> -> memref<32x128xf32, #tpu.memory_space<hbm>>
      tpu.wait_dma2 semaphore(%arg21 : memref<!tpu.dma_semaphore, #tpu.memory_space<semaphore_mem>>) src(%arg13 : memref<32x128xf32, #tpu.memory_space<vmem>>) dst(%dma_wait3A_495 : memref<32x128xf32, #tpu.memory_space<hbm>>)
      %dma_wait3A_496 = arith.constant 0 : i32
      %dma_wait3A_497 = tpu.memref_slice %arg6[%mul3A_491, %dma_wait3A_496] : memref<50176x128xf32, #tpu.memory_space<hbm>> -> memref<32x128xf32, #tpu.memory_space<hbm>>
      %dma_wait3A_498 = arith.constant 0 : i32
      %dma_wait3A_499 = tpu.memref_slice %arg6[%mul3A_491, %dma_wait3A_498] : memref<50176x128xf32, #tpu.memory_space<hbm>> -> memref<32x128xf32, #tpu.memory_space<hbm>>
      tpu.wait_dma2 semaphore(%arg21 : memref<!tpu.dma_semaphore, #tpu.memory_space<semaphore_mem>>) src(%arg15 : memref<32x128xf32, #tpu.memory_space<vmem>>) dst(%dma_wait3A_499 : memref<32x128xf32, #tpu.memory_space<hbm>>)
      %add3A_500 = arith.constant 2 : i32
      %add3A_501 = arith.addi %mul3A_390, %add3A_500 : i32
      %mul3A_502 = arith.constant 49 : i32
      %mul3A_503 = arith.muli %add3A, %mul3A_502 : i32
      %add3A_504 = arith.addi %mul3A_503, %add3A_501 : i32
      %mul3A_505 = arith.constant 32 : i32
      %mul3A_506 = arith.muli %add3A_504, %mul3A_505 : i32
      "tpu.region"() ({
        %run_scoped3A = tpu.sem_alloc : memref<!tpu.dma_semaphore, #tpu.memory_space<semaphore_mem>>
        %dma_start3A_584 = tpu.memref_slice %arg3[%mul3A_506] : memref<50240xi32, #tpu.memory_space<hbm>> -> memref<32xi32, #tpu.memory_space<hbm>>
        %dma_start3A_585 = tpu.memref_slice %arg3[%mul3A_506] : memref<50240xi32, #tpu.memory_space<hbm>> -> memref<32xi32, #tpu.memory_space<hbm>>
        tpu.enqueue_dma source(%dma_start3A_585 : memref<32xi32, #tpu.memory_space<hbm>>) target(%arg9 : memref<32xi32, #tpu.memory_space<vmem>>) target_semaphore(%run_scoped3A : memref<!tpu.dma_semaphore, #tpu.memory_space<semaphore_mem>>)
        %dma_wait3A_586 = tpu.memref_slice %arg3[%mul3A_506] : memref<50240xi32, #tpu.memory_space<hbm>> -> memref<32xi32, #tpu.memory_space<hbm>>
        %dma_wait3A_587 = tpu.memref_slice %arg3[%mul3A_506] : memref<50240xi32, #tpu.memory_space<hbm>> -> memref<32xi32, #tpu.memory_space<hbm>>
        tpu.wait_dma2 semaphore(%run_scoped3A : memref<!tpu.dma_semaphore, #tpu.memory_space<semaphore_mem>>) src(%dma_wait3A_587 : memref<32xi32, #tpu.memory_space<hbm>>) dst(%arg9 : memref<32xi32, #tpu.memory_space<vmem>>)
        tpu.yield
      }) : () -> ()
      %mul3A_507 = arith.constant 10 : i32
      %mul3A_508 = arith.muli %mul3A_506, %mul3A_507 : i32
      "tpu.region"() ({
        %run_scoped3A = tpu.sem_alloc : memref<!tpu.dma_semaphore, #tpu.memory_space<semaphore_mem>>
        %dma_start3A_584 = tpu.memref_slice %arg4[%mul3A_508] : memref<502400xi32, #tpu.memory_space<hbm>> -> memref<320xi32, #tpu.memory_space<hbm>>
        %dma_start3A_585 = tpu.memref_slice %arg4[%mul3A_508] : memref<502400xi32, #tpu.memory_space<hbm>> -> memref<320xi32, #tpu.memory_space<hbm>>
        tpu.enqueue_dma source(%dma_start3A_585 : memref<320xi32, #tpu.memory_space<hbm>>) target(%arg7 : memref<320xi32, #tpu.memory_space<vmem>>) target_semaphore(%run_scoped3A : memref<!tpu.dma_semaphore, #tpu.memory_space<semaphore_mem>>)
        %dma_wait3A_586 = tpu.memref_slice %arg4[%mul3A_508] : memref<502400xi32, #tpu.memory_space<hbm>> -> memref<320xi32, #tpu.memory_space<hbm>>
        %dma_wait3A_587 = tpu.memref_slice %arg4[%mul3A_508] : memref<502400xi32, #tpu.memory_space<hbm>> -> memref<320xi32, #tpu.memory_space<hbm>>
        tpu.wait_dma2 semaphore(%run_scoped3A : memref<!tpu.dma_semaphore, #tpu.memory_space<semaphore_mem>>) src(%dma_wait3A_587 : memref<320xi32, #tpu.memory_space<hbm>>) dst(%arg7 : memref<320xi32, #tpu.memory_space<vmem>>)
        tpu.yield
      }) : () -> ()
      %dma_start3A_509 = arith.constant 0 : i32
      %dma_start3A_510 = arith.constant 0 : i32
      %dma_start3A_511 = tpu.memref_slice %arg2[%dma_start3A_509, %dma_start3A_510] : memref<100000x128xf32, #tpu.memory_space<hbm>> -> memref<100000x128xf32, #tpu.memory_space<hbm>>
      tpu.enqueue_indirect_dma source(%dma_start3A_511 : memref<100000x128xf32, #tpu.memory_space<hbm>>) target(%arg13 : memref<32x128xf32, #tpu.memory_space<vmem>>) offsets(%arg9 : memref<32xi32, #tpu.memory_space<vmem>>) semaphore(%arg19 : memref<!tpu.dma_semaphore, #tpu.memory_space<semaphore_mem>>)
      %dma_start3A_512 = arith.constant 0 : i32
      %dma_start3A_513 = arith.constant 0 : i32
      %dma_start3A_514 = tpu.memref_slice %arg11[%dma_start3A_512, %dma_start3A_513] : memref<320x128xf32, #tpu.memory_space<vmem>> -> memref<104x128xf32, #tpu.memory_space<vmem>>
      %dma_start3A_515 = arith.constant 0 : i32
      %dma_start3A_516 = tpu.memref_slice %arg7[%dma_start3A_515] : memref<320xi32, #tpu.memory_space<vmem>> -> memref<104xi32, #tpu.memory_space<vmem>>
      %dma_start3A_517 = arith.constant 0 : i32
      %dma_start3A_518 = arith.constant 0 : i32
      %dma_start3A_519 = tpu.memref_slice %arg2[%dma_start3A_517, %dma_start3A_518] : memref<100000x128xf32, #tpu.memory_space<hbm>> -> memref<100000x128xf32, #tpu.memory_space<hbm>>
      tpu.enqueue_indirect_dma source(%dma_start3A_519 : memref<100000x128xf32, #tpu.memory_space<hbm>>) target(%dma_start3A_514 : memref<104x128xf32, #tpu.memory_space<vmem>>) offsets(%dma_start3A_516 : memref<104xi32, #tpu.memory_space<vmem>>) semaphore(%arg17 : memref<!tpu.dma_semaphore, #tpu.memory_space<semaphore_mem>>)
      %dma_start3A_520 = arith.constant 104 : i32
      %dma_start3A_521 = arith.constant 0 : i32
      %dma_start3A_522 = tpu.memref_slice %arg11[%dma_start3A_520, %dma_start3A_521] : memref<320x128xf32, #tpu.memory_space<vmem>> -> memref<104x128xf32, #tpu.memory_space<vmem>>
      %dma_start3A_523 = arith.constant 104 : i32
      %dma_start3A_524 = tpu.memref_slice %arg7[%dma_start3A_523] : memref<320xi32, #tpu.memory_space<vmem>> -> memref<104xi32, #tpu.memory_space<vmem>>
      %dma_start3A_525 = arith.constant 0 : i32
      %dma_start3A_526 = arith.constant 0 : i32
      %dma_start3A_527 = tpu.memref_slice %arg2[%dma_start3A_525, %dma_start3A_526] : memref<100000x128xf32, #tpu.memory_space<hbm>> -> memref<100000x128xf32, #tpu.memory_space<hbm>>
      tpu.enqueue_indirect_dma source(%dma_start3A_527 : memref<100000x128xf32, #tpu.memory_space<hbm>>) target(%dma_start3A_522 : memref<104x128xf32, #tpu.memory_space<vmem>>) offsets(%dma_start3A_524 : memref<104xi32, #tpu.memory_space<vmem>>) semaphore(%arg17 : memref<!tpu.dma_semaphore, #tpu.memory_space<semaphore_mem>>)
      %dma_start3A_528 = arith.constant 208 : i32
      %dma_start3A_529 = arith.constant 0 : i32
      %dma_start3A_530 = tpu.memref_slice %arg11[%dma_start3A_528, %dma_start3A_529] : memref<320x128xf32, #tpu.memory_space<vmem>> -> memref<112x128xf32, #tpu.memory_space<vmem>>
      %dma_start3A_531 = arith.constant 208 : i32
      %dma_start3A_532 = tpu.memref_slice %arg7[%dma_start3A_531] : memref<320xi32, #tpu.memory_space<vmem>> -> memref<112xi32, #tpu.memory_space<vmem>>
      %dma_start3A_533 = arith.constant 0 : i32
      %dma_start3A_534 = arith.constant 0 : i32
      %dma_start3A_535 = tpu.memref_slice %arg2[%dma_start3A_533, %dma_start3A_534] : memref<100000x128xf32, #tpu.memory_space<hbm>> -> memref<100000x128xf32, #tpu.memory_space<hbm>>
      tpu.enqueue_indirect_dma source(%dma_start3A_535 : memref<100000x128xf32, #tpu.memory_space<hbm>>) target(%dma_start3A_530 : memref<112x128xf32, #tpu.memory_space<vmem>>) offsets(%dma_start3A_532 : memref<112xi32, #tpu.memory_space<vmem>>) semaphore(%arg17 : memref<!tpu.dma_semaphore, #tpu.memory_space<semaphore_mem>>)
      %dma_wait3A_536 = arith.constant 0 : i32
      %dma_wait3A_537 = arith.constant 0 : i32
      %dma_wait3A_538 = tpu.memref_slice %arg2[%dma_wait3A_536, %dma_wait3A_537] : memref<100000x128xf32, #tpu.memory_space<hbm>> -> memref<100000x128xf32, #tpu.memory_space<hbm>>
      tpu.wait_indirect_dma semaphore(%arg20 : memref<!tpu.dma_semaphore, #tpu.memory_space<semaphore_mem>>) src(%dma_wait3A_538 : memref<100000x128xf32, #tpu.memory_space<hbm>>) dst(%arg14 : memref<32x128xf32, #tpu.memory_space<vmem>>)
      %dma_wait3A_539 = arith.constant 0 : i32
      %dma_wait3A_540 = arith.constant 0 : i32
      %dma_wait3A_541 = tpu.memref_slice %arg12[%dma_wait3A_539, %dma_wait3A_540] : memref<320x128xf32, #tpu.memory_space<vmem>> -> memref<104x128xf32, #tpu.memory_space<vmem>>
      %dma_wait3A_542 = arith.constant 0 : i32
      %dma_wait3A_543 = tpu.memref_slice %arg8[%dma_wait3A_542] : memref<320xi32, #tpu.memory_space<vmem>> -> memref<104xi32, #tpu.memory_space<vmem>>
      %dma_wait3A_544 = arith.constant 0 : i32
      %dma_wait3A_545 = arith.constant 0 : i32
      %dma_wait3A_546 = tpu.memref_slice %arg2[%dma_wait3A_544, %dma_wait3A_545] : memref<100000x128xf32, #tpu.memory_space<hbm>> -> memref<100000x128xf32, #tpu.memory_space<hbm>>
      tpu.wait_indirect_dma semaphore(%arg18 : memref<!tpu.dma_semaphore, #tpu.memory_space<semaphore_mem>>) src(%dma_wait3A_546 : memref<100000x128xf32, #tpu.memory_space<hbm>>) dst(%dma_wait3A_541 : memref<104x128xf32, #tpu.memory_space<vmem>>)
      %dma_wait3A_547 = arith.constant 104 : i32
      %dma_wait3A_548 = arith.constant 0 : i32
      %dma_wait3A_549 = tpu.memref_slice %arg12[%dma_wait3A_547, %dma_wait3A_548] : memref<320x128xf32, #tpu.memory_space<vmem>> -> memref<104x128xf32, #tpu.memory_space<vmem>>
      %dma_wait3A_550 = arith.constant 104 : i32
      %dma_wait3A_551 = tpu.memref_slice %arg8[%dma_wait3A_550] : memref<320xi32, #tpu.memory_space<vmem>> -> memref<104xi32, #tpu.memory_space<vmem>>
      %dma_wait3A_552 = arith.constant 0 : i32
      %dma_wait3A_553 = arith.constant 0 : i32
      %dma_wait3A_554 = tpu.memref_slice %arg2[%dma_wait3A_552, %dma_wait3A_553] : memref<100000x128xf32, #tpu.memory_space<hbm>> -> memref<100000x128xf32, #tpu.memory_space<hbm>>
      tpu.wait_indirect_dma semaphore(%arg18 : memref<!tpu.dma_semaphore, #tpu.memory_space<semaphore_mem>>) src(%dma_wait3A_554 : memref<100000x128xf32, #tpu.memory_space<hbm>>) dst(%dma_wait3A_549 : memref<104x128xf32, #tpu.memory_space<vmem>>)
      %dma_wait3A_555 = arith.constant 208 : i32
      %dma_wait3A_556 = arith.constant 0 : i32
      %dma_wait3A_557 = tpu.memref_slice %arg12[%dma_wait3A_555, %dma_wait3A_556] : memref<320x128xf32, #tpu.memory_space<vmem>> -> memref<112x128xf32, #tpu.memory_space<vmem>>
      %dma_wait3A_558 = arith.constant 208 : i32
      %dma_wait3A_559 = tpu.memref_slice %arg8[%dma_wait3A_558] : memref<320xi32, #tpu.memory_space<vmem>> -> memref<112xi32, #tpu.memory_space<vmem>>
      %dma_wait3A_560 = arith.constant 0 : i32
      %dma_wait3A_561 = arith.constant 0 : i32
      %dma_wait3A_562 = tpu.memref_slice %arg2[%dma_wait3A_560, %dma_wait3A_561] : memref<100000x128xf32, #tpu.memory_space<hbm>> -> memref<100000x128xf32, #tpu.memory_space<hbm>>
      tpu.wait_indirect_dma semaphore(%arg18 : memref<!tpu.dma_semaphore, #tpu.memory_space<semaphore_mem>>) src(%dma_wait3A_562 : memref<100000x128xf32, #tpu.memory_space<hbm>>) dst(%dma_wait3A_557 : memref<112x128xf32, #tpu.memory_space<vmem>>)
      %scan3A_563 = arith.constant 0 : i32
      %scan3A_564 = arith.constant 0 : i32
      %scan3A_565 = arith.constant 32 : i32
      %scan3A_566 = arith.addi %scan3A_564, %scan3A_565 : i32
      %scan3A_567 = arith.constant 1 : i32
      scf.for %scan3A_584 = %scan3A_564 to %scan3A_566 step %scan3A_567  : i32 {
        %add3A_585 = arith.constant 0 : i32
        %add3A_586 = arith.addi %add3A_585, %scan3A_584 : i32
        %get3A = arith.index_cast %add3A_586 : i32 to index
        %get3A_587 = arith.constant 0 : index
        %get3A_588 = tpu.vector_load %arg12[%get3A, %get3A_587] {strides = array<i32>} : memref<320x128xf32, #tpu.memory_space<vmem>>, vector<1x16xf32>,
        %get3A_589 = vector.shape_cast %get3A_588 : vector<1x16xf32> to vector<16xf32>
        %add3A_590 = arith.constant 32 : i32
        %add3A_591 = arith.addi %add3A_590, %scan3A_584 : i32
        %get3A_592 = arith.index_cast %add3A_591 : i32 to index
        %get3A_593 = arith.constant 0 : index
        %get3A_594 = tpu.vector_load %arg12[%get3A_592, %get3A_593] {strides = array<i32>} : memref<320x128xf32, #tpu.memory_space<vmem>>, vector<1x16xf32>,
        %get3A_595 = vector.shape_cast %get3A_594 : vector<1x16xf32> to vector<16xf32>
        %add3A_596 = arith.constant 64 : i32
        %add3A_597 = arith.addi %add3A_596, %scan3A_584 : i32
        %get3A_598 = arith.index_cast %add3A_597 : i32 to index
        %get3A_599 = arith.constant 0 : index
        %get3A_600 = tpu.vector_load %arg12[%get3A_598, %get3A_599] {strides = array<i32>} : memref<320x128xf32, #tpu.memory_space<vmem>>, vector<1x16xf32>,
        %get3A_601 = vector.shape_cast %get3A_600 : vector<1x16xf32> to vector<16xf32>
        %add3A_602 = arith.constant 96 : i32
        %add3A_603 = arith.addi %add3A_602, %scan3A_584 : i32
        %get3A_604 = arith.index_cast %add3A_603 : i32 to index
        %get3A_605 = arith.constant 0 : index
        %get3A_606 = tpu.vector_load %arg12[%get3A_604, %get3A_605] {strides = array<i32>} : memref<320x128xf32, #tpu.memory_space<vmem>>, vector<1x16xf32>,
        %get3A_607 = vector.shape_cast %get3A_606 : vector<1x16xf32> to vector<16xf32>
        %add3A_608 = arith.constant 128 : i32
        %add3A_609 = arith.addi %add3A_608, %scan3A_584 : i32
        %get3A_610 = arith.index_cast %add3A_609 : i32 to index
        %get3A_611 = arith.constant 0 : index
        %get3A_612 = tpu.vector_load %arg12[%get3A_610, %get3A_611] {strides = array<i32>} : memref<320x128xf32, #tpu.memory_space<vmem>>, vector<1x16xf32>,
        %get3A_613 = vector.shape_cast %get3A_612 : vector<1x16xf32> to vector<16xf32>
        %add3A_614 = arith.constant 160 : i32
        %add3A_615 = arith.addi %add3A_614, %scan3A_584 : i32
        %get3A_616 = arith.index_cast %add3A_615 : i32 to index
        %get3A_617 = arith.constant 0 : index
        %get3A_618 = tpu.vector_load %arg12[%get3A_616, %get3A_617] {strides = array<i32>} : memref<320x128xf32, #tpu.memory_space<vmem>>, vector<1x16xf32>,
        %get3A_619 = vector.shape_cast %get3A_618 : vector<1x16xf32> to vector<16xf32>
        %add3A_620 = arith.constant 192 : i32
        %add3A_621 = arith.addi %add3A_620, %scan3A_584 : i32
        %get3A_622 = arith.index_cast %add3A_621 : i32 to index
        %get3A_623 = arith.constant 0 : index
        %get3A_624 = tpu.vector_load %arg12[%get3A_622, %get3A_623] {strides = array<i32>} : memref<320x128xf32, #tpu.memory_space<vmem>>, vector<1x16xf32>,
        %get3A_625 = vector.shape_cast %get3A_624 : vector<1x16xf32> to vector<16xf32>
        %add3A_626 = arith.constant 224 : i32
        %add3A_627 = arith.addi %add3A_626, %scan3A_584 : i32
        %get3A_628 = arith.index_cast %add3A_627 : i32 to index
        %get3A_629 = arith.constant 0 : index
        %get3A_630 = tpu.vector_load %arg12[%get3A_628, %get3A_629] {strides = array<i32>} : memref<320x128xf32, #tpu.memory_space<vmem>>, vector<1x16xf32>,
        %get3A_631 = vector.shape_cast %get3A_630 : vector<1x16xf32> to vector<16xf32>
        %add3A_632 = arith.constant 256 : i32
        %add3A_633 = arith.addi %add3A_632, %scan3A_584 : i32
        %get3A_634 = arith.index_cast %add3A_633 : i32 to index
        %get3A_635 = arith.constant 0 : index
        %get3A_636 = tpu.vector_load %arg12[%get3A_634, %get3A_635] {strides = array<i32>} : memref<320x128xf32, #tpu.memory_space<vmem>>, vector<1x16xf32>,
        %get3A_637 = vector.shape_cast %get3A_636 : vector<1x16xf32> to vector<16xf32>
        %add3A_638 = arith.constant 288 : i32
        %add3A_639 = arith.addi %add3A_638, %scan3A_584 : i32
        %get3A_640 = arith.index_cast %add3A_639 : i32 to index
        %get3A_641 = arith.constant 0 : index
        %get3A_642 = tpu.vector_load %arg12[%get3A_640, %get3A_641] {strides = array<i32>} : memref<320x128xf32, #tpu.memory_space<vmem>>, vector<1x16xf32>,
        %get3A_643 = vector.shape_cast %get3A_642 : vector<1x16xf32> to vector<16xf32>
        %add3A_644 = arith.addf %get3A_589, %get3A_595 : vector<16xf32>
        %add3A_645 = arith.addf %get3A_601, %get3A_607 : vector<16xf32>
        %add3A_646 = arith.addf %get3A_613, %get3A_619 : vector<16xf32>
        %add3A_647 = arith.addf %get3A_625, %get3A_631 : vector<16xf32>
        %add3A_648 = arith.addf %get3A_637, %get3A_643 : vector<16xf32>
        %add3A_649 = arith.addf %add3A_644, %add3A_645 : vector<16xf32>
        %add3A_650 = arith.addf %add3A_646, %add3A_647 : vector<16xf32>
        %add3A_651 = arith.addf %add3A_649, %add3A_650 : vector<16xf32>
        %add3A_652 = arith.addf %add3A_651, %add3A_648 : vector<16xf32>
        %swap3A = arith.index_cast %scan3A_584 : i32 to index
        %swap3A_653 = arith.constant 0 : index
        %swap3A_654 = tpu.vector_load %arg16[%swap3A, %swap3A_653] {strides = array<i32>} : memref<32x128xf32, #tpu.memory_space<vmem>>, vector<1x16xf32>,
        %swap3A_655 = vector.shape_cast %swap3A_654 : vector<1x16xf32> to vector<16xf32>
        %swap3A_656 = vector.shape_cast %add3A_652 : vector<16xf32> to vector<1x16xf32>
        tpu.vector_store %arg16[%swap3A, %swap3A_653], %swap3A_656 {strides = array<i32>} : memref<32x128xf32, #tpu.memory_space<vmem>>, vector<1x16xf32>,
        %add3A_657 = arith.constant 0 : i32
        %add3A_658 = arith.addi %add3A_657, %scan3A_584 : i32
        %get3A_659 = arith.index_cast %add3A_658 : i32 to index
        %get3A_660 = arith.constant 16 : index
        %get3A_661 = tpu.vector_load %arg12[%get3A_659, %get3A_660] {strides = array<i32>} : memref<320x128xf32, #tpu.memory_space<vmem>>, vector<1x16xf32>,
        %get3A_662 = vector.shape_cast %get3A_661 : vector<1x16xf32> to vector<16xf32>
        %add3A_663 = arith.constant 32 : i32
        %add3A_664 = arith.addi %add3A_663, %scan3A_584 : i32
        %get3A_665 = arith.index_cast %add3A_664 : i32 to index
        %get3A_666 = arith.constant 16 : index
        %get3A_667 = tpu.vector_load %arg12[%get3A_665, %get3A_666] {strides = array<i32>} : memref<320x128xf32, #tpu.memory_space<vmem>>, vector<1x16xf32>,
        %get3A_668 = vector.shape_cast %get3A_667 : vector<1x16xf32> to vector<16xf32>
        %add3A_669 = arith.constant 64 : i32
        %add3A_670 = arith.addi %add3A_669, %scan3A_584 : i32
        %get3A_671 = arith.index_cast %add3A_670 : i32 to index
        %get3A_672 = arith.constant 16 : index
        %get3A_673 = tpu.vector_load %arg12[%get3A_671, %get3A_672] {strides = array<i32>} : memref<320x128xf32, #tpu.memory_space<vmem>>, vector<1x16xf32>,
        %get3A_674 = vector.shape_cast %get3A_673 : vector<1x16xf32> to vector<16xf32>
        %add3A_675 = arith.constant 96 : i32
        %add3A_676 = arith.addi %add3A_675, %scan3A_584 : i32
        %get3A_677 = arith.index_cast %add3A_676 : i32 to index
        %get3A_678 = arith.constant 16 : index
        %get3A_679 = tpu.vector_load %arg12[%get3A_677, %get3A_678] {strides = array<i32>} : memref<320x128xf32, #tpu.memory_space<vmem>>, vector<1x16xf32>,
        %get3A_680 = vector.shape_cast %get3A_679 : vector<1x16xf32> to vector<16xf32>
        %add3A_681 = arith.constant 128 : i32
        %add3A_682 = arith.addi %add3A_681, %scan3A_584 : i32
        %get3A_683 = arith.index_cast %add3A_682 : i32 to index
        %get3A_684 = arith.constant 16 : index
        %get3A_685 = tpu.vector_load %arg12[%get3A_683, %get3A_684] {strides = array<i32>} : memref<320x128xf32, #tpu.memory_space<vmem>>, vector<1x16xf32>,
        %get3A_686 = vector.shape_cast %get3A_685 : vector<1x16xf32> to vector<16xf32>
        %add3A_687 = arith.constant 160 : i32
        %add3A_688 = arith.addi %add3A_687, %scan3A_584 : i32
        %get3A_689 = arith.index_cast %add3A_688 : i32 to index
        %get3A_690 = arith.constant 16 : index
        %get3A_691 = tpu.vector_load %arg12[%get3A_689, %get3A_690] {strides = array<i32>} : memref<320x128xf32, #tpu.memory_space<vmem>>, vector<1x16xf32>,
        %get3A_692 = vector.shape_cast %get3A_691 : vector<1x16xf32> to vector<16xf32>
        %add3A_693 = arith.constant 192 : i32
        %add3A_694 = arith.addi %add3A_693, %scan3A_584 : i32
        %get3A_695 = arith.index_cast %add3A_694 : i32 to index
        %get3A_696 = arith.constant 16 : index
        %get3A_697 = tpu.vector_load %arg12[%get3A_695, %get3A_696] {strides = array<i32>} : memref<320x128xf32, #tpu.memory_space<vmem>>, vector<1x16xf32>,
        %get3A_698 = vector.shape_cast %get3A_697 : vector<1x16xf32> to vector<16xf32>
        %add3A_699 = arith.constant 224 : i32
        %add3A_700 = arith.addi %add3A_699, %scan3A_584 : i32
        %get3A_701 = arith.index_cast %add3A_700 : i32 to index
        %get3A_702 = arith.constant 16 : index
        %get3A_703 = tpu.vector_load %arg12[%get3A_701, %get3A_702] {strides = array<i32>} : memref<320x128xf32, #tpu.memory_space<vmem>>, vector<1x16xf32>,
        %get3A_704 = vector.shape_cast %get3A_703 : vector<1x16xf32> to vector<16xf32>
        %add3A_705 = arith.constant 256 : i32
        %add3A_706 = arith.addi %add3A_705, %scan3A_584 : i32
        %get3A_707 = arith.index_cast %add3A_706 : i32 to index
        %get3A_708 = arith.constant 16 : index
        %get3A_709 = tpu.vector_load %arg12[%get3A_707, %get3A_708] {strides = array<i32>} : memref<320x128xf32, #tpu.memory_space<vmem>>, vector<1x16xf32>,
        %get3A_710 = vector.shape_cast %get3A_709 : vector<1x16xf32> to vector<16xf32>
        %add3A_711 = arith.constant 288 : i32
        %add3A_712 = arith.addi %add3A_711, %scan3A_584 : i32
        %get3A_713 = arith.index_cast %add3A_712 : i32 to index
        %get3A_714 = arith.constant 16 : index
        %get3A_715 = tpu.vector_load %arg12[%get3A_713, %get3A_714] {strides = array<i32>} : memref<320x128xf32, #tpu.memory_space<vmem>>, vector<1x16xf32>,
        %get3A_716 = vector.shape_cast %get3A_715 : vector<1x16xf32> to vector<16xf32>
        %add3A_717 = arith.addf %get3A_662, %get3A_668 : vector<16xf32>
        %add3A_718 = arith.addf %get3A_674, %get3A_680 : vector<16xf32>
        %add3A_719 = arith.addf %get3A_686, %get3A_692 : vector<16xf32>
        %add3A_720 = arith.addf %get3A_698, %get3A_704 : vector<16xf32>
        %add3A_721 = arith.addf %get3A_710, %get3A_716 : vector<16xf32>
        %add3A_722 = arith.addf %add3A_717, %add3A_718 : vector<16xf32>
        %add3A_723 = arith.addf %add3A_719, %add3A_720 : vector<16xf32>
        %add3A_724 = arith.addf %add3A_722, %add3A_723 : vector<16xf32>
        %add3A_725 = arith.addf %add3A_724, %add3A_721 : vector<16xf32>
        %swap3A_726 = arith.index_cast %scan3A_584 : i32 to index
        %swap3A_727 = arith.constant 16 : index
        %swap3A_728 = tpu.vector_load %arg16[%swap3A_726, %swap3A_727] {strides = array<i32>} : memref<32x128xf32, #tpu.memory_space<vmem>>, vector<1x16xf32>,
        %swap3A_729 = vector.shape_cast %swap3A_728 : vector<1x16xf32> to vector<16xf32>
        %swap3A_730 = vector.shape_cast %add3A_725 : vector<16xf32> to vector<1x16xf32>
        tpu.vector_store %arg16[%swap3A_726, %swap3A_727], %swap3A_730 {strides = array<i32>} : memref<32x128xf32, #tpu.memory_space<vmem>>, vector<1x16xf32>,
        %add3A_731 = arith.constant 0 : i32
        %add3A_732 = arith.addi %add3A_731, %scan3A_584 : i32
        %get3A_733 = arith.index_cast %add3A_732 : i32 to index
        %get3A_734 = arith.constant 32 : index
        %get3A_735 = tpu.vector_load %arg12[%get3A_733, %get3A_734] {strides = array<i32>} : memref<320x128xf32, #tpu.memory_space<vmem>>, vector<1x16xf32>,
        %get3A_736 = vector.shape_cast %get3A_735 : vector<1x16xf32> to vector<16xf32>
        %add3A_737 = arith.constant 32 : i32
        %add3A_738 = arith.addi %add3A_737, %scan3A_584 : i32
        %get3A_739 = arith.index_cast %add3A_738 : i32 to index
        %get3A_740 = arith.constant 32 : index
        %get3A_741 = tpu.vector_load %arg12[%get3A_739, %get3A_740] {strides = array<i32>} : memref<320x128xf32, #tpu.memory_space<vmem>>, vector<1x16xf32>,
        %get3A_742 = vector.shape_cast %get3A_741 : vector<1x16xf32> to vector<16xf32>
        %add3A_743 = arith.constant 64 : i32
        %add3A_744 = arith.addi %add3A_743, %scan3A_584 : i32
        %get3A_745 = arith.index_cast %add3A_744 : i32 to index
        %get3A_746 = arith.constant 32 : index
        %get3A_747 = tpu.vector_load %arg12[%get3A_745, %get3A_746] {strides = array<i32>} : memref<320x128xf32, #tpu.memory_space<vmem>>, vector<1x16xf32>,
        %get3A_748 = vector.shape_cast %get3A_747 : vector<1x16xf32> to vector<16xf32>
        %add3A_749 = arith.constant 96 : i32
        %add3A_750 = arith.addi %add3A_749, %scan3A_584 : i32
        %get3A_751 = arith.index_cast %add3A_750 : i32 to index
        %get3A_752 = arith.constant 32 : index
        %get3A_753 = tpu.vector_load %arg12[%get3A_751, %get3A_752] {strides = array<i32>} : memref<320x128xf32, #tpu.memory_space<vmem>>, vector<1x16xf32>,
        %get3A_754 = vector.shape_cast %get3A_753 : vector<1x16xf32> to vector<16xf32>
        %add3A_755 = arith.constant 128 : i32
        %add3A_756 = arith.addi %add3A_755, %scan3A_584 : i32
        %get3A_757 = arith.index_cast %add3A_756 : i32 to index
        %get3A_758 = arith.constant 32 : index
        %get3A_759 = tpu.vector_load %arg12[%get3A_757, %get3A_758] {strides = array<i32>} : memref<320x128xf32, #tpu.memory_space<vmem>>, vector<1x16xf32>,
        %get3A_760 = vector.shape_cast %get3A_759 : vector<1x16xf32> to vector<16xf32>
        %add3A_761 = arith.constant 160 : i32
        %add3A_762 = arith.addi %add3A_761, %scan3A_584 : i32
        %get3A_763 = arith.index_cast %add3A_762 : i32 to index
        %get3A_764 = arith.constant 32 : index
        %get3A_765 = tpu.vector_load %arg12[%get3A_763, %get3A_764] {strides = array<i32>} : memref<320x128xf32, #tpu.memory_space<vmem>>, vector<1x16xf32>,
        %get3A_766 = vector.shape_cast %get3A_765 : vector<1x16xf32> to vector<16xf32>
        %add3A_767 = arith.constant 192 : i32
        %add3A_768 = arith.addi %add3A_767, %scan3A_584 : i32
        %get3A_769 = arith.index_cast %add3A_768 : i32 to index
        %get3A_770 = arith.constant 32 : index
        %get3A_771 = tpu.vector_load %arg12[%get3A_769, %get3A_770] {strides = array<i32>} : memref<320x128xf32, #tpu.memory_space<vmem>>, vector<1x16xf32>,
        %get3A_772 = vector.shape_cast %get3A_771 : vector<1x16xf32> to vector<16xf32>
        %add3A_773 = arith.constant 224 : i32
        %add3A_774 = arith.addi %add3A_773, %scan3A_584 : i32
        %get3A_775 = arith.index_cast %add3A_774 : i32 to index
        %get3A_776 = arith.constant 32 : index
        %get3A_777 = tpu.vector_load %arg12[%get3A_775, %get3A_776] {strides = array<i32>} : memref<320x128xf32, #tpu.memory_space<vmem>>, vector<1x16xf32>,
        %get3A_778 = vector.shape_cast %get3A_777 : vector<1x16xf32> to vector<16xf32>
        %add3A_779 = arith.constant 256 : i32
        %add3A_780 = arith.addi %add3A_779, %scan3A_584 : i32
        %get3A_781 = arith.index_cast %add3A_780 : i32 to index
        %get3A_782 = arith.constant 32 : index
        %get3A_783 = tpu.vector_load %arg12[%get3A_781, %get3A_782] {strides = array<i32>} : memref<320x128xf32, #tpu.memory_space<vmem>>, vector<1x16xf32>,
        %get3A_784 = vector.shape_cast %get3A_783 : vector<1x16xf32> to vector<16xf32>
        %add3A_785 = arith.constant 288 : i32
        %add3A_786 = arith.addi %add3A_785, %scan3A_584 : i32
        %get3A_787 = arith.index_cast %add3A_786 : i32 to index
        %get3A_788 = arith.constant 32 : index
        %get3A_789 = tpu.vector_load %arg12[%get3A_787, %get3A_788] {strides = array<i32>} : memref<320x128xf32, #tpu.memory_space<vmem>>, vector<1x16xf32>,
        %get3A_790 = vector.shape_cast %get3A_789 : vector<1x16xf32> to vector<16xf32>
        %add3A_791 = arith.addf %get3A_736, %get3A_742 : vector<16xf32>
        %add3A_792 = arith.addf %get3A_748, %get3A_754 : vector<16xf32>
        %add3A_793 = arith.addf %get3A_760, %get3A_766 : vector<16xf32>
        %add3A_794 = arith.addf %get3A_772, %get3A_778 : vector<16xf32>
        %add3A_795 = arith.addf %get3A_784, %get3A_790 : vector<16xf32>
        %add3A_796 = arith.addf %add3A_791, %add3A_792 : vector<16xf32>
        %add3A_797 = arith.addf %add3A_793, %add3A_794 : vector<16xf32>
        %add3A_798 = arith.addf %add3A_796, %add3A_797 : vector<16xf32>
        %add3A_799 = arith.addf %add3A_798, %add3A_795 : vector<16xf32>
        %swap3A_800 = arith.index_cast %scan3A_584 : i32 to index
        %swap3A_801 = arith.constant 32 : index
        %swap3A_802 = tpu.vector_load %arg16[%swap3A_800, %swap3A_801] {strides = array<i32>} : memref<32x128xf32, #tpu.memory_space<vmem>>, vector<1x16xf32>,
        %swap3A_803 = vector.shape_cast %swap3A_802 : vector<1x16xf32> to vector<16xf32>
        %swap3A_804 = vector.shape_cast %add3A_799 : vector<16xf32> to vector<1x16xf32>
        tpu.vector_store %arg16[%swap3A_800, %swap3A_801], %swap3A_804 {strides = array<i32>} : memref<32x128xf32, #tpu.memory_space<vmem>>, vector<1x16xf32>,
        %add3A_805 = arith.constant 0 : i32
        %add3A_806 = arith.addi %add3A_805, %scan3A_584 : i32
        %get3A_807 = arith.index_cast %add3A_806 : i32 to index
        %get3A_808 = arith.constant 48 : index
        %get3A_809 = tpu.vector_load %arg12[%get3A_807, %get3A_808] {strides = array<i32>} : memref<320x128xf32, #tpu.memory_space<vmem>>, vector<1x16xf32>,
        %get3A_810 = vector.shape_cast %get3A_809 : vector<1x16xf32> to vector<16xf32>
        %add3A_811 = arith.constant 32 : i32
        %add3A_812 = arith.addi %add3A_811, %scan3A_584 : i32
        %get3A_813 = arith.index_cast %add3A_812 : i32 to index
        %get3A_814 = arith.constant 48 : index
        %get3A_815 = tpu.vector_load %arg12[%get3A_813, %get3A_814] {strides = array<i32>} : memref<320x128xf32, #tpu.memory_space<vmem>>, vector<1x16xf32>,
        %get3A_816 = vector.shape_cast %get3A_815 : vector<1x16xf32> to vector<16xf32>
        %add3A_817 = arith.constant 64 : i32
        %add3A_818 = arith.addi %add3A_817, %scan3A_584 : i32
        %get3A_819 = arith.index_cast %add3A_818 : i32 to index
        %get3A_820 = arith.constant 48 : index
        %get3A_821 = tpu.vector_load %arg12[%get3A_819, %get3A_820] {strides = array<i32>} : memref<320x128xf32, #tpu.memory_space<vmem>>, vector<1x16xf32>,
        %get3A_822 = vector.shape_cast %get3A_821 : vector<1x16xf32> to vector<16xf32>
        %add3A_823 = arith.constant 96 : i32
        %add3A_824 = arith.addi %add3A_823, %scan3A_584 : i32
        %get3A_825 = arith.index_cast %add3A_824 : i32 to index
        %get3A_826 = arith.constant 48 : index
        %get3A_827 = tpu.vector_load %arg12[%get3A_825, %get3A_826] {strides = array<i32>} : memref<320x128xf32, #tpu.memory_space<vmem>>, vector<1x16xf32>,
        %get3A_828 = vector.shape_cast %get3A_827 : vector<1x16xf32> to vector<16xf32>
        %add3A_829 = arith.constant 128 : i32
        %add3A_830 = arith.addi %add3A_829, %scan3A_584 : i32
        %get3A_831 = arith.index_cast %add3A_830 : i32 to index
        %get3A_832 = arith.constant 48 : index
        %get3A_833 = tpu.vector_load %arg12[%get3A_831, %get3A_832] {strides = array<i32>} : memref<320x128xf32, #tpu.memory_space<vmem>>, vector<1x16xf32>,
        %get3A_834 = vector.shape_cast %get3A_833 : vector<1x16xf32> to vector<16xf32>
        %add3A_835 = arith.constant 160 : i32
        %add3A_836 = arith.addi %add3A_835, %scan3A_584 : i32
        %get3A_837 = arith.index_cast %add3A_836 : i32 to index
        %get3A_838 = arith.constant 48 : index
        %get3A_839 = tpu.vector_load %arg12[%get3A_837, %get3A_838] {strides = array<i32>} : memref<320x128xf32, #tpu.memory_space<vmem>>, vector<1x16xf32>,
        %get3A_840 = vector.shape_cast %get3A_839 : vector<1x16xf32> to vector<16xf32>
        %add3A_841 = arith.constant 192 : i32
        %add3A_842 = arith.addi %add3A_841, %scan3A_584 : i32
        %get3A_843 = arith.index_cast %add3A_842 : i32 to index
        %get3A_844 = arith.constant 48 : index
        %get3A_845 = tpu.vector_load %arg12[%get3A_843, %get3A_844] {strides = array<i32>} : memref<320x128xf32, #tpu.memory_space<vmem>>, vector<1x16xf32>,
        %get3A_846 = vector.shape_cast %get3A_845 : vector<1x16xf32> to vector<16xf32>
        %add3A_847 = arith.constant 224 : i32
        %add3A_848 = arith.addi %add3A_847, %scan3A_584 : i32
        %get3A_849 = arith.index_cast %add3A_848 : i32 to index
        %get3A_850 = arith.constant 48 : index
        %get3A_851 = tpu.vector_load %arg12[%get3A_849, %get3A_850] {strides = array<i32>} : memref<320x128xf32, #tpu.memory_space<vmem>>, vector<1x16xf32>,
        %get3A_852 = vector.shape_cast %get3A_851 : vector<1x16xf32> to vector<16xf32>
        %add3A_853 = arith.constant 256 : i32
        %add3A_854 = arith.addi %add3A_853, %scan3A_584 : i32
        %get3A_855 = arith.index_cast %add3A_854 : i32 to index
        %get3A_856 = arith.constant 48 : index
        %get3A_857 = tpu.vector_load %arg12[%get3A_855, %get3A_856] {strides = array<i32>} : memref<320x128xf32, #tpu.memory_space<vmem>>, vector<1x16xf32>,
        %get3A_858 = vector.shape_cast %get3A_857 : vector<1x16xf32> to vector<16xf32>
        %add3A_859 = arith.constant 288 : i32
        %add3A_860 = arith.addi %add3A_859, %scan3A_584 : i32
        %get3A_861 = arith.index_cast %add3A_860 : i32 to index
        %get3A_862 = arith.constant 48 : index
        %get3A_863 = tpu.vector_load %arg12[%get3A_861, %get3A_862] {strides = array<i32>} : memref<320x128xf32, #tpu.memory_space<vmem>>, vector<1x16xf32>,
        %get3A_864 = vector.shape_cast %get3A_863 : vector<1x16xf32> to vector<16xf32>
        %add3A_865 = arith.addf %get3A_810, %get3A_816 : vector<16xf32>
        %add3A_866 = arith.addf %get3A_822, %get3A_828 : vector<16xf32>
        %add3A_867 = arith.addf %get3A_834, %get3A_840 : vector<16xf32>
        %add3A_868 = arith.addf %get3A_846, %get3A_852 : vector<16xf32>
        %add3A_869 = arith.addf %get3A_858, %get3A_864 : vector<16xf32>
        %add3A_870 = arith.addf %add3A_865, %add3A_866 : vector<16xf32>
        %add3A_871 = arith.addf %add3A_867, %add3A_868 : vector<16xf32>
        %add3A_872 = arith.addf %add3A_870, %add3A_871 : vector<16xf32>
        %add3A_873 = arith.addf %add3A_872, %add3A_869 : vector<16xf32>
        %swap3A_874 = arith.index_cast %scan3A_584 : i32 to index
        %swap3A_875 = arith.constant 48 : index
        %swap3A_876 = tpu.vector_load %arg16[%swap3A_874, %swap3A_875] {strides = array<i32>} : memref<32x128xf32, #tpu.memory_space<vmem>>, vector<1x16xf32>,
        %swap3A_877 = vector.shape_cast %swap3A_876 : vector<1x16xf32> to vector<16xf32>
        %swap3A_878 = vector.shape_cast %add3A_873 : vector<16xf32> to vector<1x16xf32>
        tpu.vector_store %arg16[%swap3A_874, %swap3A_875], %swap3A_878 {strides = array<i32>} : memref<32x128xf32, #tpu.memory_space<vmem>>, vector<1x16xf32>,
        %add3A_879 = arith.constant 0 : i32
        %add3A_880 = arith.addi %add3A_879, %scan3A_584 : i32
        %get3A_881 = arith.index_cast %add3A_880 : i32 to index
        %get3A_882 = arith.constant 64 : index
        %get3A_883 = tpu.vector_load %arg12[%get3A_881, %get3A_882] {strides = array<i32>} : memref<320x128xf32, #tpu.memory_space<vmem>>, vector<1x16xf32>,
        %get3A_884 = vector.shape_cast %get3A_883 : vector<1x16xf32> to vector<16xf32>
        %add3A_885 = arith.constant 32 : i32
        %add3A_886 = arith.addi %add3A_885, %scan3A_584 : i32
        %get3A_887 = arith.index_cast %add3A_886 : i32 to index
        %get3A_888 = arith.constant 64 : index
        %get3A_889 = tpu.vector_load %arg12[%get3A_887, %get3A_888] {strides = array<i32>} : memref<320x128xf32, #tpu.memory_space<vmem>>, vector<1x16xf32>,
        %get3A_890 = vector.shape_cast %get3A_889 : vector<1x16xf32> to vector<16xf32>
        %add3A_891 = arith.constant 64 : i32
        %add3A_892 = arith.addi %add3A_891, %scan3A_584 : i32
        %get3A_893 = arith.index_cast %add3A_892 : i32 to index
        %get3A_894 = arith.constant 64 : index
        %get3A_895 = tpu.vector_load %arg12[%get3A_893, %get3A_894] {strides = array<i32>} : memref<320x128xf32, #tpu.memory_space<vmem>>, vector<1x16xf32>,
        %get3A_896 = vector.shape_cast %get3A_895 : vector<1x16xf32> to vector<16xf32>
        %add3A_897 = arith.constant 96 : i32
        %add3A_898 = arith.addi %add3A_897, %scan3A_584 : i32
        %get3A_899 = arith.index_cast %add3A_898 : i32 to index
        %get3A_900 = arith.constant 64 : index
        %get3A_901 = tpu.vector_load %arg12[%get3A_899, %get3A_900] {strides = array<i32>} : memref<320x128xf32, #tpu.memory_space<vmem>>, vector<1x16xf32>,
        %get3A_902 = vector.shape_cast %get3A_901 : vector<1x16xf32> to vector<16xf32>
        %add3A_903 = arith.constant 128 : i32
        %add3A_904 = arith.addi %add3A_903, %scan3A_584 : i32
        %get3A_905 = arith.index_cast %add3A_904 : i32 to index
        %get3A_906 = arith.constant 64 : index
        %get3A_907 = tpu.vector_load %arg12[%get3A_905, %get3A_906] {strides = array<i32>} : memref<320x128xf32, #tpu.memory_space<vmem>>, vector<1x16xf32>,
        %get3A_908 = vector.shape_cast %get3A_907 : vector<1x16xf32> to vector<16xf32>
        %add3A_909 = arith.constant 160 : i32
        %add3A_910 = arith.addi %add3A_909, %scan3A_584 : i32
        %get3A_911 = arith.index_cast %add3A_910 : i32 to index
        %get3A_912 = arith.constant 64 : index
        %get3A_913 = tpu.vector_load %arg12[%get3A_911, %get3A_912] {strides = array<i32>} : memref<320x128xf32, #tpu.memory_space<vmem>>, vector<1x16xf32>,
        %get3A_914 = vector.shape_cast %get3A_913 : vector<1x16xf32> to vector<16xf32>
        %add3A_915 = arith.constant 192 : i32
        %add3A_916 = arith.addi %add3A_915, %scan3A_584 : i32
        %get3A_917 = arith.index_cast %add3A_916 : i32 to index
        %get3A_918 = arith.constant 64 : index
        %get3A_919 = tpu.vector_load %arg12[%get3A_917, %get3A_918] {strides = array<i32>} : memref<320x128xf32, #tpu.memory_space<vmem>>, vector<1x16xf32>,
        %get3A_920 = vector.shape_cast %get3A_919 : vector<1x16xf32> to vector<16xf32>
        %add3A_921 = arith.constant 224 : i32
        %add3A_922 = arith.addi %add3A_921, %scan3A_584 : i32
        %get3A_923 = arith.index_cast %add3A_922 : i32 to index
        %get3A_924 = arith.constant 64 : index
        %get3A_925 = tpu.vector_load %arg12[%get3A_923, %get3A_924] {strides = array<i32>} : memref<320x128xf32, #tpu.memory_space<vmem>>, vector<1x16xf32>,
        %get3A_926 = vector.shape_cast %get3A_925 : vector<1x16xf32> to vector<16xf32>
        %add3A_927 = arith.constant 256 : i32
        %add3A_928 = arith.addi %add3A_927, %scan3A_584 : i32
        %get3A_929 = arith.index_cast %add3A_928 : i32 to index
        %get3A_930 = arith.constant 64 : index
        %get3A_931 = tpu.vector_load %arg12[%get3A_929, %get3A_930] {strides = array<i32>} : memref<320x128xf32, #tpu.memory_space<vmem>>, vector<1x16xf32>,
        %get3A_932 = vector.shape_cast %get3A_931 : vector<1x16xf32> to vector<16xf32>
        %add3A_933 = arith.constant 288 : i32
        %add3A_934 = arith.addi %add3A_933, %scan3A_584 : i32
        %get3A_935 = arith.index_cast %add3A_934 : i32 to index
        %get3A_936 = arith.constant 64 : index
        %get3A_937 = tpu.vector_load %arg12[%get3A_935, %get3A_936] {strides = array<i32>} : memref<320x128xf32, #tpu.memory_space<vmem>>, vector<1x16xf32>,
        %get3A_938 = vector.shape_cast %get3A_937 : vector<1x16xf32> to vector<16xf32>
        %add3A_939 = arith.addf %get3A_884, %get3A_890 : vector<16xf32>
        %add3A_940 = arith.addf %get3A_896, %get3A_902 : vector<16xf32>
        %add3A_941 = arith.addf %get3A_908, %get3A_914 : vector<16xf32>
        %add3A_942 = arith.addf %get3A_920, %get3A_926 : vector<16xf32>
        %add3A_943 = arith.addf %get3A_932, %get3A_938 : vector<16xf32>
        %add3A_944 = arith.addf %add3A_939, %add3A_940 : vector<16xf32>
        %add3A_945 = arith.addf %add3A_941, %add3A_942 : vector<16xf32>
        %add3A_946 = arith.addf %add3A_944, %add3A_945 : vector<16xf32>
        %add3A_947 = arith.addf %add3A_946, %add3A_943 : vector<16xf32>
        %swap3A_948 = arith.index_cast %scan3A_584 : i32 to index
        %swap3A_949 = arith.constant 64 : index
        %swap3A_950 = tpu.vector_load %arg16[%swap3A_948, %swap3A_949] {strides = array<i32>} : memref<32x128xf32, #tpu.memory_space<vmem>>, vector<1x16xf32>,
        %swap3A_951 = vector.shape_cast %swap3A_950 : vector<1x16xf32> to vector<16xf32>
        %swap3A_952 = vector.shape_cast %add3A_947 : vector<16xf32> to vector<1x16xf32>
        tpu.vector_store %arg16[%swap3A_948, %swap3A_949], %swap3A_952 {strides = array<i32>} : memref<32x128xf32, #tpu.memory_space<vmem>>, vector<1x16xf32>,
        %add3A_953 = arith.constant 0 : i32
        %add3A_954 = arith.addi %add3A_953, %scan3A_584 : i32
        %get3A_955 = arith.index_cast %add3A_954 : i32 to index
        %get3A_956 = arith.constant 80 : index
        %get3A_957 = tpu.vector_load %arg12[%get3A_955, %get3A_956] {strides = array<i32>} : memref<320x128xf32, #tpu.memory_space<vmem>>, vector<1x16xf32>,
        %get3A_958 = vector.shape_cast %get3A_957 : vector<1x16xf32> to vector<16xf32>
        %add3A_959 = arith.constant 32 : i32
        %add3A_960 = arith.addi %add3A_959, %scan3A_584 : i32
        %get3A_961 = arith.index_cast %add3A_960 : i32 to index
        %get3A_962 = arith.constant 80 : index
        %get3A_963 = tpu.vector_load %arg12[%get3A_961, %get3A_962] {strides = array<i32>} : memref<320x128xf32, #tpu.memory_space<vmem>>, vector<1x16xf32>,
        %get3A_964 = vector.shape_cast %get3A_963 : vector<1x16xf32> to vector<16xf32>
        %add3A_965 = arith.constant 64 : i32
        %add3A_966 = arith.addi %add3A_965, %scan3A_584 : i32
        %get3A_967 = arith.index_cast %add3A_966 : i32 to index
        %get3A_968 = arith.constant 80 : index
        %get3A_969 = tpu.vector_load %arg12[%get3A_967, %get3A_968] {strides = array<i32>} : memref<320x128xf32, #tpu.memory_space<vmem>>, vector<1x16xf32>,
        %get3A_970 = vector.shape_cast %get3A_969 : vector<1x16xf32> to vector<16xf32>
        %add3A_971 = arith.constant 96 : i32
        %add3A_972 = arith.addi %add3A_971, %scan3A_584 : i32
        %get3A_973 = arith.index_cast %add3A_972 : i32 to index
        %get3A_974 = arith.constant 80 : index
        %get3A_975 = tpu.vector_load %arg12[%get3A_973, %get3A_974] {strides = array<i32>} : memref<320x128xf32, #tpu.memory_space<vmem>>, vector<1x16xf32>,
        %get3A_976 = vector.shape_cast %get3A_975 : vector<1x16xf32> to vector<16xf32>
        %add3A_977 = arith.constant 128 : i32
        %add3A_978 = arith.addi %add3A_977, %scan3A_584 : i32
        %get3A_979 = arith.index_cast %add3A_978 : i32 to index
        %get3A_980 = arith.constant 80 : index
        %get3A_981 = tpu.vector_load %arg12[%get3A_979, %get3A_980] {strides = array<i32>} : memref<320x128xf32, #tpu.memory_space<vmem>>, vector<1x16xf32>,
        %get3A_982 = vector.shape_cast %get3A_981 : vector<1x16xf32> to vector<16xf32>
        %add3A_983 = arith.constant 160 : i32
        %add3A_984 = arith.addi %add3A_983, %scan3A_584 : i32
        %get3A_985 = arith.index_cast %add3A_984 : i32 to index
        %get3A_986 = arith.constant 80 : index
        %get3A_987 = tpu.vector_load %arg12[%get3A_985, %get3A_986] {strides = array<i32>} : memref<320x128xf32, #tpu.memory_space<vmem>>, vector<1x16xf32>,
        %get3A_988 = vector.shape_cast %get3A_987 : vector<1x16xf32> to vector<16xf32>
        %add3A_989 = arith.constant 192 : i32
        %add3A_990 = arith.addi %add3A_989, %scan3A_584 : i32
        %get3A_991 = arith.index_cast %add3A_990 : i32 to index
        %get3A_992 = arith.constant 80 : index
        %get3A_993 = tpu.vector_load %arg12[%get3A_991, %get3A_992] {strides = array<i32>} : memref<320x128xf32, #tpu.memory_space<vmem>>, vector<1x16xf32>,
        %get3A_994 = vector.shape_cast %get3A_993 : vector<1x16xf32> to vector<16xf32>
        %add3A_995 = arith.constant 224 : i32
        %add3A_996 = arith.addi %add3A_995, %scan3A_584 : i32
        %get3A_997 = arith.index_cast %add3A_996 : i32 to index
        %get3A_998 = arith.constant 80 : index
        %get3A_999 = tpu.vector_load %arg12[%get3A_997, %get3A_998] {strides = array<i32>} : memref<320x128xf32, #tpu.memory_space<vmem>>, vector<1x16xf32>,
        %get3A_1000 = vector.shape_cast %get3A_999 : vector<1x16xf32> to vector<16xf32>
        %add3A_1001 = arith.constant 256 : i32
        %add3A_1002 = arith.addi %add3A_1001, %scan3A_584 : i32
        %get3A_1003 = arith.index_cast %add3A_1002 : i32 to index
        %get3A_1004 = arith.constant 80 : index
        %get3A_1005 = tpu.vector_load %arg12[%get3A_1003, %get3A_1004] {strides = array<i32>} : memref<320x128xf32, #tpu.memory_space<vmem>>, vector<1x16xf32>,
        %get3A_1006 = vector.shape_cast %get3A_1005 : vector<1x16xf32> to vector<16xf32>
        %add3A_1007 = arith.constant 288 : i32
        %add3A_1008 = arith.addi %add3A_1007, %scan3A_584 : i32
        %get3A_1009 = arith.index_cast %add3A_1008 : i32 to index
        %get3A_1010 = arith.constant 80 : index
        %get3A_1011 = tpu.vector_load %arg12[%get3A_1009, %get3A_1010] {strides = array<i32>} : memref<320x128xf32, #tpu.memory_space<vmem>>, vector<1x16xf32>,
        %get3A_1012 = vector.shape_cast %get3A_1011 : vector<1x16xf32> to vector<16xf32>
        %add3A_1013 = arith.addf %get3A_958, %get3A_964 : vector<16xf32>
        %add3A_1014 = arith.addf %get3A_970, %get3A_976 : vector<16xf32>
        %add3A_1015 = arith.addf %get3A_982, %get3A_988 : vector<16xf32>
        %add3A_1016 = arith.addf %get3A_994, %get3A_1000 : vector<16xf32>
        %add3A_1017 = arith.addf %get3A_1006, %get3A_1012 : vector<16xf32>
        %add3A_1018 = arith.addf %add3A_1013, %add3A_1014 : vector<16xf32>
        %add3A_1019 = arith.addf %add3A_1015, %add3A_1016 : vector<16xf32>
        %add3A_1020 = arith.addf %add3A_1018, %add3A_1019 : vector<16xf32>
        %add3A_1021 = arith.addf %add3A_1020, %add3A_1017 : vector<16xf32>
        %swap3A_1022 = arith.index_cast %scan3A_584 : i32 to index
        %swap3A_1023 = arith.constant 80 : index
        %swap3A_1024 = tpu.vector_load %arg16[%swap3A_1022, %swap3A_1023] {strides = array<i32>} : memref<32x128xf32, #tpu.memory_space<vmem>>, vector<1x16xf32>,
        %swap3A_1025 = vector.shape_cast %swap3A_1024 : vector<1x16xf32> to vector<16xf32>
        %swap3A_1026 = vector.shape_cast %add3A_1021 : vector<16xf32> to vector<1x16xf32>
        tpu.vector_store %arg16[%swap3A_1022, %swap3A_1023], %swap3A_1026 {strides = array<i32>} : memref<32x128xf32, #tpu.memory_space<vmem>>, vector<1x16xf32>,
        %add3A_1027 = arith.constant 0 : i32
        %add3A_1028 = arith.addi %add3A_1027, %scan3A_584 : i32
        %get3A_1029 = arith.index_cast %add3A_1028 : i32 to index
        %get3A_1030 = arith.constant 96 : index
        %get3A_1031 = tpu.vector_load %arg12[%get3A_1029, %get3A_1030] {strides = array<i32>} : memref<320x128xf32, #tpu.memory_space<vmem>>, vector<1x16xf32>,
        %get3A_1032 = vector.shape_cast %get3A_1031 : vector<1x16xf32> to vector<16xf32>
        %add3A_1033 = arith.constant 32 : i32
        %add3A_1034 = arith.addi %add3A_1033, %scan3A_584 : i32
        %get3A_1035 = arith.index_cast %add3A_1034 : i32 to index
        %get3A_1036 = arith.constant 96 : index
        %get3A_1037 = tpu.vector_load %arg12[%get3A_1035, %get3A_1036] {strides = array<i32>} : memref<320x128xf32, #tpu.memory_space<vmem>>, vector<1x16xf32>,
        %get3A_1038 = vector.shape_cast %get3A_1037 : vector<1x16xf32> to vector<16xf32>
        %add3A_1039 = arith.constant 64 : i32
        %add3A_1040 = arith.addi %add3A_1039, %scan3A_584 : i32
        %get3A_1041 = arith.index_cast %add3A_1040 : i32 to index
        %get3A_1042 = arith.constant 96 : index
        %get3A_1043 = tpu.vector_load %arg12[%get3A_1041, %get3A_1042] {strides = array<i32>} : memref<320x128xf32, #tpu.memory_space<vmem>>, vector<1x16xf32>,
        %get3A_1044 = vector.shape_cast %get3A_1043 : vector<1x16xf32> to vector<16xf32>
        %add3A_1045 = arith.constant 96 : i32
        %add3A_1046 = arith.addi %add3A_1045, %scan3A_584 : i32
        %get3A_1047 = arith.index_cast %add3A_1046 : i32 to index
        %get3A_1048 = arith.constant 96 : index
        %get3A_1049 = tpu.vector_load %arg12[%get3A_1047, %get3A_1048] {strides = array<i32>} : memref<320x128xf32, #tpu.memory_space<vmem>>, vector<1x16xf32>,
        %get3A_1050 = vector.shape_cast %get3A_1049 : vector<1x16xf32> to vector<16xf32>
        %add3A_1051 = arith.constant 128 : i32
        %add3A_1052 = arith.addi %add3A_1051, %scan3A_584 : i32
        %get3A_1053 = arith.index_cast %add3A_1052 : i32 to index
        %get3A_1054 = arith.constant 96 : index
        %get3A_1055 = tpu.vector_load %arg12[%get3A_1053, %get3A_1054] {strides = array<i32>} : memref<320x128xf32, #tpu.memory_space<vmem>>, vector<1x16xf32>,
        %get3A_1056 = vector.shape_cast %get3A_1055 : vector<1x16xf32> to vector<16xf32>
        %add3A_1057 = arith.constant 160 : i32
        %add3A_1058 = arith.addi %add3A_1057, %scan3A_584 : i32
        %get3A_1059 = arith.index_cast %add3A_1058 : i32 to index
        %get3A_1060 = arith.constant 96 : index
        %get3A_1061 = tpu.vector_load %arg12[%get3A_1059, %get3A_1060] {strides = array<i32>} : memref<320x128xf32, #tpu.memory_space<vmem>>, vector<1x16xf32>,
        %get3A_1062 = vector.shape_cast %get3A_1061 : vector<1x16xf32> to vector<16xf32>
        %add3A_1063 = arith.constant 192 : i32
        %add3A_1064 = arith.addi %add3A_1063, %scan3A_584 : i32
        %get3A_1065 = arith.index_cast %add3A_1064 : i32 to index
        %get3A_1066 = arith.constant 96 : index
        %get3A_1067 = tpu.vector_load %arg12[%get3A_1065, %get3A_1066] {strides = array<i32>} : memref<320x128xf32, #tpu.memory_space<vmem>>, vector<1x16xf32>,
        %get3A_1068 = vector.shape_cast %get3A_1067 : vector<1x16xf32> to vector<16xf32>
        %add3A_1069 = arith.constant 224 : i32
        %add3A_1070 = arith.addi %add3A_1069, %scan3A_584 : i32
        %get3A_1071 = arith.index_cast %add3A_1070 : i32 to index
        %get3A_1072 = arith.constant 96 : index
        %get3A_1073 = tpu.vector_load %arg12[%get3A_1071, %get3A_1072] {strides = array<i32>} : memref<320x128xf32, #tpu.memory_space<vmem>>, vector<1x16xf32>,
        %get3A_1074 = vector.shape_cast %get3A_1073 : vector<1x16xf32> to vector<16xf32>
        %add3A_1075 = arith.constant 256 : i32
        %add3A_1076 = arith.addi %add3A_1075, %scan3A_584 : i32
        %get3A_1077 = arith.index_cast %add3A_1076 : i32 to index
        %get3A_1078 = arith.constant 96 : index
        %get3A_1079 = tpu.vector_load %arg12[%get3A_1077, %get3A_1078] {strides = array<i32>} : memref<320x128xf32, #tpu.memory_space<vmem>>, vector<1x16xf32>,
        %get3A_1080 = vector.shape_cast %get3A_1079 : vector<1x16xf32> to vector<16xf32>
        %add3A_1081 = arith.constant 288 : i32
        %add3A_1082 = arith.addi %add3A_1081, %scan3A_584 : i32
        %get3A_1083 = arith.index_cast %add3A_1082 : i32 to index
        %get3A_1084 = arith.constant 96 : index
        %get3A_1085 = tpu.vector_load %arg12[%get3A_1083, %get3A_1084] {strides = array<i32>} : memref<320x128xf32, #tpu.memory_space<vmem>>, vector<1x16xf32>,
        %get3A_1086 = vector.shape_cast %get3A_1085 : vector<1x16xf32> to vector<16xf32>
        %add3A_1087 = arith.addf %get3A_1032, %get3A_1038 : vector<16xf32>
        %add3A_1088 = arith.addf %get3A_1044, %get3A_1050 : vector<16xf32>
        %add3A_1089 = arith.addf %get3A_1056, %get3A_1062 : vector<16xf32>
        %add3A_1090 = arith.addf %get3A_1068, %get3A_1074 : vector<16xf32>
        %add3A_1091 = arith.addf %get3A_1080, %get3A_1086 : vector<16xf32>
        %add3A_1092 = arith.addf %add3A_1087, %add3A_1088 : vector<16xf32>
        %add3A_1093 = arith.addf %add3A_1089, %add3A_1090 : vector<16xf32>
        %add3A_1094 = arith.addf %add3A_1092, %add3A_1093 : vector<16xf32>
        %add3A_1095 = arith.addf %add3A_1094, %add3A_1091 : vector<16xf32>
        %swap3A_1096 = arith.index_cast %scan3A_584 : i32 to index
        %swap3A_1097 = arith.constant 96 : index
        %swap3A_1098 = tpu.vector_load %arg16[%swap3A_1096, %swap3A_1097] {strides = array<i32>} : memref<32x128xf32, #tpu.memory_space<vmem>>, vector<1x16xf32>,
        %swap3A_1099 = vector.shape_cast %swap3A_1098 : vector<1x16xf32> to vector<16xf32>
        %swap3A_1100 = vector.shape_cast %add3A_1095 : vector<16xf32> to vector<1x16xf32>
        tpu.vector_store %arg16[%swap3A_1096, %swap3A_1097], %swap3A_1100 {strides = array<i32>} : memref<32x128xf32, #tpu.memory_space<vmem>>, vector<1x16xf32>,
        %add3A_1101 = arith.constant 0 : i32
        %add3A_1102 = arith.addi %add3A_1101, %scan3A_584 : i32
        %get3A_1103 = arith.index_cast %add3A_1102 : i32 to index
        %get3A_1104 = arith.constant 112 : index
        %get3A_1105 = tpu.vector_load %arg12[%get3A_1103, %get3A_1104] {strides = array<i32>} : memref<320x128xf32, #tpu.memory_space<vmem>>, vector<1x16xf32>,
        %get3A_1106 = vector.shape_cast %get3A_1105 : vector<1x16xf32> to vector<16xf32>
        %add3A_1107 = arith.constant 32 : i32
        %add3A_1108 = arith.addi %add3A_1107, %scan3A_584 : i32
        %get3A_1109 = arith.index_cast %add3A_1108 : i32 to index
        %get3A_1110 = arith.constant 112 : index
        %get3A_1111 = tpu.vector_load %arg12[%get3A_1109, %get3A_1110] {strides = array<i32>} : memref<320x128xf32, #tpu.memory_space<vmem>>, vector<1x16xf32>,
        %get3A_1112 = vector.shape_cast %get3A_1111 : vector<1x16xf32> to vector<16xf32>
        %add3A_1113 = arith.constant 64 : i32
        %add3A_1114 = arith.addi %add3A_1113, %scan3A_584 : i32
        %get3A_1115 = arith.index_cast %add3A_1114 : i32 to index
        %get3A_1116 = arith.constant 112 : index
        %get3A_1117 = tpu.vector_load %arg12[%get3A_1115, %get3A_1116] {strides = array<i32>} : memref<320x128xf32, #tpu.memory_space<vmem>>, vector<1x16xf32>,
        %get3A_1118 = vector.shape_cast %get3A_1117 : vector<1x16xf32> to vector<16xf32>
        %add3A_1119 = arith.constant 96 : i32
        %add3A_1120 = arith.addi %add3A_1119, %scan3A_584 : i32
        %get3A_1121 = arith.index_cast %add3A_1120 : i32 to index
        %get3A_1122 = arith.constant 112 : index
        %get3A_1123 = tpu.vector_load %arg12[%get3A_1121, %get3A_1122] {strides = array<i32>} : memref<320x128xf32, #tpu.memory_space<vmem>>, vector<1x16xf32>,
        %get3A_1124 = vector.shape_cast %get3A_1123 : vector<1x16xf32> to vector<16xf32>
        %add3A_1125 = arith.constant 128 : i32
        %add3A_1126 = arith.addi %add3A_1125, %scan3A_584 : i32
        %get3A_1127 = arith.index_cast %add3A_1126 : i32 to index
        %get3A_1128 = arith.constant 112 : index
        %get3A_1129 = tpu.vector_load %arg12[%get3A_1127, %get3A_1128] {strides = array<i32>} : memref<320x128xf32, #tpu.memory_space<vmem>>, vector<1x16xf32>,
        %get3A_1130 = vector.shape_cast %get3A_1129 : vector<1x16xf32> to vector<16xf32>
        %add3A_1131 = arith.constant 160 : i32
        %add3A_1132 = arith.addi %add3A_1131, %scan3A_584 : i32
        %get3A_1133 = arith.index_cast %add3A_1132 : i32 to index
        %get3A_1134 = arith.constant 112 : index
        %get3A_1135 = tpu.vector_load %arg12[%get3A_1133, %get3A_1134] {strides = array<i32>} : memref<320x128xf32, #tpu.memory_space<vmem>>, vector<1x16xf32>,
        %get3A_1136 = vector.shape_cast %get3A_1135 : vector<1x16xf32> to vector<16xf32>
        %add3A_1137 = arith.constant 192 : i32
        %add3A_1138 = arith.addi %add3A_1137, %scan3A_584 : i32
        %get3A_1139 = arith.index_cast %add3A_1138 : i32 to index
        %get3A_1140 = arith.constant 112 : index
        %get3A_1141 = tpu.vector_load %arg12[%get3A_1139, %get3A_1140] {strides = array<i32>} : memref<320x128xf32, #tpu.memory_space<vmem>>, vector<1x16xf32>,
        %get3A_1142 = vector.shape_cast %get3A_1141 : vector<1x16xf32> to vector<16xf32>
        %add3A_1143 = arith.constant 224 : i32
        %add3A_1144 = arith.addi %add3A_1143, %scan3A_584 : i32
        %get3A_1145 = arith.index_cast %add3A_1144 : i32 to index
        %get3A_1146 = arith.constant 112 : index
        %get3A_1147 = tpu.vector_load %arg12[%get3A_1145, %get3A_1146] {strides = array<i32>} : memref<320x128xf32, #tpu.memory_space<vmem>>, vector<1x16xf32>,
        %get3A_1148 = vector.shape_cast %get3A_1147 : vector<1x16xf32> to vector<16xf32>
        %add3A_1149 = arith.constant 256 : i32
        %add3A_1150 = arith.addi %add3A_1149, %scan3A_584 : i32
        %get3A_1151 = arith.index_cast %add3A_1150 : i32 to index
        %get3A_1152 = arith.constant 112 : index
        %get3A_1153 = tpu.vector_load %arg12[%get3A_1151, %get3A_1152] {strides = array<i32>} : memref<320x128xf32, #tpu.memory_space<vmem>>, vector<1x16xf32>,
        %get3A_1154 = vector.shape_cast %get3A_1153 : vector<1x16xf32> to vector<16xf32>
        %add3A_1155 = arith.constant 288 : i32
        %add3A_1156 = arith.addi %add3A_1155, %scan3A_584 : i32
        %get3A_1157 = arith.index_cast %add3A_1156 : i32 to index
        %get3A_1158 = arith.constant 112 : index
        %get3A_1159 = tpu.vector_load %arg12[%get3A_1157, %get3A_1158] {strides = array<i32>} : memref<320x128xf32, #tpu.memory_space<vmem>>, vector<1x16xf32>,
        %get3A_1160 = vector.shape_cast %get3A_1159 : vector<1x16xf32> to vector<16xf32>
        %add3A_1161 = arith.addf %get3A_1106, %get3A_1112 : vector<16xf32>
        %add3A_1162 = arith.addf %get3A_1118, %get3A_1124 : vector<16xf32>
        %add3A_1163 = arith.addf %get3A_1130, %get3A_1136 : vector<16xf32>
        %add3A_1164 = arith.addf %get3A_1142, %get3A_1148 : vector<16xf32>
        %add3A_1165 = arith.addf %get3A_1154, %get3A_1160 : vector<16xf32>
        %add3A_1166 = arith.addf %add3A_1161, %add3A_1162 : vector<16xf32>
        %add3A_1167 = arith.addf %add3A_1163, %add3A_1164 : vector<16xf32>
        %add3A_1168 = arith.addf %add3A_1166, %add3A_1167 : vector<16xf32>
        %add3A_1169 = arith.addf %add3A_1168, %add3A_1165 : vector<16xf32>
        %swap3A_1170 = arith.index_cast %scan3A_584 : i32 to index
        %swap3A_1171 = arith.constant 112 : index
        %swap3A_1172 = tpu.vector_load %arg16[%swap3A_1170, %swap3A_1171] {strides = array<i32>} : memref<32x128xf32, #tpu.memory_space<vmem>>, vector<1x16xf32>,
        %swap3A_1173 = vector.shape_cast %swap3A_1172 : vector<1x16xf32> to vector<16xf32>
        %swap3A_1174 = vector.shape_cast %add3A_1169 : vector<16xf32> to vector<1x16xf32>
        tpu.vector_store %arg16[%swap3A_1170, %swap3A_1171], %swap3A_1174 {strides = array<i32>} : memref<32x128xf32, #tpu.memory_space<vmem>>, vector<1x16xf32>,
      }
      %scan3A_568 = arith.constant 32 : i32
      %add3A_569 = arith.constant 1 : i32
      %add3A_570 = arith.addi %mul3A_390, %add3A_569 : i32
      %mul3A_571 = arith.constant 49 : i32
      %mul3A_572 = arith.muli %add3A, %mul3A_571 : i32
      %add3A_573 = arith.addi %mul3A_572, %add3A_570 : i32
      %mul3A_574 = arith.constant 32 : i32
      %mul3A_575 = arith.muli %add3A_573, %mul3A_574 : i32
      %dma_start3A_576 = arith.constant 0 : i32
      %dma_start3A_577 = tpu.memref_slice %arg5[%mul3A_575, %dma_start3A_576] : memref<50176x128xf32, #tpu.memory_space<hbm>> -> memref<32x128xf32, #tpu.memory_space<hbm>>
      %dma_start3A_578 = arith.constant 0 : i32
      %dma_start3A_579 = tpu.memref_slice %arg5[%mul3A_575, %dma_start3A_578] : memref<50176x128xf32, #tpu.memory_space<hbm>> -> memref<32x128xf32, #tpu.memory_space<hbm>>
      tpu.enqueue_dma source(%arg14 : memref<32x128xf32, #tpu.memory_space<vmem>>) target(%dma_start3A_579 : memref<32x128xf32, #tpu.memory_space<hbm>>) target_semaphore(%arg22 : memref<!tpu.dma_semaphore, #tpu.memory_space<semaphore_mem>>)
      %dma_start3A_580 = arith.constant 0 : i32
      %dma_start3A_581 = tpu.memref_slice %arg6[%mul3A_575, %dma_start3A_580] : memref<50176x128xf32, #tpu.memory_space<hbm>> -> memref<32x128xf32, #tpu.memory_space<hbm>>
      %dma_start3A_582 = arith.constant 0 : i32
      %dma_start3A_583 = tpu.memref_slice %arg6[%mul3A_575, %dma_start3A_582] : memref<50176x128xf32, #tpu.memory_space<hbm>> -> memref<32x128xf32, #tpu.memory_space<hbm>>
      tpu.enqueue_dma source(%arg16 : memref<32x128xf32, #tpu.memory_space<vmem>>) target(%dma_start3A_583 : memref<32x128xf32, #tpu.memory_space<hbm>>) target_semaphore(%arg22 : memref<!tpu.dma_semaphore, #tpu.memory_space<semaphore_mem>>)
    }
    %scan3A_216 = arith.constant 22 : i32
    %mul3A_217 = arith.constant 49 : i32
    %mul3A_218 = arith.muli %add3A, %mul3A_217 : i32
    %add3A_219 = arith.constant 46 : i32
    %add3A_220 = arith.addi %mul3A_218, %add3A_219 : i32
    %mul3A_221 = arith.constant 32 : i32
    %mul3A_222 = arith.muli %add3A_220, %mul3A_221 : i32
    %dma_wait3A_223 = arith.constant 0 : i32
    %dma_wait3A_224 = tpu.memref_slice %arg5[%mul3A_222, %dma_wait3A_223] : memref<50176x128xf32, #tpu.memory_space<hbm>> -> memref<32x128xf32, #tpu.memory_space<hbm>>
    %dma_wait3A_225 = arith.constant 0 : i32
    %dma_wait3A_226 = tpu.memref_slice %arg5[%mul3A_222, %dma_wait3A_225] : memref<50176x128xf32, #tpu.memory_space<hbm>> -> memref<32x128xf32, #tpu.memory_space<hbm>>
    tpu.wait_dma2 semaphore(%arg22 : memref<!tpu.dma_semaphore, #tpu.memory_space<semaphore_mem>>) src(%arg14 : memref<32x128xf32, #tpu.memory_space<vmem>>) dst(%dma_wait3A_226 : memref<32x128xf32, #tpu.memory_space<hbm>>)
    %dma_wait3A_227 = arith.constant 0 : i32
    %dma_wait3A_228 = tpu.memref_slice %arg6[%mul3A_222, %dma_wait3A_227] : memref<50176x128xf32, #tpu.memory_space<hbm>> -> memref<32x128xf32, #tpu.memory_space<hbm>>
    %dma_wait3A_229 = arith.constant 0 : i32
    %dma_wait3A_230 = tpu.memref_slice %arg6[%mul3A_222, %dma_wait3A_229] : memref<50176x128xf32, #tpu.memory_space<hbm>> -> memref<32x128xf32, #tpu.memory_space<hbm>>
    tpu.wait_dma2 semaphore(%arg22 : memref<!tpu.dma_semaphore, #tpu.memory_space<semaphore_mem>>) src(%arg16 : memref<32x128xf32, #tpu.memory_space<vmem>>) dst(%dma_wait3A_230 : memref<32x128xf32, #tpu.memory_space<hbm>>)
    %mul3A_231 = arith.constant 49 : i32
    %mul3A_232 = arith.muli %add3A, %mul3A_231 : i32
    %add3A_233 = arith.constant 48 : i32
    %add3A_234 = arith.addi %mul3A_232, %add3A_233 : i32
    %mul3A_235 = arith.constant 32 : i32
    %mul3A_236 = arith.muli %add3A_234, %mul3A_235 : i32
    "tpu.region"() ({
      %run_scoped3A = tpu.sem_alloc : memref<!tpu.dma_semaphore, #tpu.memory_space<semaphore_mem>>
      %dma_start3A_388 = tpu.memref_slice %arg3[%mul3A_236] : memref<50240xi32, #tpu.memory_space<hbm>> -> memref<32xi32, #tpu.memory_space<hbm>>
      %dma_start3A_389 = tpu.memref_slice %arg3[%mul3A_236] : memref<50240xi32, #tpu.memory_space<hbm>> -> memref<32xi32, #tpu.memory_space<hbm>>
      tpu.enqueue_dma source(%dma_start3A_389 : memref<32xi32, #tpu.memory_space<hbm>>) target(%arg10 : memref<32xi32, #tpu.memory_space<vmem>>) target_semaphore(%run_scoped3A : memref<!tpu.dma_semaphore, #tpu.memory_space<semaphore_mem>>)
      %dma_wait3A_390 = tpu.memref_slice %arg3[%mul3A_236] : memref<50240xi32, #tpu.memory_space<hbm>> -> memref<32xi32, #tpu.memory_space<hbm>>
      %dma_wait3A_391 = tpu.memref_slice %arg3[%mul3A_236] : memref<50240xi32, #tpu.memory_space<hbm>> -> memref<32xi32, #tpu.memory_space<hbm>>
      tpu.wait_dma2 semaphore(%run_scoped3A : memref<!tpu.dma_semaphore, #tpu.memory_space<semaphore_mem>>) src(%dma_wait3A_391 : memref<32xi32, #tpu.memory_space<hbm>>) dst(%arg10 : memref<32xi32, #tpu.memory_space<vmem>>)
      tpu.yield
    }) : () -> ()
    %mul3A_237 = arith.constant 10 : i32
    %mul3A_238 = arith.muli %mul3A_236, %mul3A_237 : i32
    "tpu.region"() ({
      %run_scoped3A = tpu.sem_alloc : memref<!tpu.dma_semaphore, #tpu.memory_space<semaphore_mem>>
      %dma_start3A_388 = tpu.memref_slice %arg4[%mul3A_238] : memref<502400xi32, #tpu.memory_space<hbm>> -> memref<320xi32, #tpu.memory_space<hbm>>
      %dma_start3A_389 = tpu.memref_slice %arg4[%mul3A_238] : memref<502400xi32, #tpu.memory_space<hbm>> -> memref<320xi32, #tpu.memory_space<hbm>>
      tpu.enqueue_dma source(%dma_start3A_389 : memref<320xi32, #tpu.memory_space<hbm>>) target(%arg8 : memref<320xi32, #tpu.memory_space<vmem>>) target_semaphore(%run_scoped3A : memref<!tpu.dma_semaphore, #tpu.memory_space<semaphore_mem>>)
      %dma_wait3A_390 = tpu.memref_slice %arg4[%mul3A_238] : memref<502400xi32, #tpu.memory_space<hbm>> -> memref<320xi32, #tpu.memory_space<hbm>>
      %dma_wait3A_391 = tpu.memref_slice %arg4[%mul3A_238] : memref<502400xi32, #tpu.memory_space<hbm>> -> memref<320xi32, #tpu.memory_space<hbm>>
      tpu.wait_dma2 semaphore(%run_scoped3A : memref<!tpu.dma_semaphore, #tpu.memory_space<semaphore_mem>>) src(%dma_wait3A_391 : memref<320xi32, #tpu.memory_space<hbm>>) dst(%arg8 : memref<320xi32, #tpu.memory_space<vmem>>)
      tpu.yield
    }) : () -> ()
    %dma_start3A_239 = arith.constant 0 : i32
    %dma_start3A_240 = arith.constant 0 : i32
    %dma_start3A_241 = tpu.memref_slice %arg2[%dma_start3A_239, %dma_start3A_240] : memref<100000x128xf32, #tpu.memory_space<hbm>> -> memref<100000x128xf32, #tpu.memory_space<hbm>>
    tpu.enqueue_indirect_dma source(%dma_start3A_241 : memref<100000x128xf32, #tpu.memory_space<hbm>>) target(%arg14 : memref<32x128xf32, #tpu.memory_space<vmem>>) offsets(%arg10 : memref<32xi32, #tpu.memory_space<vmem>>) semaphore(%arg20 : memref<!tpu.dma_semaphore, #tpu.memory_space<semaphore_mem>>)
    %dma_start3A_242 = arith.constant 0 : i32
    %dma_start3A_243 = arith.constant 0 : i32
    %dma_start3A_244 = tpu.memref_slice %arg12[%dma_start3A_242, %dma_start3A_243] : memref<320x128xf32, #tpu.memory_space<vmem>> -> memref<104x128xf32, #tpu.memory_space<vmem>>
    %dma_start3A_245 = arith.constant 0 : i32
    %dma_start3A_246 = tpu.memref_slice %arg8[%dma_start3A_245] : memref<320xi32, #tpu.memory_space<vmem>> -> memref<104xi32, #tpu.memory_space<vmem>>
    %dma_start3A_247 = arith.constant 0 : i32
    %dma_start3A_248 = arith.constant 0 : i32
    %dma_start3A_249 = tpu.memref_slice %arg2[%dma_start3A_247, %dma_start3A_248] : memref<100000x128xf32, #tpu.memory_space<hbm>> -> memref<100000x128xf32, #tpu.memory_space<hbm>>
    tpu.enqueue_indirect_dma source(%dma_start3A_249 : memref<100000x128xf32, #tpu.memory_space<hbm>>) target(%dma_start3A_244 : memref<104x128xf32, #tpu.memory_space<vmem>>) offsets(%dma_start3A_246 : memref<104xi32, #tpu.memory_space<vmem>>) semaphore(%arg18 : memref<!tpu.dma_semaphore, #tpu.memory_space<semaphore_mem>>)
    %dma_start3A_250 = arith.constant 104 : i32
    %dma_start3A_251 = arith.constant 0 : i32
    %dma_start3A_252 = tpu.memref_slice %arg12[%dma_start3A_250, %dma_start3A_251] : memref<320x128xf32, #tpu.memory_space<vmem>> -> memref<104x128xf32, #tpu.memory_space<vmem>>
    %dma_start3A_253 = arith.constant 104 : i32
    %dma_start3A_254 = tpu.memref_slice %arg8[%dma_start3A_253] : memref<320xi32, #tpu.memory_space<vmem>> -> memref<104xi32, #tpu.memory_space<vmem>>
    %dma_start3A_255 = arith.constant 0 : i32
    %dma_start3A_256 = arith.constant 0 : i32
    %dma_start3A_257 = tpu.memref_slice %arg2[%dma_start3A_255, %dma_start3A_256] : memref<100000x128xf32, #tpu.memory_space<hbm>> -> memref<100000x128xf32, #tpu.memory_space<hbm>>
    tpu.enqueue_indirect_dma source(%dma_start3A_257 : memref<100000x128xf32, #tpu.memory_space<hbm>>) target(%dma_start3A_252 : memref<104x128xf32, #tpu.memory_space<vmem>>) offsets(%dma_start3A_254 : memref<104xi32, #tpu.memory_space<vmem>>) semaphore(%arg18 : memref<!tpu.dma_semaphore, #tpu.memory_space<semaphore_mem>>)
    %dma_start3A_258 = arith.constant 208 : i32
    %dma_start3A_259 = arith.constant 0 : i32
    %dma_start3A_260 = tpu.memref_slice %arg12[%dma_start3A_258, %dma_start3A_259] : memref<320x128xf32, #tpu.memory_space<vmem>> -> memref<112x128xf32, #tpu.memory_space<vmem>>
    %dma_start3A_261 = arith.constant 208 : i32
    %dma_start3A_262 = tpu.memref_slice %arg8[%dma_start3A_261] : memref<320xi32, #tpu.memory_space<vmem>> -> memref<112xi32, #tpu.memory_space<vmem>>
    %dma_start3A_263 = arith.constant 0 : i32
    %dma_start3A_264 = arith.constant 0 : i32
    %dma_start3A_265 = tpu.memref_slice %arg2[%dma_start3A_263, %dma_start3A_264] : memref<100000x128xf32, #tpu.memory_space<hbm>> -> memref<100000x128xf32, #tpu.memory_space<hbm>>
    tpu.enqueue_indirect_dma source(%dma_start3A_265 : memref<100000x128xf32, #tpu.memory_space<hbm>>) target(%dma_start3A_260 : memref<112x128xf32, #tpu.memory_space<vmem>>) offsets(%dma_start3A_262 : memref<112xi32, #tpu.memory_space<vmem>>) semaphore(%arg18 : memref<!tpu.dma_semaphore, #tpu.memory_space<semaphore_mem>>)
    %dma_wait3A_266 = arith.constant 0 : i32
    %dma_wait3A_267 = arith.constant 0 : i32
    %dma_wait3A_268 = tpu.memref_slice %arg2[%dma_wait3A_266, %dma_wait3A_267] : memref<100000x128xf32, #tpu.memory_space<hbm>> -> memref<100000x128xf32, #tpu.memory_space<hbm>>
    tpu.wait_indirect_dma semaphore(%arg19 : memref<!tpu.dma_semaphore, #tpu.memory_space<semaphore_mem>>) src(%dma_wait3A_268 : memref<100000x128xf32, #tpu.memory_space<hbm>>) dst(%arg13 : memref<32x128xf32, #tpu.memory_space<vmem>>)
    %dma_wait3A_269 = arith.constant 0 : i32
    %dma_wait3A_270 = arith.constant 0 : i32
    %dma_wait3A_271 = tpu.memref_slice %arg11[%dma_wait3A_269, %dma_wait3A_270] : memref<320x128xf32, #tpu.memory_space<vmem>> -> memref<104x128xf32, #tpu.memory_space<vmem>>
    %dma_wait3A_272 = arith.constant 0 : i32
    %dma_wait3A_273 = tpu.memref_slice %arg7[%dma_wait3A_272] : memref<320xi32, #tpu.memory_space<vmem>> -> memref<104xi32, #tpu.memory_space<vmem>>
    %dma_wait3A_274 = arith.constant 0 : i32
    %dma_wait3A_275 = arith.constant 0 : i32
    %dma_wait3A_276 = tpu.memref_slice %arg2[%dma_wait3A_274, %dma_wait3A_275] : memref<100000x128xf32, #tpu.memory_space<hbm>> -> memref<100000x128xf32, #tpu.memory_space<hbm>>
    tpu.wait_indirect_dma semaphore(%arg17 : memref<!tpu.dma_semaphore, #tpu.memory_space<semaphore_mem>>) src(%dma_wait3A_276 : memref<100000x128xf32, #tpu.memory_space<hbm>>) dst(%dma_wait3A_271 : memref<104x128xf32, #tpu.memory_space<vmem>>)
    %dma_wait3A_277 = arith.constant 104 : i32
    %dma_wait3A_278 = arith.constant 0 : i32
    %dma_wait3A_279 = tpu.memref_slice %arg11[%dma_wait3A_277, %dma_wait3A_278] : memref<320x128xf32, #tpu.memory_space<vmem>> -> memref<104x128xf32, #tpu.memory_space<vmem>>
    %dma_wait3A_280 = arith.constant 104 : i32
    %dma_wait3A_281 = tpu.memref_slice %arg7[%dma_wait3A_280] : memref<320xi32, #tpu.memory_space<vmem>> -> memref<104xi32, #tpu.memory_space<vmem>>
    %dma_wait3A_282 = arith.constant 0 : i32
    %dma_wait3A_283 = arith.constant 0 : i32
    %dma_wait3A_284 = tpu.memref_slice %arg2[%dma_wait3A_282, %dma_wait3A_283] : memref<100000x128xf32, #tpu.memory_space<hbm>> -> memref<100000x128xf32, #tpu.memory_space<hbm>>
    tpu.wait_indirect_dma semaphore(%arg17 : memref<!tpu.dma_semaphore, #tpu.memory_space<semaphore_mem>>) src(%dma_wait3A_284 : memref<100000x128xf32, #tpu.memory_space<hbm>>) dst(%dma_wait3A_279 : memref<104x128xf32, #tpu.memory_space<vmem>>)
    %dma_wait3A_285 = arith.constant 208 : i32
    %dma_wait3A_286 = arith.constant 0 : i32
    %dma_wait3A_287 = tpu.memref_slice %arg11[%dma_wait3A_285, %dma_wait3A_286] : memref<320x128xf32, #tpu.memory_space<vmem>> -> memref<112x128xf32, #tpu.memory_space<vmem>>
    %dma_wait3A_288 = arith.constant 208 : i32
    %dma_wait3A_289 = tpu.memref_slice %arg7[%dma_wait3A_288] : memref<320xi32, #tpu.memory_space<vmem>> -> memref<112xi32, #tpu.memory_space<vmem>>
    %dma_wait3A_290 = arith.constant 0 : i32
    %dma_wait3A_291 = arith.constant 0 : i32
    %dma_wait3A_292 = tpu.memref_slice %arg2[%dma_wait3A_290, %dma_wait3A_291] : memref<100000x128xf32, #tpu.memory_space<hbm>> -> memref<100000x128xf32, #tpu.memory_space<hbm>>
    tpu.wait_indirect_dma semaphore(%arg17 : memref<!tpu.dma_semaphore, #tpu.memory_space<semaphore_mem>>) src(%dma_wait3A_292 : memref<100000x128xf32, #tpu.memory_space<hbm>>) dst(%dma_wait3A_287 : memref<112x128xf32, #tpu.memory_space<vmem>>)
    %scan3A_293 = arith.constant 0 : i32
    %scan3A_294 = arith.constant 0 : i32
    %scan3A_295 = arith.constant 32 : i32
    %scan3A_296 = arith.addi %scan3A_294, %scan3A_295 : i32
    %scan3A_297 = arith.constant 1 : i32
    scf.for %scan3A_388 = %scan3A_294 to %scan3A_296 step %scan3A_297  : i32 {
      %add3A_389 = arith.constant 0 : i32
      %add3A_390 = arith.addi %add3A_389, %scan3A_388 : i32
      %get3A = arith.index_cast %add3A_390 : i32 to index
      %get3A_391 = arith.constant 0 : index
      %get3A_392 = tpu.vector_load %arg11[%get3A, %get3A_391] {strides = array<i32>} : memref<320x128xf32, #tpu.memory_space<vmem>>, vector<1x16xf32>,
      %get3A_393 = vector.shape_cast %get3A_392 : vector<1x16xf32> to vector<16xf32>
      %add3A_394 = arith.constant 32 : i32
      %add3A_395 = arith.addi %add3A_394, %scan3A_388 : i32
      %get3A_396 = arith.index_cast %add3A_395 : i32 to index
      %get3A_397 = arith.constant 0 : index
      %get3A_398 = tpu.vector_load %arg11[%get3A_396, %get3A_397] {strides = array<i32>} : memref<320x128xf32, #tpu.memory_space<vmem>>, vector<1x16xf32>,
      %get3A_399 = vector.shape_cast %get3A_398 : vector<1x16xf32> to vector<16xf32>
      %add3A_400 = arith.constant 64 : i32
      %add3A_401 = arith.addi %add3A_400, %scan3A_388 : i32
      %get3A_402 = arith.index_cast %add3A_401 : i32 to index
      %get3A_403 = arith.constant 0 : index
      %get3A_404 = tpu.vector_load %arg11[%get3A_402, %get3A_403] {strides = array<i32>} : memref<320x128xf32, #tpu.memory_space<vmem>>, vector<1x16xf32>,
      %get3A_405 = vector.shape_cast %get3A_404 : vector<1x16xf32> to vector<16xf32>
      %add3A_406 = arith.constant 96 : i32
      %add3A_407 = arith.addi %add3A_406, %scan3A_388 : i32
      %get3A_408 = arith.index_cast %add3A_407 : i32 to index
      %get3A_409 = arith.constant 0 : index
      %get3A_410 = tpu.vector_load %arg11[%get3A_408, %get3A_409] {strides = array<i32>} : memref<320x128xf32, #tpu.memory_space<vmem>>, vector<1x16xf32>,
      %get3A_411 = vector.shape_cast %get3A_410 : vector<1x16xf32> to vector<16xf32>
      %add3A_412 = arith.constant 128 : i32
      %add3A_413 = arith.addi %add3A_412, %scan3A_388 : i32
      %get3A_414 = arith.index_cast %add3A_413 : i32 to index
      %get3A_415 = arith.constant 0 : index
      %get3A_416 = tpu.vector_load %arg11[%get3A_414, %get3A_415] {strides = array<i32>} : memref<320x128xf32, #tpu.memory_space<vmem>>, vector<1x16xf32>,
      %get3A_417 = vector.shape_cast %get3A_416 : vector<1x16xf32> to vector<16xf32>
      %add3A_418 = arith.constant 160 : i32
      %add3A_419 = arith.addi %add3A_418, %scan3A_388 : i32
      %get3A_420 = arith.index_cast %add3A_419 : i32 to index
      %get3A_421 = arith.constant 0 : index
      %get3A_422 = tpu.vector_load %arg11[%get3A_420, %get3A_421] {strides = array<i32>} : memref<320x128xf32, #tpu.memory_space<vmem>>, vector<1x16xf32>,
      %get3A_423 = vector.shape_cast %get3A_422 : vector<1x16xf32> to vector<16xf32>
      %add3A_424 = arith.constant 192 : i32
      %add3A_425 = arith.addi %add3A_424, %scan3A_388 : i32
      %get3A_426 = arith.index_cast %add3A_425 : i32 to index
      %get3A_427 = arith.constant 0 : index
      %get3A_428 = tpu.vector_load %arg11[%get3A_426, %get3A_427] {strides = array<i32>} : memref<320x128xf32, #tpu.memory_space<vmem>>, vector<1x16xf32>,
      %get3A_429 = vector.shape_cast %get3A_428 : vector<1x16xf32> to vector<16xf32>
      %add3A_430 = arith.constant 224 : i32
      %add3A_431 = arith.addi %add3A_430, %scan3A_388 : i32
      %get3A_432 = arith.index_cast %add3A_431 : i32 to index
      %get3A_433 = arith.constant 0 : index
      %get3A_434 = tpu.vector_load %arg11[%get3A_432, %get3A_433] {strides = array<i32>} : memref<320x128xf32, #tpu.memory_space<vmem>>, vector<1x16xf32>,
      %get3A_435 = vector.shape_cast %get3A_434 : vector<1x16xf32> to vector<16xf32>
      %add3A_436 = arith.constant 256 : i32
      %add3A_437 = arith.addi %add3A_436, %scan3A_388 : i32
      %get3A_438 = arith.index_cast %add3A_437 : i32 to index
      %get3A_439 = arith.constant 0 : index
      %get3A_440 = tpu.vector_load %arg11[%get3A_438, %get3A_439] {strides = array<i32>} : memref<320x128xf32, #tpu.memory_space<vmem>>, vector<1x16xf32>,
      %get3A_441 = vector.shape_cast %get3A_440 : vector<1x16xf32> to vector<16xf32>
      %add3A_442 = arith.constant 288 : i32
      %add3A_443 = arith.addi %add3A_442, %scan3A_388 : i32
      %get3A_444 = arith.index_cast %add3A_443 : i32 to index
      %get3A_445 = arith.constant 0 : index
      %get3A_446 = tpu.vector_load %arg11[%get3A_444, %get3A_445] {strides = array<i32>} : memref<320x128xf32, #tpu.memory_space<vmem>>, vector<1x16xf32>,
      %get3A_447 = vector.shape_cast %get3A_446 : vector<1x16xf32> to vector<16xf32>
      %add3A_448 = arith.addf %get3A_393, %get3A_399 : vector<16xf32>
      %add3A_449 = arith.addf %get3A_405, %get3A_411 : vector<16xf32>
      %add3A_450 = arith.addf %get3A_417, %get3A_423 : vector<16xf32>
      %add3A_451 = arith.addf %get3A_429, %get3A_435 : vector<16xf32>
      %add3A_452 = arith.addf %get3A_441, %get3A_447 : vector<16xf32>
      %add3A_453 = arith.addf %add3A_448, %add3A_449 : vector<16xf32>
      %add3A_454 = arith.addf %add3A_450, %add3A_451 : vector<16xf32>
      %add3A_455 = arith.addf %add3A_453, %add3A_454 : vector<16xf32>
      %add3A_456 = arith.addf %add3A_455, %add3A_452 : vector<16xf32>
      %swap3A = arith.index_cast %scan3A_388 : i32 to index
      %swap3A_457 = arith.constant 0 : index
      %swap3A_458 = tpu.vector_load %arg15[%swap3A, %swap3A_457] {strides = array<i32>} : memref<32x128xf32, #tpu.memory_space<vmem>>, vector<1x16xf32>,
      %swap3A_459 = vector.shape_cast %swap3A_458 : vector<1x16xf32> to vector<16xf32>
      %swap3A_460 = vector.shape_cast %add3A_456 : vector<16xf32> to vector<1x16xf32>
      tpu.vector_store %arg15[%swap3A, %swap3A_457], %swap3A_460 {strides = array<i32>} : memref<32x128xf32, #tpu.memory_space<vmem>>, vector<1x16xf32>,
      %add3A_461 = arith.constant 0 : i32
      %add3A_462 = arith.addi %add3A_461, %scan3A_388 : i32
      %get3A_463 = arith.index_cast %add3A_462 : i32 to index
      %get3A_464 = arith.constant 16 : index
      %get3A_465 = tpu.vector_load %arg11[%get3A_463, %get3A_464] {strides = array<i32>} : memref<320x128xf32, #tpu.memory_space<vmem>>, vector<1x16xf32>,
      %get3A_466 = vector.shape_cast %get3A_465 : vector<1x16xf32> to vector<16xf32>
      %add3A_467 = arith.constant 32 : i32
      %add3A_468 = arith.addi %add3A_467, %scan3A_388 : i32
      %get3A_469 = arith.index_cast %add3A_468 : i32 to index
      %get3A_470 = arith.constant 16 : index
      %get3A_471 = tpu.vector_load %arg11[%get3A_469, %get3A_470] {strides = array<i32>} : memref<320x128xf32, #tpu.memory_space<vmem>>, vector<1x16xf32>,
      %get3A_472 = vector.shape_cast %get3A_471 : vector<1x16xf32> to vector<16xf32>
      %add3A_473 = arith.constant 64 : i32
      %add3A_474 = arith.addi %add3A_473, %scan3A_388 : i32
      %get3A_475 = arith.index_cast %add3A_474 : i32 to index
      %get3A_476 = arith.constant 16 : index
      %get3A_477 = tpu.vector_load %arg11[%get3A_475, %get3A_476] {strides = array<i32>} : memref<320x128xf32, #tpu.memory_space<vmem>>, vector<1x16xf32>,
      %get3A_478 = vector.shape_cast %get3A_477 : vector<1x16xf32> to vector<16xf32>
      %add3A_479 = arith.constant 96 : i32
      %add3A_480 = arith.addi %add3A_479, %scan3A_388 : i32
      %get3A_481 = arith.index_cast %add3A_480 : i32 to index
      %get3A_482 = arith.constant 16 : index
      %get3A_483 = tpu.vector_load %arg11[%get3A_481, %get3A_482] {strides = array<i32>} : memref<320x128xf32, #tpu.memory_space<vmem>>, vector<1x16xf32>,
      %get3A_484 = vector.shape_cast %get3A_483 : vector<1x16xf32> to vector<16xf32>
      %add3A_485 = arith.constant 128 : i32
      %add3A_486 = arith.addi %add3A_485, %scan3A_388 : i32
      %get3A_487 = arith.index_cast %add3A_486 : i32 to index
      %get3A_488 = arith.constant 16 : index
      %get3A_489 = tpu.vector_load %arg11[%get3A_487, %get3A_488] {strides = array<i32>} : memref<320x128xf32, #tpu.memory_space<vmem>>, vector<1x16xf32>,
      %get3A_490 = vector.shape_cast %get3A_489 : vector<1x16xf32> to vector<16xf32>
      %add3A_491 = arith.constant 160 : i32
      %add3A_492 = arith.addi %add3A_491, %scan3A_388 : i32
      %get3A_493 = arith.index_cast %add3A_492 : i32 to index
      %get3A_494 = arith.constant 16 : index
      %get3A_495 = tpu.vector_load %arg11[%get3A_493, %get3A_494] {strides = array<i32>} : memref<320x128xf32, #tpu.memory_space<vmem>>, vector<1x16xf32>,
      %get3A_496 = vector.shape_cast %get3A_495 : vector<1x16xf32> to vector<16xf32>
      %add3A_497 = arith.constant 192 : i32
      %add3A_498 = arith.addi %add3A_497, %scan3A_388 : i32
      %get3A_499 = arith.index_cast %add3A_498 : i32 to index
      %get3A_500 = arith.constant 16 : index
      %get3A_501 = tpu.vector_load %arg11[%get3A_499, %get3A_500] {strides = array<i32>} : memref<320x128xf32, #tpu.memory_space<vmem>>, vector<1x16xf32>,
      %get3A_502 = vector.shape_cast %get3A_501 : vector<1x16xf32> to vector<16xf32>
      %add3A_503 = arith.constant 224 : i32
      %add3A_504 = arith.addi %add3A_503, %scan3A_388 : i32
      %get3A_505 = arith.index_cast %add3A_504 : i32 to index
      %get3A_506 = arith.constant 16 : index
      %get3A_507 = tpu.vector_load %arg11[%get3A_505, %get3A_506] {strides = array<i32>} : memref<320x128xf32, #tpu.memory_space<vmem>>, vector<1x16xf32>,
      %get3A_508 = vector.shape_cast %get3A_507 : vector<1x16xf32> to vector<16xf32>
      %add3A_509 = arith.constant 256 : i32
      %add3A_510 = arith.addi %add3A_509, %scan3A_388 : i32
      %get3A_511 = arith.index_cast %add3A_510 : i32 to index
      %get3A_512 = arith.constant 16 : index
      %get3A_513 = tpu.vector_load %arg11[%get3A_511, %get3A_512] {strides = array<i32>} : memref<320x128xf32, #tpu.memory_space<vmem>>, vector<1x16xf32>,
      %get3A_514 = vector.shape_cast %get3A_513 : vector<1x16xf32> to vector<16xf32>
      %add3A_515 = arith.constant 288 : i32
      %add3A_516 = arith.addi %add3A_515, %scan3A_388 : i32
      %get3A_517 = arith.index_cast %add3A_516 : i32 to index
      %get3A_518 = arith.constant 16 : index
      %get3A_519 = tpu.vector_load %arg11[%get3A_517, %get3A_518] {strides = array<i32>} : memref<320x128xf32, #tpu.memory_space<vmem>>, vector<1x16xf32>,
      %get3A_520 = vector.shape_cast %get3A_519 : vector<1x16xf32> to vector<16xf32>
      %add3A_521 = arith.addf %get3A_466, %get3A_472 : vector<16xf32>
      %add3A_522 = arith.addf %get3A_478, %get3A_484 : vector<16xf32>
      %add3A_523 = arith.addf %get3A_490, %get3A_496 : vector<16xf32>
      %add3A_524 = arith.addf %get3A_502, %get3A_508 : vector<16xf32>
      %add3A_525 = arith.addf %get3A_514, %get3A_520 : vector<16xf32>
      %add3A_526 = arith.addf %add3A_521, %add3A_522 : vector<16xf32>
      %add3A_527 = arith.addf %add3A_523, %add3A_524 : vector<16xf32>
      %add3A_528 = arith.addf %add3A_526, %add3A_527 : vector<16xf32>
      %add3A_529 = arith.addf %add3A_528, %add3A_525 : vector<16xf32>
      %swap3A_530 = arith.index_cast %scan3A_388 : i32 to index
      %swap3A_531 = arith.constant 16 : index
      %swap3A_532 = tpu.vector_load %arg15[%swap3A_530, %swap3A_531] {strides = array<i32>} : memref<32x128xf32, #tpu.memory_space<vmem>>, vector<1x16xf32>,
      %swap3A_533 = vector.shape_cast %swap3A_532 : vector<1x16xf32> to vector<16xf32>
      %swap3A_534 = vector.shape_cast %add3A_529 : vector<16xf32> to vector<1x16xf32>
      tpu.vector_store %arg15[%swap3A_530, %swap3A_531], %swap3A_534 {strides = array<i32>} : memref<32x128xf32, #tpu.memory_space<vmem>>, vector<1x16xf32>,
      %add3A_535 = arith.constant 0 : i32
      %add3A_536 = arith.addi %add3A_535, %scan3A_388 : i32
      %get3A_537 = arith.index_cast %add3A_536 : i32 to index
      %get3A_538 = arith.constant 32 : index
      %get3A_539 = tpu.vector_load %arg11[%get3A_537, %get3A_538] {strides = array<i32>} : memref<320x128xf32, #tpu.memory_space<vmem>>, vector<1x16xf32>,
      %get3A_540 = vector.shape_cast %get3A_539 : vector<1x16xf32> to vector<16xf32>
      %add3A_541 = arith.constant 32 : i32
      %add3A_542 = arith.addi %add3A_541, %scan3A_388 : i32
      %get3A_543 = arith.index_cast %add3A_542 : i32 to index
      %get3A_544 = arith.constant 32 : index
      %get3A_545 = tpu.vector_load %arg11[%get3A_543, %get3A_544] {strides = array<i32>} : memref<320x128xf32, #tpu.memory_space<vmem>>, vector<1x16xf32>,
      %get3A_546 = vector.shape_cast %get3A_545 : vector<1x16xf32> to vector<16xf32>
      %add3A_547 = arith.constant 64 : i32
      %add3A_548 = arith.addi %add3A_547, %scan3A_388 : i32
      %get3A_549 = arith.index_cast %add3A_548 : i32 to index
      %get3A_550 = arith.constant 32 : index
      %get3A_551 = tpu.vector_load %arg11[%get3A_549, %get3A_550] {strides = array<i32>} : memref<320x128xf32, #tpu.memory_space<vmem>>, vector<1x16xf32>,
      %get3A_552 = vector.shape_cast %get3A_551 : vector<1x16xf32> to vector<16xf32>
      %add3A_553 = arith.constant 96 : i32
      %add3A_554 = arith.addi %add3A_553, %scan3A_388 : i32
      %get3A_555 = arith.index_cast %add3A_554 : i32 to index
      %get3A_556 = arith.constant 32 : index
      %get3A_557 = tpu.vector_load %arg11[%get3A_555, %get3A_556] {strides = array<i32>} : memref<320x128xf32, #tpu.memory_space<vmem>>, vector<1x16xf32>,
      %get3A_558 = vector.shape_cast %get3A_557 : vector<1x16xf32> to vector<16xf32>
      %add3A_559 = arith.constant 128 : i32
      %add3A_560 = arith.addi %add3A_559, %scan3A_388 : i32
      %get3A_561 = arith.index_cast %add3A_560 : i32 to index
      %get3A_562 = arith.constant 32 : index
      %get3A_563 = tpu.vector_load %arg11[%get3A_561, %get3A_562] {strides = array<i32>} : memref<320x128xf32, #tpu.memory_space<vmem>>, vector<1x16xf32>,
      %get3A_564 = vector.shape_cast %get3A_563 : vector<1x16xf32> to vector<16xf32>
      %add3A_565 = arith.constant 160 : i32
      %add3A_566 = arith.addi %add3A_565, %scan3A_388 : i32
      %get3A_567 = arith.index_cast %add3A_566 : i32 to index
      %get3A_568 = arith.constant 32 : index
      %get3A_569 = tpu.vector_load %arg11[%get3A_567, %get3A_568] {strides = array<i32>} : memref<320x128xf32, #tpu.memory_space<vmem>>, vector<1x16xf32>,
      %get3A_570 = vector.shape_cast %get3A_569 : vector<1x16xf32> to vector<16xf32>
      %add3A_571 = arith.constant 192 : i32
      %add3A_572 = arith.addi %add3A_571, %scan3A_388 : i32
      %get3A_573 = arith.index_cast %add3A_572 : i32 to index
      %get3A_574 = arith.constant 32 : index
      %get3A_575 = tpu.vector_load %arg11[%get3A_573, %get3A_574] {strides = array<i32>} : memref<320x128xf32, #tpu.memory_space<vmem>>, vector<1x16xf32>,
      %get3A_576 = vector.shape_cast %get3A_575 : vector<1x16xf32> to vector<16xf32>
      %add3A_577 = arith.constant 224 : i32
      %add3A_578 = arith.addi %add3A_577, %scan3A_388 : i32
      %get3A_579 = arith.index_cast %add3A_578 : i32 to index
      %get3A_580 = arith.constant 32 : index
      %get3A_581 = tpu.vector_load %arg11[%get3A_579, %get3A_580] {strides = array<i32>} : memref<320x128xf32, #tpu.memory_space<vmem>>, vector<1x16xf32>,
      %get3A_582 = vector.shape_cast %get3A_581 : vector<1x16xf32> to vector<16xf32>
      %add3A_583 = arith.constant 256 : i32
      %add3A_584 = arith.addi %add3A_583, %scan3A_388 : i32
      %get3A_585 = arith.index_cast %add3A_584 : i32 to index
      %get3A_586 = arith.constant 32 : index
      %get3A_587 = tpu.vector_load %arg11[%get3A_585, %get3A_586] {strides = array<i32>} : memref<320x128xf32, #tpu.memory_space<vmem>>, vector<1x16xf32>,
      %get3A_588 = vector.shape_cast %get3A_587 : vector<1x16xf32> to vector<16xf32>
      %add3A_589 = arith.constant 288 : i32
      %add3A_590 = arith.addi %add3A_589, %scan3A_388 : i32
      %get3A_591 = arith.index_cast %add3A_590 : i32 to index
      %get3A_592 = arith.constant 32 : index
      %get3A_593 = tpu.vector_load %arg11[%get3A_591, %get3A_592] {strides = array<i32>} : memref<320x128xf32, #tpu.memory_space<vmem>>, vector<1x16xf32>,
      %get3A_594 = vector.shape_cast %get3A_593 : vector<1x16xf32> to vector<16xf32>
      %add3A_595 = arith.addf %get3A_540, %get3A_546 : vector<16xf32>
      %add3A_596 = arith.addf %get3A_552, %get3A_558 : vector<16xf32>
      %add3A_597 = arith.addf %get3A_564, %get3A_570 : vector<16xf32>
      %add3A_598 = arith.addf %get3A_576, %get3A_582 : vector<16xf32>
      %add3A_599 = arith.addf %get3A_588, %get3A_594 : vector<16xf32>
      %add3A_600 = arith.addf %add3A_595, %add3A_596 : vector<16xf32>
      %add3A_601 = arith.addf %add3A_597, %add3A_598 : vector<16xf32>
      %add3A_602 = arith.addf %add3A_600, %add3A_601 : vector<16xf32>
      %add3A_603 = arith.addf %add3A_602, %add3A_599 : vector<16xf32>
      %swap3A_604 = arith.index_cast %scan3A_388 : i32 to index
      %swap3A_605 = arith.constant 32 : index
      %swap3A_606 = tpu.vector_load %arg15[%swap3A_604, %swap3A_605] {strides = array<i32>} : memref<32x128xf32, #tpu.memory_space<vmem>>, vector<1x16xf32>,
      %swap3A_607 = vector.shape_cast %swap3A_606 : vector<1x16xf32> to vector<16xf32>
      %swap3A_608 = vector.shape_cast %add3A_603 : vector<16xf32> to vector<1x16xf32>
      tpu.vector_store %arg15[%swap3A_604, %swap3A_605], %swap3A_608 {strides = array<i32>} : memref<32x128xf32, #tpu.memory_space<vmem>>, vector<1x16xf32>,
      %add3A_609 = arith.constant 0 : i32
      %add3A_610 = arith.addi %add3A_609, %scan3A_388 : i32
      %get3A_611 = arith.index_cast %add3A_610 : i32 to index
      %get3A_612 = arith.constant 48 : index
      %get3A_613 = tpu.vector_load %arg11[%get3A_611, %get3A_612] {strides = array<i32>} : memref<320x128xf32, #tpu.memory_space<vmem>>, vector<1x16xf32>,
      %get3A_614 = vector.shape_cast %get3A_613 : vector<1x16xf32> to vector<16xf32>
      %add3A_615 = arith.constant 32 : i32
      %add3A_616 = arith.addi %add3A_615, %scan3A_388 : i32
      %get3A_617 = arith.index_cast %add3A_616 : i32 to index
      %get3A_618 = arith.constant 48 : index
      %get3A_619 = tpu.vector_load %arg11[%get3A_617, %get3A_618] {strides = array<i32>} : memref<320x128xf32, #tpu.memory_space<vmem>>, vector<1x16xf32>,
      %get3A_620 = vector.shape_cast %get3A_619 : vector<1x16xf32> to vector<16xf32>
      %add3A_621 = arith.constant 64 : i32
      %add3A_622 = arith.addi %add3A_621, %scan3A_388 : i32
      %get3A_623 = arith.index_cast %add3A_622 : i32 to index
      %get3A_624 = arith.constant 48 : index
      %get3A_625 = tpu.vector_load %arg11[%get3A_623, %get3A_624] {strides = array<i32>} : memref<320x128xf32, #tpu.memory_space<vmem>>, vector<1x16xf32>,
      %get3A_626 = vector.shape_cast %get3A_625 : vector<1x16xf32> to vector<16xf32>
      %add3A_627 = arith.constant 96 : i32
      %add3A_628 = arith.addi %add3A_627, %scan3A_388 : i32
      %get3A_629 = arith.index_cast %add3A_628 : i32 to index
      %get3A_630 = arith.constant 48 : index
      %get3A_631 = tpu.vector_load %arg11[%get3A_629, %get3A_630] {strides = array<i32>} : memref<320x128xf32, #tpu.memory_space<vmem>>, vector<1x16xf32>,
      %get3A_632 = vector.shape_cast %get3A_631 : vector<1x16xf32> to vector<16xf32>
      %add3A_633 = arith.constant 128 : i32
      %add3A_634 = arith.addi %add3A_633, %scan3A_388 : i32
      %get3A_635 = arith.index_cast %add3A_634 : i32 to index
      %get3A_636 = arith.constant 48 : index
      %get3A_637 = tpu.vector_load %arg11[%get3A_635, %get3A_636] {strides = array<i32>} : memref<320x128xf32, #tpu.memory_space<vmem>>, vector<1x16xf32>,
      %get3A_638 = vector.shape_cast %get3A_637 : vector<1x16xf32> to vector<16xf32>
      %add3A_639 = arith.constant 160 : i32
      %add3A_640 = arith.addi %add3A_639, %scan3A_388 : i32
      %get3A_641 = arith.index_cast %add3A_640 : i32 to index
      %get3A_642 = arith.constant 48 : index
      %get3A_643 = tpu.vector_load %arg11[%get3A_641, %get3A_642] {strides = array<i32>} : memref<320x128xf32, #tpu.memory_space<vmem>>, vector<1x16xf32>,
      %get3A_644 = vector.shape_cast %get3A_643 : vector<1x16xf32> to vector<16xf32>
      %add3A_645 = arith.constant 192 : i32
      %add3A_646 = arith.addi %add3A_645, %scan3A_388 : i32
      %get3A_647 = arith.index_cast %add3A_646 : i32 to index
      %get3A_648 = arith.constant 48 : index
      %get3A_649 = tpu.vector_load %arg11[%get3A_647, %get3A_648] {strides = array<i32>} : memref<320x128xf32, #tpu.memory_space<vmem>>, vector<1x16xf32>,
      %get3A_650 = vector.shape_cast %get3A_649 : vector<1x16xf32> to vector<16xf32>
      %add3A_651 = arith.constant 224 : i32
      %add3A_652 = arith.addi %add3A_651, %scan3A_388 : i32
      %get3A_653 = arith.index_cast %add3A_652 : i32 to index
      %get3A_654 = arith.constant 48 : index
      %get3A_655 = tpu.vector_load %arg11[%get3A_653, %get3A_654] {strides = array<i32>} : memref<320x128xf32, #tpu.memory_space<vmem>>, vector<1x16xf32>,
      %get3A_656 = vector.shape_cast %get3A_655 : vector<1x16xf32> to vector<16xf32>
      %add3A_657 = arith.constant 256 : i32
      %add3A_658 = arith.addi %add3A_657, %scan3A_388 : i32
      %get3A_659 = arith.index_cast %add3A_658 : i32 to index
      %get3A_660 = arith.constant 48 : index
      %get3A_661 = tpu.vector_load %arg11[%get3A_659, %get3A_660] {strides = array<i32>} : memref<320x128xf32, #tpu.memory_space<vmem>>, vector<1x16xf32>,
      %get3A_662 = vector.shape_cast %get3A_661 : vector<1x16xf32> to vector<16xf32>
      %add3A_663 = arith.constant 288 : i32
      %add3A_664 = arith.addi %add3A_663, %scan3A_388 : i32
      %get3A_665 = arith.index_cast %add3A_664 : i32 to index
      %get3A_666 = arith.constant 48 : index
      %get3A_667 = tpu.vector_load %arg11[%get3A_665, %get3A_666] {strides = array<i32>} : memref<320x128xf32, #tpu.memory_space<vmem>>, vector<1x16xf32>,
      %get3A_668 = vector.shape_cast %get3A_667 : vector<1x16xf32> to vector<16xf32>
      %add3A_669 = arith.addf %get3A_614, %get3A_620 : vector<16xf32>
      %add3A_670 = arith.addf %get3A_626, %get3A_632 : vector<16xf32>
      %add3A_671 = arith.addf %get3A_638, %get3A_644 : vector<16xf32>
      %add3A_672 = arith.addf %get3A_650, %get3A_656 : vector<16xf32>
      %add3A_673 = arith.addf %get3A_662, %get3A_668 : vector<16xf32>
      %add3A_674 = arith.addf %add3A_669, %add3A_670 : vector<16xf32>
      %add3A_675 = arith.addf %add3A_671, %add3A_672 : vector<16xf32>
      %add3A_676 = arith.addf %add3A_674, %add3A_675 : vector<16xf32>
      %add3A_677 = arith.addf %add3A_676, %add3A_673 : vector<16xf32>
      %swap3A_678 = arith.index_cast %scan3A_388 : i32 to index
      %swap3A_679 = arith.constant 48 : index
      %swap3A_680 = tpu.vector_load %arg15[%swap3A_678, %swap3A_679] {strides = array<i32>} : memref<32x128xf32, #tpu.memory_space<vmem>>, vector<1x16xf32>,
      %swap3A_681 = vector.shape_cast %swap3A_680 : vector<1x16xf32> to vector<16xf32>
      %swap3A_682 = vector.shape_cast %add3A_677 : vector<16xf32> to vector<1x16xf32>
      tpu.vector_store %arg15[%swap3A_678, %swap3A_679], %swap3A_682 {strides = array<i32>} : memref<32x128xf32, #tpu.memory_space<vmem>>, vector<1x16xf32>,
      %add3A_683 = arith.constant 0 : i32
      %add3A_684 = arith.addi %add3A_683, %scan3A_388 : i32
      %get3A_685 = arith.index_cast %add3A_684 : i32 to index
      %get3A_686 = arith.constant 64 : index
      %get3A_687 = tpu.vector_load %arg11[%get3A_685, %get3A_686] {strides = array<i32>} : memref<320x128xf32, #tpu.memory_space<vmem>>, vector<1x16xf32>,
      %get3A_688 = vector.shape_cast %get3A_687 : vector<1x16xf32> to vector<16xf32>
      %add3A_689 = arith.constant 32 : i32
      %add3A_690 = arith.addi %add3A_689, %scan3A_388 : i32
      %get3A_691 = arith.index_cast %add3A_690 : i32 to index
      %get3A_692 = arith.constant 64 : index
      %get3A_693 = tpu.vector_load %arg11[%get3A_691, %get3A_692] {strides = array<i32>} : memref<320x128xf32, #tpu.memory_space<vmem>>, vector<1x16xf32>,
      %get3A_694 = vector.shape_cast %get3A_693 : vector<1x16xf32> to vector<16xf32>
      %add3A_695 = arith.constant 64 : i32
      %add3A_696 = arith.addi %add3A_695, %scan3A_388 : i32
      %get3A_697 = arith.index_cast %add3A_696 : i32 to index
      %get3A_698 = arith.constant 64 : index
      %get3A_699 = tpu.vector_load %arg11[%get3A_697, %get3A_698] {strides = array<i32>} : memref<320x128xf32, #tpu.memory_space<vmem>>, vector<1x16xf32>,
      %get3A_700 = vector.shape_cast %get3A_699 : vector<1x16xf32> to vector<16xf32>
      %add3A_701 = arith.constant 96 : i32
      %add3A_702 = arith.addi %add3A_701, %scan3A_388 : i32
      %get3A_703 = arith.index_cast %add3A_702 : i32 to index
      %get3A_704 = arith.constant 64 : index
      %get3A_705 = tpu.vector_load %arg11[%get3A_703, %get3A_704] {strides = array<i32>} : memref<320x128xf32, #tpu.memory_space<vmem>>, vector<1x16xf32>,
      %get3A_706 = vector.shape_cast %get3A_705 : vector<1x16xf32> to vector<16xf32>
      %add3A_707 = arith.constant 128 : i32
      %add3A_708 = arith.addi %add3A_707, %scan3A_388 : i32
      %get3A_709 = arith.index_cast %add3A_708 : i32 to index
      %get3A_710 = arith.constant 64 : index
      %get3A_711 = tpu.vector_load %arg11[%get3A_709, %get3A_710] {strides = array<i32>} : memref<320x128xf32, #tpu.memory_space<vmem>>, vector<1x16xf32>,
      %get3A_712 = vector.shape_cast %get3A_711 : vector<1x16xf32> to vector<16xf32>
      %add3A_713 = arith.constant 160 : i32
      %add3A_714 = arith.addi %add3A_713, %scan3A_388 : i32
      %get3A_715 = arith.index_cast %add3A_714 : i32 to index
      %get3A_716 = arith.constant 64 : index
      %get3A_717 = tpu.vector_load %arg11[%get3A_715, %get3A_716] {strides = array<i32>} : memref<320x128xf32, #tpu.memory_space<vmem>>, vector<1x16xf32>,
      %get3A_718 = vector.shape_cast %get3A_717 : vector<1x16xf32> to vector<16xf32>
      %add3A_719 = arith.constant 192 : i32
      %add3A_720 = arith.addi %add3A_719, %scan3A_388 : i32
      %get3A_721 = arith.index_cast %add3A_720 : i32 to index
      %get3A_722 = arith.constant 64 : index
      %get3A_723 = tpu.vector_load %arg11[%get3A_721, %get3A_722] {strides = array<i32>} : memref<320x128xf32, #tpu.memory_space<vmem>>, vector<1x16xf32>,
      %get3A_724 = vector.shape_cast %get3A_723 : vector<1x16xf32> to vector<16xf32>
      %add3A_725 = arith.constant 224 : i32
      %add3A_726 = arith.addi %add3A_725, %scan3A_388 : i32
      %get3A_727 = arith.index_cast %add3A_726 : i32 to index
      %get3A_728 = arith.constant 64 : index
      %get3A_729 = tpu.vector_load %arg11[%get3A_727, %get3A_728] {strides = array<i32>} : memref<320x128xf32, #tpu.memory_space<vmem>>, vector<1x16xf32>,
      %get3A_730 = vector.shape_cast %get3A_729 : vector<1x16xf32> to vector<16xf32>
      %add3A_731 = arith.constant 256 : i32
      %add3A_732 = arith.addi %add3A_731, %scan3A_388 : i32
      %get3A_733 = arith.index_cast %add3A_732 : i32 to index
      %get3A_734 = arith.constant 64 : index
      %get3A_735 = tpu.vector_load %arg11[%get3A_733, %get3A_734] {strides = array<i32>} : memref<320x128xf32, #tpu.memory_space<vmem>>, vector<1x16xf32>,
      %get3A_736 = vector.shape_cast %get3A_735 : vector<1x16xf32> to vector<16xf32>
      %add3A_737 = arith.constant 288 : i32
      %add3A_738 = arith.addi %add3A_737, %scan3A_388 : i32
      %get3A_739 = arith.index_cast %add3A_738 : i32 to index
      %get3A_740 = arith.constant 64 : index
      %get3A_741 = tpu.vector_load %arg11[%get3A_739, %get3A_740] {strides = array<i32>} : memref<320x128xf32, #tpu.memory_space<vmem>>, vector<1x16xf32>,
      %get3A_742 = vector.shape_cast %get3A_741 : vector<1x16xf32> to vector<16xf32>
      %add3A_743 = arith.addf %get3A_688, %get3A_694 : vector<16xf32>
      %add3A_744 = arith.addf %get3A_700, %get3A_706 : vector<16xf32>
      %add3A_745 = arith.addf %get3A_712, %get3A_718 : vector<16xf32>
      %add3A_746 = arith.addf %get3A_724, %get3A_730 : vector<16xf32>
      %add3A_747 = arith.addf %get3A_736, %get3A_742 : vector<16xf32>
      %add3A_748 = arith.addf %add3A_743, %add3A_744 : vector<16xf32>
      %add3A_749 = arith.addf %add3A_745, %add3A_746 : vector<16xf32>
      %add3A_750 = arith.addf %add3A_748, %add3A_749 : vector<16xf32>
      %add3A_751 = arith.addf %add3A_750, %add3A_747 : vector<16xf32>
      %swap3A_752 = arith.index_cast %scan3A_388 : i32 to index
      %swap3A_753 = arith.constant 64 : index
      %swap3A_754 = tpu.vector_load %arg15[%swap3A_752, %swap3A_753] {strides = array<i32>} : memref<32x128xf32, #tpu.memory_space<vmem>>, vector<1x16xf32>,
      %swap3A_755 = vector.shape_cast %swap3A_754 : vector<1x16xf32> to vector<16xf32>
      %swap3A_756 = vector.shape_cast %add3A_751 : vector<16xf32> to vector<1x16xf32>
      tpu.vector_store %arg15[%swap3A_752, %swap3A_753], %swap3A_756 {strides = array<i32>} : memref<32x128xf32, #tpu.memory_space<vmem>>, vector<1x16xf32>,
      %add3A_757 = arith.constant 0 : i32
      %add3A_758 = arith.addi %add3A_757, %scan3A_388 : i32
      %get3A_759 = arith.index_cast %add3A_758 : i32 to index
      %get3A_760 = arith.constant 80 : index
      %get3A_761 = tpu.vector_load %arg11[%get3A_759, %get3A_760] {strides = array<i32>} : memref<320x128xf32, #tpu.memory_space<vmem>>, vector<1x16xf32>,
      %get3A_762 = vector.shape_cast %get3A_761 : vector<1x16xf32> to vector<16xf32>
      %add3A_763 = arith.constant 32 : i32
      %add3A_764 = arith.addi %add3A_763, %scan3A_388 : i32
      %get3A_765 = arith.index_cast %add3A_764 : i32 to index
      %get3A_766 = arith.constant 80 : index
      %get3A_767 = tpu.vector_load %arg11[%get3A_765, %get3A_766] {strides = array<i32>} : memref<320x128xf32, #tpu.memory_space<vmem>>, vector<1x16xf32>,
      %get3A_768 = vector.shape_cast %get3A_767 : vector<1x16xf32> to vector<16xf32>
      %add3A_769 = arith.constant 64 : i32
      %add3A_770 = arith.addi %add3A_769, %scan3A_388 : i32
      %get3A_771 = arith.index_cast %add3A_770 : i32 to index
      %get3A_772 = arith.constant 80 : index
      %get3A_773 = tpu.vector_load %arg11[%get3A_771, %get3A_772] {strides = array<i32>} : memref<320x128xf32, #tpu.memory_space<vmem>>, vector<1x16xf32>,
      %get3A_774 = vector.shape_cast %get3A_773 : vector<1x16xf32> to vector<16xf32>
      %add3A_775 = arith.constant 96 : i32
      %add3A_776 = arith.addi %add3A_775, %scan3A_388 : i32
      %get3A_777 = arith.index_cast %add3A_776 : i32 to index
      %get3A_778 = arith.constant 80 : index
      %get3A_779 = tpu.vector_load %arg11[%get3A_777, %get3A_778] {strides = array<i32>} : memref<320x128xf32, #tpu.memory_space<vmem>>, vector<1x16xf32>,
      %get3A_780 = vector.shape_cast %get3A_779 : vector<1x16xf32> to vector<16xf32>
      %add3A_781 = arith.constant 128 : i32
      %add3A_782 = arith.addi %add3A_781, %scan3A_388 : i32
      %get3A_783 = arith.index_cast %add3A_782 : i32 to index
      %get3A_784 = arith.constant 80 : index
      %get3A_785 = tpu.vector_load %arg11[%get3A_783, %get3A_784] {strides = array<i32>} : memref<320x128xf32, #tpu.memory_space<vmem>>, vector<1x16xf32>,
      %get3A_786 = vector.shape_cast %get3A_785 : vector<1x16xf32> to vector<16xf32>
      %add3A_787 = arith.constant 160 : i32
      %add3A_788 = arith.addi %add3A_787, %scan3A_388 : i32
      %get3A_789 = arith.index_cast %add3A_788 : i32 to index
      %get3A_790 = arith.constant 80 : index
      %get3A_791 = tpu.vector_load %arg11[%get3A_789, %get3A_790] {strides = array<i32>} : memref<320x128xf32, #tpu.memory_space<vmem>>, vector<1x16xf32>,
      %get3A_792 = vector.shape_cast %get3A_791 : vector<1x16xf32> to vector<16xf32>
      %add3A_793 = arith.constant 192 : i32
      %add3A_794 = arith.addi %add3A_793, %scan3A_388 : i32
      %get3A_795 = arith.index_cast %add3A_794 : i32 to index
      %get3A_796 = arith.constant 80 : index
      %get3A_797 = tpu.vector_load %arg11[%get3A_795, %get3A_796] {strides = array<i32>} : memref<320x128xf32, #tpu.memory_space<vmem>>, vector<1x16xf32>,
      %get3A_798 = vector.shape_cast %get3A_797 : vector<1x16xf32> to vector<16xf32>
      %add3A_799 = arith.constant 224 : i32
      %add3A_800 = arith.addi %add3A_799, %scan3A_388 : i32
      %get3A_801 = arith.index_cast %add3A_800 : i32 to index
      %get3A_802 = arith.constant 80 : index
      %get3A_803 = tpu.vector_load %arg11[%get3A_801, %get3A_802] {strides = array<i32>} : memref<320x128xf32, #tpu.memory_space<vmem>>, vector<1x16xf32>,
      %get3A_804 = vector.shape_cast %get3A_803 : vector<1x16xf32> to vector<16xf32>
      %add3A_805 = arith.constant 256 : i32
      %add3A_806 = arith.addi %add3A_805, %scan3A_388 : i32
      %get3A_807 = arith.index_cast %add3A_806 : i32 to index
      %get3A_808 = arith.constant 80 : index
      %get3A_809 = tpu.vector_load %arg11[%get3A_807, %get3A_808] {strides = array<i32>} : memref<320x128xf32, #tpu.memory_space<vmem>>, vector<1x16xf32>,
      %get3A_810 = vector.shape_cast %get3A_809 : vector<1x16xf32> to vector<16xf32>
      %add3A_811 = arith.constant 288 : i32
      %add3A_812 = arith.addi %add3A_811, %scan3A_388 : i32
      %get3A_813 = arith.index_cast %add3A_812 : i32 to index
      %get3A_814 = arith.constant 80 : index
      %get3A_815 = tpu.vector_load %arg11[%get3A_813, %get3A_814] {strides = array<i32>} : memref<320x128xf32, #tpu.memory_space<vmem>>, vector<1x16xf32>,
      %get3A_816 = vector.shape_cast %get3A_815 : vector<1x16xf32> to vector<16xf32>
      %add3A_817 = arith.addf %get3A_762, %get3A_768 : vector<16xf32>
      %add3A_818 = arith.addf %get3A_774, %get3A_780 : vector<16xf32>
      %add3A_819 = arith.addf %get3A_786, %get3A_792 : vector<16xf32>
      %add3A_820 = arith.addf %get3A_798, %get3A_804 : vector<16xf32>
      %add3A_821 = arith.addf %get3A_810, %get3A_816 : vector<16xf32>
      %add3A_822 = arith.addf %add3A_817, %add3A_818 : vector<16xf32>
      %add3A_823 = arith.addf %add3A_819, %add3A_820 : vector<16xf32>
      %add3A_824 = arith.addf %add3A_822, %add3A_823 : vector<16xf32>
      %add3A_825 = arith.addf %add3A_824, %add3A_821 : vector<16xf32>
      %swap3A_826 = arith.index_cast %scan3A_388 : i32 to index
      %swap3A_827 = arith.constant 80 : index
      %swap3A_828 = tpu.vector_load %arg15[%swap3A_826, %swap3A_827] {strides = array<i32>} : memref<32x128xf32, #tpu.memory_space<vmem>>, vector<1x16xf32>,
      %swap3A_829 = vector.shape_cast %swap3A_828 : vector<1x16xf32> to vector<16xf32>
      %swap3A_830 = vector.shape_cast %add3A_825 : vector<16xf32> to vector<1x16xf32>
      tpu.vector_store %arg15[%swap3A_826, %swap3A_827], %swap3A_830 {strides = array<i32>} : memref<32x128xf32, #tpu.memory_space<vmem>>, vector<1x16xf32>,
      %add3A_831 = arith.constant 0 : i32
      %add3A_832 = arith.addi %add3A_831, %scan3A_388 : i32
      %get3A_833 = arith.index_cast %add3A_832 : i32 to index
      %get3A_834 = arith.constant 96 : index
      %get3A_835 = tpu.vector_load %arg11[%get3A_833, %get3A_834] {strides = array<i32>} : memref<320x128xf32, #tpu.memory_space<vmem>>, vector<1x16xf32>,
      %get3A_836 = vector.shape_cast %get3A_835 : vector<1x16xf32> to vector<16xf32>
      %add3A_837 = arith.constant 32 : i32
      %add3A_838 = arith.addi %add3A_837, %scan3A_388 : i32
      %get3A_839 = arith.index_cast %add3A_838 : i32 to index
      %get3A_840 = arith.constant 96 : index
      %get3A_841 = tpu.vector_load %arg11[%get3A_839, %get3A_840] {strides = array<i32>} : memref<320x128xf32, #tpu.memory_space<vmem>>, vector<1x16xf32>,
      %get3A_842 = vector.shape_cast %get3A_841 : vector<1x16xf32> to vector<16xf32>
      %add3A_843 = arith.constant 64 : i32
      %add3A_844 = arith.addi %add3A_843, %scan3A_388 : i32
      %get3A_845 = arith.index_cast %add3A_844 : i32 to index
      %get3A_846 = arith.constant 96 : index
      %get3A_847 = tpu.vector_load %arg11[%get3A_845, %get3A_846] {strides = array<i32>} : memref<320x128xf32, #tpu.memory_space<vmem>>, vector<1x16xf32>,
      %get3A_848 = vector.shape_cast %get3A_847 : vector<1x16xf32> to vector<16xf32>
      %add3A_849 = arith.constant 96 : i32
      %add3A_850 = arith.addi %add3A_849, %scan3A_388 : i32
      %get3A_851 = arith.index_cast %add3A_850 : i32 to index
      %get3A_852 = arith.constant 96 : index
      %get3A_853 = tpu.vector_load %arg11[%get3A_851, %get3A_852] {strides = array<i32>} : memref<320x128xf32, #tpu.memory_space<vmem>>, vector<1x16xf32>,
      %get3A_854 = vector.shape_cast %get3A_853 : vector<1x16xf32> to vector<16xf32>
      %add3A_855 = arith.constant 128 : i32
      %add3A_856 = arith.addi %add3A_855, %scan3A_388 : i32
      %get3A_857 = arith.index_cast %add3A_856 : i32 to index
      %get3A_858 = arith.constant 96 : index
      %get3A_859 = tpu.vector_load %arg11[%get3A_857, %get3A_858] {strides = array<i32>} : memref<320x128xf32, #tpu.memory_space<vmem>>, vector<1x16xf32>,
      %get3A_860 = vector.shape_cast %get3A_859 : vector<1x16xf32> to vector<16xf32>
      %add3A_861 = arith.constant 160 : i32
      %add3A_862 = arith.addi %add3A_861, %scan3A_388 : i32
      %get3A_863 = arith.index_cast %add3A_862 : i32 to index
      %get3A_864 = arith.constant 96 : index
      %get3A_865 = tpu.vector_load %arg11[%get3A_863, %get3A_864] {strides = array<i32>} : memref<320x128xf32, #tpu.memory_space<vmem>>, vector<1x16xf32>,
      %get3A_866 = vector.shape_cast %get3A_865 : vector<1x16xf32> to vector<16xf32>
      %add3A_867 = arith.constant 192 : i32
      %add3A_868 = arith.addi %add3A_867, %scan3A_388 : i32
      %get3A_869 = arith.index_cast %add3A_868 : i32 to index
      %get3A_870 = arith.constant 96 : index
      %get3A_871 = tpu.vector_load %arg11[%get3A_869, %get3A_870] {strides = array<i32>} : memref<320x128xf32, #tpu.memory_space<vmem>>, vector<1x16xf32>,
      %get3A_872 = vector.shape_cast %get3A_871 : vector<1x16xf32> to vector<16xf32>
      %add3A_873 = arith.constant 224 : i32
      %add3A_874 = arith.addi %add3A_873, %scan3A_388 : i32
      %get3A_875 = arith.index_cast %add3A_874 : i32 to index
      %get3A_876 = arith.constant 96 : index
      %get3A_877 = tpu.vector_load %arg11[%get3A_875, %get3A_876] {strides = array<i32>} : memref<320x128xf32, #tpu.memory_space<vmem>>, vector<1x16xf32>,
      %get3A_878 = vector.shape_cast %get3A_877 : vector<1x16xf32> to vector<16xf32>
      %add3A_879 = arith.constant 256 : i32
      %add3A_880 = arith.addi %add3A_879, %scan3A_388 : i32
      %get3A_881 = arith.index_cast %add3A_880 : i32 to index
      %get3A_882 = arith.constant 96 : index
      %get3A_883 = tpu.vector_load %arg11[%get3A_881, %get3A_882] {strides = array<i32>} : memref<320x128xf32, #tpu.memory_space<vmem>>, vector<1x16xf32>,
      %get3A_884 = vector.shape_cast %get3A_883 : vector<1x16xf32> to vector<16xf32>
      %add3A_885 = arith.constant 288 : i32
      %add3A_886 = arith.addi %add3A_885, %scan3A_388 : i32
      %get3A_887 = arith.index_cast %add3A_886 : i32 to index
      %get3A_888 = arith.constant 96 : index
      %get3A_889 = tpu.vector_load %arg11[%get3A_887, %get3A_888] {strides = array<i32>} : memref<320x128xf32, #tpu.memory_space<vmem>>, vector<1x16xf32>,
      %get3A_890 = vector.shape_cast %get3A_889 : vector<1x16xf32> to vector<16xf32>
      %add3A_891 = arith.addf %get3A_836, %get3A_842 : vector<16xf32>
      %add3A_892 = arith.addf %get3A_848, %get3A_854 : vector<16xf32>
      %add3A_893 = arith.addf %get3A_860, %get3A_866 : vector<16xf32>
      %add3A_894 = arith.addf %get3A_872, %get3A_878 : vector<16xf32>
      %add3A_895 = arith.addf %get3A_884, %get3A_890 : vector<16xf32>
      %add3A_896 = arith.addf %add3A_891, %add3A_892 : vector<16xf32>
      %add3A_897 = arith.addf %add3A_893, %add3A_894 : vector<16xf32>
      %add3A_898 = arith.addf %add3A_896, %add3A_897 : vector<16xf32>
      %add3A_899 = arith.addf %add3A_898, %add3A_895 : vector<16xf32>
      %swap3A_900 = arith.index_cast %scan3A_388 : i32 to index
      %swap3A_901 = arith.constant 96 : index
      %swap3A_902 = tpu.vector_load %arg15[%swap3A_900, %swap3A_901] {strides = array<i32>} : memref<32x128xf32, #tpu.memory_space<vmem>>, vector<1x16xf32>,
      %swap3A_903 = vector.shape_cast %swap3A_902 : vector<1x16xf32> to vector<16xf32>
      %swap3A_904 = vector.shape_cast %add3A_899 : vector<16xf32> to vector<1x16xf32>
      tpu.vector_store %arg15[%swap3A_900, %swap3A_901], %swap3A_904 {strides = array<i32>} : memref<32x128xf32, #tpu.memory_space<vmem>>, vector<1x16xf32>,
      %add3A_905 = arith.constant 0 : i32
      %add3A_906 = arith.addi %add3A_905, %scan3A_388 : i32
      %get3A_907 = arith.index_cast %add3A_906 : i32 to index
      %get3A_908 = arith.constant 112 : index
      %get3A_909 = tpu.vector_load %arg11[%get3A_907, %get3A_908] {strides = array<i32>} : memref<320x128xf32, #tpu.memory_space<vmem>>, vector<1x16xf32>,
      %get3A_910 = vector.shape_cast %get3A_909 : vector<1x16xf32> to vector<16xf32>
      %add3A_911 = arith.constant 32 : i32
      %add3A_912 = arith.addi %add3A_911, %scan3A_388 : i32
      %get3A_913 = arith.index_cast %add3A_912 : i32 to index
      %get3A_914 = arith.constant 112 : index
      %get3A_915 = tpu.vector_load %arg11[%get3A_913, %get3A_914] {strides = array<i32>} : memref<320x128xf32, #tpu.memory_space<vmem>>, vector<1x16xf32>,
      %get3A_916 = vector.shape_cast %get3A_915 : vector<1x16xf32> to vector<16xf32>
      %add3A_917 = arith.constant 64 : i32
      %add3A_918 = arith.addi %add3A_917, %scan3A_388 : i32
      %get3A_919 = arith.index_cast %add3A_918 : i32 to index
      %get3A_920 = arith.constant 112 : index
      %get3A_921 = tpu.vector_load %arg11[%get3A_919, %get3A_920] {strides = array<i32>} : memref<320x128xf32, #tpu.memory_space<vmem>>, vector<1x16xf32>,
      %get3A_922 = vector.shape_cast %get3A_921 : vector<1x16xf32> to vector<16xf32>
      %add3A_923 = arith.constant 96 : i32
      %add3A_924 = arith.addi %add3A_923, %scan3A_388 : i32
      %get3A_925 = arith.index_cast %add3A_924 : i32 to index
      %get3A_926 = arith.constant 112 : index
      %get3A_927 = tpu.vector_load %arg11[%get3A_925, %get3A_926] {strides = array<i32>} : memref<320x128xf32, #tpu.memory_space<vmem>>, vector<1x16xf32>,
      %get3A_928 = vector.shape_cast %get3A_927 : vector<1x16xf32> to vector<16xf32>
      %add3A_929 = arith.constant 128 : i32
      %add3A_930 = arith.addi %add3A_929, %scan3A_388 : i32
      %get3A_931 = arith.index_cast %add3A_930 : i32 to index
      %get3A_932 = arith.constant 112 : index
      %get3A_933 = tpu.vector_load %arg11[%get3A_931, %get3A_932] {strides = array<i32>} : memref<320x128xf32, #tpu.memory_space<vmem>>, vector<1x16xf32>,
      %get3A_934 = vector.shape_cast %get3A_933 : vector<1x16xf32> to vector<16xf32>
      %add3A_935 = arith.constant 160 : i32
      %add3A_936 = arith.addi %add3A_935, %scan3A_388 : i32
      %get3A_937 = arith.index_cast %add3A_936 : i32 to index
      %get3A_938 = arith.constant 112 : index
      %get3A_939 = tpu.vector_load %arg11[%get3A_937, %get3A_938] {strides = array<i32>} : memref<320x128xf32, #tpu.memory_space<vmem>>, vector<1x16xf32>,
      %get3A_940 = vector.shape_cast %get3A_939 : vector<1x16xf32> to vector<16xf32>
      %add3A_941 = arith.constant 192 : i32
      %add3A_942 = arith.addi %add3A_941, %scan3A_388 : i32
      %get3A_943 = arith.index_cast %add3A_942 : i32 to index
      %get3A_944 = arith.constant 112 : index
      %get3A_945 = tpu.vector_load %arg11[%get3A_943, %get3A_944] {strides = array<i32>} : memref<320x128xf32, #tpu.memory_space<vmem>>, vector<1x16xf32>,
      %get3A_946 = vector.shape_cast %get3A_945 : vector<1x16xf32> to vector<16xf32>
      %add3A_947 = arith.constant 224 : i32
      %add3A_948 = arith.addi %add3A_947, %scan3A_388 : i32
      %get3A_949 = arith.index_cast %add3A_948 : i32 to index
      %get3A_950 = arith.constant 112 : index
      %get3A_951 = tpu.vector_load %arg11[%get3A_949, %get3A_950] {strides = array<i32>} : memref<320x128xf32, #tpu.memory_space<vmem>>, vector<1x16xf32>,
      %get3A_952 = vector.shape_cast %get3A_951 : vector<1x16xf32> to vector<16xf32>
      %add3A_953 = arith.constant 256 : i32
      %add3A_954 = arith.addi %add3A_953, %scan3A_388 : i32
      %get3A_955 = arith.index_cast %add3A_954 : i32 to index
      %get3A_956 = arith.constant 112 : index
      %get3A_957 = tpu.vector_load %arg11[%get3A_955, %get3A_956] {strides = array<i32>} : memref<320x128xf32, #tpu.memory_space<vmem>>, vector<1x16xf32>,
      %get3A_958 = vector.shape_cast %get3A_957 : vector<1x16xf32> to vector<16xf32>
      %add3A_959 = arith.constant 288 : i32
      %add3A_960 = arith.addi %add3A_959, %scan3A_388 : i32
      %get3A_961 = arith.index_cast %add3A_960 : i32 to index
      %get3A_962 = arith.constant 112 : index
      %get3A_963 = tpu.vector_load %arg11[%get3A_961, %get3A_962] {strides = array<i32>} : memref<320x128xf32, #tpu.memory_space<vmem>>, vector<1x16xf32>,
      %get3A_964 = vector.shape_cast %get3A_963 : vector<1x16xf32> to vector<16xf32>
      %add3A_965 = arith.addf %get3A_910, %get3A_916 : vector<16xf32>
      %add3A_966 = arith.addf %get3A_922, %get3A_928 : vector<16xf32>
      %add3A_967 = arith.addf %get3A_934, %get3A_940 : vector<16xf32>
      %add3A_968 = arith.addf %get3A_946, %get3A_952 : vector<16xf32>
      %add3A_969 = arith.addf %get3A_958, %get3A_964 : vector<16xf32>
      %add3A_970 = arith.addf %add3A_965, %add3A_966 : vector<16xf32>
      %add3A_971 = arith.addf %add3A_967, %add3A_968 : vector<16xf32>
      %add3A_972 = arith.addf %add3A_970, %add3A_971 : vector<16xf32>
      %add3A_973 = arith.addf %add3A_972, %add3A_969 : vector<16xf32>
      %swap3A_974 = arith.index_cast %scan3A_388 : i32 to index
      %swap3A_975 = arith.constant 112 : index
      %swap3A_976 = tpu.vector_load %arg15[%swap3A_974, %swap3A_975] {strides = array<i32>} : memref<32x128xf32, #tpu.memory_space<vmem>>, vector<1x16xf32>,
      %swap3A_977 = vector.shape_cast %swap3A_976 : vector<1x16xf32> to vector<16xf32>
      %swap3A_978 = vector.shape_cast %add3A_973 : vector<16xf32> to vector<1x16xf32>
      tpu.vector_store %arg15[%swap3A_974, %swap3A_975], %swap3A_978 {strides = array<i32>} : memref<32x128xf32, #tpu.memory_space<vmem>>, vector<1x16xf32>,
    }
    %scan3A_298 = arith.constant 32 : i32
    %mul3A_299 = arith.constant 49 : i32
    %mul3A_300 = arith.muli %add3A, %mul3A_299 : i32
    %add3A_301 = arith.constant 47 : i32
    %add3A_302 = arith.addi %mul3A_300, %add3A_301 : i32
    %mul3A_303 = arith.constant 32 : i32
    %mul3A_304 = arith.muli %add3A_302, %mul3A_303 : i32
    %dma_start3A_305 = arith.constant 0 : i32
    %dma_start3A_306 = tpu.memref_slice %arg5[%mul3A_304, %dma_start3A_305] : memref<50176x128xf32, #tpu.memory_space<hbm>> -> memref<32x128xf32, #tpu.memory_space<hbm>>
    %dma_start3A_307 = arith.constant 0 : i32
    %dma_start3A_308 = tpu.memref_slice %arg5[%mul3A_304, %dma_start3A_307] : memref<50176x128xf32, #tpu.memory_space<hbm>> -> memref<32x128xf32, #tpu.memory_space<hbm>>
    tpu.enqueue_dma source(%arg13 : memref<32x128xf32, #tpu.memory_space<vmem>>) target(%dma_start3A_308 : memref<32x128xf32, #tpu.memory_space<hbm>>) target_semaphore(%arg21 : memref<!tpu.dma_semaphore, #tpu.memory_space<semaphore_mem>>)
    %dma_start3A_309 = arith.constant 0 : i32
    %dma_start3A_310 = tpu.memref_slice %arg6[%mul3A_304, %dma_start3A_309] : memref<50176x128xf32, #tpu.memory_space<hbm>> -> memref<32x128xf32, #tpu.memory_space<hbm>>
    %dma_start3A_311 = arith.constant 0 : i32
    %dma_start3A_312 = tpu.memref_slice %arg6[%mul3A_304, %dma_start3A_311] : memref<50176x128xf32, #tpu.memory_space<hbm>> -> memref<32x128xf32, #tpu.memory_space<hbm>>
    tpu.enqueue_dma source(%arg15 : memref<32x128xf32, #tpu.memory_space<vmem>>) target(%dma_start3A_312 : memref<32x128xf32, #tpu.memory_space<hbm>>) target_semaphore(%arg21 : memref<!tpu.dma_semaphore, #tpu.memory_space<semaphore_mem>>)
    %mul3A_313 = arith.constant 49 : i32
    %mul3A_314 = arith.muli %add3A, %mul3A_313 : i32
    %add3A_315 = arith.constant 47 : i32
    %add3A_316 = arith.addi %mul3A_314, %add3A_315 : i32
    %mul3A_317 = arith.constant 32 : i32
    %mul3A_318 = arith.muli %add3A_316, %mul3A_317 : i32
    %dma_wait3A_319 = arith.constant 0 : i32
    %dma_wait3A_320 = tpu.memref_slice %arg5[%mul3A_318, %dma_wait3A_319] : memref<50176x128xf32, #tpu.memory_space<hbm>> -> memref<32x128xf32, #tpu.memory_space<hbm>>
    %dma_wait3A_321 = arith.constant 0 : i32
    %dma_wait3A_322 = tpu.memref_slice %arg5[%mul3A_318, %dma_wait3A_321] : memref<50176x128xf32, #tpu.memory_space<hbm>> -> memref<32x128xf32, #tpu.memory_space<hbm>>
    tpu.wait_dma2 semaphore(%arg21 : memref<!tpu.dma_semaphore, #tpu.memory_space<semaphore_mem>>) src(%arg13 : memref<32x128xf32, #tpu.memory_space<vmem>>) dst(%dma_wait3A_322 : memref<32x128xf32, #tpu.memory_space<hbm>>)
    %dma_wait3A_323 = arith.constant 0 : i32
    %dma_wait3A_324 = tpu.memref_slice %arg6[%mul3A_318, %dma_wait3A_323] : memref<50176x128xf32, #tpu.memory_space<hbm>> -> memref<32x128xf32, #tpu.memory_space<hbm>>
    %dma_wait3A_325 = arith.constant 0 : i32
    %dma_wait3A_326 = tpu.memref_slice %arg6[%mul3A_318, %dma_wait3A_325] : memref<50176x128xf32, #tpu.memory_space<hbm>> -> memref<32x128xf32, #tpu.memory_space<hbm>>
    tpu.wait_dma2 semaphore(%arg21 : memref<!tpu.dma_semaphore, #tpu.memory_space<semaphore_mem>>) src(%arg15 : memref<32x128xf32, #tpu.memory_space<vmem>>) dst(%dma_wait3A_326 : memref<32x128xf32, #tpu.memory_space<hbm>>)
    %dma_wait3A_327 = arith.constant 0 : i32
    %dma_wait3A_328 = arith.constant 0 : i32
    %dma_wait3A_329 = tpu.memref_slice %arg2[%dma_wait3A_327, %dma_wait3A_328] : memref<100000x128xf32, #tpu.memory_space<hbm>> -> memref<100000x128xf32, #tpu.memory_space<hbm>>
    tpu.wait_indirect_dma semaphore(%arg20 : memref<!tpu.dma_semaphore, #tpu.memory_space<semaphore_mem>>) src(%dma_wait3A_329 : memref<100000x128xf32, #tpu.memory_space<hbm>>) dst(%arg14 : memref<32x128xf32, #tpu.memory_space<vmem>>)
    %dma_wait3A_330 = arith.constant 0 : i32
    %dma_wait3A_331 = arith.constant 0 : i32
    %dma_wait3A_332 = tpu.memref_slice %arg12[%dma_wait3A_330, %dma_wait3A_331] : memref<320x128xf32, #tpu.memory_space<vmem>> -> memref<104x128xf32, #tpu.memory_space<vmem>>
    %dma_wait3A_333 = arith.constant 0 : i32
    %dma_wait3A_334 = tpu.memref_slice %arg8[%dma_wait3A_333] : memref<320xi32, #tpu.memory_space<vmem>> -> memref<104xi32, #tpu.memory_space<vmem>>
    %dma_wait3A_335 = arith.constant 0 : i32
    %dma_wait3A_336 = arith.constant 0 : i32
    %dma_wait3A_337 = tpu.memref_slice %arg2[%dma_wait3A_335, %dma_wait3A_336] : memref<100000x128xf32, #tpu.memory_space<hbm>> -> memref<100000x128xf32, #tpu.memory_space<hbm>>
    tpu.wait_indirect_dma semaphore(%arg18 : memref<!tpu.dma_semaphore, #tpu.memory_space<semaphore_mem>>) src(%dma_wait3A_337 : memref<100000x128xf32, #tpu.memory_space<hbm>>) dst(%dma_wait3A_332 : memref<104x128xf32, #tpu.memory_space<vmem>>)
    %dma_wait3A_338 = arith.constant 104 : i32
    %dma_wait3A_339 = arith.constant 0 : i32
    %dma_wait3A_340 = tpu.memref_slice %arg12[%dma_wait3A_338, %dma_wait3A_339] : memref<320x128xf32, #tpu.memory_space<vmem>> -> memref<104x128xf32, #tpu.memory_space<vmem>>
    %dma_wait3A_341 = arith.constant 104 : i32
    %dma_wait3A_342 = tpu.memref_slice %arg8[%dma_wait3A_341] : memref<320xi32, #tpu.memory_space<vmem>> -> memref<104xi32, #tpu.memory_space<vmem>>
    %dma_wait3A_343 = arith.constant 0 : i32
    %dma_wait3A_344 = arith.constant 0 : i32
    %dma_wait3A_345 = tpu.memref_slice %arg2[%dma_wait3A_343, %dma_wait3A_344] : memref<100000x128xf32, #tpu.memory_space<hbm>> -> memref<100000x128xf32, #tpu.memory_space<hbm>>
    tpu.wait_indirect_dma semaphore(%arg18 : memref<!tpu.dma_semaphore, #tpu.memory_space<semaphore_mem>>) src(%dma_wait3A_345 : memref<100000x128xf32, #tpu.memory_space<hbm>>) dst(%dma_wait3A_340 : memref<104x128xf32, #tpu.memory_space<vmem>>)
    %dma_wait3A_346 = arith.constant 208 : i32
    %dma_wait3A_347 = arith.constant 0 : i32
    %dma_wait3A_348 = tpu.memref_slice %arg12[%dma_wait3A_346, %dma_wait3A_347] : memref<320x128xf32, #tpu.memory_space<vmem>> -> memref<112x128xf32, #tpu.memory_space<vmem>>
    %dma_wait3A_349 = arith.constant 208 : i32
    %dma_wait3A_350 = tpu.memref_slice %arg8[%dma_wait3A_349] : memref<320xi32, #tpu.memory_space<vmem>> -> memref<112xi32, #tpu.memory_space<vmem>>
    %dma_wait3A_351 = arith.constant 0 : i32
    %dma_wait3A_352 = arith.constant 0 : i32
    %dma_wait3A_353 = tpu.memref_slice %arg2[%dma_wait3A_351, %dma_wait3A_352] : memref<100000x128xf32, #tpu.memory_space<hbm>> -> memref<100000x128xf32, #tpu.memory_space<hbm>>
    tpu.wait_indirect_dma semaphore(%arg18 : memref<!tpu.dma_semaphore, #tpu.memory_space<semaphore_mem>>) src(%dma_wait3A_353 : memref<100000x128xf32, #tpu.memory_space<hbm>>) dst(%dma_wait3A_348 : memref<112x128xf32, #tpu.memory_space<vmem>>)
    %scan3A_354 = arith.constant 0 : i32
    %scan3A_355 = arith.constant 0 : i32
    %scan3A_356 = arith.constant 32 : i32
    %scan3A_357 = arith.addi %scan3A_355, %scan3A_356 : i32
    %scan3A_358 = arith.constant 1 : i32
    scf.for %scan3A_388 = %scan3A_355 to %scan3A_357 step %scan3A_358  : i32 {
      %add3A_389 = arith.constant 0 : i32
      %add3A_390 = arith.addi %add3A_389, %scan3A_388 : i32
      %get3A = arith.index_cast %add3A_390 : i32 to index
      %get3A_391 = arith.constant 0 : index
      %get3A_392 = tpu.vector_load %arg12[%get3A, %get3A_391] {strides = array<i32>} : memref<320x128xf32, #tpu.memory_space<vmem>>, vector<1x16xf32>,
      %get3A_393 = vector.shape_cast %get3A_392 : vector<1x16xf32> to vector<16xf32>
      %add3A_394 = arith.constant 32 : i32
      %add3A_395 = arith.addi %add3A_394, %scan3A_388 : i32
      %get3A_396 = arith.index_cast %add3A_395 : i32 to index
      %get3A_397 = arith.constant 0 : index
      %get3A_398 = tpu.vector_load %arg12[%get3A_396, %get3A_397] {strides = array<i32>} : memref<320x128xf32, #tpu.memory_space<vmem>>, vector<1x16xf32>,
      %get3A_399 = vector.shape_cast %get3A_398 : vector<1x16xf32> to vector<16xf32>
      %add3A_400 = arith.constant 64 : i32
      %add3A_401 = arith.addi %add3A_400, %scan3A_388 : i32
      %get3A_402 = arith.index_cast %add3A_401 : i32 to index
      %get3A_403 = arith.constant 0 : index
      %get3A_404 = tpu.vector_load %arg12[%get3A_402, %get3A_403] {strides = array<i32>} : memref<320x128xf32, #tpu.memory_space<vmem>>, vector<1x16xf32>,
      %get3A_405 = vector.shape_cast %get3A_404 : vector<1x16xf32> to vector<16xf32>
      %add3A_406 = arith.constant 96 : i32
      %add3A_407 = arith.addi %add3A_406, %scan3A_388 : i32
      %get3A_408 = arith.index_cast %add3A_407 : i32 to index
      %get3A_409 = arith.constant 0 : index
      %get3A_410 = tpu.vector_load %arg12[%get3A_408, %get3A_409] {strides = array<i32>} : memref<320x128xf32, #tpu.memory_space<vmem>>, vector<1x16xf32>,
      %get3A_411 = vector.shape_cast %get3A_410 : vector<1x16xf32> to vector<16xf32>
      %add3A_412 = arith.constant 128 : i32
      %add3A_413 = arith.addi %add3A_412, %scan3A_388 : i32
      %get3A_414 = arith.index_cast %add3A_413 : i32 to index
      %get3A_415 = arith.constant 0 : index
      %get3A_416 = tpu.vector_load %arg12[%get3A_414, %get3A_415] {strides = array<i32>} : memref<320x128xf32, #tpu.memory_space<vmem>>, vector<1x16xf32>,
      %get3A_417 = vector.shape_cast %get3A_416 : vector<1x16xf32> to vector<16xf32>
      %add3A_418 = arith.constant 160 : i32
      %add3A_419 = arith.addi %add3A_418, %scan3A_388 : i32
      %get3A_420 = arith.index_cast %add3A_419 : i32 to index
      %get3A_421 = arith.constant 0 : index
      %get3A_422 = tpu.vector_load %arg12[%get3A_420, %get3A_421] {strides = array<i32>} : memref<320x128xf32, #tpu.memory_space<vmem>>, vector<1x16xf32>,
      %get3A_423 = vector.shape_cast %get3A_422 : vector<1x16xf32> to vector<16xf32>
      %add3A_424 = arith.constant 192 : i32
      %add3A_425 = arith.addi %add3A_424, %scan3A_388 : i32
      %get3A_426 = arith.index_cast %add3A_425 : i32 to index
      %get3A_427 = arith.constant 0 : index
      %get3A_428 = tpu.vector_load %arg12[%get3A_426, %get3A_427] {strides = array<i32>} : memref<320x128xf32, #tpu.memory_space<vmem>>, vector<1x16xf32>,
      %get3A_429 = vector.shape_cast %get3A_428 : vector<1x16xf32> to vector<16xf32>
      %add3A_430 = arith.constant 224 : i32
      %add3A_431 = arith.addi %add3A_430, %scan3A_388 : i32
      %get3A_432 = arith.index_cast %add3A_431 : i32 to index
      %get3A_433 = arith.constant 0 : index
      %get3A_434 = tpu.vector_load %arg12[%get3A_432, %get3A_433] {strides = array<i32>} : memref<320x128xf32, #tpu.memory_space<vmem>>, vector<1x16xf32>,
      %get3A_435 = vector.shape_cast %get3A_434 : vector<1x16xf32> to vector<16xf32>
      %add3A_436 = arith.constant 256 : i32
      %add3A_437 = arith.addi %add3A_436, %scan3A_388 : i32
      %get3A_438 = arith.index_cast %add3A_437 : i32 to index
      %get3A_439 = arith.constant 0 : index
      %get3A_440 = tpu.vector_load %arg12[%get3A_438, %get3A_439] {strides = array<i32>} : memref<320x128xf32, #tpu.memory_space<vmem>>, vector<1x16xf32>,
      %get3A_441 = vector.shape_cast %get3A_440 : vector<1x16xf32> to vector<16xf32>
      %add3A_442 = arith.constant 288 : i32
      %add3A_443 = arith.addi %add3A_442, %scan3A_388 : i32
      %get3A_444 = arith.index_cast %add3A_443 : i32 to index
      %get3A_445 = arith.constant 0 : index
      %get3A_446 = tpu.vector_load %arg12[%get3A_444, %get3A_445] {strides = array<i32>} : memref<320x128xf32, #tpu.memory_space<vmem>>, vector<1x16xf32>,
      %get3A_447 = vector.shape_cast %get3A_446 : vector<1x16xf32> to vector<16xf32>
      %add3A_448 = arith.addf %get3A_393, %get3A_399 : vector<16xf32>
      %add3A_449 = arith.addf %get3A_405, %get3A_411 : vector<16xf32>
      %add3A_450 = arith.addf %get3A_417, %get3A_423 : vector<16xf32>
      %add3A_451 = arith.addf %get3A_429, %get3A_435 : vector<16xf32>
      %add3A_452 = arith.addf %get3A_441, %get3A_447 : vector<16xf32>
      %add3A_453 = arith.addf %add3A_448, %add3A_449 : vector<16xf32>
      %add3A_454 = arith.addf %add3A_450, %add3A_451 : vector<16xf32>
      %add3A_455 = arith.addf %add3A_453, %add3A_454 : vector<16xf32>
      %add3A_456 = arith.addf %add3A_455, %add3A_452 : vector<16xf32>
      %swap3A = arith.index_cast %scan3A_388 : i32 to index
      %swap3A_457 = arith.constant 0 : index
      %swap3A_458 = tpu.vector_load %arg16[%swap3A, %swap3A_457] {strides = array<i32>} : memref<32x128xf32, #tpu.memory_space<vmem>>, vector<1x16xf32>,
      %swap3A_459 = vector.shape_cast %swap3A_458 : vector<1x16xf32> to vector<16xf32>
      %swap3A_460 = vector.shape_cast %add3A_456 : vector<16xf32> to vector<1x16xf32>
      tpu.vector_store %arg16[%swap3A, %swap3A_457], %swap3A_460 {strides = array<i32>} : memref<32x128xf32, #tpu.memory_space<vmem>>, vector<1x16xf32>,
      %add3A_461 = arith.constant 0 : i32
      %add3A_462 = arith.addi %add3A_461, %scan3A_388 : i32
      %get3A_463 = arith.index_cast %add3A_462 : i32 to index
      %get3A_464 = arith.constant 16 : index
      %get3A_465 = tpu.vector_load %arg12[%get3A_463, %get3A_464] {strides = array<i32>} : memref<320x128xf32, #tpu.memory_space<vmem>>, vector<1x16xf32>,
      %get3A_466 = vector.shape_cast %get3A_465 : vector<1x16xf32> to vector<16xf32>
      %add3A_467 = arith.constant 32 : i32
      %add3A_468 = arith.addi %add3A_467, %scan3A_388 : i32
      %get3A_469 = arith.index_cast %add3A_468 : i32 to index
      %get3A_470 = arith.constant 16 : index
      %get3A_471 = tpu.vector_load %arg12[%get3A_469, %get3A_470] {strides = array<i32>} : memref<320x128xf32, #tpu.memory_space<vmem>>, vector<1x16xf32>,
      %get3A_472 = vector.shape_cast %get3A_471 : vector<1x16xf32> to vector<16xf32>
      %add3A_473 = arith.constant 64 : i32
      %add3A_474 = arith.addi %add3A_473, %scan3A_388 : i32
      %get3A_475 = arith.index_cast %add3A_474 : i32 to index
      %get3A_476 = arith.constant 16 : index
      %get3A_477 = tpu.vector_load %arg12[%get3A_475, %get3A_476] {strides = array<i32>} : memref<320x128xf32, #tpu.memory_space<vmem>>, vector<1x16xf32>,
      %get3A_478 = vector.shape_cast %get3A_477 : vector<1x16xf32> to vector<16xf32>
      %add3A_479 = arith.constant 96 : i32
      %add3A_480 = arith.addi %add3A_479, %scan3A_388 : i32
      %get3A_481 = arith.index_cast %add3A_480 : i32 to index
      %get3A_482 = arith.constant 16 : index
      %get3A_483 = tpu.vector_load %arg12[%get3A_481, %get3A_482] {strides = array<i32>} : memref<320x128xf32, #tpu.memory_space<vmem>>, vector<1x16xf32>,
      %get3A_484 = vector.shape_cast %get3A_483 : vector<1x16xf32> to vector<16xf32>
      %add3A_485 = arith.constant 128 : i32
      %add3A_486 = arith.addi %add3A_485, %scan3A_388 : i32
      %get3A_487 = arith.index_cast %add3A_486 : i32 to index
      %get3A_488 = arith.constant 16 : index
      %get3A_489 = tpu.vector_load %arg12[%get3A_487, %get3A_488] {strides = array<i32>} : memref<320x128xf32, #tpu.memory_space<vmem>>, vector<1x16xf32>,
      %get3A_490 = vector.shape_cast %get3A_489 : vector<1x16xf32> to vector<16xf32>
      %add3A_491 = arith.constant 160 : i32
      %add3A_492 = arith.addi %add3A_491, %scan3A_388 : i32
      %get3A_493 = arith.index_cast %add3A_492 : i32 to index
      %get3A_494 = arith.constant 16 : index
      %get3A_495 = tpu.vector_load %arg12[%get3A_493, %get3A_494] {strides = array<i32>} : memref<320x128xf32, #tpu.memory_space<vmem>>, vector<1x16xf32>,
      %get3A_496 = vector.shape_cast %get3A_495 : vector<1x16xf32> to vector<16xf32>
      %add3A_497 = arith.constant 192 : i32
      %add3A_498 = arith.addi %add3A_497, %scan3A_388 : i32
      %get3A_499 = arith.index_cast %add3A_498 : i32 to index
      %get3A_500 = arith.constant 16 : index
      %get3A_501 = tpu.vector_load %arg12[%get3A_499, %get3A_500] {strides = array<i32>} : memref<320x128xf32, #tpu.memory_space<vmem>>, vector<1x16xf32>,
      %get3A_502 = vector.shape_cast %get3A_501 : vector<1x16xf32> to vector<16xf32>
      %add3A_503 = arith.constant 224 : i32
      %add3A_504 = arith.addi %add3A_503, %scan3A_388 : i32
      %get3A_505 = arith.index_cast %add3A_504 : i32 to index
      %get3A_506 = arith.constant 16 : index
      %get3A_507 = tpu.vector_load %arg12[%get3A_505, %get3A_506] {strides = array<i32>} : memref<320x128xf32, #tpu.memory_space<vmem>>, vector<1x16xf32>,
      %get3A_508 = vector.shape_cast %get3A_507 : vector<1x16xf32> to vector<16xf32>
      %add3A_509 = arith.constant 256 : i32
      %add3A_510 = arith.addi %add3A_509, %scan3A_388 : i32
      %get3A_511 = arith.index_cast %add3A_510 : i32 to index
      %get3A_512 = arith.constant 16 : index
      %get3A_513 = tpu.vector_load %arg12[%get3A_511, %get3A_512] {strides = array<i32>} : memref<320x128xf32, #tpu.memory_space<vmem>>, vector<1x16xf32>,
      %get3A_514 = vector.shape_cast %get3A_513 : vector<1x16xf32> to vector<16xf32>
      %add3A_515 = arith.constant 288 : i32
      %add3A_516 = arith.addi %add3A_515, %scan3A_388 : i32
      %get3A_517 = arith.index_cast %add3A_516 : i32 to index
      %get3A_518 = arith.constant 16 : index
      %get3A_519 = tpu.vector_load %arg12[%get3A_517, %get3A_518] {strides = array<i32>} : memref<320x128xf32, #tpu.memory_space<vmem>>, vector<1x16xf32>,
      %get3A_520 = vector.shape_cast %get3A_519 : vector<1x16xf32> to vector<16xf32>
      %add3A_521 = arith.addf %get3A_466, %get3A_472 : vector<16xf32>
      %add3A_522 = arith.addf %get3A_478, %get3A_484 : vector<16xf32>
      %add3A_523 = arith.addf %get3A_490, %get3A_496 : vector<16xf32>
      %add3A_524 = arith.addf %get3A_502, %get3A_508 : vector<16xf32>
      %add3A_525 = arith.addf %get3A_514, %get3A_520 : vector<16xf32>
      %add3A_526 = arith.addf %add3A_521, %add3A_522 : vector<16xf32>
      %add3A_527 = arith.addf %add3A_523, %add3A_524 : vector<16xf32>
      %add3A_528 = arith.addf %add3A_526, %add3A_527 : vector<16xf32>
      %add3A_529 = arith.addf %add3A_528, %add3A_525 : vector<16xf32>
      %swap3A_530 = arith.index_cast %scan3A_388 : i32 to index
      %swap3A_531 = arith.constant 16 : index
      %swap3A_532 = tpu.vector_load %arg16[%swap3A_530, %swap3A_531] {strides = array<i32>} : memref<32x128xf32, #tpu.memory_space<vmem>>, vector<1x16xf32>,
      %swap3A_533 = vector.shape_cast %swap3A_532 : vector<1x16xf32> to vector<16xf32>
      %swap3A_534 = vector.shape_cast %add3A_529 : vector<16xf32> to vector<1x16xf32>
      tpu.vector_store %arg16[%swap3A_530, %swap3A_531], %swap3A_534 {strides = array<i32>} : memref<32x128xf32, #tpu.memory_space<vmem>>, vector<1x16xf32>,
      %add3A_535 = arith.constant 0 : i32
      %add3A_536 = arith.addi %add3A_535, %scan3A_388 : i32
      %get3A_537 = arith.index_cast %add3A_536 : i32 to index
      %get3A_538 = arith.constant 32 : index
      %get3A_539 = tpu.vector_load %arg12[%get3A_537, %get3A_538] {strides = array<i32>} : memref<320x128xf32, #tpu.memory_space<vmem>>, vector<1x16xf32>,
      %get3A_540 = vector.shape_cast %get3A_539 : vector<1x16xf32> to vector<16xf32>
      %add3A_541 = arith.constant 32 : i32
      %add3A_542 = arith.addi %add3A_541, %scan3A_388 : i32
      %get3A_543 = arith.index_cast %add3A_542 : i32 to index
      %get3A_544 = arith.constant 32 : index
      %get3A_545 = tpu.vector_load %arg12[%get3A_543, %get3A_544] {strides = array<i32>} : memref<320x128xf32, #tpu.memory_space<vmem>>, vector<1x16xf32>,
      %get3A_546 = vector.shape_cast %get3A_545 : vector<1x16xf32> to vector<16xf32>
      %add3A_547 = arith.constant 64 : i32
      %add3A_548 = arith.addi %add3A_547, %scan3A_388 : i32
      %get3A_549 = arith.index_cast %add3A_548 : i32 to index
      %get3A_550 = arith.constant 32 : index
      %get3A_551 = tpu.vector_load %arg12[%get3A_549, %get3A_550] {strides = array<i32>} : memref<320x128xf32, #tpu.memory_space<vmem>>, vector<1x16xf32>,
      %get3A_552 = vector.shape_cast %get3A_551 : vector<1x16xf32> to vector<16xf32>
      %add3A_553 = arith.constant 96 : i32
      %add3A_554 = arith.addi %add3A_553, %scan3A_388 : i32
      %get3A_555 = arith.index_cast %add3A_554 : i32 to index
      %get3A_556 = arith.constant 32 : index
      %get3A_557 = tpu.vector_load %arg12[%get3A_555, %get3A_556] {strides = array<i32>} : memref<320x128xf32, #tpu.memory_space<vmem>>, vector<1x16xf32>,
      %get3A_558 = vector.shape_cast %get3A_557 : vector<1x16xf32> to vector<16xf32>
      %add3A_559 = arith.constant 128 : i32
      %add3A_560 = arith.addi %add3A_559, %scan3A_388 : i32
      %get3A_561 = arith.index_cast %add3A_560 : i32 to index
      %get3A_562 = arith.constant 32 : index
      %get3A_563 = tpu.vector_load %arg12[%get3A_561, %get3A_562] {strides = array<i32>} : memref<320x128xf32, #tpu.memory_space<vmem>>, vector<1x16xf32>,
      %get3A_564 = vector.shape_cast %get3A_563 : vector<1x16xf32> to vector<16xf32>
      %add3A_565 = arith.constant 160 : i32
      %add3A_566 = arith.addi %add3A_565, %scan3A_388 : i32
      %get3A_567 = arith.index_cast %add3A_566 : i32 to index
      %get3A_568 = arith.constant 32 : index
      %get3A_569 = tpu.vector_load %arg12[%get3A_567, %get3A_568] {strides = array<i32>} : memref<320x128xf32, #tpu.memory_space<vmem>>, vector<1x16xf32>,
      %get3A_570 = vector.shape_cast %get3A_569 : vector<1x16xf32> to vector<16xf32>
      %add3A_571 = arith.constant 192 : i32
      %add3A_572 = arith.addi %add3A_571, %scan3A_388 : i32
      %get3A_573 = arith.index_cast %add3A_572 : i32 to index
      %get3A_574 = arith.constant 32 : index
      %get3A_575 = tpu.vector_load %arg12[%get3A_573, %get3A_574] {strides = array<i32>} : memref<320x128xf32, #tpu.memory_space<vmem>>, vector<1x16xf32>,
      %get3A_576 = vector.shape_cast %get3A_575 : vector<1x16xf32> to vector<16xf32>
      %add3A_577 = arith.constant 224 : i32
      %add3A_578 = arith.addi %add3A_577, %scan3A_388 : i32
      %get3A_579 = arith.index_cast %add3A_578 : i32 to index
      %get3A_580 = arith.constant 32 : index
      %get3A_581 = tpu.vector_load %arg12[%get3A_579, %get3A_580] {strides = array<i32>} : memref<320x128xf32, #tpu.memory_space<vmem>>, vector<1x16xf32>,
      %get3A_582 = vector.shape_cast %get3A_581 : vector<1x16xf32> to vector<16xf32>
      %add3A_583 = arith.constant 256 : i32
      %add3A_584 = arith.addi %add3A_583, %scan3A_388 : i32
      %get3A_585 = arith.index_cast %add3A_584 : i32 to index
      %get3A_586 = arith.constant 32 : index
      %get3A_587 = tpu.vector_load %arg12[%get3A_585, %get3A_586] {strides = array<i32>} : memref<320x128xf32, #tpu.memory_space<vmem>>, vector<1x16xf32>,
      %get3A_588 = vector.shape_cast %get3A_587 : vector<1x16xf32> to vector<16xf32>
      %add3A_589 = arith.constant 288 : i32
      %add3A_590 = arith.addi %add3A_589, %scan3A_388 : i32
      %get3A_591 = arith.index_cast %add3A_590 : i32 to index
      %get3A_592 = arith.constant 32 : index
      %get3A_593 = tpu.vector_load %arg12[%get3A_591, %get3A_592] {strides = array<i32>} : memref<320x128xf32, #tpu.memory_space<vmem>>, vector<1x16xf32>,
      %get3A_594 = vector.shape_cast %get3A_593 : vector<1x16xf32> to vector<16xf32>
      %add3A_595 = arith.addf %get3A_540, %get3A_546 : vector<16xf32>
      %add3A_596 = arith.addf %get3A_552, %get3A_558 : vector<16xf32>
      %add3A_597 = arith.addf %get3A_564, %get3A_570 : vector<16xf32>
      %add3A_598 = arith.addf %get3A_576, %get3A_582 : vector<16xf32>
      %add3A_599 = arith.addf %get3A_588, %get3A_594 : vector<16xf32>
      %add3A_600 = arith.addf %add3A_595, %add3A_596 : vector<16xf32>
      %add3A_601 = arith.addf %add3A_597, %add3A_598 : vector<16xf32>
      %add3A_602 = arith.addf %add3A_600, %add3A_601 : vector<16xf32>
      %add3A_603 = arith.addf %add3A_602, %add3A_599 : vector<16xf32>
      %swap3A_604 = arith.index_cast %scan3A_388 : i32 to index
      %swap3A_605 = arith.constant 32 : index
      %swap3A_606 = tpu.vector_load %arg16[%swap3A_604, %swap3A_605] {strides = array<i32>} : memref<32x128xf32, #tpu.memory_space<vmem>>, vector<1x16xf32>,
      %swap3A_607 = vector.shape_cast %swap3A_606 : vector<1x16xf32> to vector<16xf32>
      %swap3A_608 = vector.shape_cast %add3A_603 : vector<16xf32> to vector<1x16xf32>
      tpu.vector_store %arg16[%swap3A_604, %swap3A_605], %swap3A_608 {strides = array<i32>} : memref<32x128xf32, #tpu.memory_space<vmem>>, vector<1x16xf32>,
      %add3A_609 = arith.constant 0 : i32
      %add3A_610 = arith.addi %add3A_609, %scan3A_388 : i32
      %get3A_611 = arith.index_cast %add3A_610 : i32 to index
      %get3A_612 = arith.constant 48 : index
      %get3A_613 = tpu.vector_load %arg12[%get3A_611, %get3A_612] {strides = array<i32>} : memref<320x128xf32, #tpu.memory_space<vmem>>, vector<1x16xf32>,
      %get3A_614 = vector.shape_cast %get3A_613 : vector<1x16xf32> to vector<16xf32>
      %add3A_615 = arith.constant 32 : i32
      %add3A_616 = arith.addi %add3A_615, %scan3A_388 : i32
      %get3A_617 = arith.index_cast %add3A_616 : i32 to index
      %get3A_618 = arith.constant 48 : index
      %get3A_619 = tpu.vector_load %arg12[%get3A_617, %get3A_618] {strides = array<i32>} : memref<320x128xf32, #tpu.memory_space<vmem>>, vector<1x16xf32>,
      %get3A_620 = vector.shape_cast %get3A_619 : vector<1x16xf32> to vector<16xf32>
      %add3A_621 = arith.constant 64 : i32
      %add3A_622 = arith.addi %add3A_621, %scan3A_388 : i32
      %get3A_623 = arith.index_cast %add3A_622 : i32 to index
      %get3A_624 = arith.constant 48 : index
      %get3A_625 = tpu.vector_load %arg12[%get3A_623, %get3A_624] {strides = array<i32>} : memref<320x128xf32, #tpu.memory_space<vmem>>, vector<1x16xf32>,
      %get3A_626 = vector.shape_cast %get3A_625 : vector<1x16xf32> to vector<16xf32>
      %add3A_627 = arith.constant 96 : i32
      %add3A_628 = arith.addi %add3A_627, %scan3A_388 : i32
      %get3A_629 = arith.index_cast %add3A_628 : i32 to index
      %get3A_630 = arith.constant 48 : index
      %get3A_631 = tpu.vector_load %arg12[%get3A_629, %get3A_630] {strides = array<i32>} : memref<320x128xf32, #tpu.memory_space<vmem>>, vector<1x16xf32>,
      %get3A_632 = vector.shape_cast %get3A_631 : vector<1x16xf32> to vector<16xf32>
      %add3A_633 = arith.constant 128 : i32
      %add3A_634 = arith.addi %add3A_633, %scan3A_388 : i32
      %get3A_635 = arith.index_cast %add3A_634 : i32 to index
      %get3A_636 = arith.constant 48 : index
      %get3A_637 = tpu.vector_load %arg12[%get3A_635, %get3A_636] {strides = array<i32>} : memref<320x128xf32, #tpu.memory_space<vmem>>, vector<1x16xf32>,
      %get3A_638 = vector.shape_cast %get3A_637 : vector<1x16xf32> to vector<16xf32>
      %add3A_639 = arith.constant 160 : i32
      %add3A_640 = arith.addi %add3A_639, %scan3A_388 : i32
      %get3A_641 = arith.index_cast %add3A_640 : i32 to index
      %get3A_642 = arith.constant 48 : index
      %get3A_643 = tpu.vector_load %arg12[%get3A_641, %get3A_642] {strides = array<i32>} : memref<320x128xf32, #tpu.memory_space<vmem>>, vector<1x16xf32>,
      %get3A_644 = vector.shape_cast %get3A_643 : vector<1x16xf32> to vector<16xf32>
      %add3A_645 = arith.constant 192 : i32
      %add3A_646 = arith.addi %add3A_645, %scan3A_388 : i32
      %get3A_647 = arith.index_cast %add3A_646 : i32 to index
      %get3A_648 = arith.constant 48 : index
      %get3A_649 = tpu.vector_load %arg12[%get3A_647, %get3A_648] {strides = array<i32>} : memref<320x128xf32, #tpu.memory_space<vmem>>, vector<1x16xf32>,
      %get3A_650 = vector.shape_cast %get3A_649 : vector<1x16xf32> to vector<16xf32>
      %add3A_651 = arith.constant 224 : i32
      %add3A_652 = arith.addi %add3A_651, %scan3A_388 : i32
      %get3A_653 = arith.index_cast %add3A_652 : i32 to index
      %get3A_654 = arith.constant 48 : index
      %get3A_655 = tpu.vector_load %arg12[%get3A_653, %get3A_654] {strides = array<i32>} : memref<320x128xf32, #tpu.memory_space<vmem>>, vector<1x16xf32>,
      %get3A_656 = vector.shape_cast %get3A_655 : vector<1x16xf32> to vector<16xf32>
      %add3A_657 = arith.constant 256 : i32
      %add3A_658 = arith.addi %add3A_657, %scan3A_388 : i32
      %get3A_659 = arith.index_cast %add3A_658 : i32 to index
      %get3A_660 = arith.constant 48 : index
      %get3A_661 = tpu.vector_load %arg12[%get3A_659, %get3A_660] {strides = array<i32>} : memref<320x128xf32, #tpu.memory_space<vmem>>, vector<1x16xf32>,
      %get3A_662 = vector.shape_cast %get3A_661 : vector<1x16xf32> to vector<16xf32>
      %add3A_663 = arith.constant 288 : i32
      %add3A_664 = arith.addi %add3A_663, %scan3A_388 : i32
      %get3A_665 = arith.index_cast %add3A_664 : i32 to index
      %get3A_666 = arith.constant 48 : index
      %get3A_667 = tpu.vector_load %arg12[%get3A_665, %get3A_666] {strides = array<i32>} : memref<320x128xf32, #tpu.memory_space<vmem>>, vector<1x16xf32>,
      %get3A_668 = vector.shape_cast %get3A_667 : vector<1x16xf32> to vector<16xf32>
      %add3A_669 = arith.addf %get3A_614, %get3A_620 : vector<16xf32>
      %add3A_670 = arith.addf %get3A_626, %get3A_632 : vector<16xf32>
      %add3A_671 = arith.addf %get3A_638, %get3A_644 : vector<16xf32>
      %add3A_672 = arith.addf %get3A_650, %get3A_656 : vector<16xf32>
      %add3A_673 = arith.addf %get3A_662, %get3A_668 : vector<16xf32>
      %add3A_674 = arith.addf %add3A_669, %add3A_670 : vector<16xf32>
      %add3A_675 = arith.addf %add3A_671, %add3A_672 : vector<16xf32>
      %add3A_676 = arith.addf %add3A_674, %add3A_675 : vector<16xf32>
      %add3A_677 = arith.addf %add3A_676, %add3A_673 : vector<16xf32>
      %swap3A_678 = arith.index_cast %scan3A_388 : i32 to index
      %swap3A_679 = arith.constant 48 : index
      %swap3A_680 = tpu.vector_load %arg16[%swap3A_678, %swap3A_679] {strides = array<i32>} : memref<32x128xf32, #tpu.memory_space<vmem>>, vector<1x16xf32>,
      %swap3A_681 = vector.shape_cast %swap3A_680 : vector<1x16xf32> to vector<16xf32>
      %swap3A_682 = vector.shape_cast %add3A_677 : vector<16xf32> to vector<1x16xf32>
      tpu.vector_store %arg16[%swap3A_678, %swap3A_679], %swap3A_682 {strides = array<i32>} : memref<32x128xf32, #tpu.memory_space<vmem>>, vector<1x16xf32>,
      %add3A_683 = arith.constant 0 : i32
      %add3A_684 = arith.addi %add3A_683, %scan3A_388 : i32
      %get3A_685 = arith.index_cast %add3A_684 : i32 to index
      %get3A_686 = arith.constant 64 : index
      %get3A_687 = tpu.vector_load %arg12[%get3A_685, %get3A_686] {strides = array<i32>} : memref<320x128xf32, #tpu.memory_space<vmem>>, vector<1x16xf32>,
      %get3A_688 = vector.shape_cast %get3A_687 : vector<1x16xf32> to vector<16xf32>
      %add3A_689 = arith.constant 32 : i32
      %add3A_690 = arith.addi %add3A_689, %scan3A_388 : i32
      %get3A_691 = arith.index_cast %add3A_690 : i32 to index
      %get3A_692 = arith.constant 64 : index
      %get3A_693 = tpu.vector_load %arg12[%get3A_691, %get3A_692] {strides = array<i32>} : memref<320x128xf32, #tpu.memory_space<vmem>>, vector<1x16xf32>,
      %get3A_694 = vector.shape_cast %get3A_693 : vector<1x16xf32> to vector<16xf32>
      %add3A_695 = arith.constant 64 : i32
      %add3A_696 = arith.addi %add3A_695, %scan3A_388 : i32
      %get3A_697 = arith.index_cast %add3A_696 : i32 to index
      %get3A_698 = arith.constant 64 : index
      %get3A_699 = tpu.vector_load %arg12[%get3A_697, %get3A_698] {strides = array<i32>} : memref<320x128xf32, #tpu.memory_space<vmem>>, vector<1x16xf32>,
      %get3A_700 = vector.shape_cast %get3A_699 : vector<1x16xf32> to vector<16xf32>
      %add3A_701 = arith.constant 96 : i32
      %add3A_702 = arith.addi %add3A_701, %scan3A_388 : i32
      %get3A_703 = arith.index_cast %add3A_702 : i32 to index
      %get3A_704 = arith.constant 64 : index
      %get3A_705 = tpu.vector_load %arg12[%get3A_703, %get3A_704] {strides = array<i32>} : memref<320x128xf32, #tpu.memory_space<vmem>>, vector<1x16xf32>,
      %get3A_706 = vector.shape_cast %get3A_705 : vector<1x16xf32> to vector<16xf32>
      %add3A_707 = arith.constant 128 : i32
      %add3A_708 = arith.addi %add3A_707, %scan3A_388 : i32
      %get3A_709 = arith.index_cast %add3A_708 : i32 to index
      %get3A_710 = arith.constant 64 : index
      %get3A_711 = tpu.vector_load %arg12[%get3A_709, %get3A_710] {strides = array<i32>} : memref<320x128xf32, #tpu.memory_space<vmem>>, vector<1x16xf32>,
      %get3A_712 = vector.shape_cast %get3A_711 : vector<1x16xf32> to vector<16xf32>
      %add3A_713 = arith.constant 160 : i32
      %add3A_714 = arith.addi %add3A_713, %scan3A_388 : i32
      %get3A_715 = arith.index_cast %add3A_714 : i32 to index
      %get3A_716 = arith.constant 64 : index
      %get3A_717 = tpu.vector_load %arg12[%get3A_715, %get3A_716] {strides = array<i32>} : memref<320x128xf32, #tpu.memory_space<vmem>>, vector<1x16xf32>,
      %get3A_718 = vector.shape_cast %get3A_717 : vector<1x16xf32> to vector<16xf32>
      %add3A_719 = arith.constant 192 : i32
      %add3A_720 = arith.addi %add3A_719, %scan3A_388 : i32
      %get3A_721 = arith.index_cast %add3A_720 : i32 to index
      %get3A_722 = arith.constant 64 : index
      %get3A_723 = tpu.vector_load %arg12[%get3A_721, %get3A_722] {strides = array<i32>} : memref<320x128xf32, #tpu.memory_space<vmem>>, vector<1x16xf32>,
      %get3A_724 = vector.shape_cast %get3A_723 : vector<1x16xf32> to vector<16xf32>
      %add3A_725 = arith.constant 224 : i32
      %add3A_726 = arith.addi %add3A_725, %scan3A_388 : i32
      %get3A_727 = arith.index_cast %add3A_726 : i32 to index
      %get3A_728 = arith.constant 64 : index
      %get3A_729 = tpu.vector_load %arg12[%get3A_727, %get3A_728] {strides = array<i32>} : memref<320x128xf32, #tpu.memory_space<vmem>>, vector<1x16xf32>,
      %get3A_730 = vector.shape_cast %get3A_729 : vector<1x16xf32> to vector<16xf32>
      %add3A_731 = arith.constant 256 : i32
      %add3A_732 = arith.addi %add3A_731, %scan3A_388 : i32
      %get3A_733 = arith.index_cast %add3A_732 : i32 to index
      %get3A_734 = arith.constant 64 : index
      %get3A_735 = tpu.vector_load %arg12[%get3A_733, %get3A_734] {strides = array<i32>} : memref<320x128xf32, #tpu.memory_space<vmem>>, vector<1x16xf32>,
      %get3A_736 = vector.shape_cast %get3A_735 : vector<1x16xf32> to vector<16xf32>
      %add3A_737 = arith.constant 288 : i32
      %add3A_738 = arith.addi %add3A_737, %scan3A_388 : i32
      %get3A_739 = arith.index_cast %add3A_738 : i32 to index
      %get3A_740 = arith.constant 64 : index
      %get3A_741 = tpu.vector_load %arg12[%get3A_739, %get3A_740] {strides = array<i32>} : memref<320x128xf32, #tpu.memory_space<vmem>>, vector<1x16xf32>,
      %get3A_742 = vector.shape_cast %get3A_741 : vector<1x16xf32> to vector<16xf32>
      %add3A_743 = arith.addf %get3A_688, %get3A_694 : vector<16xf32>
      %add3A_744 = arith.addf %get3A_700, %get3A_706 : vector<16xf32>
      %add3A_745 = arith.addf %get3A_712, %get3A_718 : vector<16xf32>
      %add3A_746 = arith.addf %get3A_724, %get3A_730 : vector<16xf32>
      %add3A_747 = arith.addf %get3A_736, %get3A_742 : vector<16xf32>
      %add3A_748 = arith.addf %add3A_743, %add3A_744 : vector<16xf32>
      %add3A_749 = arith.addf %add3A_745, %add3A_746 : vector<16xf32>
      %add3A_750 = arith.addf %add3A_748, %add3A_749 : vector<16xf32>
      %add3A_751 = arith.addf %add3A_750, %add3A_747 : vector<16xf32>
      %swap3A_752 = arith.index_cast %scan3A_388 : i32 to index
      %swap3A_753 = arith.constant 64 : index
      %swap3A_754 = tpu.vector_load %arg16[%swap3A_752, %swap3A_753] {strides = array<i32>} : memref<32x128xf32, #tpu.memory_space<vmem>>, vector<1x16xf32>,
      %swap3A_755 = vector.shape_cast %swap3A_754 : vector<1x16xf32> to vector<16xf32>
      %swap3A_756 = vector.shape_cast %add3A_751 : vector<16xf32> to vector<1x16xf32>
      tpu.vector_store %arg16[%swap3A_752, %swap3A_753], %swap3A_756 {strides = array<i32>} : memref<32x128xf32, #tpu.memory_space<vmem>>, vector<1x16xf32>,
      %add3A_757 = arith.constant 0 : i32
      %add3A_758 = arith.addi %add3A_757, %scan3A_388 : i32
      %get3A_759 = arith.index_cast %add3A_758 : i32 to index
      %get3A_760 = arith.constant 80 : index
      %get3A_761 = tpu.vector_load %arg12[%get3A_759, %get3A_760] {strides = array<i32>} : memref<320x128xf32, #tpu.memory_space<vmem>>, vector<1x16xf32>,
      %get3A_762 = vector.shape_cast %get3A_761 : vector<1x16xf32> to vector<16xf32>
      %add3A_763 = arith.constant 32 : i32
      %add3A_764 = arith.addi %add3A_763, %scan3A_388 : i32
      %get3A_765 = arith.index_cast %add3A_764 : i32 to index
      %get3A_766 = arith.constant 80 : index
      %get3A_767 = tpu.vector_load %arg12[%get3A_765, %get3A_766] {strides = array<i32>} : memref<320x128xf32, #tpu.memory_space<vmem>>, vector<1x16xf32>,
      %get3A_768 = vector.shape_cast %get3A_767 : vector<1x16xf32> to vector<16xf32>
      %add3A_769 = arith.constant 64 : i32
      %add3A_770 = arith.addi %add3A_769, %scan3A_388 : i32
      %get3A_771 = arith.index_cast %add3A_770 : i32 to index
      %get3A_772 = arith.constant 80 : index
      %get3A_773 = tpu.vector_load %arg12[%get3A_771, %get3A_772] {strides = array<i32>} : memref<320x128xf32, #tpu.memory_space<vmem>>, vector<1x16xf32>,
      %get3A_774 = vector.shape_cast %get3A_773 : vector<1x16xf32> to vector<16xf32>
      %add3A_775 = arith.constant 96 : i32
      %add3A_776 = arith.addi %add3A_775, %scan3A_388 : i32
      %get3A_777 = arith.index_cast %add3A_776 : i32 to index
      %get3A_778 = arith.constant 80 : index
      %get3A_779 = tpu.vector_load %arg12[%get3A_777, %get3A_778] {strides = array<i32>} : memref<320x128xf32, #tpu.memory_space<vmem>>, vector<1x16xf32>,
      %get3A_780 = vector.shape_cast %get3A_779 : vector<1x16xf32> to vector<16xf32>
      %add3A_781 = arith.constant 128 : i32
      %add3A_782 = arith.addi %add3A_781, %scan3A_388 : i32
      %get3A_783 = arith.index_cast %add3A_782 : i32 to index
      %get3A_784 = arith.constant 80 : index
      %get3A_785 = tpu.vector_load %arg12[%get3A_783, %get3A_784] {strides = array<i32>} : memref<320x128xf32, #tpu.memory_space<vmem>>, vector<1x16xf32>,
      %get3A_786 = vector.shape_cast %get3A_785 : vector<1x16xf32> to vector<16xf32>
      %add3A_787 = arith.constant 160 : i32
      %add3A_788 = arith.addi %add3A_787, %scan3A_388 : i32
      %get3A_789 = arith.index_cast %add3A_788 : i32 to index
      %get3A_790 = arith.constant 80 : index
      %get3A_791 = tpu.vector_load %arg12[%get3A_789, %get3A_790] {strides = array<i32>} : memref<320x128xf32, #tpu.memory_space<vmem>>, vector<1x16xf32>,
      %get3A_792 = vector.shape_cast %get3A_791 : vector<1x16xf32> to vector<16xf32>
      %add3A_793 = arith.constant 192 : i32
      %add3A_794 = arith.addi %add3A_793, %scan3A_388 : i32
      %get3A_795 = arith.index_cast %add3A_794 : i32 to index
      %get3A_796 = arith.constant 80 : index
      %get3A_797 = tpu.vector_load %arg12[%get3A_795, %get3A_796] {strides = array<i32>} : memref<320x128xf32, #tpu.memory_space<vmem>>, vector<1x16xf32>,
      %get3A_798 = vector.shape_cast %get3A_797 : vector<1x16xf32> to vector<16xf32>
      %add3A_799 = arith.constant 224 : i32
      %add3A_800 = arith.addi %add3A_799, %scan3A_388 : i32
      %get3A_801 = arith.index_cast %add3A_800 : i32 to index
      %get3A_802 = arith.constant 80 : index
      %get3A_803 = tpu.vector_load %arg12[%get3A_801, %get3A_802] {strides = array<i32>} : memref<320x128xf32, #tpu.memory_space<vmem>>, vector<1x16xf32>,
      %get3A_804 = vector.shape_cast %get3A_803 : vector<1x16xf32> to vector<16xf32>
      %add3A_805 = arith.constant 256 : i32
      %add3A_806 = arith.addi %add3A_805, %scan3A_388 : i32
      %get3A_807 = arith.index_cast %add3A_806 : i32 to index
      %get3A_808 = arith.constant 80 : index
      %get3A_809 = tpu.vector_load %arg12[%get3A_807, %get3A_808] {strides = array<i32>} : memref<320x128xf32, #tpu.memory_space<vmem>>, vector<1x16xf32>,
      %get3A_810 = vector.shape_cast %get3A_809 : vector<1x16xf32> to vector<16xf32>
      %add3A_811 = arith.constant 288 : i32
      %add3A_812 = arith.addi %add3A_811, %scan3A_388 : i32
      %get3A_813 = arith.index_cast %add3A_812 : i32 to index
      %get3A_814 = arith.constant 80 : index
      %get3A_815 = tpu.vector_load %arg12[%get3A_813, %get3A_814] {strides = array<i32>} : memref<320x128xf32, #tpu.memory_space<vmem>>, vector<1x16xf32>,
      %get3A_816 = vector.shape_cast %get3A_815 : vector<1x16xf32> to vector<16xf32>
      %add3A_817 = arith.addf %get3A_762, %get3A_768 : vector<16xf32>
      %add3A_818 = arith.addf %get3A_774, %get3A_780 : vector<16xf32>
      %add3A_819 = arith.addf %get3A_786, %get3A_792 : vector<16xf32>
      %add3A_820 = arith.addf %get3A_798, %get3A_804 : vector<16xf32>
      %add3A_821 = arith.addf %get3A_810, %get3A_816 : vector<16xf32>
      %add3A_822 = arith.addf %add3A_817, %add3A_818 : vector<16xf32>
      %add3A_823 = arith.addf %add3A_819, %add3A_820 : vector<16xf32>
      %add3A_824 = arith.addf %add3A_822, %add3A_823 : vector<16xf32>
      %add3A_825 = arith.addf %add3A_824, %add3A_821 : vector<16xf32>
      %swap3A_826 = arith.index_cast %scan3A_388 : i32 to index
      %swap3A_827 = arith.constant 80 : index
      %swap3A_828 = tpu.vector_load %arg16[%swap3A_826, %swap3A_827] {strides = array<i32>} : memref<32x128xf32, #tpu.memory_space<vmem>>, vector<1x16xf32>,
      %swap3A_829 = vector.shape_cast %swap3A_828 : vector<1x16xf32> to vector<16xf32>
      %swap3A_830 = vector.shape_cast %add3A_825 : vector<16xf32> to vector<1x16xf32>
      tpu.vector_store %arg16[%swap3A_826, %swap3A_827], %swap3A_830 {strides = array<i32>} : memref<32x128xf32, #tpu.memory_space<vmem>>, vector<1x16xf32>,
      %add3A_831 = arith.constant 0 : i32
      %add3A_832 = arith.addi %add3A_831, %scan3A_388 : i32
      %get3A_833 = arith.index_cast %add3A_832 : i32 to index
      %get3A_834 = arith.constant 96 : index
      %get3A_835 = tpu.vector_load %arg12[%get3A_833, %get3A_834] {strides = array<i32>} : memref<320x128xf32, #tpu.memory_space<vmem>>, vector<1x16xf32>,
      %get3A_836 = vector.shape_cast %get3A_835 : vector<1x16xf32> to vector<16xf32>
      %add3A_837 = arith.constant 32 : i32
      %add3A_838 = arith.addi %add3A_837, %scan3A_388 : i32
      %get3A_839 = arith.index_cast %add3A_838 : i32 to index
      %get3A_840 = arith.constant 96 : index
      %get3A_841 = tpu.vector_load %arg12[%get3A_839, %get3A_840] {strides = array<i32>} : memref<320x128xf32, #tpu.memory_space<vmem>>, vector<1x16xf32>,
      %get3A_842 = vector.shape_cast %get3A_841 : vector<1x16xf32> to vector<16xf32>
      %add3A_843 = arith.constant 64 : i32
      %add3A_844 = arith.addi %add3A_843, %scan3A_388 : i32
      %get3A_845 = arith.index_cast %add3A_844 : i32 to index
      %get3A_846 = arith.constant 96 : index
      %get3A_847 = tpu.vector_load %arg12[%get3A_845, %get3A_846] {strides = array<i32>} : memref<320x128xf32, #tpu.memory_space<vmem>>, vector<1x16xf32>,
      %get3A_848 = vector.shape_cast %get3A_847 : vector<1x16xf32> to vector<16xf32>
      %add3A_849 = arith.constant 96 : i32
      %add3A_850 = arith.addi %add3A_849, %scan3A_388 : i32
      %get3A_851 = arith.index_cast %add3A_850 : i32 to index
      %get3A_852 = arith.constant 96 : index
      %get3A_853 = tpu.vector_load %arg12[%get3A_851, %get3A_852] {strides = array<i32>} : memref<320x128xf32, #tpu.memory_space<vmem>>, vector<1x16xf32>,
      %get3A_854 = vector.shape_cast %get3A_853 : vector<1x16xf32> to vector<16xf32>
      %add3A_855 = arith.constant 128 : i32
      %add3A_856 = arith.addi %add3A_855, %scan3A_388 : i32
      %get3A_857 = arith.index_cast %add3A_856 : i32 to index
      %get3A_858 = arith.constant 96 : index
      %get3A_859 = tpu.vector_load %arg12[%get3A_857, %get3A_858] {strides = array<i32>} : memref<320x128xf32, #tpu.memory_space<vmem>>, vector<1x16xf32>,
      %get3A_860 = vector.shape_cast %get3A_859 : vector<1x16xf32> to vector<16xf32>
      %add3A_861 = arith.constant 160 : i32
      %add3A_862 = arith.addi %add3A_861, %scan3A_388 : i32
      %get3A_863 = arith.index_cast %add3A_862 : i32 to index
      %get3A_864 = arith.constant 96 : index
      %get3A_865 = tpu.vector_load %arg12[%get3A_863, %get3A_864] {strides = array<i32>} : memref<320x128xf32, #tpu.memory_space<vmem>>, vector<1x16xf32>,
      %get3A_866 = vector.shape_cast %get3A_865 : vector<1x16xf32> to vector<16xf32>
      %add3A_867 = arith.constant 192 : i32
      %add3A_868 = arith.addi %add3A_867, %scan3A_388 : i32
      %get3A_869 = arith.index_cast %add3A_868 : i32 to index
      %get3A_870 = arith.constant 96 : index
      %get3A_871 = tpu.vector_load %arg12[%get3A_869, %get3A_870] {strides = array<i32>} : memref<320x128xf32, #tpu.memory_space<vmem>>, vector<1x16xf32>,
      %get3A_872 = vector.shape_cast %get3A_871 : vector<1x16xf32> to vector<16xf32>
      %add3A_873 = arith.constant 224 : i32
      %add3A_874 = arith.addi %add3A_873, %scan3A_388 : i32
      %get3A_875 = arith.index_cast %add3A_874 : i32 to index
      %get3A_876 = arith.constant 96 : index
      %get3A_877 = tpu.vector_load %arg12[%get3A_875, %get3A_876] {strides = array<i32>} : memref<320x128xf32, #tpu.memory_space<vmem>>, vector<1x16xf32>,
      %get3A_878 = vector.shape_cast %get3A_877 : vector<1x16xf32> to vector<16xf32>
      %add3A_879 = arith.constant 256 : i32
      %add3A_880 = arith.addi %add3A_879, %scan3A_388 : i32
      %get3A_881 = arith.index_cast %add3A_880 : i32 to index
      %get3A_882 = arith.constant 96 : index
      %get3A_883 = tpu.vector_load %arg12[%get3A_881, %get3A_882] {strides = array<i32>} : memref<320x128xf32, #tpu.memory_space<vmem>>, vector<1x16xf32>,
      %get3A_884 = vector.shape_cast %get3A_883 : vector<1x16xf32> to vector<16xf32>
      %add3A_885 = arith.constant 288 : i32
      %add3A_886 = arith.addi %add3A_885, %scan3A_388 : i32
      %get3A_887 = arith.index_cast %add3A_886 : i32 to index
      %get3A_888 = arith.constant 96 : index
      %get3A_889 = tpu.vector_load %arg12[%get3A_887, %get3A_888] {strides = array<i32>} : memref<320x128xf32, #tpu.memory_space<vmem>>, vector<1x16xf32>,
      %get3A_890 = vector.shape_cast %get3A_889 : vector<1x16xf32> to vector<16xf32>
      %add3A_891 = arith.addf %get3A_836, %get3A_842 : vector<16xf32>
      %add3A_892 = arith.addf %get3A_848, %get3A_854 : vector<16xf32>
      %add3A_893 = arith.addf %get3A_860, %get3A_866 : vector<16xf32>
      %add3A_894 = arith.addf %get3A_872, %get3A_878 : vector<16xf32>
      %add3A_895 = arith.addf %get3A_884, %get3A_890 : vector<16xf32>
      %add3A_896 = arith.addf %add3A_891, %add3A_892 : vector<16xf32>
      %add3A_897 = arith.addf %add3A_893, %add3A_894 : vector<16xf32>
      %add3A_898 = arith.addf %add3A_896, %add3A_897 : vector<16xf32>
      %add3A_899 = arith.addf %add3A_898, %add3A_895 : vector<16xf32>
      %swap3A_900 = arith.index_cast %scan3A_388 : i32 to index
      %swap3A_901 = arith.constant 96 : index
      %swap3A_902 = tpu.vector_load %arg16[%swap3A_900, %swap3A_901] {strides = array<i32>} : memref<32x128xf32, #tpu.memory_space<vmem>>, vector<1x16xf32>,
      %swap3A_903 = vector.shape_cast %swap3A_902 : vector<1x16xf32> to vector<16xf32>
      %swap3A_904 = vector.shape_cast %add3A_899 : vector<16xf32> to vector<1x16xf32>
      tpu.vector_store %arg16[%swap3A_900, %swap3A_901], %swap3A_904 {strides = array<i32>} : memref<32x128xf32, #tpu.memory_space<vmem>>, vector<1x16xf32>,
      %add3A_905 = arith.constant 0 : i32
      %add3A_906 = arith.addi %add3A_905, %scan3A_388 : i32
      %get3A_907 = arith.index_cast %add3A_906 : i32 to index
      %get3A_908 = arith.constant 112 : index
      %get3A_909 = tpu.vector_load %arg12[%get3A_907, %get3A_908] {strides = array<i32>} : memref<320x128xf32, #tpu.memory_space<vmem>>, vector<1x16xf32>,
      %get3A_910 = vector.shape_cast %get3A_909 : vector<1x16xf32> to vector<16xf32>
      %add3A_911 = arith.constant 32 : i32
      %add3A_912 = arith.addi %add3A_911, %scan3A_388 : i32
      %get3A_913 = arith.index_cast %add3A_912 : i32 to index
      %get3A_914 = arith.constant 112 : index
      %get3A_915 = tpu.vector_load %arg12[%get3A_913, %get3A_914] {strides = array<i32>} : memref<320x128xf32, #tpu.memory_space<vmem>>, vector<1x16xf32>,
      %get3A_916 = vector.shape_cast %get3A_915 : vector<1x16xf32> to vector<16xf32>
      %add3A_917 = arith.constant 64 : i32
      %add3A_918 = arith.addi %add3A_917, %scan3A_388 : i32
      %get3A_919 = arith.index_cast %add3A_918 : i32 to index
      %get3A_920 = arith.constant 112 : index
      %get3A_921 = tpu.vector_load %arg12[%get3A_919, %get3A_920] {strides = array<i32>} : memref<320x128xf32, #tpu.memory_space<vmem>>, vector<1x16xf32>,
      %get3A_922 = vector.shape_cast %get3A_921 : vector<1x16xf32> to vector<16xf32>
      %add3A_923 = arith.constant 96 : i32
      %add3A_924 = arith.addi %add3A_923, %scan3A_388 : i32
      %get3A_925 = arith.index_cast %add3A_924 : i32 to index
      %get3A_926 = arith.constant 112 : index
      %get3A_927 = tpu.vector_load %arg12[%get3A_925, %get3A_926] {strides = array<i32>} : memref<320x128xf32, #tpu.memory_space<vmem>>, vector<1x16xf32>,
      %get3A_928 = vector.shape_cast %get3A_927 : vector<1x16xf32> to vector<16xf32>
      %add3A_929 = arith.constant 128 : i32
      %add3A_930 = arith.addi %add3A_929, %scan3A_388 : i32
      %get3A_931 = arith.index_cast %add3A_930 : i32 to index
      %get3A_932 = arith.constant 112 : index
      %get3A_933 = tpu.vector_load %arg12[%get3A_931, %get3A_932] {strides = array<i32>} : memref<320x128xf32, #tpu.memory_space<vmem>>, vector<1x16xf32>,
      %get3A_934 = vector.shape_cast %get3A_933 : vector<1x16xf32> to vector<16xf32>
      %add3A_935 = arith.constant 160 : i32
      %add3A_936 = arith.addi %add3A_935, %scan3A_388 : i32
      %get3A_937 = arith.index_cast %add3A_936 : i32 to index
      %get3A_938 = arith.constant 112 : index
      %get3A_939 = tpu.vector_load %arg12[%get3A_937, %get3A_938] {strides = array<i32>} : memref<320x128xf32, #tpu.memory_space<vmem>>, vector<1x16xf32>,
      %get3A_940 = vector.shape_cast %get3A_939 : vector<1x16xf32> to vector<16xf32>
      %add3A_941 = arith.constant 192 : i32
      %add3A_942 = arith.addi %add3A_941, %scan3A_388 : i32
      %get3A_943 = arith.index_cast %add3A_942 : i32 to index
      %get3A_944 = arith.constant 112 : index
      %get3A_945 = tpu.vector_load %arg12[%get3A_943, %get3A_944] {strides = array<i32>} : memref<320x128xf32, #tpu.memory_space<vmem>>, vector<1x16xf32>,
      %get3A_946 = vector.shape_cast %get3A_945 : vector<1x16xf32> to vector<16xf32>
      %add3A_947 = arith.constant 224 : i32
      %add3A_948 = arith.addi %add3A_947, %scan3A_388 : i32
      %get3A_949 = arith.index_cast %add3A_948 : i32 to index
      %get3A_950 = arith.constant 112 : index
      %get3A_951 = tpu.vector_load %arg12[%get3A_949, %get3A_950] {strides = array<i32>} : memref<320x128xf32, #tpu.memory_space<vmem>>, vector<1x16xf32>,
      %get3A_952 = vector.shape_cast %get3A_951 : vector<1x16xf32> to vector<16xf32>
      %add3A_953 = arith.constant 256 : i32
      %add3A_954 = arith.addi %add3A_953, %scan3A_388 : i32
      %get3A_955 = arith.index_cast %add3A_954 : i32 to index
      %get3A_956 = arith.constant 112 : index
      %get3A_957 = tpu.vector_load %arg12[%get3A_955, %get3A_956] {strides = array<i32>} : memref<320x128xf32, #tpu.memory_space<vmem>>, vector<1x16xf32>,
      %get3A_958 = vector.shape_cast %get3A_957 : vector<1x16xf32> to vector<16xf32>
      %add3A_959 = arith.constant 288 : i32
      %add3A_960 = arith.addi %add3A_959, %scan3A_388 : i32
      %get3A_961 = arith.index_cast %add3A_960 : i32 to index
      %get3A_962 = arith.constant 112 : index
      %get3A_963 = tpu.vector_load %arg12[%get3A_961, %get3A_962] {strides = array<i32>} : memref<320x128xf32, #tpu.memory_space<vmem>>, vector<1x16xf32>,
      %get3A_964 = vector.shape_cast %get3A_963 : vector<1x16xf32> to vector<16xf32>
      %add3A_965 = arith.addf %get3A_910, %get3A_916 : vector<16xf32>
      %add3A_966 = arith.addf %get3A_922, %get3A_928 : vector<16xf32>
      %add3A_967 = arith.addf %get3A_934, %get3A_940 : vector<16xf32>
      %add3A_968 = arith.addf %get3A_946, %get3A_952 : vector<16xf32>
      %add3A_969 = arith.addf %get3A_958, %get3A_964 : vector<16xf32>
      %add3A_970 = arith.addf %add3A_965, %add3A_966 : vector<16xf32>
      %add3A_971 = arith.addf %add3A_967, %add3A_968 : vector<16xf32>
      %add3A_972 = arith.addf %add3A_970, %add3A_971 : vector<16xf32>
      %add3A_973 = arith.addf %add3A_972, %add3A_969 : vector<16xf32>
      %swap3A_974 = arith.index_cast %scan3A_388 : i32 to index
      %swap3A_975 = arith.constant 112 : index
      %swap3A_976 = tpu.vector_load %arg16[%swap3A_974, %swap3A_975] {strides = array<i32>} : memref<32x128xf32, #tpu.memory_space<vmem>>, vector<1x16xf32>,
      %swap3A_977 = vector.shape_cast %swap3A_976 : vector<1x16xf32> to vector<16xf32>
      %swap3A_978 = vector.shape_cast %add3A_973 : vector<16xf32> to vector<1x16xf32>
      tpu.vector_store %arg16[%swap3A_974, %swap3A_975], %swap3A_978 {strides = array<i32>} : memref<32x128xf32, #tpu.memory_space<vmem>>, vector<1x16xf32>,
    }
    %scan3A_359 = arith.constant 32 : i32
    %mul3A_360 = arith.constant 49 : i32
    %mul3A_361 = arith.muli %add3A, %mul3A_360 : i32
    %add3A_362 = arith.constant 48 : i32
    %add3A_363 = arith.addi %mul3A_361, %add3A_362 : i32
    %mul3A_364 = arith.constant 32 : i32
    %mul3A_365 = arith.muli %add3A_363, %mul3A_364 : i32
    %dma_start3A_366 = arith.constant 0 : i32
    %dma_start3A_367 = tpu.memref_slice %arg5[%mul3A_365, %dma_start3A_366] : memref<50176x128xf32, #tpu.memory_space<hbm>> -> memref<32x128xf32, #tpu.memory_space<hbm>>
    %dma_start3A_368 = arith.constant 0 : i32
    %dma_start3A_369 = tpu.memref_slice %arg5[%mul3A_365, %dma_start3A_368] : memref<50176x128xf32, #tpu.memory_space<hbm>> -> memref<32x128xf32, #tpu.memory_space<hbm>>
    tpu.enqueue_dma source(%arg14 : memref<32x128xf32, #tpu.memory_space<vmem>>) target(%dma_start3A_369 : memref<32x128xf32, #tpu.memory_space<hbm>>) target_semaphore(%arg22 : memref<!tpu.dma_semaphore, #tpu.memory_space<semaphore_mem>>)
    %dma_start3A_370 = arith.constant 0 : i32
    %dma_start3A_371 = tpu.memref_slice %arg6[%mul3A_365, %dma_start3A_370] : memref<50176x128xf32, #tpu.memory_space<hbm>> -> memref<32x128xf32, #tpu.memory_space<hbm>>
    %dma_start3A_372 = arith.constant 0 : i32
    %dma_start3A_373 = tpu.memref_slice %arg6[%mul3A_365, %dma_start3A_372] : memref<50176x128xf32, #tpu.memory_space<hbm>> -> memref<32x128xf32, #tpu.memory_space<hbm>>
    tpu.enqueue_dma source(%arg16 : memref<32x128xf32, #tpu.memory_space<vmem>>) target(%dma_start3A_373 : memref<32x128xf32, #tpu.memory_space<hbm>>) target_semaphore(%arg22 : memref<!tpu.dma_semaphore, #tpu.memory_space<semaphore_mem>>)
    %mul3A_374 = arith.constant 49 : i32
    %mul3A_375 = arith.muli %add3A, %mul3A_374 : i32
    %add3A_376 = arith.constant 48 : i32
    %add3A_377 = arith.addi %mul3A_375, %add3A_376 : i32
    %mul3A_378 = arith.constant 32 : i32
    %mul3A_379 = arith.muli %add3A_377, %mul3A_378 : i32
    %dma_wait3A_380 = arith.constant 0 : i32
    %dma_wait3A_381 = tpu.memref_slice %arg5[%mul3A_379, %dma_wait3A_380] : memref<50176x128xf32, #tpu.memory_space<hbm>> -> memref<32x128xf32, #tpu.memory_space<hbm>>
    %dma_wait3A_382 = arith.constant 0 : i32
    %dma_wait3A_383 = tpu.memref_slice %arg5[%mul3A_379, %dma_wait3A_382] : memref<50176x128xf32, #tpu.memory_space<hbm>> -> memref<32x128xf32, #tpu.memory_space<hbm>>
    tpu.wait_dma2 semaphore(%arg22 : memref<!tpu.dma_semaphore, #tpu.memory_space<semaphore_mem>>) src(%arg14 : memref<32x128xf32, #tpu.memory_space<vmem>>) dst(%dma_wait3A_383 : memref<32x128xf32, #tpu.memory_space<hbm>>)
    %dma_wait3A_384 = arith.constant 0 : i32
    %dma_wait3A_385 = tpu.memref_slice %arg6[%mul3A_379, %dma_wait3A_384] : memref<50176x128xf32, #tpu.memory_space<hbm>> -> memref<32x128xf32, #tpu.memory_space<hbm>>
    %dma_wait3A_386 = arith.constant 0 : i32
    %dma_wait3A_387 = tpu.memref_slice %arg6[%mul3A_379, %dma_wait3A_386] : memref<50176x128xf32, #tpu.memory_space<hbm>> -> memref<32x128xf32, #tpu.memory_space<hbm>>
    tpu.wait_dma2 semaphore(%arg22 : memref<!tpu.dma_semaphore, #tpu.memory_space<semaphore_mem>>) src(%arg16 : memref<32x128xf32, #tpu.memory_space<vmem>>) dst(%dma_wait3A_387 : memref<32x128xf32, #tpu.memory_space<hbm>>)
    return
  }
}

module attributes {stable_mosaic.version = 14 : i64} {
  func.func @_tc_body(%arg0: i32, %arg1: memref<128x256xf32, #tpu.memory_space<vmem>>, %arg2: memref<2048x128xf32, #tpu.memory_space<vmem>>, %arg3: memref<2048x128xf32, #tpu.memory_space<vmem>>, %arg4: memref<128x2048xf32, #tpu.memory_space<vmem>>) attributes {dimension_semantics = [#tpu.dimension_semantics<arbitrary>], iteration_bounds = array<i64: 25>, scalar_prefetch = 0 : i64, scratch_operands = 0 : i64, tpu.core_type = #tpu.core_type<tc>, window_params = [{pipeline_mode = #tpu.pipeline_mode<synchronous>, transform_indices = @transform_0, window_bounds = array<i64: 128, 256>}, {transform_indices = @transform_1, window_bounds = array<i64: 2048, 128>}, {transform_indices = @transform_2, window_bounds = array<i64: 2048, 128>}, {transform_indices = @transform_3, window_bounds = array<i64: 128, 2048>}]} {
    %get3A = arith.constant 0 : index
    %get3A_0 = arith.constant 0 : index
    %get3A_1 = vector.load %arg1[%get3A, %get3A_0] : memref<128x256xf32, #tpu.memory_space<vmem>>, vector<128x256xf32>
    %slice3A = vector.extract_strided_slice %get3A_1 {offsets = [0, 0], sizes = [128, 128], strides = [1, 1]} : vector<128x256xf32> to vector<128x128xf32>
    %slice3A_2 = vector.extract_strided_slice %get3A_1 {offsets = [0, 128], sizes = [128, 128], strides = [1, 1]} : vector<128x256xf32> to vector<128x128xf32>
    %mul3A = arith.constant 1.000000e-01 : f32
    %mul3A_3 = vector.broadcast %mul3A : f32 to vector<128x128xf32>
    %mul3A_4 = arith.mulf %slice3A_2, %mul3A_3 : vector<128x128xf32>
    %get3A_5 = arith.constant 0 : index
    %get3A_6 = arith.constant 0 : index
    %get3A_7 = vector.load %arg2[%get3A_5, %get3A_6] : memref<2048x128xf32, #tpu.memory_space<vmem>>, vector<2048x128xf32>
    %get3A_8 = arith.constant 0 : index
    %get3A_9 = arith.constant 0 : index
    %get3A_10 = vector.load %arg3[%get3A_8, %get3A_9] : memref<2048x128xf32, #tpu.memory_space<vmem>>, vector<2048x128xf32>
    %dot_general3A = arith.constant dense<0.000000e+00> : vector<128x2048xf32>
    %dot_general3A_11 = tpu.matmul %slice3A, %get3A_7, %dot_general3A {dimension_numbers = #tpu.dot_dimension_numbers<[1], [1], [0], [0], [0, 0, 1, 0], [], []>, transpose_lhs_hint = false} : vector<128x128xf32>, vector<2048x128xf32>, vector<128x2048xf32> -> vector<128x2048xf32>
    %dot_general3A_12 = arith.constant dense<0.000000e+00> : vector<128x2048xf32>
    %dot_general3A_13 = tpu.matmul %mul3A_4, %get3A_10, %dot_general3A_12 {dimension_numbers = #tpu.dot_dimension_numbers<[1], [1], [0], [0], [0, 0, 1, 0], [], []>, transpose_lhs_hint = false} : vector<128x128xf32>, vector<2048x128xf32>, vector<128x2048xf32> -> vector<128x2048xf32>
    %add3A = arith.addf %dot_general3A_11, %dot_general3A_13 : vector<128x2048xf32>
    %max3A = arith.constant 0.000000e+00 : f32
    %max3A_14 = vector.broadcast %max3A : f32 to vector<128x2048xf32>
    %max3A_15 = arith.maximumf %add3A, %max3A_14 : vector<128x2048xf32>
    %swap3A = arith.constant 0 : index
    %swap3A_16 = arith.constant 0 : index
    %swap3A_17 = vector.load %arg4[%swap3A, %swap3A_16] : memref<128x2048xf32, #tpu.memory_space<vmem>>, vector<128x2048xf32>
    tpu.vector_store %arg4[%swap3A, %swap3A_16], %max3A_15 {strides = array<i32>} : memref<128x2048xf32, #tpu.memory_space<vmem>>, vector<128x2048xf32>,
    return
  }
  func.func @transform_0(%arg0: i32) -> (i32, i32) {
    %c0_i32 = arith.constant 0 : i32
    %c0_i32_0 = arith.constant 0 : i32
    %c0_i32_1 = arith.constant 0 : i32
    return %c0_i32, %c0_i32_0 : i32, i32
  }
  func.func @transform_1(%arg0: i32) -> (i32, i32) {
    %c0_i32 = arith.constant 0 : i32
    %c0_i32_0 = arith.constant 0 : i32
    return %arg0, %c0_i32 : i32, i32
  }
  func.func @transform_2(%arg0: i32) -> (i32, i32) {
    %c0_i32 = arith.constant 0 : i32
    %c0_i32_0 = arith.constant 0 : i32
    return %arg0, %c0_i32 : i32, i32
  }
  func.func @transform_3(%arg0: i32) -> (i32, i32) {
    %c0_i32 = arith.constant 0 : i32
    %c0_i32_0 = arith.constant 0 : i32
    return %c0_i32, %arg0 : i32, i32
  }
}

</mosaic_0001>

<sc_bundles>
// kernel: kernel.4.cloned.1.call-start
scs
__scs_entry_jumppad:
0x0: {  	(pc) =	sbr.rel $0x88, $3  }
0x1: {  	(tag) =	ssettag $0x0;
	lr =	simm.s32 $0x1  }
0x2: {  	[smem:$0x3F9D] =	sst lr;
	_ =	strace $0xD0000000  }
0x3: {  	_ = 	snop  }
0x4: {  	_ = 	snop  }
0x5: {  	_ = 	snop  }
0x6: {  	_ = 	snop  }
0x7: {  	_ = 	snop  }
__scs_overlays_trampoline_lowered:
0x8: {  	[smem:$0x3FAC] =	sst s0  }
0x9: {  	[smem:$0x3FAD] =	sst s1  }
0xa: {  	[smem:$0x3FAE] =	sst s2  }
0xb: {  	[smem:$0x3FAF] =	sst s3  }
0xc: {  	[smem:$0x3FB0] =	sst s4  }
0xd: {  	[smem:$0x3FB1] =	sst s5  }
0xe: {  	[smem:$0x3FB2] =	sst s6  }
0xf: {  	[smem:$0x3FB3] =	sst s7  }
0x10: {  	[smem:$0x3FB4] =	sst s8  }
0x11: {  	[smem:$0x3FB5] =	sst s9;
	s0 =	simm.s32 @!p0 $0x0  }
0x12: {  	s1 =	sld [smem:$0x3F9B];
	s0 =	simm.s32 @p0 $0x1  }
0x13: {  	[smem:$0x3FB6] =	sst s0;
	s0 =	simm.s32 @!p1 $0x0  }
0x14: {  	s2 =	sld [smem:$0x3F9A];
	s0 =	simm.s32 @p1 $0x1  }
0x15: {  	[smem:$0x3FB7] =	sst s0;
	s0 =	simm.s32 @!p2 $0x0  }
0x16: {  	s3 =	sld [smem:$0x3FDB];
	s0 =	simm.s32 @p2 $0x1  }
0x17: {  	s4 =	simm.s32 $0x1BF5;
	[smem:$0x3FB9] =	sst s0  }
0x18: {  	s0 =	sld [smem:$0x3F9C];
	_ =	swait.ge [sflag:s4], $0x0  }
0x19: {  	s7 =	sld [smem:$0x3F9D]  }
0x1a: {  	s8 =	sadd.s32 $0xFFFFE003, lr  }
0x1b: {  	s9 =	sadd.s32 $0xFFFFFEF7, lr;
	s5 =	simm.s32 $0xFFFFFFFF;
	p2 =	slt.u32 s8, $0xFFFFF086  }
0x1c: {  	p1 =	slt.u32 s9, $0xF7A;
	s5 =	simm.s32 @!p2 $0x0  }
0x1d: {  	s5 =	simm.s32 @p1 $0x1;
	p0 =	seq.s32 s7, s2  }
0x1e: {  	s7 =	smul.u32 @!p0 $0xF7A, s2;
	p2 =	seq.s32 @!p0 s5, $0x0  }
0x1f: {  	s9 =	smul.u32 $0xF7A, s1;
	s8 =	simm.s32 @!p0 $0x1BF5;
	p2 =	por !p2, p0  }
0x20: {  	[sflag:s8] =	ssyncset.s32 @!p0 $0xFFFFF086;
	s6 =	sadd.s32 @!p0 s3, s7;
	s7 =	simm.s32 @!p0 $0x108  }
0x21: {  	s3 =	sadd.s32 s3, s9;
	s6 =	sadd.s32 @!p0 $0x88, s6;
	s7 =	simm.s32 @p2 $0x1082  }
0x22: {  	[simem:s7], [sflag:s8] =	dma.local @!p0 [hbm:s6], $0xF7A  }
0x23: {  	s9 =	sor.u32 $0xD0000000, s2;
	s6 =	simm.s32 $0x108;
	_ =	swait.ge @!p0 [sflag:s8], $0x0  }
0x24: {  	s3 =	sadd.s32 $0x88, s3;
	s6 =	simm.s32 @!p1 $0x1082;
	[sflag:s4] =	ssyncset.s32 $0xFFFFF086  }
0x25: {  	[simem:s6], [sflag:s4] =	dma.local [hbm:s3], $0xF7A  }
0x26: {  	[smem:$0x3F9D] =	sst s1;
	(tag) =	ssettag s2;
	_ =	strace s9  }
0x27: {  	s1 =	sld [smem:$0x3FAD]  }
0x28: {  	s2 =	sld [smem:$0x3FAE]  }
0x29: {  	s4 =	sld [smem:$0x3FB0]  }
0x2a: {  	p0 =	seq.s32 s5, $0x0;
	s5 =	sld [smem:$0x3FB1]  }
0x2b: {  	s6 =	sld [smem:$0x3FB2]  }
0x2c: {  	s7 =	sld [smem:$0x3FB3]  }
0x2d: {  	s3 =	simm.s32 $0x108;
	s8 =	sld [smem:$0x3FB4]  }
0x2e: {  	s3 =	simm.s32 @!p0 $0x1082;
	s9 =	sld [smem:$0x3FB5]  }
0x2f: {  	lr =	sadd.s32 s0, s3;
	s0 =	sld [smem:$0x3FAC]  }
0x30: {  	s3 =	sld [smem:$0x3FAF]  }
0x31: {  	[smem:$0x3FB8] =	sst s10  }
0x32: {  	s10 =	sld [smem:$0x3FB6];
	_ =	sdelay $0x3  }
0x33: {  	p0 =	seq.s32 s10, $0x1;
	s10 =	sld [smem:$0x3FB8];
	_ =	sdelay $0x3  }
0x34: {  	[smem:$0x3FB8] =	sst s10  }
0x35: {  	s10 =	sld [smem:$0x3FB7];
	_ =	sdelay $0x3  }
0x36: {  	p1 =	seq.s32 s10, $0x1;
	s10 =	sld [smem:$0x3FB8];
	_ =	sdelay $0x3  }
0x37: {  	[smem:$0x3FB8] =	sst s10  }
0x38: {  	s10 =	sld [smem:$0x3FB9]  }
0x39: {  	_ = 	snop;
	(pc) =	sbr.ind lr, $3  }
0x3a: {  	_ = 	snop  }
0x3b: {  	_ = 	snop  }
0x3c: {  	p2 =	seq.s32 s10, $0x1;
	s10 =	sld [smem:$0x3FB8]  }
0x3d: {  	_ =	shalt  }
0x3e: {  	_ =	shalt  }
0x3f: {  	_ =	shalt  }
0x40: {  	_ =	shalt  }
0x41: {  	_ =	shalt  }
0x42: {  	_ =	shalt  }
0x43: {  	_ =	shalt  }
0x44: {  	_ =	shalt  }
0x45: {  	_ =	shalt  }
0x46: {  	_ =	shalt  }
0x47: {  	_ =	shalt  }
0x48: {  	_ =	shalt  }
0x49: {  	_ =	shalt  }
0x4a: {  	_ =	shalt  }
0x4b: {  	_ =	shalt  }
0x4c: {  	_ =	shalt  }
0x4d: {  	_ =	shalt  }
0x4e: {  	_ =	shalt  }
0x4f: {  	_ =	shalt  }
0x50: {  	_ =	shalt  }
0x51: {  	_ =	shalt  }
0x52: {  	_ =	shalt  }
0x53: {  	_ =	shalt  }
0x54: {  	_ =	shalt  }
0x55: {  	_ =	shalt  }
0x56: {  	_ =	shalt  }
0x57: {  	_ =	shalt  }
0x58: {  	_ =	shalt  }
0x59: {  	_ =	shalt  }
0x5a: {  	_ =	shalt  }
0x5b: {  	_ =	shalt  }
0x5c: {  	_ =	shalt  }
0x5d: {  	_ =	shalt  }
0x5e: {  	_ =	shalt  }
0x5f: {  	_ =	shalt  }
0x60: {  	_ =	shalt  }
0x61: {  	_ =	shalt  }
0x62: {  	_ =	shalt  }
0x63: {  	_ =	shalt  }
0x64: {  	_ =	shalt  }
0x65: {  	_ =	shalt  }
0x66: {  	_ =	shalt  }
0x67: {  	_ =	shalt  }
0x68: {  	_ =	shalt  }
0x69: {  	_ =	shalt  }
0x6a: {  	_ =	shalt  }
0x6b: {  	_ =	shalt  }
0x6c: {  	_ =	shalt  }
0x6d: {  	_ =	shalt  }
0x6e: {  	_ =	shalt  }
0x6f: {  	_ =	shalt  }
0x70: {  	_ =	shalt  }
0x71: {  	_ =	shalt  }
0x72: {  	_ =	shalt  }
0x73: {  	_ =	shalt  }
0x74: {  	_ =	shalt  }
0x75: {  	_ =	shalt  }
0x76: {  	_ =	shalt  }
0x77: {  	_ =	shalt  }
0x78: {  	_ =	shalt  }
0x79: {  	_ =	shalt  }
0x7a: {  	_ =	shalt  }
0x7b: {  	_ =	shalt  }
0x7c: {  	_ =	shalt  }
0x7d: {  	_ =	shalt  }
0x7e: {  	_ =	shalt  }
0x7f: {  	_ =	shalt  }
0x80: {  	_ =	shalt  }
0x81: {  	_ =	shalt  }
0x82: {  	_ =	shalt  }
0x83: {  	_ =	shalt  }
0x84: {  	_ =	shalt  }
0x85: {  	_ =	shalt  }
0x86: {  	_ =	shalt  }
0x87: {  	_ =	shalt  }
.Lfunc_end0:
.L_simem_size_0:
called_computation_lowered:
.L_overlay_start_0:
0x88: {  	s2 =	sld [smem:$0x3FD9]  }
0x89: {  	s3 =	sld [smem:$0x3FFE];
	_ =	sdelay $0x1  }
0x8a: {  	s1 =	srdreg.scid  }
0x8b: {  	s0 =	sand.u32 $0x1, s1  }
0x8c: {  	s17 =	sshll.u32 s0, $0xA;
	s2 =	sadd.s32 s3, s2  }
0x8d: {  	s2 =	sadd.s32 s2, s17  }
0x8e: {  	[smem:$0x3FC4] =	sst s2  }
0x8f: {  	_ = 	snop  }
0x90: {  	s2 =	sld [smem:$0x3FC7]  }
0x91: {  	s18 =	sld [smem:$0x3FD0];
	(tm) =	ssettm $0x1  }
0x92: {  	s4 =	sld [smem:$0x3FFB];
	_ =	sdelay $0x3  }
0x93: {  	_ =	strace s4  }
0x94: {  	s4 =	sld [smem:$0x3FFC];
	_ =	sdelay $0x3  }
0x95: {  	_ =	strace s4  }
0x96: {  	s4 =	sld [smem:$0x3FFD];
	_ =	sdelay $0x3  }
0x97: {  	_ =	strace s4  }
0x98: {  	_ =	strace $0x8FFFFFFF  }
0x99: {  	s19 =	sld [smem:$0x3FDB];
	_ =	sdelay $0x1  }
0x9a: {  	s5 =	simm.s32 $_scs_section_size  }
0x9b: {  	s6 =	simm.s32 $_size__tile_overlayer_lowered;
	s7 =	simm.s32 $_tile_overlayer_lowered  }
0x9c: {  	s22 =	simm.s32 $0x1BFF;
	s21 =	sshll.u32 s7, $0x1;
	s4 =	sadd.s32 s5, s19  }
0x9d: {  	s8 =	simm.s32 $0x0;
	s20 =	sshll.u32 s6, $0x1;
	s6 =	sadd.s32 s21, s4  }
0x9e: {  	[timem:s8], [sflag:s22] =	dma.local [hbm:s6], s20  }
0x9f: {  	_ =	swait.ge [sflag:s22], s20  }
0xa0: {  	s5 =	ssub.s32 $0x0, s20;
	[sflag:s22] =	ssyncset.done $0x0  }
0xa1: {  	[sflag:s22] =	ssyncadd.s32 s5;
	_ =	sdelay $0x1  }
0xa2: {  	s23 =	simm.s32 $0x1B8B  }
0xa3: {  	_ =	swait.ge [sflag:s23], $0x1  }
0xa4: {  	[sflag:s23] =	ssyncset.done $0x0  }
0xa5: {  	s25 =	simm.s32 $0x1B8E;
	s24 =	sld [smem:$0x3FFE];
	[sflag:s23] =	ssyncadd.s32 $0xFFFFFFFF  }
0xa6: {  	s26 =	simm.s32 $execute0_lowered;
	[smem:$0x3FD2] =	sst s25  }
0xa7: {  	s6 =	sshll.u32 s26, $0x1;
	_ =	strace $0x80000046;
	[dreg:$0x1] =	wrdreg $0xFFFFFFFF  }
0xa8: {  	s28 =	simm.s32 $_size_execute0_lowered;
	s4 =	sadd.s32 s4, s6;
	[dreg:$0x0] =	wrdreg $0x0  }
0xa9: {  	s6 =	sshll.u32 s28, $0x1;
	[dreg:$0x2] =	wrdreg s4  }
0xaa: {  	[dreg:$0x3] =	wrdreg s6  }
0xab: {  	[dreg:$0x4] =	wrdreg $0xC0  }
0xac: {  	_ =	task [dreg:s8], $0x5FFFF  }
0xad: {  	[dreg:$0x1] =	wrdreg $0xFFFFFFFF  }
0xae: {  	[dreg:$0x0] =	wrdreg $0x60  }
0xaf: {  	[dreg:$0x2] =	wrdreg s2  }
0xb0: {  	[dreg:$0x3] =	wrdreg s24  }
0xb1: {  	[dreg:$0x4] =	wrdreg s18  }
0xb2: {  	[dreg:$0x5] =	wrdreg $0x9  }
0xb3: {  	_ =	task.clear_ibuf [dreg:s8], $0x6FFFF;
	_ =	strace $0x90000046  }
0xb4: {  	s29 =	simm.s32 $0x9;
	_ =	strace $0x80000048  }
0xb5: {  	_ =	swait.ge [sflag:s29], $0x1  }
0xb6: {  	[sflag:s29] =	ssyncadd.s32 $0xFFFFFFFF  }
0xb7: {  	_ =	strace $0x90000048  }
0xb8: {  	_ =	sfence  }
0xb9: {  	s30 =	sld [smem:$0x0];
	_ =	sdelay $0x2  }
0xba: {  	s31 =	sshll.u32 s1, $0xD;
	s1 =	sshrl.u32 s1, $0x2  }
0xbb: {  	s3 =	sand.u32 $0x4000, s31;
	s1 =	sadd.s32 s1, s30  }
0xbc: {  	s0 =	sor.u32 s3, s0;
	s1 =	sshll.u32 s1, $0x11  }
0xbd: {  	s0 =	sor.u32 s1, s0  }
0xbe: {  	s0 =	sadd.s32 $0x8F2B, s0  }
0xbf: {  	[sflag:s0] =	ssyncadd.remote.s32 $0x1  }
0xc0: {  	_ =	sfence.sel $0xFFFF  }
0xc1: {  	[dreg:$0x0] =	wrdreg $0xFFFFFFFF;
	(pc) =	sbr.abs _section_cstart, $3  }
0xc2: {  	[dreg:$0x1] =	wrdreg $0xFFFFFFFF  }
0xc3: {  	_ =	task.clear_ibuf [dreg:s8], $0x2FFFF;
	_ =	strace $0x9FFFFFFF  }
0xc4: {  	(tm) =	ssettm $0x7FFFFFFF  }
0xc5: {  	_ =	shalt  }
tec
execute0_lowered:
.L_overlay_start_1:
0x0: {  	(tag) =	ssettag $0x1  }
0x1: {  	s1 =	rddreg [dreg:$0x0]  }
0x2: {  	s0 =	rddreg [dreg:$0x1]  }
0x3: {  	s2 =	srdreg.scid;
	s5 =	stileid.u32  }
0x4: {  	s3 =	rddreg [dreg:$0x2];
	s2 =	sand.u32 $0x1, s2;
	s5 =	sshll.u32 s5, $0x1  }
0x5: {  	s4 =	simm.s32 $0x0;
	s28 =	simm.s32 $0x300;
	s9 =	sor.u32 s2, s5  }
0x6: {  	s29 =	simm.s32 $0x7;
	s30 =	simm.s32 $0x20;
	s7 =	smul.u32 $0x31, s9  }
0x7: {  	s31 =	simm.s32 $0x14400;
	[smem:$0x7FF] =	sst s4;
	s23 =	smul.u32 $0xC4, s9  }
0x8: {  	s6 =	sadd.s32 $0x2400, s0;
	s8 =	sadd.s32 $0xC6400, s0;
	s11 =	smul.u32 $0x7A8, s9  }
0x9: {  	_ =	strace $0x80000047;
	s22 =	ssub.s32 $0x2, s2;
	s26 =	smul.u32 $0x6200, s9  }
0xa: {  	s5 =	sadd.s32 $0xA00, s0;
	s10 =	sshrl.u32 s22, $0x1;
	s9 =	smul.u32 $0x31000, s9  }
0xb: {  	s0 =	ssub.s32 s22, s10;
	s12 =	sadd.s32 $0x1, s7;
	s2 =	sadd.s32 s5, s23  }
0xc: {  	s14 =	sadd.s32 s3, s11;
	s13 =	sadd.s32 $0x2, s7;
	s11 =	sadd.s32 s8, s26  }
0xd: {  	s19 =	sadd.s32 $0x30, s7;
	s9 =	sshrl.u32 s9, $0x3;
	s0 =	smax.u32 s0, $0x1  }
0xe: {  	[dreg:$0x4] =	wrdreg s2;
	s24 =	smul.u32 $0x28, s12;
	s25 =	sshll.u32 s12, $0x2  }
0xf: {  	[dreg:$0x9] =	wrdreg s11;
	s15 =	sshll.u32 s13, $0x2;
	s16 =	sshll.u32 s12, $0x9  }
0x10: {  	s17 =	sadd.s32 $0x50, s14;
	s20 =	sshll.u32 s19, $0x2;
	[dreg:$0x13] =	wrdreg s0  }
0x11: {  	s21 =	sadd.s32 $0x5E00, s9;
	s22 =	sshll.u32 s19, $0x9;
	[dreg:$0x5] =	wrdreg s14  }
0x12: {  	s0 =	simm.s32 $0x68;
	s10 =	sadd.s32 s5, s25;
	[dreg:$0xb] =	wrdreg s17  }
0x13: {  	s11 =	simm.s32 $0x70;
	s18 =	sadd.s32 s6, s16;
	[dreg:$0x6] =	wrdreg s10  }
0x14: {  	s9 =	simm.s32 $0x17400;
	s23 =	sadd.s32 s6, s21;
	[dreg:$0xc] =	wrdreg s18  }
0x15: {  	s12 =	simm.s32 $0x6;
	s25 =	sadd.s32 s8, s22;
	[dreg:$0xf] =	wrdreg s23  }
0x16: {  	s17 =	simm.s32 $0x15400;
	s2 =	sadd.s32 s3, s24;
	[dreg:$0x12] =	wrdreg s25  }
0x17: {  	s10 =	sadd.s32 s6, s26;
	s24 =	sadd.s32 s6, s22;
	[dreg:$0x7] =	wrdreg s2  }
0x18: {  	s26 =	sadd.s32 $0x780, s14;
	s23 =	simm.s32 $0x3;
	[dreg:$0x8] =	wrdreg s10  }
0x19: {  	s25 =	simm.s32 $0x16400;
	s18 =	simm.s32 $0x0;
	[dreg:$0x11] =	wrdreg s24  }
0x1a: {  	s2 =	sadd.s32 s5, s15;
	[dreg:$0x14] =	wrdreg s26;
	s15 =	simm.s32 $0x380  }
0x1b: {  	s24 =	simm.s32 $0x1;
	[dreg:$0xa] =	wrdreg s2;
	s2 =	sadd.s32 s8, s16  }
0x1c: {  	s26 =	simm.s32 $0x5;
	[dreg:$0xd] =	wrdreg s2;
	s2 =	sadd.s32 s5, s20  }
0x1d: {  	s10 =	simm.s32 $0x4;
	[dreg:$0xe] =	wrdreg s2;
	s2 =	sadd.s32 s8, s21  }
0x1e: {  	s16 =	simm.s32 $0x180;
	[dreg:$0x10] =	wrdreg s2;
	s2 =	simm.s32 $0x2  }
.LBB2_1:
0x1f: {  	[dreg:$0x15] =	wrdreg s18  }
0x20: {  	s14 =	rddreg [dreg:$0x4]  }
0x21: {  	[tilespmem:s28], [sflag:$0x7] =	stream.linear.gather [hbm4b:s14+s4], $0x20, $0x38;
	[tilespmem:$0x18400] =	vst v63  }
0x22: {  	_ =	swait.ge [sflag:s29], $0x20  }
0x23: {  	[sflag:s29] =	ssyncset.done $0x0  }
0x24: {  	s21 =	rddreg [dreg:$0x5];
	[sflag:s29] =	ssyncadd.s32 $0xFFFFFFE0  }
0x25: {  	[tilespmem:s4], [sflag:$0x7] =	stream.linear.gather [hbm4b:s21+s4], $0x140, $0x38;
	[tilespmem:$0x18400] =	vst v63  }
0x26: {  	_ =	swait.ge [sflag:s29], $0x140  }
0x27: {  	[sflag:s29] =	ssyncset.done $0x0  }
0x28: {  	[sflag:s29] =	ssyncadd.s32 $0xFFFFFEC0  }
0x29: {  	[tilespmem:s31], [sflag:$0x3] =	stream.indirect.gather [hbm4b:s1+s30], $0x80, s28, s30, $0xb8;
	[tilespmem:$0x18400] =	vst v63  }
0x2a: {  	s22 =	simm.s32 $0x400  }
0x2b: {  	[tilespmem:s22], [sflag:$0x1] =	stream.indirect.gather [hbm4b:s1+s0], $0x80, s4, s0, $0xb8;
	[tilespmem:$0x18400] =	vst v63  }
0x2c: {  	s18 =	simm.s32 $0x3800  }
0x2d: {  	[tilespmem:s18], [sflag:$0x1] =	stream.indirect.gather [hbm4b:s1+s0], $0x80, s0, s0, $0xb8;
	[tilespmem:$0x18400] =	vst v63  }
0x2e: {  	s19 =	simm.s32 $0xD0;
	s20 =	simm.s32 $0x6C00  }
0x2f: {  	[tilespmem:s20], [sflag:$0x1] =	stream.indirect.gather [hbm4b:s1+s11], $0x80, s19, s11, $0xb8;
	[tilespmem:$0x18400] =	vst v63  }
0x30: {  	s21 =	rddreg [dreg:$0x6]  }
0x31: {  	[tilespmem:s15], [sflag:$0x7] =	stream.linear.gather [hbm4b:s21+s4], $0x20, $0x38;
	[tilespmem:$0x18400] =	vst v63  }
0x32: {  	_ =	swait.ge [sflag:s29], $0x20  }
0x33: {  	[sflag:s29] =	ssyncset.done $0x0  }
0x34: {  	s22 =	rddreg [dreg:$0x7];
	[sflag:s29] =	ssyncadd.s32 $0xFFFFFFE0  }
0x35: {  	[tilespmem:s16], [sflag:$0x7] =	stream.linear.gather [hbm4b:s22+s4], $0x140, $0x38;
	[tilespmem:$0x18400] =	vst v63  }
0x36: {  	_ =	swait.ge [sflag:s29], $0x140  }
0x37: {  	[sflag:s29] =	ssyncset.done $0x0  }
0x38: {  	[sflag:s29] =	ssyncadd.s32 $0xFFFFFEC0  }
0x39: {  	[tilespmem:s17], [sflag:$0x4] =	stream.indirect.gather [hbm4b:s1+s30], $0x80, s15, s30, $0xb8;
	[tilespmem:$0x18400] =	vst v63  }
0x3a: {  	s18 =	simm.s32 $0xA400  }
0x3b: {  	[tilespmem:s18], [sflag:$0x2] =	stream.indirect.gather [hbm4b:s1+s0], $0x80, s16, s0, $0xb8;
	[tilespmem:$0x18400] =	vst v63  }
0x3c: {  	s19 =	simm.s32 $0x1E8;
	s20 =	simm.s32 $0xD800  }
0x3d: {  	[tilespmem:s20], [sflag:$0x2] =	stream.indirect.gather [hbm4b:s1+s0], $0x80, s19, s0, $0xb8;
	[tilespmem:$0x18400] =	vst v63  }
0x3e: {  	s21 =	simm.s32 $0x250;
	s22 =	simm.s32 $0x10C00  }
0x3f: {  	[tilespmem:s22], [sflag:$0x2] =	stream.indirect.gather [hbm4b:s1+s11], $0x80, s21, s11, $0xb8;
	[tilespmem:$0x18400] =	vst v63  }
0x40: {  	_ =	swait.ge [sflag:s23], $0x1000  }
0x41: {  	[sflag:s23] =	ssyncset.done $0x0  }
0x42: {  	[sflag:s23] =	ssyncadd.s32 $0xFFFFF000  }
0x43: {  	_ =	swait.ge [sflag:s24], $0x3400  }
0x44: {  	[sflag:s24] =	ssyncset.done $0x0  }
0x45: {  	[sflag:s24] =	ssyncadd.s32 $0xFFFFCC00  }
0x46: {  	_ =	swait.ge [sflag:s24], $0x3400  }
0x47: {  	[sflag:s24] =	ssyncset.done $0x0  }
0x48: {  	[sflag:s24] =	ssyncadd.s32 $0xFFFFCC00  }
0x49: {  	_ =	swait.ge [sflag:s24], $0x3800  }
0x4a: {  	[sflag:s24] =	ssyncset.done $0x0  }
0x4b: {  	s14 =	simm.s32 $0x0;
	[sflag:s24] =	ssyncadd.s32 $0xFFFFC800  }
0x4c: {  	v0 =	vld [tilespmem:s14+$0x470]  }
0x4d: {  	v1 =	vld [tilespmem:s14+$0x1470]  }
0x4e: {  	v2 =	vld [tilespmem:s14+$0x2470]  }
0x4f: {  	v3 =	vld [tilespmem:s14+$0x3470]  }
0x50: {  	v4 =	vld [tilespmem:s14+$0x4470]  }
0x51: {  	v5 =	vld [tilespmem:s14+$0x5470]  }
0x52: {  	v6 =	vld [tilespmem:s14+$0x6470]  }
0x53: {  	v7 =	vld [tilespmem:s14+$0x7470]  }
0x54: {  	v8 =	vld [tilespmem:s14+$0x400]  }
0x55: {  	v9 =	vld [tilespmem:s14+$0x1400]  }
0x56: {  	v10 =	vld [tilespmem:s14+$0x8470]  }
0x57: {  	v11 =	vld [tilespmem:s14+$0x9470]  }
0x58: {  	v49 =	vld [tilespmem:s14+$0x410]  }
0x59: {  	v50 =	vld [tilespmem:s14+$0x2410]  }
0x5a: {  	v12 =	vld [tilespmem:s14+$0x4410]  }
0x5b: {  	v13 =	vld [tilespmem:s14+$0x5410]  }
0x5c: {  	v14 =	vld [tilespmem:s14+$0x6410]  }
0x5d: {  	v15 =	vld [tilespmem:s14+$0x7410]  }
0x5e: {  	v16 =	vld [tilespmem:s14+$0x420]  }
0x5f: {  	v17 =	vld [tilespmem:s14+$0x1420]  }
0x60: {  	v18 =	vld [tilespmem:s14+$0x2420]  }
0x61: {  	v19 =	vld [tilespmem:s14+$0x3420]  }
0x62: {  	v20 =	vld [tilespmem:s14+$0x4420]  }
0x63: {  	v21 =	vld [tilespmem:s14+$0x5420]  }
0x64: {  	v22 =	vld [tilespmem:s14+$0x6420]  }
0x65: {  	v23 =	vld [tilespmem:s14+$0x7420]  }
0x66: {  	v24 =	vld [tilespmem:s14+$0x430]  }
0x67: {  	v25 =	vld [tilespmem:s14+$0x1430]  }
0x68: {  	v26 =	vld [tilespmem:s14+$0x2430]  }
0x69: {  	v27 =	vld [tilespmem:s14+$0x3430]  }
0x6a: {  	v28 =	vld [tilespmem:s14+$0x4430]  }
0x6b: {  	v29 =	vld [tilespmem:s14+$0x5430]  }
0x6c: {  	v30 =	vld [tilespmem:s14+$0x6430]  }
0x6d: {  	v31 =	vld [tilespmem:s14+$0x7430]  }
0x6e: {  	v32 =	vld [tilespmem:s14+$0x440]  }
0x6f: {  	v33 =	vld [tilespmem:s14+$0x1440]  }
0x70: {  	v34 =	vld [tilespmem:s14+$0x2440]  }
0x71: {  	v35 =	vld [tilespmem:s14+$0x3440]  }
0x72: {  	v36 =	vld [tilespmem:s14+$0x4440]  }
0x73: {  	v37 =	vld [tilespmem:s14+$0x5440]  }
0x74: {  	v38 =	vld [tilespmem:s14+$0x6440]  }
0x75: {  	v39 =	vld [tilespmem:s14+$0x7440]  }
0x76: {  	v40 =	vld [tilespmem:s14+$0x450]  }
0x77: {  	v41 =	vld [tilespmem:s14+$0x1450]  }
0x78: {  	v42 =	vld [tilespmem:s14+$0x2450]  }
0x79: {  	v43 =	vld [tilespmem:s14+$0x3450]  }
0x7a: {  	v44 =	vld [tilespmem:s14+$0x4450]  }
0x7b: {  	v45 =	vld [tilespmem:s14+$0x5450]  }
0x7c: {  	v46 =	vld [tilespmem:s14+$0x6450]  }
0x7d: {  	v57 =	vld [tilespmem:s14+$0x8400]  }
0x7e: {  	v58 =	vld [tilespmem:s14+$0x9400]  }
0x7f: {  	v61 =	vld [tilespmem:s14+$0x8410];
	v0 =	vadd.f32 v1, v0;
	v1 =	vadd.f32 v3, v2  }
0x80: {  	v48 =	vld [tilespmem:s14+$0x9430];
	v3 =	vadd.f32 v5, v4;
	v4 =	vadd.f32 v7, v6  }
0x81: {  	v2 =	vld [tilespmem:s14+$0x2400];
	v7 =	vadd.f32 v11, v10;
	v8 =	vadd.f32 v9, v8  }
0x82: {  	v5 =	vld [tilespmem:s14+$0x3400];
	v51 =	vadd.f32 v13, v12;
	v52 =	vadd.f32 v15, v14  }
0x83: {  	v6 =	vld [tilespmem:s14+$0x4400];
	v53 =	vadd.f32 v17, v16;
	v54 =	vadd.f32 v19, v18  }
0x84: {  	v55 =	vadd.f32 v21, v20;
	v62 =	vadd.f32 v25, v24;
	v24 =	vld [tilespmem:s14+$0x9410]  }
0x85: {  	v56 =	vadd.f32 v23, v22;
	v63 =	vadd.f32 v27, v26;
	v27 =	vld [tilespmem:s14+$0x8420]  }
0x86: {  	v25 =	vadd.f32 v29, v28;
	v26 =	vadd.f32 v31, v30;
	v28 =	vld [tilespmem:s14+$0x9420]  }
0x87: {  	v31 =	vld [tilespmem:s14+$0x8430];
	v33 =	vadd.f32 v33, v32;
	v9 =	vadd.f32 v58, v57  }
0x88: {  	v0 =	vadd.f32 v1, v0;
	v1 =	vadd.f32 v4, v3;
	v3 =	vld [tilespmem:s14+$0x5400]  }
0x89: {  	v57 =	vadd.f32 v43, v42;
	v58 =	vadd.f32 v45, v44;
	v4 =	vld [tilespmem:s14+$0x6400]  }
0x8a: {  	v59 =	vadd.f32 v54, v53;
	v60 =	vadd.f32 v56, v55;
	v54 =	vld [tilespmem:s14+$0x8450]  }
0x8b: {  	v29 =	vadd.f32 v63, v62;
	v0 =	vadd.f32 v1, v0;
	v1 =	vld [tilespmem:s14+$0x7400]  }
0x8c: {  	v30 =	vadd.f32 v26, v25;
	v53 =	vadd.f32 v39, v38;
	v56 =	vld [tilespmem:s14+$0x9450]  }
0x8d: {  	v2 =	vadd.f32 v5, v2;
	v5 =	vld [tilespmem:s14+$0x460];
	v0 =	vadd.f32 v7, v0  }
0x8e: {  	v55 =	vadd.f32 v41, v40;
	v12 =	vadd.f32 v30, v29;
	v7 =	vld [tilespmem:s14+$0x1410]  }
0x8f: {  	v13 =	vadd.f32 v24, v61;
	v10 =	vadd.f32 v28, v27;
	[tilespmem:s14+$0x16470] =	vst v0;
	v0 =	vld [tilespmem:s14+$0x3410]  }
0x90: {  	v3 =	vadd.f32 v3, v6;
	v1 =	vadd.f32 v1, v4;
	v4 =	vld [tilespmem:s14+$0x1460]  }
0x91: {  	v47 =	vld [tilespmem:s14+$0x7450];
	v16 =	vadd.f32 v48, v31;
	v2 =	vadd.f32 v2, v8  }
0x92: {  	v6 =	vld [tilespmem:s14+$0x2460];
	v62 =	vadd.f32 v56, v54;
	v1 =	vadd.f32 v1, v3  }
0x93: {  	v3 =	vld [tilespmem:s14+$0x3460];
	v7 =	vadd.f32 v7, v49;
	v49 =	vadd.f32 v35, v34  }
0x94: {  	v11 =	vld [tilespmem:s14+$0x6460];
	v1 =	vadd.f32 v1, v2;
	v0 =	vadd.f32 v0, v50  }
0x95: {  	v8 =	vld [tilespmem:s14+$0x4460];
	v15 =	vadd.f32 v49, v33;
	v4 =	vadd.f32 v4, v5  }
0x96: {  	v2 =	vld [tilespmem:s14+$0x5460];
	v0 =	vadd.f32 v0, v7;
	v7 =	vadd.f32 v52, v51  }
0x97: {  	v14 =	vld [tilespmem:s14+$0x7460];
	v1 =	vadd.f32 v9, v1;
	v52 =	vadd.f32 v37, v36  }
0x98: {  	v50 =	vld [tilespmem:s14+$0x8440];
	v3 =	vadd.f32 v3, v6;
	v6 =	vadd.f32 v16, v12  }
0x99: {  	v51 =	vld [tilespmem:s14+$0x9440];
	v0 =	vadd.f32 v7, v0;
	v7 =	vadd.f32 v60, v59  }
0x9a: {  	[tilespmem:s14+$0x16400] =	vst v1;
	v1 =	vadd.f32 v53, v52;
	v60 =	vadd.f32 v47, v46  }
0x9b: {  	v5 =	vadd.f32 v2, v8;
	v0 =	vadd.f32 v13, v0  }
0x9c: {  	v59 =	vld [tilespmem:s14+$0x8460];
	v15 =	vadd.f32 v1, v15;
	v1 =	vadd.f32 v10, v7  }
0x9d: {  	s19 =	simm.s32 $0x80;
	v8 =	vadd.f32 v14, v11;
	v13 =	vadd.f32 v57, v55;
	v7 =	vld [tilespmem:s14+$0x9460];
	[tilespmem:s14+$0x16410] =	vst v0  }
0x9e: {  	v10 =	vadd.f32 v60, v58;
	v9 =	vadd.f32 v51, v50;
	v0 =	vld [tilespmem:s19+$0x470];
	[tilespmem:s14+$0x16420] =	vst v1  }
0x9f: {  	v61 =	vadd.f32 v3, v4;
	v5 =	vadd.f32 v8, v5;
	v1 =	vld [tilespmem:s19+$0x1470]  }
0xa0: {  	v8 =	vadd.f32 v10, v13;
	v2 =	vld [tilespmem:s19+$0x2470];
	[tilespmem:s14+$0x16430] =	vst v6;
	v6 =	vadd.f32 v9, v15  }
0xa1: {  	v63 =	vadd.f32 v5, v61;
	v3 =	vld [tilespmem:s19+$0x3470]  }
0xa2: {  	v8 =	vadd.f32 v62, v8;
	v4 =	vld [tilespmem:s19+$0x4470];
	v7 =	vadd.f32 v7, v59;
	[tilespmem:s14+$0x16440] =	vst v6  }
0xa3: {  	v5 =	vld [tilespmem:s19+$0x5470]  }
0xa4: {  	s18 =	simm.s32 $0x400;
	v6 =	vld [tilespmem:s19+$0x6470];
	[tilespmem:s14+$0x16450] =	vst v8;
	v7 =	vadd.f32 v7, v63  }
.LBB2_2:
0xa5: {  	p0 =	sne.s32 s18, $0x3E00;
	v8 =	vld [tilespmem:s19+$0x7470]  }
0xa6: {  	v9 =	vld [tilespmem:s19+$0x400];
	[tilespmem:s14+$0x16460] =	vst v7;
	s14 =	smov.u32 s19  }
0xa7: {  	v7 =	vld [tilespmem:s14+$0x1400]  }
0xa8: {  	v10 =	vld [tilespmem:s14+$0x8470]  }
0xa9: {  	v0 =	vadd.f32 v1, v0;
	v1 =	vadd.f32 v3, v2;
	v11 =	vld [tilespmem:s14+$0x9470]  }
0xaa: {  	v3 =	vadd.f32 v5, v4;
	v2 =	vld [tilespmem:s14+$0x2400];
	v4 =	vadd.f32 v8, v6  }
0xab: {  	v5 =	vld [tilespmem:s14+$0x3400]  }
0xac: {  	v0 =	vadd.f32 v1, v0;
	v6 =	vld [tilespmem:s14+$0x4400];
	v1 =	vadd.f32 v4, v3  }
0xad: {  	v4 =	vadd.f32 v7, v9;
	v3 =	vld [tilespmem:s14+$0x5400]  }
0xae: {  	v7 =	vld [tilespmem:s14+$0x6400];
	v8 =	vadd.f32 v11, v10;
	v0 =	vadd.f32 v1, v0  }
0xaf: {  	v1 =	vld [tilespmem:s14+$0x7400]  }
0xb0: {  	v2 =	vadd.f32 v5, v2;
	v5 =	vld [tilespmem:s14+$0x410];
	v0 =	vadd.f32 v8, v0  }
0xb1: {  	v8 =	vld [tilespmem:s14+$0x1410]  }
0xb2: {  	v3 =	vadd.f32 v3, v6;
	v2 =	vadd.f32 v2, v4;
	v4 =	vld [tilespmem:s14+$0x2410];
	[tilespmem:s14+$0x16470] =	vst v0  }
0xb3: {  	v6 =	vld [tilespmem:s14+$0x3410]  }
0xb4: {  	v0 =	vadd.f32 v1, v7;
	v1 =	vld [tilespmem:s14+$0x4410]  }
0xb5: {  	v7 =	vld [tilespmem:s14+$0x5410]  }
0xb6: {  	v0 =	vadd.f32 v0, v3;
	v3 =	vld [tilespmem:s14+$0x6410];
	v5 =	vadd.f32 v8, v5  }
0xb7: {  	v8 =	vld [tilespmem:s14+$0x7410]  }
0xb8: {  	v0 =	vadd.f32 v0, v2;
	v2 =	vadd.f32 v6, v4;
	v4 =	vld [tilespmem:s14+$0x420]  }
0xb9: {  	v6 =	vld [tilespmem:s14+$0x1420]  }
0xba: {  	v1 =	vadd.f32 v7, v1;
	v2 =	vadd.f32 v2, v5;
	v5 =	vld [tilespmem:s14+$0x2420]  }
0xbb: {  	v7 =	vld [tilespmem:s14+$0x3420]  }
0xbc: {  	v3 =	vadd.f32 v8, v3;
	v8 =	vld [tilespmem:s14+$0x4420]  }
0xbd: {  	v9 =	vld [tilespmem:s14+$0x5420]  }
0xbe: {  	v1 =	vadd.f32 v3, v1;
	v3 =	vld [tilespmem:s14+$0x6420];
	v4 =	vadd.f32 v6, v4  }
0xbf: {  	v6 =	vld [tilespmem:s14+$0x7420]  }
0xc0: {  	v1 =	vadd.f32 v1, v2;
	v2 =	vadd.f32 v7, v5;
	v5 =	vld [tilespmem:s14+$0x430]  }
0xc1: {  	v7 =	vld [tilespmem:s14+$0x1430]  }
0xc2: {  	v8 =	vadd.f32 v9, v8;
	v2 =	vadd.f32 v2, v4;
	v4 =	vld [tilespmem:s14+$0x2430]  }
0xc3: {  	v9 =	vld [tilespmem:s14+$0x3430]  }
0xc4: {  	v3 =	vadd.f32 v6, v3;
	v6 =	vld [tilespmem:s14+$0x4430]  }
0xc5: {  	v10 =	vld [tilespmem:s14+$0x5430]  }
0xc6: {  	v3 =	vadd.f32 v3, v8;
	v8 =	vld [tilespmem:s14+$0x6430];
	v5 =	vadd.f32 v7, v5  }
0xc7: {  	v7 =	vld [tilespmem:s14+$0x7430]  }
0xc8: {  	v2 =	vadd.f32 v3, v2;
	v3 =	vadd.f32 v9, v4;
	v4 =	vld [tilespmem:s14+$0x440]  }
0xc9: {  	v9 =	vld [tilespmem:s14+$0x1440]  }
0xca: {  	v6 =	vadd.f32 v10, v6;
	v3 =	vadd.f32 v3, v5;
	v5 =	vld [tilespmem:s14+$0x2440]  }
0xcb: {  	v10 =	vld [tilespmem:s14+$0x3440]  }
0xcc: {  	v7 =	vadd.f32 v7, v8;
	v8 =	vld [tilespmem:s14+$0x4440]  }
0xcd: {  	v11 =	vld [tilespmem:s14+$0x5440]  }
0xce: {  	v6 =	vadd.f32 v7, v6;
	v7 =	vld [tilespmem:s14+$0x6440];
	v4 =	vadd.f32 v9, v4  }
0xcf: {  	v9 =	vld [tilespmem:s14+$0x7440]  }
0xd0: {  	v3 =	vadd.f32 v6, v3;
	v5 =	vadd.f32 v10, v5;
	v6 =	vld [tilespmem:s14+$0x450]  }
0xd1: {  	v10 =	vld [tilespmem:s14+$0x1450]  }
0xd2: {  	v8 =	vadd.f32 v11, v8;
	v4 =	vadd.f32 v5, v4;
	v5 =	vld [tilespmem:s14+$0x2450]  }
0xd3: {  	v11 =	vld [tilespmem:s14+$0x3450]  }
0xd4: {  	v7 =	vadd.f32 v9, v7;
	v9 =	vld [tilespmem:s14+$0x4450]  }
0xd5: {  	v12 =	vld [tilespmem:s14+$0x5450]  }
0xd6: {  	v7 =	vadd.f32 v7, v8;
	v8 =	vld [tilespmem:s14+$0x6450];
	v6 =	vadd.f32 v10, v6  }
0xd7: {  	v10 =	vld [tilespmem:s14+$0x7450]  }
0xd8: {  	v4 =	vadd.f32 v7, v4;
	v5 =	vadd.f32 v11, v5;
	v7 =	vld [tilespmem:s14+$0x460]  }
0xd9: {  	v11 =	vld [tilespmem:s14+$0x1460]  }
0xda: {  	v9 =	vadd.f32 v12, v9;
	v5 =	vadd.f32 v5, v6;
	v6 =	vld [tilespmem:s14+$0x2460]  }
0xdb: {  	v12 =	vld [tilespmem:s14+$0x3460]  }
0xdc: {  	v8 =	vadd.f32 v10, v8;
	v10 =	vld [tilespmem:s14+$0x4460]  }
0xdd: {  	v13 =	vld [tilespmem:s14+$0x5460]  }
0xde: {  	v8 =	vadd.f32 v8, v9;
	v9 =	vld [tilespmem:s14+$0x6460];
	v7 =	vadd.f32 v11, v7  }
0xdf: {  	v11 =	vld [tilespmem:s14+$0x7460]  }
0xe0: {  	v14 =	vld [tilespmem:s14+$0x8400];
	v5 =	vadd.f32 v8, v5;
	v6 =	vadd.f32 v12, v6  }
0xe1: {  	v8 =	vld [tilespmem:s14+$0x9400]  }
0xe2: {  	v12 =	vld [tilespmem:s14+$0x8410];
	v10 =	vadd.f32 v13, v10;
	v6 =	vadd.f32 v6, v7  }
0xe3: {  	v7 =	vld [tilespmem:s14+$0x9410]  }
0xe4: {  	v13 =	vld [tilespmem:s14+$0x8420];
	v9 =	vadd.f32 v11, v9  }
0xe5: {  	v11 =	vld [tilespmem:s14+$0x9420]  }
0xe6: {  	v8 =	vadd.f32 v8, v14;
	v14 =	vld [tilespmem:s14+$0x8430];
	v9 =	vadd.f32 v9, v10  }
0xe7: {  	v10 =	vld [tilespmem:s14+$0x9430]  }
0xe8: {  	v7 =	vadd.f32 v7, v12;
	v12 =	vld [tilespmem:s14+$0x8440];
	v9 =	vadd.f32 v9, v6  }
0xe9: {  	v0 =	vadd.f32 v8, v0;
	v6 =	vld [tilespmem:s14+$0x9440]  }
0xea: {  	v1 =	vadd.f32 v7, v1;
	v7 =	vadd.f32 v11, v13;
	v8 =	vld [tilespmem:s14+$0x8450]  }
0xeb: {  	[tilespmem:s14+$0x16400] =	vst v0;
	v11 =	vld [tilespmem:s14+$0x9450]  }
0xec: {  	[tilespmem:s14+$0x16410] =	vst v1;
	v1 =	vadd.f32 v7, v2;
	v2 =	vadd.f32 v10, v14;
	v7 =	vld [tilespmem:s14+$0x8460]  }
0xed: {  	s19 =	sshra.s32 s18, $0x2;
	v10 =	vld [tilespmem:s14+$0x9460]  }
0xee: {  	v0 =	vld [tilespmem:s19+$0x470];
	[tilespmem:s14+$0x16420] =	vst v1;
	v3 =	vadd.f32 v2, v3;
	v6 =	vadd.f32 v6, v12  }
0xef: {  	v1 =	vld [tilespmem:s19+$0x1470]  }
.Ltmp0:
0xf0: {  	v2 =	vld [tilespmem:s19+$0x2470];
	[tilespmem:s14+$0x16430] =	vst v3;
	v6 =	vadd.f32 v6, v4;
	v8 =	vadd.f32 v11, v8;
	(pc) =	sbr.rel @p0 .LBB2_2-.Ltmp0, $4  }
0xf1: {  	v3 =	vld [tilespmem:s19+$0x3470]  }
0xf2: {  	v4 =	vld [tilespmem:s19+$0x4470];
	[tilespmem:s14+$0x16440] =	vst v6;
	v8 =	vadd.f32 v8, v5;
	v7 =	vadd.f32 v10, v7  }
0xf3: {  	v5 =	vld [tilespmem:s19+$0x5470]  }
0xf4: {  	s18 =	sadd.s32 $0x200, s18;
	v6 =	vld [tilespmem:s19+$0x6470];
	[tilespmem:s14+$0x16450] =	vst v8;
	v7 =	vadd.f32 v7, v9  }
0xf5: {  	v8 =	vld [tilespmem:s19+$0x7470]  }
0xf6: {  	v9 =	vld [tilespmem:s19+$0x400];
	[tilespmem:s14+$0x16460] =	vst v7  }
0xf7: {  	v7 =	vld [tilespmem:s19+$0x1400]  }
0xf8: {  	v10 =	vld [tilespmem:s19+$0x8470]  }
0xf9: {  	v11 =	vld [tilespmem:s19+$0x9470]  }
0xfa: {  	v0 =	vadd.f32 v1, v0;
	v1 =	vadd.f32 v3, v2;
	v2 =	vld [tilespmem:s19+$0x2400]  }
0xfb: {  	v62 =	vld [tilespmem:s19+$0x410]  }
0xfc: {  	v63 =	vld [tilespmem:s19+$0x2410]  }
0xfd: {  	v12 =	vld [tilespmem:s19+$0x4410]  }
0xfe: {  	v13 =	vld [tilespmem:s19+$0x5410]  }
0xff: {  	v14 =	vld [tilespmem:s19+$0x6410]  }
0x100: {  	v15 =	vld [tilespmem:s19+$0x7410]  }
0x101: {  	v16 =	vld [tilespmem:s19+$0x420]  }
0x102: {  	v17 =	vld [tilespmem:s19+$0x1420]  }
0x103: {  	v18 =	vld [tilespmem:s19+$0x2420]  }
0x104: {  	v19 =	vld [tilespmem:s19+$0x3420]  }
0x105: {  	v20 =	vld [tilespmem:s19+$0x4420]  }
0x106: {  	v21 =	vld [tilespmem:s19+$0x5420]  }
0x107: {  	v22 =	vld [tilespmem:s19+$0x6420]  }
0x108: {  	v23 =	vld [tilespmem:s19+$0x7420]  }
0x109: {  	v24 =	vld [tilespmem:s19+$0x430]  }
0x10a: {  	v25 =	vld [tilespmem:s19+$0x1430]  }
0x10b: {  	v26 =	vld [tilespmem:s19+$0x2430]  }
0x10c: {  	v27 =	vld [tilespmem:s19+$0x3430]  }
0x10d: {  	v28 =	vld [tilespmem:s19+$0x4430]  }
0x10e: {  	v29 =	vld [tilespmem:s19+$0x5430]  }
0x10f: {  	v30 =	vld [tilespmem:s19+$0x6430]  }
0x110: {  	v31 =	vld [tilespmem:s19+$0x7430]  }
0x111: {  	v32 =	vld [tilespmem:s19+$0x440]  }
0x112: {  	v33 =	vld [tilespmem:s19+$0x1440]  }
0x113: {  	v34 =	vld [tilespmem:s19+$0x2440]  }
0x114: {  	v35 =	vld [tilespmem:s19+$0x3440]  }
0x115: {  	v36 =	vld [tilespmem:s19+$0x4440]  }
0x116: {  	v37 =	vld [tilespmem:s19+$0x5440]  }
0x117: {  	v38 =	vld [tilespmem:s19+$0x6440]  }
0x118: {  	v39 =	vld [tilespmem:s19+$0x7440]  }
0x119: {  	v40 =	vld [tilespmem:s19+$0x450]  }
0x11a: {  	v41 =	vld [tilespmem:s19+$0x1450]  }
0x11b: {  	v42 =	vld [tilespmem:s19+$0x2450]  }
0x11c: {  	v43 =	vld [tilespmem:s19+$0x3450]  }
0x11d: {  	v44 =	vld [tilespmem:s19+$0x4450]  }
0x11e: {  	v49 =	vld [tilespmem:s19+$0x4460]  }
0x11f: {  	v52 =	vld [tilespmem:s19+$0x5460]  }
0x120: {  	v53 =	vld [tilespmem:s19+$0x6460];
	v3 =	vadd.f32 v5, v4;
	v4 =	vadd.f32 v8, v6  }
0x121: {  	v56 =	vld [tilespmem:s19+$0x7460]  }
0x122: {  	v57 =	vld [tilespmem:s19+$0x8400];
	v0 =	vadd.f32 v1, v0;
	v1 =	vadd.f32 v4, v3  }
0x123: {  	v59 =	vld [tilespmem:s19+$0x9400];
	v8 =	vadd.f32 v11, v10;
	v7 =	vadd.f32 v7, v9  }
0x124: {  	v5 =	vld [tilespmem:s19+$0x3400];
	v45 =	vadd.f32 v13, v12;
	v46 =	vadd.f32 v15, v14  }
0x125: {  	v6 =	vld [tilespmem:s19+$0x4400];
	v47 =	vadd.f32 v17, v16;
	v48 =	vadd.f32 v19, v18  }
0x126: {  	v3 =	vld [tilespmem:s19+$0x5400];
	v50 =	vadd.f32 v21, v20;
	v51 =	vadd.f32 v23, v22  }
0x127: {  	v4 =	vld [tilespmem:s19+$0x6400];
	v58 =	vadd.f32 v27, v26;
	v60 =	vadd.f32 v29, v28  }
0x128: {  	v11 =	vld [tilespmem:s19+$0x3460];
	v61 =	vadd.f32 v31, v30;
	v28 =	vadd.f32 v35, v34  }
0x129: {  	v30 =	vadd.f32 v37, v36;
	v0 =	vadd.f32 v1, v0;
	v1 =	vld [tilespmem:s19+$0x7400]  }
0x12a: {  	v29 =	vld [tilespmem:s19+$0x9410];
	v31 =	vadd.f32 v39, v38;
	v38 =	vadd.f32 v59, v57  }
0x12b: {  	v2 =	vadd.f32 v5, v2;
	v5 =	vld [tilespmem:s19+$0x5450];
	v0 =	vadd.f32 v8, v0  }
0x12c: {  	v41 =	vadd.f32 v41, v40;
	v54 =	vadd.f32 v48, v47;
	v8 =	vld [tilespmem:s19+$0x1410]  }
0x12d: {  	v55 =	vadd.f32 v51, v50;
	v36 =	vadd.f32 v31, v30;
	[tilespmem:s19+$0x16470] =	vst v0;
	v0 =	vld [tilespmem:s19+$0x3410]  }
0x12e: {  	v3 =	vadd.f32 v3, v6;
	v6 =	vld [tilespmem:s19+$0x7450];
	v1 =	vadd.f32 v1, v4  }
0x12f: {  	v47 =	vadd.f32 v43, v42;
	v2 =	vadd.f32 v2, v7;
	v4 =	vld [tilespmem:s19+$0x6450]  }
0x130: {  	v34 =	vld [tilespmem:s19+$0x9420];
	v10 =	vadd.f32 v55, v54;
	v1 =	vadd.f32 v1, v3  }
0x131: {  	v37 =	vld [tilespmem:s19+$0x8430];
	v5 =	vadd.f32 v5, v44;
	v7 =	vadd.f32 v8, v62  }
0x132: {  	v62 =	vld [tilespmem:s19+$0x8410];
	v1 =	vadd.f32 v1, v2;
	v0 =	vadd.f32 v0, v63  }
0x133: {  	v3 =	vld [tilespmem:s19+$0x460];
	v63 =	vadd.f32 v33, v32;
	v33 =	vadd.f32 v61, v60  }
0x134: {  	v8 =	vld [tilespmem:s19+$0x1460];
	v4 =	vadd.f32 v6, v4;
	v6 =	vadd.f32 v52, v49  }
0x135: {  	v2 =	vld [tilespmem:s19+$0x2460];
	v0 =	vadd.f32 v0, v7;
	v7 =	vadd.f32 v46, v45  }
0x136: {  	v39 =	vld [tilespmem:s19+$0x9430];
	v35 =	vadd.f32 v28, v63;
	v1 =	vadd.f32 v38, v1  }
0x137: {  	v48 =	vld [tilespmem:s19+$0x8450];
	v20 =	vadd.f32 v29, v62;
	v4 =	vadd.f32 v4, v5  }
0x138: {  	v32 =	vld [tilespmem:s19+$0x8420];
	v0 =	vadd.f32 v7, v0;
	v7 =	vadd.f32 v25, v24  }
0x139: {  	v45 =	vld [tilespmem:s19+$0x8440];
	v19 =	vadd.f32 v36, v35;
	[tilespmem:s19+$0x16400] =	vst v1;
	v1 =	vadd.f32 v8, v3  }
0x13a: {  	v46 =	vld [tilespmem:s19+$0x9440];
	v8 =	vadd.f32 v56, v53;
	v2 =	vadd.f32 v11, v2  }
0x13b: {  	v3 =	vld [tilespmem:s19+$0x9450];
	v7 =	vadd.f32 v58, v7;
	v0 =	vadd.f32 v20, v0  }
0x13c: {  	v5 =	vld [tilespmem:s19+$0x8460];
	v1 =	vadd.f32 v2, v1;
	v2 =	vadd.f32 v8, v6  }
0x13d: {  	v6 =	vld [tilespmem:s19+$0x9460];
	v7 =	vadd.f32 v33, v7;
	[tilespmem:s19+$0x16410] =	vst v0;
	v0 =	vadd.f32 v47, v41  }
0x13e: {  	v1 =	vadd.f32 v2, v1;
	v2 =	vadd.f32 v39, v37  }
0x13f: {  	v0 =	vadd.f32 v4, v0;
	v4 =	vadd.f32 v34, v32  }
0x140: {  	v3 =	vadd.f32 v3, v48;
	v2 =	vadd.f32 v2, v7  }
0x141: {  	v8 =	vadd.f32 v46, v45;
	v4 =	vadd.f32 v4, v10  }
0x142: {  	v5 =	vadd.f32 v6, v5;
	v0 =	vadd.f32 v3, v0;
	[tilespmem:s19+$0x16430] =	vst v2  }
0x143: {  	[tilespmem:s19+$0x16420] =	vst v4;
	v4 =	vadd.f32 v8, v19  }
0x144: {  	v1 =	vadd.f32 v5, v1;
	[tilespmem:s19+$0x16450] =	vst v0  }
0x145: {  	[tilespmem:s19+$0x16440] =	vst v4  }
0x146: {  	s18 =	rddreg [dreg:$0x8];
	s14 =	simm.s32 $0x0;
	[tilespmem:s19+$0x16460] =	vst v1  }
0x147: {  	[hbm4b:s18+s14] =	stream.linear.scatter [tilespmem:s31], [sflag:$0x5], $0x1000, $0x38;
	[tilespmem:$0x18400] =	vst v63  }
0x148: {  	s20 =	rddreg [dreg:$0x9]  }
0x149: {  	[hbm4b:s20+s14] =	stream.linear.scatter [tilespmem:s25], [sflag:$0x5], $0x1000, $0x38;
	[tilespmem:$0x18400] =	vst v63  }
0x14a: {  	_ =	swait.ge [sflag:s26], $0x1000  }
0x14b: {  	[sflag:s26] =	ssyncset.done $0x0  }
0x14c: {  	[sflag:s26] =	ssyncadd.s32 $0xFFFFF000  }
0x14d: {  	_ =	swait.ge [sflag:s26], $0x1000  }
0x14e: {  	[sflag:s26] =	ssyncset.done $0x0  }
0x14f: {  	s21 =	rddreg [dreg:$0xa];
	[sflag:s26] =	ssyncadd.s32 $0xFFFFF000  }
0x150: {  	[tilespmem:s28], [sflag:$0x7] =	stream.linear.gather [hbm4b:s21+s14], $0x20, $0x38;
	[tilespmem:$0x18400] =	vst v63  }
0x151: {  	_ =	swait.ge [sflag:s29], $0x20  }
0x152: {  	[sflag:s29] =	ssyncset.done $0x0  }
0x153: {  	s22 =	rddreg [dreg:$0xb];
	[sflag:s29] =	ssyncadd.s32 $0xFFFFFFE0  }
0x154: {  	[tilespmem:s14], [sflag:$0x7] =	stream.linear.gather [hbm4b:s22+s14], $0x140, $0x38;
	[tilespmem:$0x18400] =	vst v63  }
0x155: {  	_ =	swait.ge [sflag:s29], $0x140  }
0x156: {  	[sflag:s29] =	ssyncset.done $0x0  }
0x157: {  	[sflag:s29] =	ssyncadd.s32 $0xFFFFFEC0  }
0x158: {  	[tilespmem:s31], [sflag:$0x3] =	stream.indirect.gather [hbm4b:s1+s30], $0x80, s28, s30, $0xb8;
	[tilespmem:$0x18400] =	vst v63  }
0x159: {  	s19 =	simm.s32 $0x400  }
0x15a: {  	[tilespmem:s19], [sflag:$0x1] =	stream.indirect.gather [hbm4b:s1+s0], $0x80, s14, s0, $0xb8;
	[tilespmem:$0x18400] =	vst v63  }
0x15b: {  	s20 =	simm.s32 $0x3800  }
0x15c: {  	[tilespmem:s20], [sflag:$0x1] =	stream.indirect.gather [hbm4b:s1+s0], $0x80, s0, s0, $0xb8;
	[tilespmem:$0x18400] =	vst v63  }
0x15d: {  	s21 =	simm.s32 $0xD0;
	s22 =	simm.s32 $0x6C00  }
0x15e: {  	[tilespmem:s22], [sflag:$0x1] =	stream.indirect.gather [hbm4b:s1+s11], $0x80, s21, s11, $0xb8;
	[tilespmem:$0x18400] =	vst v63  }
0x15f: {  	_ =	swait.ge [sflag:s10], $0x1000  }
0x160: {  	[sflag:s10] =	ssyncset.done $0x0  }
0x161: {  	[sflag:s10] =	ssyncadd.s32 $0xFFFFF000  }
0x162: {  	_ =	swait.ge [sflag:s2], $0x3400  }
0x163: {  	[sflag:s2] =	ssyncset.done $0x0  }
0x164: {  	[sflag:s2] =	ssyncadd.s32 $0xFFFFCC00  }
0x165: {  	_ =	swait.ge [sflag:s2], $0x3400  }
0x166: {  	[sflag:s2] =	ssyncset.done $0x0  }
0x167: {  	[sflag:s2] =	ssyncadd.s32 $0xFFFFCC00  }
0x168: {  	_ =	swait.ge [sflag:s2], $0x3800  }
0x169: {  	[sflag:s2] =	ssyncset.done $0x0  }
0x16a: {  	s14 =	simm.s32 $0x0;
	[sflag:s2] =	ssyncadd.s32 $0xFFFFC800  }
0x16b: {  	v0 =	vld [tilespmem:s14+$0xA470]  }
0x16c: {  	v1 =	vld [tilespmem:s14+$0xB470]  }
0x16d: {  	v2 =	vld [tilespmem:s14+$0xC470]  }
0x16e: {  	v3 =	vld [tilespmem:s14+$0xD470]  }
0x16f: {  	v4 =	vld [tilespmem:s14+$0xE470]  }
0x170: {  	v5 =	vld [tilespmem:s14+$0xF470]  }
0x171: {  	v6 =	vld [tilespmem:s14+$0x10470]  }
0x172: {  	v7 =	vld [tilespmem:s14+$0x11470]  }
0x173: {  	v8 =	vld [tilespmem:s14+$0xA400]  }
0x174: {  	v9 =	vld [tilespmem:s14+$0xB400]  }
0x175: {  	v49 =	vld [tilespmem:s14+$0x12470]  }
0x176: {  	v50 =	vld [tilespmem:s14+$0x13470]  }
0x177: {  	v10 =	vld [tilespmem:s14+$0xA410]  }
0x178: {  	v11 =	vld [tilespmem:s14+$0xC410]  }
0x179: {  	v12 =	vld [tilespmem:s14+$0xE410]  }
0x17a: {  	v51 =	vld [tilespmem:s14+$0xF410]  }
0x17b: {  	v52 =	vld [tilespmem:s14+$0x10410]  }
0x17c: {  	v53 =	vld [tilespmem:s14+$0x11410]  }
0x17d: {  	v54 =	vld [tilespmem:s14+$0xA420]  }
0x17e: {  	v55 =	vld [tilespmem:s14+$0xB420]  }
0x17f: {  	v56 =	vld [tilespmem:s14+$0xC420]  }
0x180: {  	v57 =	vld [tilespmem:s14+$0xD420]  }
0x181: {  	v58 =	vld [tilespmem:s14+$0xE420]  }
0x182: {  	v59 =	vld [tilespmem:s14+$0xF420]  }
0x183: {  	v60 =	vld [tilespmem:s14+$0x10420]  }
0x184: {  	v61 =	vld [tilespmem:s14+$0x11420]  }
0x185: {  	v24 =	vld [tilespmem:s14+$0xA430]  }
0x186: {  	v62 =	vld [tilespmem:s14+$0xB430]  }
0x187: {  	v26 =	vld [tilespmem:s14+$0xC430]  }
0x188: {  	v63 =	vld [tilespmem:s14+$0xD430]  }
0x189: {  	v28 =	vld [tilespmem:s14+$0xE430]  }
0x18a: {  	v29 =	vld [tilespmem:s14+$0xF430]  }
0x18b: {  	v30 =	vld [tilespmem:s14+$0x10430]  }
0x18c: {  	v31 =	vld [tilespmem:s14+$0x11430]  }
0x18d: {  	v32 =	vld [tilespmem:s14+$0xA440]  }
0x18e: {  	v48 =	vld [tilespmem:s14+$0xB440]  }
0x18f: {  	v36 =	vld [tilespmem:s14+$0xE440]  }
0x190: {  	v37 =	vld [tilespmem:s14+$0xF440]  }
0x191: {  	v38 =	vld [tilespmem:s14+$0x10440]  }
0x192: {  	v39 =	vld [tilespmem:s14+$0x11440]  }
0x193: {  	v40 =	vld [tilespmem:s14+$0xA450]  }
0x194: {  	v41 =	vld [tilespmem:s14+$0xB450]  }
0x195: {  	v42 =	vld [tilespmem:s14+$0xC450]  }
0x196: {  	v43 =	vld [tilespmem:s14+$0xD450]  }
0x197: {  	v44 =	vld [tilespmem:s14+$0xE450]  }
0x198: {  	v45 =	vld [tilespmem:s14+$0xF450]  }
0x199: {  	v46 =	vld [tilespmem:s14+$0x10450]  }
0x19a: {  	v27 =	vld [tilespmem:s14+$0x12420]  }
0x19b: {  	v0 =	vadd.f32 v1, v0;
	v1 =	vadd.f32 v3, v2;
	v2 =	vld [tilespmem:s14+$0xC400]  }
0x19c: {  	v3 =	vadd.f32 v5, v4;
	v5 =	vld [tilespmem:s14+$0xD400]  }
0x19d: {  	v4 =	vadd.f32 v7, v6;
	v6 =	vld [tilespmem:s14+$0xE400]  }
0x19e: {  	v7 =	vadd.f32 v50, v49;
	v49 =	vld [tilespmem:s14+$0xC440]  }
0x19f: {  	v50 =	vld [tilespmem:s14+$0xD440];
	v52 =	vadd.f32 v53, v52  }
0x1a0: {  	v53 =	vadd.f32 v55, v54;
	v54 =	vadd.f32 v57, v56;
	v57 =	vld [tilespmem:s14+$0x12400]  }
0x1a1: {  	v55 =	vadd.f32 v59, v58;
	v58 =	vld [tilespmem:s14+$0x13400]  }
0x1a2: {  	v56 =	vadd.f32 v61, v60;
	v61 =	vld [tilespmem:s14+$0x12410]  }
0x1a3: {  	v8 =	vadd.f32 v9, v8;
	v62 =	vadd.f32 v62, v24;
	v24 =	vld [tilespmem:s14+$0x13410]  }
0x1a4: {  	v51 =	vadd.f32 v51, v12;
	v25 =	vadd.f32 v29, v28;
	v28 =	vld [tilespmem:s14+$0x13420]  }
0x1a5: {  	v63 =	vadd.f32 v63, v26;
	v26 =	vadd.f32 v31, v30;
	v31 =	vld [tilespmem:s14+$0x12430]  }
0x1a6: {  	v33 =	vadd.f32 v48, v32;
	v48 =	vld [tilespmem:s14+$0x13430];
	v0 =	vadd.f32 v1, v0  }
0x1a7: {  	v1 =	vadd.f32 v4, v3;
	v3 =	vld [tilespmem:s14+$0xF400];
	v59 =	vadd.f32 v54, v53  }
0x1a8: {  	v4 =	vld [tilespmem:s14+$0x10400];
	v60 =	vadd.f32 v56, v55;
	v29 =	vadd.f32 v63, v62  }
0x1a9: {  	v30 =	vadd.f32 v26, v25;
	v53 =	vadd.f32 v39, v38;
	v54 =	vld [tilespmem:s14+$0x12450]  }
0x1aa: {  	v55 =	vadd.f32 v41, v40;
	v0 =	vadd.f32 v1, v0;
	v1 =	vld [tilespmem:s14+$0x11400]  }
0x1ab: {  	v56 =	vld [tilespmem:s14+$0x13450];
	v12 =	vadd.f32 v30, v29;
	v2 =	vadd.f32 v5, v2  }
0x1ac: {  	v5 =	vld [tilespmem:s14+$0xA460];
	v9 =	vadd.f32 v58, v57;
	v0 =	vadd.f32 v7, v0  }
0x1ad: {  	v49 =	vadd.f32 v50, v49;
	v13 =	vadd.f32 v24, v61;
	v7 =	vld [tilespmem:s14+$0xB410]  }
0x1ae: {  	v57 =	vadd.f32 v43, v42;
	v58 =	vadd.f32 v45, v44;
	[tilespmem:s14+$0x17470] =	vst v0;
	v0 =	vld [tilespmem:s14+$0xD410]  }
0x1af: {  	v16 =	vadd.f32 v48, v31;
	v1 =	vadd.f32 v1, v4;
	v4 =	vld [tilespmem:s14+$0xB460]  }
0x1b0: {  	v47 =	vld [tilespmem:s14+$0x11450];
	v3 =	vadd.f32 v3, v6;
	v2 =	vadd.f32 v2, v8  }
0x1b1: {  	v6 =	vld [tilespmem:s14+$0xC460];
	v15 =	vadd.f32 v49, v33;
	v62 =	vadd.f32 v56, v54  }
0x1b2: {  	v1 =	vadd.f32 v1, v3;
	v3 =	vld [tilespmem:s14+$0xD460];
	v7 =	vadd.f32 v7, v10  }
0x1b3: {  	v14 =	vld [tilespmem:s14+$0x11460];
	v10 =	vadd.f32 v28, v27;
	v0 =	vadd.f32 v0, v11  }
0x1b4: {  	v8 =	vld [tilespmem:s14+$0xE460];
	v1 =	vadd.f32 v1, v2;
	v4 =	vadd.f32 v4, v5  }
0x1b5: {  	v2 =	vld [tilespmem:s14+$0xF460];
	v0 =	vadd.f32 v0, v7;
	v7 =	vadd.f32 v52, v51  }
0x1b6: {  	v50 =	vld [tilespmem:s14+$0x12440];
	v1 =	vadd.f32 v9, v1;
	v52 =	vadd.f32 v37, v36  }
0x1b7: {  	v11 =	vld [tilespmem:s14+$0x10460];
	v3 =	vadd.f32 v3, v6;
	v6 =	vadd.f32 v16, v12  }
0x1b8: {  	v51 =	vld [tilespmem:s14+$0x13440];
	v0 =	vadd.f32 v7, v0;
	v7 =	vadd.f32 v60, v59  }
0x1b9: {  	[tilespmem:s14+$0x17400] =	vst v1;
	v1 =	vadd.f32 v53, v52;
	v60 =	vadd.f32 v47, v46  }
0x1ba: {  	v5 =	vadd.f32 v2, v8;
	v0 =	vadd.f32 v13, v0  }
0x1bb: {  	v59 =	vld [tilespmem:s14+$0x12460];
	v15 =	vadd.f32 v1, v15;
	v1 =	vadd.f32 v10, v7  }
0x1bc: {  	s19 =	simm.s32 $0x80;
	v8 =	vadd.f32 v14, v11;
	v13 =	vadd.f32 v57, v55;
	v7 =	vld [tilespmem:s14+$0x13460];
	[tilespmem:s14+$0x17410] =	vst v0  }
0x1bd: {  	v10 =	vadd.f32 v60, v58;
	v9 =	vadd.f32 v51, v50;
	v0 =	vld [tilespmem:s19+$0xA470];
	[tilespmem:s14+$0x17420] =	vst v1  }
0x1be: {  	v61 =	vadd.f32 v3, v4;
	v5 =	vadd.f32 v8, v5;
	v1 =	vld [tilespmem:s19+$0xB470]  }
0x1bf: {  	v8 =	vadd.f32 v10, v13;
	v2 =	vld [tilespmem:s19+$0xC470];
	[tilespmem:s14+$0x17430] =	vst v6;
	v6 =	vadd.f32 v9, v15  }
0x1c0: {  	v63 =	vadd.f32 v5, v61;
	v3 =	vld [tilespmem:s19+$0xD470]  }
0x1c1: {  	v8 =	vadd.f32 v62, v8;
	v4 =	vld [tilespmem:s19+$0xE470];
	v7 =	vadd.f32 v7, v59;
	[tilespmem:s14+$0x17440] =	vst v6  }
0x1c2: {  	v5 =	vld [tilespmem:s19+$0xF470]  }
0x1c3: {  	s18 =	simm.s32 $0x400;
	v6 =	vld [tilespmem:s19+$0x10470];
	[tilespmem:s14+$0x17450] =	vst v8;
	v7 =	vadd.f32 v7, v63  }
.LBB2_4:
0x1c4: {  	p0 =	sne.s32 s18, $0x3E00;
	v8 =	vld [tilespmem:s19+$0x11470]  }
0x1c5: {  	v9 =	vld [tilespmem:s19+$0xA400];
	[tilespmem:s14+$0x17460] =	vst v7;
	s14 =	smov.u32 s19  }
0x1c6: {  	v7 =	vld [tilespmem:s14+$0xB400]  }
0x1c7: {  	v10 =	vld [tilespmem:s14+$0x12470]  }
0x1c8: {  	v0 =	vadd.f32 v1, v0;
	v1 =	vadd.f32 v3, v2;
	v11 =	vld [tilespmem:s14+$0x13470]  }
0x1c9: {  	v3 =	vadd.f32 v5, v4;
	v2 =	vld [tilespmem:s14+$0xC400];
	v4 =	vadd.f32 v8, v6  }
0x1ca: {  	v5 =	vld [tilespmem:s14+$0xD400]  }
0x1cb: {  	v0 =	vadd.f32 v1, v0;
	v6 =	vld [tilespmem:s14+$0xE400];
	v1 =	vadd.f32 v4, v3  }
0x1cc: {  	v4 =	vadd.f32 v7, v9;
	v3 =	vld [tilespmem:s14+$0xF400]  }
0x1cd: {  	v7 =	vld [tilespmem:s14+$0x10400];
	v8 =	vadd.f32 v11, v10;
	v0 =	vadd.f32 v1, v0  }
0x1ce: {  	v1 =	vld [tilespmem:s14+$0x11400]  }
0x1cf: {  	v2 =	vadd.f32 v5, v2;
	v5 =	vld [tilespmem:s14+$0xA410];
	v0 =	vadd.f32 v8, v0  }
0x1d0: {  	v8 =	vld [tilespmem:s14+$0xB410]  }
0x1d1: {  	v3 =	vadd.f32 v3, v6;
	v2 =	vadd.f32 v2, v4;
	v4 =	vld [tilespmem:s14+$0xC410];
	[tilespmem:s14+$0x17470] =	vst v0  }
0x1d2: {  	v6 =	vld [tilespmem:s14+$0xD410]  }
0x1d3: {  	v0 =	vadd.f32 v1, v7;
	v1 =	vld [tilespmem:s14+$0xE410]  }
0x1d4: {  	v7 =	vld [tilespmem:s14+$0xF410]  }
0x1d5: {  	v0 =	vadd.f32 v0, v3;
	v3 =	vld [tilespmem:s14+$0x10410];
	v5 =	vadd.f32 v8, v5  }
0x1d6: {  	v8 =	vld [tilespmem:s14+$0x11410]  }
0x1d7: {  	v0 =	vadd.f32 v0, v2;
	v2 =	vadd.f32 v6, v4;
	v4 =	vld [tilespmem:s14+$0xA420]  }
0x1d8: {  	v6 =	vld [tilespmem:s14+$0xB420]  }
0x1d9: {  	v1 =	vadd.f32 v7, v1;
	v2 =	vadd.f32 v2, v5;
	v5 =	vld [tilespmem:s14+$0xC420]  }
0x1da: {  	v7 =	vld [tilespmem:s14+$0xD420]  }
0x1db: {  	v3 =	vadd.f32 v8, v3;
	v8 =	vld [tilespmem:s14+$0xE420]  }
0x1dc: {  	v9 =	vld [tilespmem:s14+$0xF420]  }
0x1dd: {  	v1 =	vadd.f32 v3, v1;
	v3 =	vld [tilespmem:s14+$0x10420];
	v4 =	vadd.f32 v6, v4  }
0x1de: {  	v6 =	vld [tilespmem:s14+$0x11420]  }
0x1df: {  	v1 =	vadd.f32 v1, v2;
	v2 =	vadd.f32 v7, v5;
	v5 =	vld [tilespmem:s14+$0xA430]  }
0x1e0: {  	v7 =	vld [tilespmem:s14+$0xB430]  }
0x1e1: {  	v8 =	vadd.f32 v9, v8;
	v2 =	vadd.f32 v2, v4;
	v4 =	vld [tilespmem:s14+$0xC430]  }
0x1e2: {  	v9 =	vld [tilespmem:s14+$0xD430]  }
0x1e3: {  	v3 =	vadd.f32 v6, v3;
	v6 =	vld [tilespmem:s14+$0xE430]  }
0x1e4: {  	v10 =	vld [tilespmem:s14+$0xF430]  }
0x1e5: {  	v3 =	vadd.f32 v3, v8;
	v8 =	vld [tilespmem:s14+$0x10430];
	v5 =	vadd.f32 v7, v5  }
0x1e6: {  	v7 =	vld [tilespmem:s14+$0x11430]  }
0x1e7: {  	v2 =	vadd.f32 v3, v2;
	v3 =	vadd.f32 v9, v4;
	v4 =	vld [tilespmem:s14+$0xA440]  }
0x1e8: {  	v9 =	vld [tilespmem:s14+$0xB440]  }
0x1e9: {  	v6 =	vadd.f32 v10, v6;
	v3 =	vadd.f32 v3, v5;
	v5 =	vld [tilespmem:s14+$0xC440]  }
0x1ea: {  	v10 =	vld [tilespmem:s14+$0xD440]  }
0x1eb: {  	v7 =	vadd.f32 v7, v8;
	v8 =	vld [tilespmem:s14+$0xE440]  }
0x1ec: {  	v11 =	vld [tilespmem:s14+$0xF440]  }
0x1ed: {  	v6 =	vadd.f32 v7, v6;
	v7 =	vld [tilespmem:s14+$0x10440];
	v4 =	vadd.f32 v9, v4  }
0x1ee: {  	v9 =	vld [tilespmem:s14+$0x11440]  }
0x1ef: {  	v3 =	vadd.f32 v6, v3;
	v5 =	vadd.f32 v10, v5;
	v6 =	vld [tilespmem:s14+$0xA450]  }
0x1f0: {  	v10 =	vld [tilespmem:s14+$0xB450]  }
0x1f1: {  	v8 =	vadd.f32 v11, v8;
	v4 =	vadd.f32 v5, v4;
	v5 =	vld [tilespmem:s14+$0xC450]  }
0x1f2: {  	v11 =	vld [tilespmem:s14+$0xD450]  }
0x1f3: {  	v7 =	vadd.f32 v9, v7;
	v9 =	vld [tilespmem:s14+$0xE450]  }
0x1f4: {  	v12 =	vld [tilespmem:s14+$0xF450]  }
0x1f5: {  	v7 =	vadd.f32 v7, v8;
	v8 =	vld [tilespmem:s14+$0x10450];
	v6 =	vadd.f32 v10, v6  }
0x1f6: {  	v10 =	vld [tilespmem:s14+$0x11450]  }
0x1f7: {  	v4 =	vadd.f32 v7, v4;
	v5 =	vadd.f32 v11, v5;
	v7 =	vld [tilespmem:s14+$0xA460]  }
0x1f8: {  	v11 =	vld [tilespmem:s14+$0xB460]  }
0x1f9: {  	v9 =	vadd.f32 v12, v9;
	v5 =	vadd.f32 v5, v6;
	v6 =	vld [tilespmem:s14+$0xC460]  }
0x1fa: {  	v12 =	vld [tilespmem:s14+$0xD460]  }
0x1fb: {  	v8 =	vadd.f32 v10, v8;
	v10 =	vld [tilespmem:s14+$0xE460]  }
0x1fc: {  	v13 =	vld [tilespmem:s14+$0xF460]  }
0x1fd: {  	v8 =	vadd.f32 v8, v9;
	v9 =	vld [tilespmem:s14+$0x10460];
	v7 =	vadd.f32 v11, v7  }
0x1fe: {  	v11 =	vld [tilespmem:s14+$0x11460]  }
0x1ff: {  	v14 =	vld [tilespmem:s14+$0x12400];
	v5 =	vadd.f32 v8, v5;
	v6 =	vadd.f32 v12, v6  }
0x200: {  	v8 =	vld [tilespmem:s14+$0x13400]  }
0x201: {  	v12 =	vld [tilespmem:s14+$0x12410];
	v10 =	vadd.f32 v13, v10;
	v6 =	vadd.f32 v6, v7  }
0x202: {  	v7 =	vld [tilespmem:s14+$0x13410]  }
0x203: {  	v13 =	vld [tilespmem:s14+$0x12420];
	v9 =	vadd.f32 v11, v9  }
0x204: {  	v11 =	vld [tilespmem:s14+$0x13420]  }
0x205: {  	v8 =	vadd.f32 v8, v14;
	v14 =	vld [tilespmem:s14+$0x12430];
	v9 =	vadd.f32 v9, v10  }
0x206: {  	v10 =	vld [tilespmem:s14+$0x13430]  }
0x207: {  	v7 =	vadd.f32 v7, v12;
	v12 =	vld [tilespmem:s14+$0x12440];
	v9 =	vadd.f32 v9, v6  }
0x208: {  	v0 =	vadd.f32 v8, v0;
	v6 =	vld [tilespmem:s14+$0x13440]  }
0x209: {  	v1 =	vadd.f32 v7, v1;
	v7 =	vadd.f32 v11, v13;
	v8 =	vld [tilespmem:s14+$0x12450]  }
0x20a: {  	[tilespmem:s14+$0x17400] =	vst v0;
	v11 =	vld [tilespmem:s14+$0x13450]  }
0x20b: {  	[tilespmem:s14+$0x17410] =	vst v1;
	v1 =	vadd.f32 v7, v2;
	v2 =	vadd.f32 v10, v14;
	v7 =	vld [tilespmem:s14+$0x12460]  }
0x20c: {  	s19 =	sshra.s32 s18, $0x2;
	v10 =	vld [tilespmem:s14+$0x13460]  }
0x20d: {  	v0 =	vld [tilespmem:s19+$0xA470];
	[tilespmem:s14+$0x17420] =	vst v1;
	v3 =	vadd.f32 v2, v3;
	v6 =	vadd.f32 v6, v12  }
0x20e: {  	v1 =	vld [tilespmem:s19+$0xB470]  }
.Ltmp1:
0x20f: {  	v2 =	vld [tilespmem:s19+$0xC470];
	[tilespmem:s14+$0x17430] =	vst v3;
	v6 =	vadd.f32 v6, v4;
	v8 =	vadd.f32 v11, v8;
	(pc) =	sbr.rel @p0 .LBB2_4-.Ltmp1, $4  }
0x210: {  	v3 =	vld [tilespmem:s19+$0xD470]  }
0x211: {  	v4 =	vld [tilespmem:s19+$0xE470];
	[tilespmem:s14+$0x17440] =	vst v6;
	v8 =	vadd.f32 v8, v5;
	v7 =	vadd.f32 v10, v7  }
0x212: {  	v5 =	vld [tilespmem:s19+$0xF470]  }
0x213: {  	s18 =	sadd.s32 $0x200, s18;
	v6 =	vld [tilespmem:s19+$0x10470];
	[tilespmem:s14+$0x17450] =	vst v8;
	v7 =	vadd.f32 v7, v9  }
0x214: {  	v8 =	vld [tilespmem:s19+$0x11470]  }
0x215: {  	v9 =	vld [tilespmem:s19+$0xA400];
	[tilespmem:s14+$0x17460] =	vst v7  }
0x216: {  	v7 =	vld [tilespmem:s19+$0xB400]  }
0x217: {  	v10 =	vld [tilespmem:s19+$0x12470]  }
0x218: {  	v11 =	vld [tilespmem:s19+$0x13470]  }
0x219: {  	v50 =	vld [tilespmem:s19+$0xC400]  }
0x21a: {  	v53 =	vld [tilespmem:s19+$0xD400]  }
0x21b: {  	v54 =	vld [tilespmem:s19+$0xE400]  }
0x21c: {  	v56 =	vld [tilespmem:s19+$0xF400]  }
0x21d: {  	v57 =	vld [tilespmem:s19+$0x10400]  }
0x21e: {  	v59 =	vld [tilespmem:s19+$0x11400]  }
0x21f: {  	v60 =	vld [tilespmem:s19+$0xA410]  }
0x220: {  	v61 =	vld [tilespmem:s19+$0xB410]  }
0x221: {  	v62 =	vld [tilespmem:s19+$0xC410]  }
0x222: {  	v63 =	vld [tilespmem:s19+$0xD410]  }
0x223: {  	v12 =	vld [tilespmem:s19+$0xE410]  }
0x224: {  	v13 =	vld [tilespmem:s19+$0xF410]  }
0x225: {  	v14 =	vld [tilespmem:s19+$0x10410]  }
0x226: {  	v15 =	vld [tilespmem:s19+$0x11410]  }
0x227: {  	v16 =	vld [tilespmem:s19+$0xA420]  }
0x228: {  	v17 =	vld [tilespmem:s19+$0xB420]  }
0x229: {  	v18 =	vld [tilespmem:s19+$0xC420]  }
0x22a: {  	v19 =	vld [tilespmem:s19+$0xD420]  }
0x22b: {  	v20 =	vld [tilespmem:s19+$0xE420]  }
0x22c: {  	v21 =	vld [tilespmem:s19+$0xF420]  }
0x22d: {  	v22 =	vld [tilespmem:s19+$0x10420]  }
0x22e: {  	v23 =	vld [tilespmem:s19+$0x11420]  }
0x22f: {  	v24 =	vld [tilespmem:s19+$0xA430]  }
0x230: {  	v25 =	vld [tilespmem:s19+$0xB430]  }
0x231: {  	v26 =	vld [tilespmem:s19+$0xC430]  }
0x232: {  	v27 =	vld [tilespmem:s19+$0xD430]  }
0x233: {  	v28 =	vld [tilespmem:s19+$0xE430]  }
0x234: {  	v29 =	vld [tilespmem:s19+$0xF430]  }
0x235: {  	v30 =	vld [tilespmem:s19+$0x10430]  }
0x236: {  	v31 =	vld [tilespmem:s19+$0x11430]  }
0x237: {  	v32 =	vld [tilespmem:s19+$0xA440]  }
0x238: {  	v33 =	vld [tilespmem:s19+$0xB440]  }
0x239: {  	v34 =	vld [tilespmem:s19+$0xC440]  }
0x23a: {  	v35 =	vld [tilespmem:s19+$0xD440]  }
0x23b: {  	v36 =	vld [tilespmem:s19+$0xE440]  }
0x23c: {  	v37 =	vld [tilespmem:s19+$0xF440]  }
0x23d: {  	v38 =	vld [tilespmem:s19+$0x10440]  }
0x23e: {  	v39 =	vld [tilespmem:s19+$0x11440]  }
0x23f: {  	v40 =	vld [tilespmem:s19+$0xA450]  }
0x240: {  	v0 =	vadd.f32 v1, v0;
	v49 =	vadd.f32 v3, v2;
	v41 =	vld [tilespmem:s19+$0xB450]  }
0x241: {  	v42 =	vld [tilespmem:s19+$0xC450];
	v51 =	vadd.f32 v5, v4;
	v52 =	vadd.f32 v8, v6  }
0x242: {  	v43 =	vld [tilespmem:s19+$0xD450]  }
0x243: {  	v44 =	vld [tilespmem:s19+$0xE450];
	v0 =	vadd.f32 v49, v0;
	v55 =	vadd.f32 v52, v51  }
0x244: {  	v46 =	vld [tilespmem:s19+$0x13430];
	v58 =	vadd.f32 v11, v10;
	v7 =	vadd.f32 v7, v9  }
0x245: {  	v5 =	vld [tilespmem:s19+$0xF450];
	v2 =	vadd.f32 v53, v50;
	v3 =	vadd.f32 v56, v54  }
0x246: {  	v4 =	vld [tilespmem:s19+$0x10450];
	v1 =	vadd.f32 v59, v57;
	v47 =	vadd.f32 v61, v60  }
0x247: {  	v6 =	vld [tilespmem:s19+$0x11450];
	v48 =	vadd.f32 v13, v12;
	v49 =	vadd.f32 v15, v14  }
0x248: {  	v8 =	vld [tilespmem:s19+$0xB460];
	v50 =	vadd.f32 v17, v16;
	v51 =	vadd.f32 v19, v18  }
0x249: {  	v52 =	vadd.f32 v21, v20;
	v53 =	vadd.f32 v23, v22;
	v9 =	vld [tilespmem:s19+$0x10460]  }
0x24a: {  	v57 =	vld [tilespmem:s19+$0x11460];
	v60 =	vadd.f32 v27, v26;
	v5 =	vadd.f32 v5, v44  }
0x24b: {  	v59 =	vld [tilespmem:s19+$0x12400];
	v0 =	vadd.f32 v55, v0;
	v2 =	vadd.f32 v2, v7  }
0x24c: {  	v61 =	vld [tilespmem:s19+$0x13400];
	v1 =	vadd.f32 v1, v3;
	v54 =	vadd.f32 v49, v48  }
0x24d: {  	v11 =	vld [tilespmem:s19+$0xD460];
	v55 =	vadd.f32 v51, v50;
	v56 =	vadd.f32 v53, v52  }
0x24e: {  	v14 =	vld [tilespmem:s19+$0xE460];
	v50 =	vadd.f32 v43, v42;
	v4 =	vadd.f32 v6, v4  }
0x24f: {  	v17 =	vld [tilespmem:s19+$0xF460];
	v0 =	vadd.f32 v58, v0;
	v1 =	vadd.f32 v1, v2  }
0x250: {  	v3 =	vld [tilespmem:s19+$0xA460];
	v58 =	vadd.f32 v25, v24;
	v10 =	vadd.f32 v56, v55  }
0x251: {  	v51 =	vld [tilespmem:s19+$0x12450];
	v45 =	vadd.f32 v61, v59;
	v55 =	vadd.f32 v57, v9  }
0x252: {  	v53 =	vld [tilespmem:s19+$0x13450];
	v4 =	vadd.f32 v4, v5;
	[tilespmem:s19+$0x17470] =	vst v0;
	v0 =	vadd.f32 v63, v62  }
0x253: {  	v48 =	vld [tilespmem:s19+$0x12440];
	v62 =	vadd.f32 v29, v28;
	v63 =	vadd.f32 v31, v30  }
0x254: {  	v49 =	vld [tilespmem:s19+$0x13440];
	v29 =	vadd.f32 v33, v32;
	v30 =	vadd.f32 v35, v34  }
0x255: {  	v2 =	vld [tilespmem:s19+$0xC460];
	v32 =	vadd.f32 v37, v36;
	v33 =	vadd.f32 v39, v38  }
0x256: {  	v57 =	vld [tilespmem:s19+$0x12460];
	v7 =	vadd.f32 v60, v58;
	v1 =	vadd.f32 v45, v1  }
0x257: {  	v59 =	vld [tilespmem:s19+$0x13460];
	v52 =	vadd.f32 v8, v3;
	v3 =	vadd.f32 v53, v51  }
0x258: {  	v28 =	vld [tilespmem:s19+$0x12410];
	v0 =	vadd.f32 v0, v47;
	v35 =	vadd.f32 v63, v62  }
0x259: {  	v31 =	vld [tilespmem:s19+$0x13410];
	v37 =	vadd.f32 v30, v29;
	v38 =	vadd.f32 v33, v32  }
0x25a: {  	v39 =	vld [tilespmem:s19+$0x12430];
	v47 =	vadd.f32 v41, v40;
	v62 =	vadd.f32 v49, v48  }
0x25b: {  	v34 =	vld [tilespmem:s19+$0x12420];
	v2 =	vadd.f32 v11, v2;
	v0 =	vadd.f32 v54, v0  }
0x25c: {  	v36 =	vld [tilespmem:s19+$0x13420];
	v7 =	vadd.f32 v35, v7;
	v19 =	vadd.f32 v38, v37  }
0x25d: {  	v54 =	vadd.f32 v17, v14;
	v56 =	vadd.f32 v50, v47  }
0x25e: {  	v5 =	vadd.f32 v59, v57;
	v20 =	vadd.f32 v31, v28  }
0x25f: {  	[tilespmem:s19+$0x17400] =	vst v1;
	v1 =	vadd.f32 v2, v52;
	v61 =	vadd.f32 v46, v39  }
0x260: {  	v58 =	vadd.f32 v55, v54;
	v63 =	vadd.f32 v62, v19  }
0x261: {  	v60 =	vadd.f32 v36, v34;
	v0 =	vadd.f32 v20, v0  }
0x262: {  	v2 =	vadd.f32 v61, v7;
	v1 =	vadd.f32 v58, v1;
	[tilespmem:s19+$0x17440] =	vst v63  }
0x263: {  	[tilespmem:s19+$0x17410] =	vst v0;
	v0 =	vadd.f32 v4, v56;
	v4 =	vadd.f32 v60, v10  }
0x264: {  	[tilespmem:s19+$0x17430] =	vst v2;
	v1 =	vadd.f32 v5, v1  }
0x265: {  	[tilespmem:s19+$0x17420] =	vst v4;
	v0 =	vadd.f32 v3, v0  }
0x266: {  	[tilespmem:s19+$0x17460] =	vst v1  }
0x267: {  	s21 =	rddreg [dreg:$0xc];
	[tilespmem:s19+$0x17450] =	vst v0  }
0x268: {  	[hbm4b:s21+s4] =	stream.linear.scatter [tilespmem:s17], [sflag:$0x6], $0x1000, $0x38;
	[tilespmem:$0x18400] =	vst v63  }
0x269: {  	s22 =	rddreg [dreg:$0xd];
	s14 =	simm.s32 $0x1  }
0x26a: {  	[hbm4b:s22+s4] =	stream.linear.scatter [tilespmem:s9], [sflag:$0x6], $0x1000, $0x38;
	[tilespmem:$0x18400] =	vst v63  }
.LBB2_6:
0x26b: {  	s19 =	sshll.u32 s14, $0x1;
	_ =	swait.ge [sflag:s12], $0x1000  }
0x26c: {  	[sflag:s12] =	ssyncset.done $0x0;
	s18 =	sadd.s32 s19, s7  }
0x26d: {  	[sflag:s12] =	ssyncadd.s32 $0xFFFFF000;
	s18 =	sadd.s32 $0x1, s18  }
0x26e: {  	_ =	swait.ge [sflag:s12], $0x1000;
	s20 =	sshll.u32 s18, $0x2  }
0x26f: {  	[sflag:s12] =	ssyncset.done $0x0;
	s20 =	sand.u32 $0x1FFFFFFC, s20  }
0x270: {  	s21 =	simm.s32 $0x0;
	[sflag:s12] =	ssyncadd.s32 $0xFFFFF000;
	s20 =	sadd.s32 s5, s20  }
0x271: {  	[tilespmem:s15], [sflag:$0x7] =	stream.linear.gather [hbm4b:s20+s21], $0x20, $0x38;
	[tilespmem:$0x18400] =	vst v63  }
0x272: {  	s22 =	smul.u32 $0x28, s18;
	_ =	swait.ge [sflag:s29], $0x20  }
0x273: {  	[sflag:s29] =	ssyncset.done $0x0  }
0x274: {  	s20 =	sadd.s32 s3, s22;
	[sflag:s29] =	ssyncadd.s32 $0xFFFFFFE0  }
0x275: {  	[tilespmem:s16], [sflag:$0x7] =	stream.linear.gather [hbm4b:s20+s21], $0x140, $0x38;
	[tilespmem:$0x18400] =	vst v63  }
0x276: {  	_ =	swait.ge [sflag:s29], $0x140  }
0x277: {  	[sflag:s29] =	ssyncset.done $0x0  }
0x278: {  	[sflag:s29] =	ssyncadd.s32 $0xFFFFFEC0  }
0x279: {  	[tilespmem:s17], [sflag:$0x4] =	stream.indirect.gather [hbm4b:s1+s30], $0x80, s15, s30, $0xb8;
	[tilespmem:$0x18400] =	vst v63  }
0x27a: {  	s22 =	simm.s32 $0xA400  }
0x27b: {  	[tilespmem:s22], [sflag:$0x2] =	stream.indirect.gather [hbm4b:s1+s0], $0x80, s16, s0, $0xb8;
	[tilespmem:$0x18400] =	vst v63  }
0x27c: {  	s21 =	simm.s32 $0x1E8;
	s22 =	simm.s32 $0xD800  }
0x27d: {  	[tilespmem:s22], [sflag:$0x2] =	stream.indirect.gather [hbm4b:s1+s0], $0x80, s21, s0, $0xb8;
	[tilespmem:$0x18400] =	vst v63  }
0x27e: {  	s21 =	simm.s32 $0x250;
	s22 =	simm.s32 $0x10C00  }
0x27f: {  	[tilespmem:s22], [sflag:$0x2] =	stream.indirect.gather [hbm4b:s1+s11], $0x80, s21, s11, $0xb8;
	[tilespmem:$0x18400] =	vst v63  }
0x280: {  	_ =	swait.ge [sflag:s23], $0x1000  }
0x281: {  	[sflag:s23] =	ssyncset.done $0x0  }
0x282: {  	[sflag:s23] =	ssyncadd.s32 $0xFFFFF000  }
0x283: {  	_ =	swait.ge [sflag:s24], $0x3400  }
0x284: {  	[sflag:s24] =	ssyncset.done $0x0  }
0x285: {  	[sflag:s24] =	ssyncadd.s32 $0xFFFFCC00  }
0x286: {  	_ =	swait.ge [sflag:s24], $0x3400  }
0x287: {  	[sflag:s24] =	ssyncset.done $0x0  }
0x288: {  	[sflag:s24] =	ssyncadd.s32 $0xFFFFCC00  }
0x289: {  	_ =	swait.ge [sflag:s24], $0x3800  }
0x28a: {  	[sflag:s24] =	ssyncset.done $0x0  }
0x28b: {  	s20 =	simm.s32 $0x0;
	[sflag:s24] =	ssyncadd.s32 $0xFFFFC800  }
0x28c: {  	v0 =	vld [tilespmem:s20+$0x470]  }
0x28d: {  	v1 =	vld [tilespmem:s20+$0x1470]  }
0x28e: {  	v2 =	vld [tilespmem:s20+$0x2470]  }
0x28f: {  	v3 =	vld [tilespmem:s20+$0x3470]  }
0x290: {  	v4 =	vld [tilespmem:s20+$0x4470]  }
0x291: {  	v5 =	vld [tilespmem:s20+$0x5470]  }
0x292: {  	v6 =	vld [tilespmem:s20+$0x6470]  }
0x293: {  	v7 =	vld [tilespmem:s20+$0x7470]  }
0x294: {  	v8 =	vld [tilespmem:s20+$0x400]  }
0x295: {  	v9 =	vld [tilespmem:s20+$0x1400]  }
0x296: {  	v10 =	vld [tilespmem:s20+$0x8470]  }
0x297: {  	v11 =	vld [tilespmem:s20+$0x9470]  }
0x298: {  	v49 =	vld [tilespmem:s20+$0x410]  }
0x299: {  	v50 =	vld [tilespmem:s20+$0x2410]  }
0x29a: {  	v12 =	vld [tilespmem:s20+$0x4410]  }
0x29b: {  	v13 =	vld [tilespmem:s20+$0x5410]  }
0x29c: {  	v14 =	vld [tilespmem:s20+$0x6410]  }
0x29d: {  	v15 =	vld [tilespmem:s20+$0x7410]  }
0x29e: {  	v16 =	vld [tilespmem:s20+$0x420]  }
0x29f: {  	v17 =	vld [tilespmem:s20+$0x1420]  }
0x2a0: {  	v18 =	vld [tilespmem:s20+$0x2420]  }
0x2a1: {  	v19 =	vld [tilespmem:s20+$0x3420]  }
0x2a2: {  	v20 =	vld [tilespmem:s20+$0x4420]  }
0x2a3: {  	v21 =	vld [tilespmem:s20+$0x5420]  }
0x2a4: {  	v22 =	vld [tilespmem:s20+$0x6420]  }
0x2a5: {  	v23 =	vld [tilespmem:s20+$0x7420]  }
0x2a6: {  	v24 =	vld [tilespmem:s20+$0x430]  }
0x2a7: {  	v25 =	vld [tilespmem:s20+$0x1430]  }
0x2a8: {  	v26 =	vld [tilespmem:s20+$0x2430]  }
0x2a9: {  	v27 =	vld [tilespmem:s20+$0x3430]  }
0x2aa: {  	v28 =	vld [tilespmem:s20+$0x4430]  }
0x2ab: {  	v29 =	vld [tilespmem:s20+$0x5430]  }
0x2ac: {  	v30 =	vld [tilespmem:s20+$0x6430]  }
0x2ad: {  	v31 =	vld [tilespmem:s20+$0x7430]  }
0x2ae: {  	v32 =	vld [tilespmem:s20+$0x440]  }
0x2af: {  	v33 =	vld [tilespmem:s20+$0x1440]  }
0x2b0: {  	v34 =	vld [tilespmem:s20+$0x2440]  }
0x2b1: {  	v35 =	vld [tilespmem:s20+$0x3440]  }
0x2b2: {  	v36 =	vld [tilespmem:s20+$0x4440]  }
0x2b3: {  	v37 =	vld [tilespmem:s20+$0x5440]  }
0x2b4: {  	v38 =	vld [tilespmem:s20+$0x6440]  }
0x2b5: {  	v39 =	vld [tilespmem:s20+$0x7440]  }
0x2b6: {  	v40 =	vld [tilespmem:s20+$0x450]  }
0x2b7: {  	v41 =	vld [tilespmem:s20+$0x1450]  }
0x2b8: {  	v42 =	vld [tilespmem:s20+$0x2450]  }
0x2b9: {  	v43 =	vld [tilespmem:s20+$0x3450]  }
0x2ba: {  	v44 =	vld [tilespmem:s20+$0x4450]  }
0x2bb: {  	v45 =	vld [tilespmem:s20+$0x5450]  }
0x2bc: {  	v46 =	vld [tilespmem:s20+$0x6450]  }
0x2bd: {  	v57 =	vld [tilespmem:s20+$0x8400]  }
0x2be: {  	v58 =	vld [tilespmem:s20+$0x9400]  }
0x2bf: {  	v61 =	vld [tilespmem:s20+$0x8410];
	v0 =	vadd.f32 v1, v0;
	v1 =	vadd.f32 v3, v2  }
0x2c0: {  	v48 =	vld [tilespmem:s20+$0x9430];
	v3 =	vadd.f32 v5, v4;
	v4 =	vadd.f32 v7, v6  }
0x2c1: {  	v2 =	vld [tilespmem:s20+$0x2400];
	v7 =	vadd.f32 v11, v10;
	v8 =	vadd.f32 v9, v8  }
0x2c2: {  	v5 =	vld [tilespmem:s20+$0x3400];
	v51 =	vadd.f32 v13, v12;
	v52 =	vadd.f32 v15, v14  }
0x2c3: {  	v6 =	vld [tilespmem:s20+$0x4400];
	v53 =	vadd.f32 v17, v16;
	v54 =	vadd.f32 v19, v18  }
0x2c4: {  	v55 =	vadd.f32 v21, v20;
	v62 =	vadd.f32 v25, v24;
	v24 =	vld [tilespmem:s20+$0x9410]  }
0x2c5: {  	v56 =	vadd.f32 v23, v22;
	v63 =	vadd.f32 v27, v26;
	v27 =	vld [tilespmem:s20+$0x8420]  }
0x2c6: {  	v25 =	vadd.f32 v29, v28;
	v26 =	vadd.f32 v31, v30;
	v28 =	vld [tilespmem:s20+$0x9420]  }
0x2c7: {  	v31 =	vld [tilespmem:s20+$0x8430];
	v33 =	vadd.f32 v33, v32;
	v9 =	vadd.f32 v58, v57  }
0x2c8: {  	v0 =	vadd.f32 v1, v0;
	v1 =	vadd.f32 v4, v3;
	v3 =	vld [tilespmem:s20+$0x5400]  }
0x2c9: {  	v57 =	vadd.f32 v43, v42;
	v58 =	vadd.f32 v45, v44;
	v4 =	vld [tilespmem:s20+$0x6400]  }
0x2ca: {  	v59 =	vadd.f32 v54, v53;
	v60 =	vadd.f32 v56, v55;
	v54 =	vld [tilespmem:s20+$0x8450]  }
0x2cb: {  	v29 =	vadd.f32 v63, v62;
	v0 =	vadd.f32 v1, v0;
	v1 =	vld [tilespmem:s20+$0x7400]  }
0x2cc: {  	v30 =	vadd.f32 v26, v25;
	v53 =	vadd.f32 v39, v38;
	v56 =	vld [tilespmem:s20+$0x9450]  }
0x2cd: {  	v2 =	vadd.f32 v5, v2;
	v5 =	vld [tilespmem:s20+$0x460];
	v0 =	vadd.f32 v7, v0  }
0x2ce: {  	v55 =	vadd.f32 v41, v40;
	v12 =	vadd.f32 v30, v29;
	v7 =	vld [tilespmem:s20+$0x1410]  }
0x2cf: {  	v13 =	vadd.f32 v24, v61;
	v10 =	vadd.f32 v28, v27;
	[tilespmem:s20+$0x16470] =	vst v0;
	v0 =	vld [tilespmem:s20+$0x3410]  }
0x2d0: {  	v3 =	vadd.f32 v3, v6;
	v1 =	vadd.f32 v1, v4;
	v4 =	vld [tilespmem:s20+$0x1460]  }
0x2d1: {  	v47 =	vld [tilespmem:s20+$0x7450];
	v16 =	vadd.f32 v48, v31;
	v2 =	vadd.f32 v2, v8  }
0x2d2: {  	v6 =	vld [tilespmem:s20+$0x2460];
	v62 =	vadd.f32 v56, v54;
	v1 =	vadd.f32 v1, v3  }
0x2d3: {  	v3 =	vld [tilespmem:s20+$0x3460];
	v7 =	vadd.f32 v7, v49;
	v49 =	vadd.f32 v35, v34  }
0x2d4: {  	v11 =	vld [tilespmem:s20+$0x6460];
	v1 =	vadd.f32 v1, v2;
	v0 =	vadd.f32 v0, v50  }
0x2d5: {  	v8 =	vld [tilespmem:s20+$0x4460];
	v15 =	vadd.f32 v49, v33;
	v4 =	vadd.f32 v4, v5  }
0x2d6: {  	v2 =	vld [tilespmem:s20+$0x5460];
	v0 =	vadd.f32 v0, v7;
	v7 =	vadd.f32 v52, v51  }
0x2d7: {  	v14 =	vld [tilespmem:s20+$0x7460];
	v1 =	vadd.f32 v9, v1;
	v52 =	vadd.f32 v37, v36  }
0x2d8: {  	v50 =	vld [tilespmem:s20+$0x8440];
	v3 =	vadd.f32 v3, v6;
	v6 =	vadd.f32 v16, v12  }
0x2d9: {  	v51 =	vld [tilespmem:s20+$0x9440];
	v0 =	vadd.f32 v7, v0;
	v7 =	vadd.f32 v60, v59  }
0x2da: {  	[tilespmem:s20+$0x16400] =	vst v1;
	v1 =	vadd.f32 v53, v52;
	v60 =	vadd.f32 v47, v46  }
0x2db: {  	v5 =	vadd.f32 v2, v8;
	v0 =	vadd.f32 v13, v0  }
0x2dc: {  	v59 =	vld [tilespmem:s20+$0x8460];
	v15 =	vadd.f32 v1, v15;
	v1 =	vadd.f32 v10, v7  }
0x2dd: {  	s22 =	simm.s32 $0x80;
	v8 =	vadd.f32 v14, v11;
	v13 =	vadd.f32 v57, v55;
	v7 =	vld [tilespmem:s20+$0x9460];
	[tilespmem:s20+$0x16410] =	vst v0  }
0x2de: {  	v10 =	vadd.f32 v60, v58;
	v9 =	vadd.f32 v51, v50;
	v0 =	vld [tilespmem:s22+$0x470];
	[tilespmem:s20+$0x16420] =	vst v1  }
0x2df: {  	v61 =	vadd.f32 v3, v4;
	v5 =	vadd.f32 v8, v5;
	v1 =	vld [tilespmem:s22+$0x1470]  }
0x2e0: {  	v8 =	vadd.f32 v10, v13;
	v2 =	vld [tilespmem:s22+$0x2470];
	[tilespmem:s20+$0x16430] =	vst v6;
	v6 =	vadd.f32 v9, v15  }
0x2e1: {  	v63 =	vadd.f32 v5, v61;
	v3 =	vld [tilespmem:s22+$0x3470]  }
0x2e2: {  	v8 =	vadd.f32 v62, v8;
	v4 =	vld [tilespmem:s22+$0x4470];
	v7 =	vadd.f32 v7, v59;
	[tilespmem:s20+$0x16440] =	vst v6  }
0x2e3: {  	v5 =	vld [tilespmem:s22+$0x5470]  }
0x2e4: {  	s21 =	simm.s32 $0x400;
	v6 =	vld [tilespmem:s22+$0x6470];
	[tilespmem:s20+$0x16450] =	vst v8;
	v7 =	vadd.f32 v7, v63  }
.LBB2_7:
0x2e5: {  	p0 =	sne.s32 s21, $0x3E00;
	v8 =	vld [tilespmem:s22+$0x7470]  }
0x2e6: {  	v9 =	vld [tilespmem:s22+$0x400];
	[tilespmem:s20+$0x16460] =	vst v7;
	s20 =	smov.u32 s22  }
0x2e7: {  	v7 =	vld [tilespmem:s20+$0x1400]  }
0x2e8: {  	v10 =	vld [tilespmem:s20+$0x8470]  }
0x2e9: {  	v0 =	vadd.f32 v1, v0;
	v1 =	vadd.f32 v3, v2;
	v11 =	vld [tilespmem:s20+$0x9470]  }
0x2ea: {  	v3 =	vadd.f32 v5, v4;
	v2 =	vld [tilespmem:s20+$0x2400];
	v4 =	vadd.f32 v8, v6  }
0x2eb: {  	v5 =	vld [tilespmem:s20+$0x3400]  }
0x2ec: {  	v0 =	vadd.f32 v1, v0;
	v6 =	vld [tilespmem:s20+$0x4400];
	v1 =	vadd.f32 v4, v3  }
0x2ed: {  	v4 =	vadd.f32 v7, v9;
	v3 =	vld [tilespmem:s20+$0x5400]  }
0x2ee: {  	v7 =	vld [tilespmem:s20+$0x6400];
	v8 =	vadd.f32 v11, v10;
	v0 =	vadd.f32 v1, v0  }
0x2ef: {  	v1 =	vld [tilespmem:s20+$0x7400]  }
0x2f0: {  	v2 =	vadd.f32 v5, v2;
	v5 =	vld [tilespmem:s20+$0x410];
	v0 =	vadd.f32 v8, v0  }
0x2f1: {  	v8 =	vld [tilespmem:s20+$0x1410]  }
0x2f2: {  	v3 =	vadd.f32 v3, v6;
	v2 =	vadd.f32 v2, v4;
	v4 =	vld [tilespmem:s20+$0x2410];
	[tilespmem:s20+$0x16470] =	vst v0  }
0x2f3: {  	v6 =	vld [tilespmem:s20+$0x3410]  }
0x2f4: {  	v0 =	vadd.f32 v1, v7;
	v1 =	vld [tilespmem:s20+$0x4410]  }
0x2f5: {  	v7 =	vld [tilespmem:s20+$0x5410]  }
0x2f6: {  	v0 =	vadd.f32 v0, v3;
	v3 =	vld [tilespmem:s20+$0x6410];
	v5 =	vadd.f32 v8, v5  }
0x2f7: {  	v8 =	vld [tilespmem:s20+$0x7410]  }
0x2f8: {  	v0 =	vadd.f32 v0, v2;
	v2 =	vadd.f32 v6, v4;
	v4 =	vld [tilespmem:s20+$0x420]  }
0x2f9: {  	v6 =	vld [tilespmem:s20+$0x1420]  }
0x2fa: {  	v1 =	vadd.f32 v7, v1;
	v2 =	vadd.f32 v2, v5;
	v5 =	vld [tilespmem:s20+$0x2420]  }
0x2fb: {  	v7 =	vld [tilespmem:s20+$0x3420]  }
0x2fc: {  	v3 =	vadd.f32 v8, v3;
	v8 =	vld [tilespmem:s20+$0x4420]  }
0x2fd: {  	v9 =	vld [tilespmem:s20+$0x5420]  }
0x2fe: {  	v1 =	vadd.f32 v3, v1;
	v3 =	vld [tilespmem:s20+$0x6420];
	v4 =	vadd.f32 v6, v4  }
0x2ff: {  	v6 =	vld [tilespmem:s20+$0x7420]  }
0x300: {  	v1 =	vadd.f32 v1, v2;
	v2 =	vadd.f32 v7, v5;
	v5 =	vld [tilespmem:s20+$0x430]  }
0x301: {  	v7 =	vld [tilespmem:s20+$0x1430]  }
0x302: {  	v8 =	vadd.f32 v9, v8;
	v2 =	vadd.f32 v2, v4;
	v4 =	vld [tilespmem:s20+$0x2430]  }
0x303: {  	v9 =	vld [tilespmem:s20+$0x3430]  }
0x304: {  	v3 =	vadd.f32 v6, v3;
	v6 =	vld [tilespmem:s20+$0x4430]  }
0x305: {  	v10 =	vld [tilespmem:s20+$0x5430]  }
0x306: {  	v3 =	vadd.f32 v3, v8;
	v8 =	vld [tilespmem:s20+$0x6430];
	v5 =	vadd.f32 v7, v5  }
0x307: {  	v7 =	vld [tilespmem:s20+$0x7430]  }
0x308: {  	v2 =	vadd.f32 v3, v2;
	v3 =	vadd.f32 v9, v4;
	v4 =	vld [tilespmem:s20+$0x440]  }
0x309: {  	v9 =	vld [tilespmem:s20+$0x1440]  }
0x30a: {  	v6 =	vadd.f32 v10, v6;
	v3 =	vadd.f32 v3, v5;
	v5 =	vld [tilespmem:s20+$0x2440]  }
0x30b: {  	v10 =	vld [tilespmem:s20+$0x3440]  }
0x30c: {  	v7 =	vadd.f32 v7, v8;
	v8 =	vld [tilespmem:s20+$0x4440]  }
0x30d: {  	v11 =	vld [tilespmem:s20+$0x5440]  }
0x30e: {  	v6 =	vadd.f32 v7, v6;
	v7 =	vld [tilespmem:s20+$0x6440];
	v4 =	vadd.f32 v9, v4  }
0x30f: {  	v9 =	vld [tilespmem:s20+$0x7440]  }
0x310: {  	v3 =	vadd.f32 v6, v3;
	v5 =	vadd.f32 v10, v5;
	v6 =	vld [tilespmem:s20+$0x450]  }
0x311: {  	v10 =	vld [tilespmem:s20+$0x1450]  }
0x312: {  	v8 =	vadd.f32 v11, v8;
	v4 =	vadd.f32 v5, v4;
	v5 =	vld [tilespmem:s20+$0x2450]  }
0x313: {  	v11 =	vld [tilespmem:s20+$0x3450]  }
0x314: {  	v7 =	vadd.f32 v9, v7;
	v9 =	vld [tilespmem:s20+$0x4450]  }
0x315: {  	v12 =	vld [tilespmem:s20+$0x5450]  }
0x316: {  	v7 =	vadd.f32 v7, v8;
	v8 =	vld [tilespmem:s20+$0x6450];
	v6 =	vadd.f32 v10, v6  }
0x317: {  	v10 =	vld [tilespmem:s20+$0x7450]  }
0x318: {  	v4 =	vadd.f32 v7, v4;
	v5 =	vadd.f32 v11, v5;
	v7 =	vld [tilespmem:s20+$0x460]  }
0x319: {  	v11 =	vld [tilespmem:s20+$0x1460]  }
0x31a: {  	v9 =	vadd.f32 v12, v9;
	v5 =	vadd.f32 v5, v6;
	v6 =	vld [tilespmem:s20+$0x2460]  }
0x31b: {  	v12 =	vld [tilespmem:s20+$0x3460]  }
0x31c: {  	v8 =	vadd.f32 v10, v8;
	v10 =	vld [tilespmem:s20+$0x4460]  }
0x31d: {  	v13 =	vld [tilespmem:s20+$0x5460]  }
0x31e: {  	v8 =	vadd.f32 v8, v9;
	v9 =	vld [tilespmem:s20+$0x6460];
	v7 =	vadd.f32 v11, v7  }
0x31f: {  	v11 =	vld [tilespmem:s20+$0x7460]  }
0x320: {  	v14 =	vld [tilespmem:s20+$0x8400];
	v5 =	vadd.f32 v8, v5;
	v6 =	vadd.f32 v12, v6  }
0x321: {  	v8 =	vld [tilespmem:s20+$0x9400]  }
0x322: {  	v12 =	vld [tilespmem:s20+$0x8410];
	v10 =	vadd.f32 v13, v10;
	v6 =	vadd.f32 v6, v7  }
0x323: {  	v7 =	vld [tilespmem:s20+$0x9410]  }
0x324: {  	v13 =	vld [tilespmem:s20+$0x8420];
	v9 =	vadd.f32 v11, v9  }
0x325: {  	v11 =	vld [tilespmem:s20+$0x9420]  }
0x326: {  	v8 =	vadd.f32 v8, v14;
	v14 =	vld [tilespmem:s20+$0x8430];
	v9 =	vadd.f32 v9, v10  }
0x327: {  	v10 =	vld [tilespmem:s20+$0x9430]  }
0x328: {  	v7 =	vadd.f32 v7, v12;
	v12 =	vld [tilespmem:s20+$0x8440];
	v9 =	vadd.f32 v9, v6  }
0x329: {  	v0 =	vadd.f32 v8, v0;
	v6 =	vld [tilespmem:s20+$0x9440]  }
0x32a: {  	v1 =	vadd.f32 v7, v1;
	v7 =	vadd.f32 v11, v13;
	v8 =	vld [tilespmem:s20+$0x8450]  }
0x32b: {  	[tilespmem:s20+$0x16400] =	vst v0;
	v11 =	vld [tilespmem:s20+$0x9450]  }
0x32c: {  	[tilespmem:s20+$0x16410] =	vst v1;
	v1 =	vadd.f32 v7, v2;
	v2 =	vadd.f32 v10, v14;
	v7 =	vld [tilespmem:s20+$0x8460]  }
0x32d: {  	s22 =	sshra.s32 s21, $0x2;
	v10 =	vld [tilespmem:s20+$0x9460]  }
0x32e: {  	v0 =	vld [tilespmem:s22+$0x470];
	[tilespmem:s20+$0x16420] =	vst v1;
	v3 =	vadd.f32 v2, v3;
	v6 =	vadd.f32 v6, v12  }
0x32f: {  	v1 =	vld [tilespmem:s22+$0x1470]  }
.Ltmp2:
0x330: {  	v2 =	vld [tilespmem:s22+$0x2470];
	[tilespmem:s20+$0x16430] =	vst v3;
	v6 =	vadd.f32 v6, v4;
	v8 =	vadd.f32 v11, v8;
	(pc) =	sbr.rel @p0 .LBB2_7-.Ltmp2, $4  }
0x331: {  	v3 =	vld [tilespmem:s22+$0x3470]  }
0x332: {  	v4 =	vld [tilespmem:s22+$0x4470];
	[tilespmem:s20+$0x16440] =	vst v6;
	v8 =	vadd.f32 v8, v5;
	v7 =	vadd.f32 v10, v7  }
0x333: {  	v5 =	vld [tilespmem:s22+$0x5470]  }
0x334: {  	s21 =	sadd.s32 $0x200, s21;
	v6 =	vld [tilespmem:s22+$0x6470];
	[tilespmem:s20+$0x16450] =	vst v8;
	v7 =	vadd.f32 v7, v9  }
0x335: {  	v8 =	vld [tilespmem:s22+$0x7470]  }
0x336: {  	v9 =	vld [tilespmem:s22+$0x400];
	[tilespmem:s20+$0x16460] =	vst v7  }
0x337: {  	v7 =	vld [tilespmem:s22+$0x1400]  }
0x338: {  	v10 =	vld [tilespmem:s22+$0x8470]  }
0x339: {  	v11 =	vld [tilespmem:s22+$0x9470]  }
0x33a: {  	v0 =	vadd.f32 v1, v0;
	v1 =	vadd.f32 v3, v2;
	v2 =	vld [tilespmem:s22+$0x2400]  }
0x33b: {  	v62 =	vld [tilespmem:s22+$0x410]  }
0x33c: {  	v63 =	vld [tilespmem:s22+$0x2410]  }
0x33d: {  	v12 =	vld [tilespmem:s22+$0x4410]  }
0x33e: {  	v13 =	vld [tilespmem:s22+$0x5410]  }
0x33f: {  	v14 =	vld [tilespmem:s22+$0x6410]  }
0x340: {  	v15 =	vld [tilespmem:s22+$0x7410]  }
0x341: {  	v16 =	vld [tilespmem:s22+$0x420]  }
0x342: {  	v17 =	vld [tilespmem:s22+$0x1420]  }
0x343: {  	v18 =	vld [tilespmem:s22+$0x2420]  }
0x344: {  	v19 =	vld [tilespmem:s22+$0x3420]  }
0x345: {  	v20 =	vld [tilespmem:s22+$0x4420]  }
0x346: {  	v21 =	vld [tilespmem:s22+$0x5420]  }
0x347: {  	v22 =	vld [tilespmem:s22+$0x6420]  }
0x348: {  	v23 =	vld [tilespmem:s22+$0x7420]  }
0x349: {  	v24 =	vld [tilespmem:s22+$0x430]  }
0x34a: {  	v25 =	vld [tilespmem:s22+$0x1430]  }
0x34b: {  	v26 =	vld [tilespmem:s22+$0x2430]  }
0x34c: {  	v27 =	vld [tilespmem:s22+$0x3430]  }
0x34d: {  	v28 =	vld [tilespmem:s22+$0x4430]  }
0x34e: {  	v29 =	vld [tilespmem:s22+$0x5430]  }
0x34f: {  	v30 =	vld [tilespmem:s22+$0x6430]  }
0x350: {  	v31 =	vld [tilespmem:s22+$0x7430]  }
0x351: {  	v32 =	vld [tilespmem:s22+$0x440]  }
0x352: {  	v33 =	vld [tilespmem:s22+$0x1440]  }
0x353: {  	v34 =	vld [tilespmem:s22+$0x2440]  }
0x354: {  	v35 =	vld [tilespmem:s22+$0x3440]  }
0x355: {  	v36 =	vld [tilespmem:s22+$0x4440]  }
0x356: {  	v37 =	vld [tilespmem:s22+$0x5440]  }
0x357: {  	v38 =	vld [tilespmem:s22+$0x6440]  }
0x358: {  	v39 =	vld [tilespmem:s22+$0x7440]  }
0x359: {  	v40 =	vld [tilespmem:s22+$0x450]  }
0x35a: {  	v41 =	vld [tilespmem:s22+$0x1450]  }
0x35b: {  	v42 =	vld [tilespmem:s22+$0x2450]  }
0x35c: {  	v43 =	vld [tilespmem:s22+$0x3450]  }
0x35d: {  	v44 =	vld [tilespmem:s22+$0x4450]  }
0x35e: {  	v49 =	vld [tilespmem:s22+$0x4460]  }
0x35f: {  	v52 =	vld [tilespmem:s22+$0x5460]  }
0x360: {  	v53 =	vld [tilespmem:s22+$0x6460];
	v3 =	vadd.f32 v5, v4;
	v4 =	vadd.f32 v8, v6  }
0x361: {  	v56 =	vld [tilespmem:s22+$0x7460]  }
0x362: {  	v57 =	vld [tilespmem:s22+$0x8400];
	v0 =	vadd.f32 v1, v0;
	v1 =	vadd.f32 v4, v3  }
0x363: {  	v59 =	vld [tilespmem:s22+$0x9400];
	v8 =	vadd.f32 v11, v10;
	v7 =	vadd.f32 v7, v9  }
0x364: {  	v5 =	vld [tilespmem:s22+$0x3400];
	v45 =	vadd.f32 v13, v12;
	v46 =	vadd.f32 v15, v14  }
0x365: {  	v6 =	vld [tilespmem:s22+$0x4400];
	v47 =	vadd.f32 v17, v16;
	v48 =	vadd.f32 v19, v18  }
0x366: {  	v3 =	vld [tilespmem:s22+$0x5400];
	v50 =	vadd.f32 v21, v20;
	v51 =	vadd.f32 v23, v22  }
0x367: {  	v4 =	vld [tilespmem:s22+$0x6400];
	v58 =	vadd.f32 v27, v26;
	v60 =	vadd.f32 v29, v28  }
0x368: {  	v11 =	vld [tilespmem:s22+$0x3460];
	v61 =	vadd.f32 v31, v30;
	v28 =	vadd.f32 v35, v34  }
0x369: {  	v30 =	vadd.f32 v37, v36;
	v0 =	vadd.f32 v1, v0;
	v1 =	vld [tilespmem:s22+$0x7400]  }
0x36a: {  	v29 =	vld [tilespmem:s22+$0x9410];
	v31 =	vadd.f32 v39, v38;
	v38 =	vadd.f32 v59, v57  }
0x36b: {  	v2 =	vadd.f32 v5, v2;
	v5 =	vld [tilespmem:s22+$0x5450];
	v0 =	vadd.f32 v8, v0  }
0x36c: {  	v41 =	vadd.f32 v41, v40;
	v54 =	vadd.f32 v48, v47;
	v8 =	vld [tilespmem:s22+$0x1410]  }
0x36d: {  	v55 =	vadd.f32 v51, v50;
	v36 =	vadd.f32 v31, v30;
	[tilespmem:s22+$0x16470] =	vst v0;
	v0 =	vld [tilespmem:s22+$0x3410]  }
0x36e: {  	v3 =	vadd.f32 v3, v6;
	v6 =	vld [tilespmem:s22+$0x7450];
	v1 =	vadd.f32 v1, v4  }
0x36f: {  	v47 =	vadd.f32 v43, v42;
	v2 =	vadd.f32 v2, v7;
	v4 =	vld [tilespmem:s22+$0x6450]  }
0x370: {  	v34 =	vld [tilespmem:s22+$0x9420];
	v10 =	vadd.f32 v55, v54;
	v1 =	vadd.f32 v1, v3  }
0x371: {  	v37 =	vld [tilespmem:s22+$0x8430];
	v5 =	vadd.f32 v5, v44;
	v7 =	vadd.f32 v8, v62  }
0x372: {  	v62 =	vld [tilespmem:s22+$0x8410];
	v1 =	vadd.f32 v1, v2;
	v0 =	vadd.f32 v0, v63  }
0x373: {  	v3 =	vld [tilespmem:s22+$0x460];
	v63 =	vadd.f32 v33, v32;
	v33 =	vadd.f32 v61, v60  }
0x374: {  	v8 =	vld [tilespmem:s22+$0x1460];
	v4 =	vadd.f32 v6, v4;
	v6 =	vadd.f32 v52, v49  }
0x375: {  	v2 =	vld [tilespmem:s22+$0x2460];
	v0 =	vadd.f32 v0, v7;
	v7 =	vadd.f32 v46, v45  }
0x376: {  	v39 =	vld [tilespmem:s22+$0x9430];
	v35 =	vadd.f32 v28, v63;
	v1 =	vadd.f32 v38, v1  }
0x377: {  	v48 =	vld [tilespmem:s22+$0x8450];
	v20 =	vadd.f32 v29, v62;
	v4 =	vadd.f32 v4, v5  }
0x378: {  	v32 =	vld [tilespmem:s22+$0x8420];
	v0 =	vadd.f32 v7, v0;
	v7 =	vadd.f32 v25, v24  }
0x379: {  	v45 =	vld [tilespmem:s22+$0x8440];
	v19 =	vadd.f32 v36, v35;
	[tilespmem:s22+$0x16400] =	vst v1;
	v1 =	vadd.f32 v8, v3  }
0x37a: {  	v46 =	vld [tilespmem:s22+$0x9440];
	v8 =	vadd.f32 v56, v53;
	v2 =	vadd.f32 v11, v2  }
0x37b: {  	v3 =	vld [tilespmem:s22+$0x9450];
	v7 =	vadd.f32 v58, v7;
	v0 =	vadd.f32 v20, v0  }
0x37c: {  	v5 =	vld [tilespmem:s22+$0x8460];
	v1 =	vadd.f32 v2, v1;
	v2 =	vadd.f32 v8, v6  }
0x37d: {  	v6 =	vld [tilespmem:s22+$0x9460];
	v7 =	vadd.f32 v33, v7;
	[tilespmem:s22+$0x16410] =	vst v0;
	v0 =	vadd.f32 v47, v41  }
0x37e: {  	v1 =	vadd.f32 v2, v1;
	v2 =	vadd.f32 v39, v37  }
0x37f: {  	v0 =	vadd.f32 v4, v0;
	v4 =	vadd.f32 v34, v32  }
0x380: {  	v3 =	vadd.f32 v3, v48;
	v2 =	vadd.f32 v2, v7  }
0x381: {  	v8 =	vadd.f32 v46, v45;
	v4 =	vadd.f32 v4, v10  }
0x382: {  	v5 =	vadd.f32 v6, v5;
	v0 =	vadd.f32 v3, v0;
	[tilespmem:s22+$0x16430] =	vst v2  }
0x383: {  	s21 =	sadd.s32 s7, s19;
	[tilespmem:s22+$0x16420] =	vst v4;
	v4 =	vadd.f32 v8, v19  }
0x384: {  	s20 =	sshll.u32 s21, $0x9;
	v1 =	vadd.f32 v5, v1;
	[tilespmem:s22+$0x16450] =	vst v0  }
0x385: {  	s20 =	sand.u32 $0x1FFFFE00, s20;
	[tilespmem:s22+$0x16440] =	vst v4  }
0x386: {  	s21 =	sadd.s32 s6, s20;
	[tilespmem:s22+$0x16460] =	vst v1;
	s22 =	simm.s32 $0x0  }
0x387: {  	[hbm4b:s21+s22] =	stream.linear.scatter [tilespmem:s31], [sflag:$0x5], $0x1000, $0x38;
	[tilespmem:$0x18400] =	vst v63  }
0x388: {  	s20 =	sadd.s32 s8, s20  }
0x389: {  	[hbm4b:s20+s22] =	stream.linear.scatter [tilespmem:s25], [sflag:$0x5], $0x1000, $0x38;
	[tilespmem:$0x18400] =	vst v63  }
0x38a: {  	_ =	swait.ge [sflag:s26], $0x1000  }
0x38b: {  	[sflag:s26] =	ssyncset.done $0x0  }
0x38c: {  	s19 =	sadd.s32 s19, s13;
	[sflag:s26] =	ssyncadd.s32 $0xFFFFF000  }
0x38d: {  	s21 =	sshll.u32 s19, $0x2;
	_ =	swait.ge [sflag:s26], $0x1000  }
0x38e: {  	s20 =	sand.u32 $0x1FFFFFFC, s21;
	[sflag:s26] =	ssyncset.done $0x0  }
0x38f: {  	s20 =	sadd.s32 s5, s20;
	[sflag:s26] =	ssyncadd.s32 $0xFFFFF000  }
0x390: {  	[tilespmem:s28], [sflag:$0x7] =	stream.linear.gather [hbm4b:s20+s22], $0x20, $0x38;
	[tilespmem:$0x18400] =	vst v63  }
0x391: {  	s19 =	smul.u32 $0x28, s19;
	_ =	swait.ge [sflag:s29], $0x20  }
0x392: {  	[sflag:s29] =	ssyncset.done $0x0  }
0x393: {  	s19 =	sadd.s32 s3, s19;
	[sflag:s29] =	ssyncadd.s32 $0xFFFFFFE0  }
0x394: {  	[tilespmem:s22], [sflag:$0x7] =	stream.linear.gather [hbm4b:s19+s22], $0x140, $0x38;
	[tilespmem:$0x18400] =	vst v63  }
0x395: {  	_ =	swait.ge [sflag:s29], $0x140  }
0x396: {  	[sflag:s29] =	ssyncset.done $0x0  }
0x397: {  	[sflag:s29] =	ssyncadd.s32 $0xFFFFFEC0  }
0x398: {  	[tilespmem:s31], [sflag:$0x3] =	stream.indirect.gather [hbm4b:s1+s30], $0x80, s28, s30, $0xb8;
	[tilespmem:$0x18400] =	vst v63  }
0x399: {  	s21 =	simm.s32 $0x400  }
0x39a: {  	[tilespmem:s21], [sflag:$0x1] =	stream.indirect.gather [hbm4b:s1+s0], $0x80, s22, s0, $0xb8;
	[tilespmem:$0x18400] =	vst v63  }
0x39b: {  	s20 =	simm.s32 $0x3800  }
0x39c: {  	[tilespmem:s20], [sflag:$0x1] =	stream.indirect.gather [hbm4b:s1+s0], $0x80, s0, s0, $0xb8;
	[tilespmem:$0x18400] =	vst v63  }
0x39d: {  	s21 =	simm.s32 $0xD0;
	s22 =	simm.s32 $0x6C00  }
0x39e: {  	[tilespmem:s22], [sflag:$0x1] =	stream.indirect.gather [hbm4b:s1+s11], $0x80, s21, s11, $0xb8;
	[tilespmem:$0x18400] =	vst v63  }
0x39f: {  	_ =	swait.ge [sflag:s10], $0x1000  }
0x3a0: {  	[sflag:s10] =	ssyncset.done $0x0  }
0x3a1: {  	[sflag:s10] =	ssyncadd.s32 $0xFFFFF000  }
0x3a2: {  	_ =	swait.ge [sflag:s2], $0x3400  }
0x3a3: {  	[sflag:s2] =	ssyncset.done $0x0  }
0x3a4: {  	[sflag:s2] =	ssyncadd.s32 $0xFFFFCC00  }
0x3a5: {  	_ =	swait.ge [sflag:s2], $0x3400  }
0x3a6: {  	[sflag:s2] =	ssyncset.done $0x0  }
0x3a7: {  	[sflag:s2] =	ssyncadd.s32 $0xFFFFCC00  }
0x3a8: {  	_ =	swait.ge [sflag:s2], $0x3800  }
0x3a9: {  	[sflag:s2] =	ssyncset.done $0x0  }
0x3aa: {  	s19 =	simm.s32 $0x0;
	[sflag:s2] =	ssyncadd.s32 $0xFFFFC800  }
0x3ab: {  	v0 =	vld [tilespmem:s19+$0xA470]  }
0x3ac: {  	v1 =	vld [tilespmem:s19+$0xB470]  }
0x3ad: {  	v2 =	vld [tilespmem:s19+$0xC470]  }
0x3ae: {  	v3 =	vld [tilespmem:s19+$0xD470]  }
0x3af: {  	v4 =	vld [tilespmem:s19+$0xE470]  }
0x3b0: {  	v5 =	vld [tilespmem:s19+$0xF470]  }
0x3b1: {  	v6 =	vld [tilespmem:s19+$0x10470]  }
0x3b2: {  	v7 =	vld [tilespmem:s19+$0x11470]  }
0x3b3: {  	v8 =	vld [tilespmem:s19+$0xA400]  }
0x3b4: {  	v9 =	vld [tilespmem:s19+$0xB400]  }
0x3b5: {  	v49 =	vld [tilespmem:s19+$0x12470]  }
0x3b6: {  	v50 =	vld [tilespmem:s19+$0x13470]  }
0x3b7: {  	v10 =	vld [tilespmem:s19+$0xA410]  }
0x3b8: {  	v11 =	vld [tilespmem:s19+$0xC410]  }
0x3b9: {  	v12 =	vld [tilespmem:s19+$0xE410]  }
0x3ba: {  	v51 =	vld [tilespmem:s19+$0xF410]  }
0x3bb: {  	v52 =	vld [tilespmem:s19+$0x10410]  }
0x3bc: {  	v53 =	vld [tilespmem:s19+$0x11410]  }
0x3bd: {  	v54 =	vld [tilespmem:s19+$0xA420]  }
0x3be: {  	v55 =	vld [tilespmem:s19+$0xB420]  }
0x3bf: {  	v56 =	vld [tilespmem:s19+$0xC420]  }
0x3c0: {  	v57 =	vld [tilespmem:s19+$0xD420]  }
0x3c1: {  	v58 =	vld [tilespmem:s19+$0xE420]  }
0x3c2: {  	v59 =	vld [tilespmem:s19+$0xF420]  }
0x3c3: {  	v60 =	vld [tilespmem:s19+$0x10420]  }
0x3c4: {  	v61 =	vld [tilespmem:s19+$0x11420]  }
0x3c5: {  	v24 =	vld [tilespmem:s19+$0xA430]  }
0x3c6: {  	v62 =	vld [tilespmem:s19+$0xB430]  }
0x3c7: {  	v26 =	vld [tilespmem:s19+$0xC430]  }
0x3c8: {  	v63 =	vld [tilespmem:s19+$0xD430]  }
0x3c9: {  	v28 =	vld [tilespmem:s19+$0xE430]  }
0x3ca: {  	v29 =	vld [tilespmem:s19+$0xF430]  }
0x3cb: {  	v30 =	vld [tilespmem:s19+$0x10430]  }
0x3cc: {  	v31 =	vld [tilespmem:s19+$0x11430]  }
0x3cd: {  	v32 =	vld [tilespmem:s19+$0xA440]  }
0x3ce: {  	v48 =	vld [tilespmem:s19+$0xB440]  }
0x3cf: {  	v36 =	vld [tilespmem:s19+$0xE440]  }
0x3d0: {  	v37 =	vld [tilespmem:s19+$0xF440]  }
0x3d1: {  	v38 =	vld [tilespmem:s19+$0x10440]  }
0x3d2: {  	v39 =	vld [tilespmem:s19+$0x11440]  }
0x3d3: {  	v40 =	vld [tilespmem:s19+$0xA450]  }
0x3d4: {  	v41 =	vld [tilespmem:s19+$0xB450]  }
0x3d5: {  	v42 =	vld [tilespmem:s19+$0xC450]  }
0x3d6: {  	v43 =	vld [tilespmem:s19+$0xD450]  }
0x3d7: {  	v44 =	vld [tilespmem:s19+$0xE450]  }
0x3d8: {  	v45 =	vld [tilespmem:s19+$0xF450]  }
0x3d9: {  	v46 =	vld [tilespmem:s19+$0x10450]  }
0x3da: {  	v27 =	vld [tilespmem:s19+$0x12420]  }
0x3db: {  	v0 =	vadd.f32 v1, v0;
	v1 =	vadd.f32 v3, v2;
	v2 =	vld [tilespmem:s19+$0xC400]  }
0x3dc: {  	v3 =	vadd.f32 v5, v4;
	v5 =	vld [tilespmem:s19+$0xD400]  }
0x3dd: {  	v4 =	vadd.f32 v7, v6;
	v6 =	vld [tilespmem:s19+$0xE400]  }
0x3de: {  	v7 =	vadd.f32 v50, v49;
	v49 =	vld [tilespmem:s19+$0xC440]  }
0x3df: {  	v50 =	vld [tilespmem:s19+$0xD440];
	v52 =	vadd.f32 v53, v52  }
0x3e0: {  	v53 =	vadd.f32 v55, v54;
	v54 =	vadd.f32 v57, v56;
	v57 =	vld [tilespmem:s19+$0x12400]  }
0x3e1: {  	v55 =	vadd.f32 v59, v58;
	v58 =	vld [tilespmem:s19+$0x13400]  }
0x3e2: {  	v56 =	vadd.f32 v61, v60;
	v61 =	vld [tilespmem:s19+$0x12410]  }
0x3e3: {  	v8 =	vadd.f32 v9, v8;
	v62 =	vadd.f32 v62, v24;
	v24 =	vld [tilespmem:s19+$0x13410]  }
0x3e4: {  	v51 =	vadd.f32 v51, v12;
	v25 =	vadd.f32 v29, v28;
	v28 =	vld [tilespmem:s19+$0x13420]  }
0x3e5: {  	v63 =	vadd.f32 v63, v26;
	v26 =	vadd.f32 v31, v30;
	v31 =	vld [tilespmem:s19+$0x12430]  }
0x3e6: {  	v33 =	vadd.f32 v48, v32;
	v48 =	vld [tilespmem:s19+$0x13430];
	v0 =	vadd.f32 v1, v0  }
0x3e7: {  	v1 =	vadd.f32 v4, v3;
	v3 =	vld [tilespmem:s19+$0xF400];
	v59 =	vadd.f32 v54, v53  }
0x3e8: {  	v4 =	vld [tilespmem:s19+$0x10400];
	v60 =	vadd.f32 v56, v55;
	v29 =	vadd.f32 v63, v62  }
0x3e9: {  	v30 =	vadd.f32 v26, v25;
	v53 =	vadd.f32 v39, v38;
	v54 =	vld [tilespmem:s19+$0x12450]  }
0x3ea: {  	v55 =	vadd.f32 v41, v40;
	v0 =	vadd.f32 v1, v0;
	v1 =	vld [tilespmem:s19+$0x11400]  }
0x3eb: {  	v56 =	vld [tilespmem:s19+$0x13450];
	v12 =	vadd.f32 v30, v29;
	v2 =	vadd.f32 v5, v2  }
0x3ec: {  	v5 =	vld [tilespmem:s19+$0xA460];
	v9 =	vadd.f32 v58, v57;
	v0 =	vadd.f32 v7, v0  }
0x3ed: {  	v49 =	vadd.f32 v50, v49;
	v13 =	vadd.f32 v24, v61;
	v7 =	vld [tilespmem:s19+$0xB410]  }
0x3ee: {  	v57 =	vadd.f32 v43, v42;
	v58 =	vadd.f32 v45, v44;
	[tilespmem:s19+$0x17470] =	vst v0;
	v0 =	vld [tilespmem:s19+$0xD410]  }
0x3ef: {  	v16 =	vadd.f32 v48, v31;
	v1 =	vadd.f32 v1, v4;
	v4 =	vld [tilespmem:s19+$0xB460]  }
0x3f0: {  	v47 =	vld [tilespmem:s19+$0x11450];
	v3 =	vadd.f32 v3, v6;
	v2 =	vadd.f32 v2, v8  }
0x3f1: {  	v6 =	vld [tilespmem:s19+$0xC460];
	v15 =	vadd.f32 v49, v33;
	v62 =	vadd.f32 v56, v54  }
0x3f2: {  	v1 =	vadd.f32 v1, v3;
	v3 =	vld [tilespmem:s19+$0xD460];
	v7 =	vadd.f32 v7, v10  }
0x3f3: {  	v14 =	vld [tilespmem:s19+$0x11460];
	v10 =	vadd.f32 v28, v27;
	v0 =	vadd.f32 v0, v11  }
0x3f4: {  	v8 =	vld [tilespmem:s19+$0xE460];
	v1 =	vadd.f32 v1, v2;
	v4 =	vadd.f32 v4, v5  }
0x3f5: {  	v2 =	vld [tilespmem:s19+$0xF460];
	v0 =	vadd.f32 v0, v7;
	v7 =	vadd.f32 v52, v51  }
0x3f6: {  	v50 =	vld [tilespmem:s19+$0x12440];
	v1 =	vadd.f32 v9, v1;
	v52 =	vadd.f32 v37, v36  }
0x3f7: {  	v11 =	vld [tilespmem:s19+$0x10460];
	v3 =	vadd.f32 v3, v6;
	v6 =	vadd.f32 v16, v12  }
0x3f8: {  	v51 =	vld [tilespmem:s19+$0x13440];
	v0 =	vadd.f32 v7, v0;
	v7 =	vadd.f32 v60, v59  }
0x3f9: {  	[tilespmem:s19+$0x17400] =	vst v1;
	v1 =	vadd.f32 v53, v52;
	v60 =	vadd.f32 v47, v46  }
0x3fa: {  	v5 =	vadd.f32 v2, v8;
	v0 =	vadd.f32 v13, v0  }
0x3fb: {  	v59 =	vld [tilespmem:s19+$0x12460];
	v15 =	vadd.f32 v1, v15;
	v1 =	vadd.f32 v10, v7  }
0x3fc: {  	s21 =	simm.s32 $0x80;
	v8 =	vadd.f32 v14, v11;
	v13 =	vadd.f32 v57, v55;
	v7 =	vld [tilespmem:s19+$0x13460];
	[tilespmem:s19+$0x17410] =	vst v0  }
0x3fd: {  	v10 =	vadd.f32 v60, v58;
	v9 =	vadd.f32 v51, v50;
	v0 =	vld [tilespmem:s21+$0xA470];
	[tilespmem:s19+$0x17420] =	vst v1  }
0x3fe: {  	v61 =	vadd.f32 v3, v4;
	v5 =	vadd.f32 v8, v5;
	v1 =	vld [tilespmem:s21+$0xB470]  }
0x3ff: {  	v8 =	vadd.f32 v10, v13;
	v2 =	vld [tilespmem:s21+$0xC470];
	[tilespmem:s19+$0x17430] =	vst v6;
	v6 =	vadd.f32 v9, v15  }
0x400: {  	v63 =	vadd.f32 v5, v61;
	v3 =	vld [tilespmem:s21+$0xD470]  }
0x401: {  	v8 =	vadd.f32 v62, v8;
	v4 =	vld [tilespmem:s21+$0xE470];
	v7 =	vadd.f32 v7, v59;
	[tilespmem:s19+$0x17440] =	vst v6  }
0x402: {  	v5 =	vld [tilespmem:s21+$0xF470]  }
0x403: {  	s20 =	simm.s32 $0x400;
	v6 =	vld [tilespmem:s21+$0x10470];
	[tilespmem:s19+$0x17450] =	vst v8;
	v7 =	vadd.f32 v7, v63  }
.LBB2_9:
0x404: {  	p0 =	sne.s32 s20, $0x3E00;
	v8 =	vld [tilespmem:s21+$0x11470]  }
0x405: {  	v9 =	vld [tilespmem:s21+$0xA400];
	[tilespmem:s19+$0x17460] =	vst v7;
	s19 =	smov.u32 s21  }
0x406: {  	v7 =	vld [tilespmem:s19+$0xB400]  }
0x407: {  	v10 =	vld [tilespmem:s19+$0x12470]  }
0x408: {  	v0 =	vadd.f32 v1, v0;
	v1 =	vadd.f32 v3, v2;
	v11 =	vld [tilespmem:s19+$0x13470]  }
0x409: {  	v3 =	vadd.f32 v5, v4;
	v2 =	vld [tilespmem:s19+$0xC400];
	v4 =	vadd.f32 v8, v6  }
0x40a: {  	v5 =	vld [tilespmem:s19+$0xD400]  }
0x40b: {  	v0 =	vadd.f32 v1, v0;
	v6 =	vld [tilespmem:s19+$0xE400];
	v1 =	vadd.f32 v4, v3  }
0x40c: {  	v4 =	vadd.f32 v7, v9;
	v3 =	vld [tilespmem:s19+$0xF400]  }
0x40d: {  	v7 =	vld [tilespmem:s19+$0x10400];
	v8 =	vadd.f32 v11, v10;
	v0 =	vadd.f32 v1, v0  }
0x40e: {  	v1 =	vld [tilespmem:s19+$0x11400]  }
0x40f: {  	v2 =	vadd.f32 v5, v2;
	v5 =	vld [tilespmem:s19+$0xA410];
	v0 =	vadd.f32 v8, v0  }
0x410: {  	v8 =	vld [tilespmem:s19+$0xB410]  }
0x411: {  	v3 =	vadd.f32 v3, v6;
	v2 =	vadd.f32 v2, v4;
	v4 =	vld [tilespmem:s19+$0xC410];
	[tilespmem:s19+$0x17470] =	vst v0  }
0x412: {  	v6 =	vld [tilespmem:s19+$0xD410]  }
0x413: {  	v0 =	vadd.f32 v1, v7;
	v1 =	vld [tilespmem:s19+$0xE410]  }
0x414: {  	v7 =	vld [tilespmem:s19+$0xF410]  }
0x415: {  	v0 =	vadd.f32 v0, v3;
	v3 =	vld [tilespmem:s19+$0x10410];
	v5 =	vadd.f32 v8, v5  }
0x416: {  	v8 =	vld [tilespmem:s19+$0x11410]  }
0x417: {  	v0 =	vadd.f32 v0, v2;
	v2 =	vadd.f32 v6, v4;
	v4 =	vld [tilespmem:s19+$0xA420]  }
0x418: {  	v6 =	vld [tilespmem:s19+$0xB420]  }
0x419: {  	v1 =	vadd.f32 v7, v1;
	v2 =	vadd.f32 v2, v5;
	v5 =	vld [tilespmem:s19+$0xC420]  }
0x41a: {  	v7 =	vld [tilespmem:s19+$0xD420]  }
0x41b: {  	v3 =	vadd.f32 v8, v3;
	v8 =	vld [tilespmem:s19+$0xE420]  }
0x41c: {  	v9 =	vld [tilespmem:s19+$0xF420]  }
0x41d: {  	v1 =	vadd.f32 v3, v1;
	v3 =	vld [tilespmem:s19+$0x10420];
	v4 =	vadd.f32 v6, v4  }
0x41e: {  	v6 =	vld [tilespmem:s19+$0x11420]  }
0x41f: {  	v1 =	vadd.f32 v1, v2;
	v2 =	vadd.f32 v7, v5;
	v5 =	vld [tilespmem:s19+$0xA430]  }
0x420: {  	v7 =	vld [tilespmem:s19+$0xB430]  }
0x421: {  	v8 =	vadd.f32 v9, v8;
	v2 =	vadd.f32 v2, v4;
	v4 =	vld [tilespmem:s19+$0xC430]  }
0x422: {  	v9 =	vld [tilespmem:s19+$0xD430]  }
0x423: {  	v3 =	vadd.f32 v6, v3;
	v6 =	vld [tilespmem:s19+$0xE430]  }
0x424: {  	v10 =	vld [tilespmem:s19+$0xF430]  }
0x425: {  	v3 =	vadd.f32 v3, v8;
	v8 =	vld [tilespmem:s19+$0x10430];
	v5 =	vadd.f32 v7, v5  }
0x426: {  	v7 =	vld [tilespmem:s19+$0x11430]  }
0x427: {  	v2 =	vadd.f32 v3, v2;
	v3 =	vadd.f32 v9, v4;
	v4 =	vld [tilespmem:s19+$0xA440]  }
0x428: {  	v9 =	vld [tilespmem:s19+$0xB440]  }
0x429: {  	v6 =	vadd.f32 v10, v6;
	v3 =	vadd.f32 v3, v5;
	v5 =	vld [tilespmem:s19+$0xC440]  }
0x42a: {  	v10 =	vld [tilespmem:s19+$0xD440]  }
0x42b: {  	v7 =	vadd.f32 v7, v8;
	v8 =	vld [tilespmem:s19+$0xE440]  }
0x42c: {  	v11 =	vld [tilespmem:s19+$0xF440]  }
0x42d: {  	v6 =	vadd.f32 v7, v6;
	v7 =	vld [tilespmem:s19+$0x10440];
	v4 =	vadd.f32 v9, v4  }
0x42e: {  	v9 =	vld [tilespmem:s19+$0x11440]  }
0x42f: {  	v3 =	vadd.f32 v6, v3;
	v5 =	vadd.f32 v10, v5;
	v6 =	vld [tilespmem:s19+$0xA450]  }
0x430: {  	v10 =	vld [tilespmem:s19+$0xB450]  }
0x431: {  	v8 =	vadd.f32 v11, v8;
	v4 =	vadd.f32 v5, v4;
	v5 =	vld [tilespmem:s19+$0xC450]  }
0x432: {  	v11 =	vld [tilespmem:s19+$0xD450]  }
0x433: {  	v7 =	vadd.f32 v9, v7;
	v9 =	vld [tilespmem:s19+$0xE450]  }
0x434: {  	v12 =	vld [tilespmem:s19+$0xF450]  }
0x435: {  	v7 =	vadd.f32 v7, v8;
	v8 =	vld [tilespmem:s19+$0x10450];
	v6 =	vadd.f32 v10, v6  }
0x436: {  	v10 =	vld [tilespmem:s19+$0x11450]  }
0x437: {  	v4 =	vadd.f32 v7, v4;
	v5 =	vadd.f32 v11, v5;
	v7 =	vld [tilespmem:s19+$0xA460]  }
0x438: {  	v11 =	vld [tilespmem:s19+$0xB460]  }
0x439: {  	v9 =	vadd.f32 v12, v9;
	v5 =	vadd.f32 v5, v6;
	v6 =	vld [tilespmem:s19+$0xC460]  }
0x43a: {  	v12 =	vld [tilespmem:s19+$0xD460]  }
0x43b: {  	v8 =	vadd.f32 v10, v8;
	v10 =	vld [tilespmem:s19+$0xE460]  }
0x43c: {  	v13 =	vld [tilespmem:s19+$0xF460]  }
0x43d: {  	v8 =	vadd.f32 v8, v9;
	v9 =	vld [tilespmem:s19+$0x10460];
	v7 =	vadd.f32 v11, v7  }
0x43e: {  	v11 =	vld [tilespmem:s19+$0x11460]  }
0x43f: {  	v14 =	vld [tilespmem:s19+$0x12400];
	v5 =	vadd.f32 v8, v5;
	v6 =	vadd.f32 v12, v6  }
0x440: {  	v8 =	vld [tilespmem:s19+$0x13400]  }
0x441: {  	v12 =	vld [tilespmem:s19+$0x12410];
	v10 =	vadd.f32 v13, v10;
	v6 =	vadd.f32 v6, v7  }
0x442: {  	v7 =	vld [tilespmem:s19+$0x13410]  }
0x443: {  	v13 =	vld [tilespmem:s19+$0x12420];
	v9 =	vadd.f32 v11, v9  }
0x444: {  	v11 =	vld [tilespmem:s19+$0x13420]  }
0x445: {  	v8 =	vadd.f32 v8, v14;
	v14 =	vld [tilespmem:s19+$0x12430];
	v9 =	vadd.f32 v9, v10  }
0x446: {  	v10 =	vld [tilespmem:s19+$0x13430]  }
0x447: {  	v7 =	vadd.f32 v7, v12;
	v12 =	vld [tilespmem:s19+$0x12440];
	v9 =	vadd.f32 v9, v6  }
0x448: {  	v0 =	vadd.f32 v8, v0;
	v6 =	vld [tilespmem:s19+$0x13440]  }
0x449: {  	v1 =	vadd.f32 v7, v1;
	v7 =	vadd.f32 v11, v13;
	v8 =	vld [tilespmem:s19+$0x12450]  }
0x44a: {  	[tilespmem:s19+$0x17400] =	vst v0;
	v11 =	vld [tilespmem:s19+$0x13450]  }
0x44b: {  	[tilespmem:s19+$0x17410] =	vst v1;
	v1 =	vadd.f32 v7, v2;
	v2 =	vadd.f32 v10, v14;
	v7 =	vld [tilespmem:s19+$0x12460]  }
0x44c: {  	s21 =	sshra.s32 s20, $0x2;
	v10 =	vld [tilespmem:s19+$0x13460]  }
0x44d: {  	v0 =	vld [tilespmem:s21+$0xA470];
	[tilespmem:s19+$0x17420] =	vst v1;
	v3 =	vadd.f32 v2, v3;
	v6 =	vadd.f32 v6, v12  }
0x44e: {  	v1 =	vld [tilespmem:s21+$0xB470]  }
.Ltmp3:
0x44f: {  	v2 =	vld [tilespmem:s21+$0xC470];
	[tilespmem:s19+$0x17430] =	vst v3;
	v6 =	vadd.f32 v6, v4;
	v8 =	vadd.f32 v11, v8;
	(pc) =	sbr.rel @p0 .LBB2_9-.Ltmp3, $4  }
0x450: {  	v3 =	vld [tilespmem:s21+$0xD470]  }
0x451: {  	v4 =	vld [tilespmem:s21+$0xE470];
	[tilespmem:s19+$0x17440] =	vst v6;
	v8 =	vadd.f32 v8, v5;
	v7 =	vadd.f32 v10, v7  }
0x452: {  	v5 =	vld [tilespmem:s21+$0xF470]  }
0x453: {  	s20 =	sadd.s32 $0x200, s20;
	v6 =	vld [tilespmem:s21+$0x10470];
	[tilespmem:s19+$0x17450] =	vst v8;
	v7 =	vadd.f32 v7, v9  }
0x454: {  	v8 =	vld [tilespmem:s21+$0x11470]  }
0x455: {  	v9 =	vld [tilespmem:s21+$0xA400];
	[tilespmem:s19+$0x17460] =	vst v7  }
0x456: {  	v7 =	vld [tilespmem:s21+$0xB400]  }
0x457: {  	v10 =	vld [tilespmem:s21+$0x12470]  }
0x458: {  	v11 =	vld [tilespmem:s21+$0x13470]  }
0x459: {  	v50 =	vld [tilespmem:s21+$0xC400]  }
0x45a: {  	v53 =	vld [tilespmem:s21+$0xD400]  }
0x45b: {  	v54 =	vld [tilespmem:s21+$0xE400]  }
0x45c: {  	v56 =	vld [tilespmem:s21+$0xF400]  }
0x45d: {  	v57 =	vld [tilespmem:s21+$0x10400]  }
0x45e: {  	v59 =	vld [tilespmem:s21+$0x11400]  }
0x45f: {  	v60 =	vld [tilespmem:s21+$0xA410]  }
0x460: {  	v61 =	vld [tilespmem:s21+$0xB410]  }
0x461: {  	v62 =	vld [tilespmem:s21+$0xC410]  }
0x462: {  	v63 =	vld [tilespmem:s21+$0xD410]  }
0x463: {  	v12 =	vld [tilespmem:s21+$0xE410]  }
0x464: {  	v13 =	vld [tilespmem:s21+$0xF410]  }
0x465: {  	v14 =	vld [tilespmem:s21+$0x10410]  }
0x466: {  	v15 =	vld [tilespmem:s21+$0x11410]  }
0x467: {  	v16 =	vld [tilespmem:s21+$0xA420]  }
0x468: {  	v17 =	vld [tilespmem:s21+$0xB420]  }
0x469: {  	v18 =	vld [tilespmem:s21+$0xC420]  }
0x46a: {  	v19 =	vld [tilespmem:s21+$0xD420]  }
0x46b: {  	v20 =	vld [tilespmem:s21+$0xE420]  }
0x46c: {  	v21 =	vld [tilespmem:s21+$0xF420]  }
0x46d: {  	v22 =	vld [tilespmem:s21+$0x10420]  }
0x46e: {  	v23 =	vld [tilespmem:s21+$0x11420]  }
0x46f: {  	v24 =	vld [tilespmem:s21+$0xA430]  }
0x470: {  	v25 =	vld [tilespmem:s21+$0xB430]  }
0x471: {  	v26 =	vld [tilespmem:s21+$0xC430]  }
0x472: {  	v27 =	vld [tilespmem:s21+$0xD430]  }
0x473: {  	v28 =	vld [tilespmem:s21+$0xE430]  }
0x474: {  	v29 =	vld [tilespmem:s21+$0xF430]  }
0x475: {  	v30 =	vld [tilespmem:s21+$0x10430]  }
0x476: {  	v31 =	vld [tilespmem:s21+$0x11430]  }
0x477: {  	v32 =	vld [tilespmem:s21+$0xA440]  }
0x478: {  	v33 =	vld [tilespmem:s21+$0xB440]  }
0x479: {  	v34 =	vld [tilespmem:s21+$0xC440]  }
0x47a: {  	v35 =	vld [tilespmem:s21+$0xD440]  }
0x47b: {  	v36 =	vld [tilespmem:s21+$0xE440]  }
0x47c: {  	v37 =	vld [tilespmem:s21+$0xF440]  }
0x47d: {  	v38 =	vld [tilespmem:s21+$0x10440]  }
0x47e: {  	v39 =	vld [tilespmem:s21+$0x11440]  }
0x47f: {  	v40 =	vld [tilespmem:s21+$0xA450]  }
0x480: {  	v0 =	vadd.f32 v1, v0;
	v49 =	vadd.f32 v3, v2;
	v41 =	vld [tilespmem:s21+$0xB450]  }
0x481: {  	v42 =	vld [tilespmem:s21+$0xC450];
	v51 =	vadd.f32 v5, v4;
	v52 =	vadd.f32 v8, v6  }
0x482: {  	v43 =	vld [tilespmem:s21+$0xD450]  }
0x483: {  	v44 =	vld [tilespmem:s21+$0xE450];
	v0 =	vadd.f32 v49, v0;
	v55 =	vadd.f32 v52, v51  }
0x484: {  	v46 =	vld [tilespmem:s21+$0x13430];
	v58 =	vadd.f32 v11, v10;
	v7 =	vadd.f32 v7, v9  }
0x485: {  	v5 =	vld [tilespmem:s21+$0xF450];
	v2 =	vadd.f32 v53, v50;
	v3 =	vadd.f32 v56, v54  }
0x486: {  	v4 =	vld [tilespmem:s21+$0x10450];
	v1 =	vadd.f32 v59, v57;
	v47 =	vadd.f32 v61, v60  }
0x487: {  	v6 =	vld [tilespmem:s21+$0x11450];
	v48 =	vadd.f32 v13, v12;
	v49 =	vadd.f32 v15, v14  }
0x488: {  	v8 =	vld [tilespmem:s21+$0xB460];
	v50 =	vadd.f32 v17, v16;
	v51 =	vadd.f32 v19, v18  }
0x489: {  	v52 =	vadd.f32 v21, v20;
	v53 =	vadd.f32 v23, v22;
	v9 =	vld [tilespmem:s21+$0x10460]  }
0x48a: {  	v57 =	vld [tilespmem:s21+$0x11460];
	v60 =	vadd.f32 v27, v26;
	v5 =	vadd.f32 v5, v44  }
0x48b: {  	v59 =	vld [tilespmem:s21+$0x12400];
	v0 =	vadd.f32 v55, v0;
	v2 =	vadd.f32 v2, v7  }
0x48c: {  	v61 =	vld [tilespmem:s21+$0x13400];
	v1 =	vadd.f32 v1, v3;
	v54 =	vadd.f32 v49, v48  }
0x48d: {  	v11 =	vld [tilespmem:s21+$0xD460];
	v55 =	vadd.f32 v51, v50;
	v56 =	vadd.f32 v53, v52  }
0x48e: {  	v14 =	vld [tilespmem:s21+$0xE460];
	v50 =	vadd.f32 v43, v42;
	v4 =	vadd.f32 v6, v4  }
0x48f: {  	v17 =	vld [tilespmem:s21+$0xF460];
	v0 =	vadd.f32 v58, v0;
	v1 =	vadd.f32 v1, v2  }
0x490: {  	v3 =	vld [tilespmem:s21+$0xA460];
	v58 =	vadd.f32 v25, v24;
	v10 =	vadd.f32 v56, v55  }
0x491: {  	v51 =	vld [tilespmem:s21+$0x12450];
	v45 =	vadd.f32 v61, v59;
	v55 =	vadd.f32 v57, v9  }
0x492: {  	v53 =	vld [tilespmem:s21+$0x13450];
	v4 =	vadd.f32 v4, v5;
	[tilespmem:s21+$0x17470] =	vst v0;
	v0 =	vadd.f32 v63, v62  }
0x493: {  	v48 =	vld [tilespmem:s21+$0x12440];
	v62 =	vadd.f32 v29, v28;
	v63 =	vadd.f32 v31, v30  }
0x494: {  	v49 =	vld [tilespmem:s21+$0x13440];
	v29 =	vadd.f32 v33, v32;
	v30 =	vadd.f32 v35, v34  }
0x495: {  	v2 =	vld [tilespmem:s21+$0xC460];
	v32 =	vadd.f32 v37, v36;
	v33 =	vadd.f32 v39, v38  }
0x496: {  	v57 =	vld [tilespmem:s21+$0x12460];
	v7 =	vadd.f32 v60, v58;
	v1 =	vadd.f32 v45, v1  }
0x497: {  	v59 =	vld [tilespmem:s21+$0x13460];
	v52 =	vadd.f32 v8, v3;
	v3 =	vadd.f32 v53, v51  }
0x498: {  	v28 =	vld [tilespmem:s21+$0x12410];
	v0 =	vadd.f32 v0, v47;
	v35 =	vadd.f32 v63, v62  }
0x499: {  	v31 =	vld [tilespmem:s21+$0x13410];
	v37 =	vadd.f32 v30, v29;
	v38 =	vadd.f32 v33, v32  }
0x49a: {  	v39 =	vld [tilespmem:s21+$0x12430];
	v47 =	vadd.f32 v41, v40;
	v62 =	vadd.f32 v49, v48  }
0x49b: {  	v34 =	vld [tilespmem:s21+$0x12420];
	v2 =	vadd.f32 v11, v2;
	v0 =	vadd.f32 v54, v0  }
0x49c: {  	v36 =	vld [tilespmem:s21+$0x13420];
	v7 =	vadd.f32 v35, v7;
	v19 =	vadd.f32 v38, v37  }
0x49d: {  	v54 =	vadd.f32 v17, v14;
	v56 =	vadd.f32 v50, v47  }
0x49e: {  	v5 =	vadd.f32 v59, v57;
	v20 =	vadd.f32 v31, v28  }
0x49f: {  	[tilespmem:s21+$0x17400] =	vst v1;
	v1 =	vadd.f32 v2, v52;
	v61 =	vadd.f32 v46, v39  }
0x4a0: {  	v58 =	vadd.f32 v55, v54;
	v63 =	vadd.f32 v62, v19  }
0x4a1: {  	v60 =	vadd.f32 v36, v34;
	v0 =	vadd.f32 v20, v0  }
0x4a2: {  	v2 =	vadd.f32 v61, v7;
	v1 =	vadd.f32 v58, v1;
	[tilespmem:s21+$0x17440] =	vst v63  }
0x4a3: {  	[tilespmem:s21+$0x17410] =	vst v0;
	v0 =	vadd.f32 v4, v56;
	v4 =	vadd.f32 v60, v10  }
0x4a4: {  	s14 =	sadd.s32 $0x1, s14;
	[tilespmem:s21+$0x17430] =	vst v2;
	v1 =	vadd.f32 v5, v1  }
0x4a5: {  	s18 =	sshll.u32 s18, $0x9;
	p0 =	sne.s32 s14, $0x17;
	[tilespmem:s21+$0x17420] =	vst v4;
	v0 =	vadd.f32 v3, v0  }
.Ltmp4:
0x4a6: {  	s18 =	sand.u32 $0x1FFFFE00, s18;
	[tilespmem:s21+$0x17460] =	vst v1;
	(pc) =	sbr.rel @p0 .LBB2_6-.Ltmp4, $4  }
0x4a7: {  	s22 =	sadd.s32 s6, s18;
	[tilespmem:s21+$0x17450] =	vst v0  }
0x4a8: {  	[hbm4b:s22+s4] =	stream.linear.scatter [tilespmem:s17], [sflag:$0x6], $0x1000, $0x38;
	[tilespmem:$0x18400] =	vst v63  }
0x4a9: {  	s18 =	sadd.s32 s8, s18  }
0x4aa: {  	[hbm4b:s18+s4] =	stream.linear.scatter [tilespmem:s9], [sflag:$0x6], $0x1000, $0x38;
	[tilespmem:$0x18400] =	vst v63  }
0x4ab: {  	_ =	swait.ge [sflag:s12], $0x1000  }
0x4ac: {  	[sflag:s12] =	ssyncset.done $0x0  }
0x4ad: {  	[sflag:s12] =	ssyncadd.s32 $0xFFFFF000  }
0x4ae: {  	_ =	swait.ge [sflag:s12], $0x1000  }
0x4af: {  	[sflag:s12] =	ssyncset.done $0x0  }
0x4b0: {  	s14 =	simm.s32 $0x0;
	s18 =	rddreg [dreg:$0xe];
	[sflag:s12] =	ssyncadd.s32 $0xFFFFF000  }
0x4b1: {  	[tilespmem:s15], [sflag:$0x7] =	stream.linear.gather [hbm4b:s18+s14], $0x20, $0x38;
	[tilespmem:$0x18400] =	vst v63  }
0x4b2: {  	_ =	swait.ge [sflag:s29], $0x20  }
0x4b3: {  	[sflag:s29] =	ssyncset.done $0x0  }
0x4b4: {  	s22 =	rddreg [dreg:$0x14];
	[sflag:s29] =	ssyncadd.s32 $0xFFFFFFE0  }
0x4b5: {  	[tilespmem:s16], [sflag:$0x7] =	stream.linear.gather [hbm4b:s22+s14], $0x140, $0x38;
	[tilespmem:$0x18400] =	vst v63  }
0x4b6: {  	_ =	swait.ge [sflag:s29], $0x140  }
0x4b7: {  	[sflag:s29] =	ssyncset.done $0x0  }
0x4b8: {  	[sflag:s29] =	ssyncadd.s32 $0xFFFFFEC0  }
0x4b9: {  	[tilespmem:s17], [sflag:$0x4] =	stream.indirect.gather [hbm4b:s1+s30], $0x80, s15, s30, $0xb8;
	[tilespmem:$0x18400] =	vst v63  }
0x4ba: {  	s18 =	simm.s32 $0xA400  }
0x4bb: {  	[tilespmem:s18], [sflag:$0x2] =	stream.indirect.gather [hbm4b:s1+s0], $0x80, s16, s0, $0xb8;
	[tilespmem:$0x18400] =	vst v63  }
0x4bc: {  	s19 =	simm.s32 $0x1E8;
	s20 =	simm.s32 $0xD800  }
0x4bd: {  	[tilespmem:s20], [sflag:$0x2] =	stream.indirect.gather [hbm4b:s1+s0], $0x80, s19, s0, $0xb8;
	[tilespmem:$0x18400] =	vst v63  }
0x4be: {  	s21 =	simm.s32 $0x250;
	s22 =	simm.s32 $0x10C00  }
0x4bf: {  	[tilespmem:s22], [sflag:$0x2] =	stream.indirect.gather [hbm4b:s1+s11], $0x80, s21, s11, $0xb8;
	[tilespmem:$0x18400] =	vst v63  }
0x4c0: {  	_ =	swait.ge [sflag:s23], $0x1000  }
0x4c1: {  	[sflag:s23] =	ssyncset.done $0x0  }
0x4c2: {  	[sflag:s23] =	ssyncadd.s32 $0xFFFFF000  }
0x4c3: {  	_ =	swait.ge [sflag:s24], $0x3400  }
0x4c4: {  	[sflag:s24] =	ssyncset.done $0x0  }
0x4c5: {  	[sflag:s24] =	ssyncadd.s32 $0xFFFFCC00  }
0x4c6: {  	_ =	swait.ge [sflag:s24], $0x3400  }
0x4c7: {  	[sflag:s24] =	ssyncset.done $0x0  }
0x4c8: {  	[sflag:s24] =	ssyncadd.s32 $0xFFFFCC00  }
0x4c9: {  	_ =	swait.ge [sflag:s24], $0x3800  }
0x4ca: {  	[sflag:s24] =	ssyncset.done $0x0  }
0x4cb: {  	s14 =	simm.s32 $0x0;
	[sflag:s24] =	ssyncadd.s32 $0xFFFFC800  }
0x4cc: {  	v0 =	vld [tilespmem:s14+$0x470]  }
0x4cd: {  	v1 =	vld [tilespmem:s14+$0x1470]  }
0x4ce: {  	v2 =	vld [tilespmem:s14+$0x2470]  }
0x4cf: {  	v3 =	vld [tilespmem:s14+$0x3470]  }
0x4d0: {  	v4 =	vld [tilespmem:s14+$0x4470]  }
0x4d1: {  	v5 =	vld [tilespmem:s14+$0x5470]  }
0x4d2: {  	v6 =	vld [tilespmem:s14+$0x6470]  }
0x4d3: {  	v7 =	vld [tilespmem:s14+$0x7470]  }
0x4d4: {  	v8 =	vld [tilespmem:s14+$0x400]  }
0x4d5: {  	v9 =	vld [tilespmem:s14+$0x1400]  }
0x4d6: {  	v10 =	vld [tilespmem:s14+$0x8470]  }
0x4d7: {  	v11 =	vld [tilespmem:s14+$0x9470]  }
0x4d8: {  	v49 =	vld [tilespmem:s14+$0x410]  }
0x4d9: {  	v50 =	vld [tilespmem:s14+$0x2410]  }
0x4da: {  	v12 =	vld [tilespmem:s14+$0x4410]  }
0x4db: {  	v13 =	vld [tilespmem:s14+$0x5410]  }
0x4dc: {  	v14 =	vld [tilespmem:s14+$0x6410]  }
0x4dd: {  	v15 =	vld [tilespmem:s14+$0x7410]  }
0x4de: {  	v16 =	vld [tilespmem:s14+$0x420]  }
0x4df: {  	v17 =	vld [tilespmem:s14+$0x1420]  }
0x4e0: {  	v18 =	vld [tilespmem:s14+$0x2420]  }
0x4e1: {  	v19 =	vld [tilespmem:s14+$0x3420]  }
0x4e2: {  	v20 =	vld [tilespmem:s14+$0x4420]  }
0x4e3: {  	v21 =	vld [tilespmem:s14+$0x5420]  }
0x4e4: {  	v22 =	vld [tilespmem:s14+$0x6420]  }
0x4e5: {  	v23 =	vld [tilespmem:s14+$0x7420]  }
0x4e6: {  	v24 =	vld [tilespmem:s14+$0x430]  }
0x4e7: {  	v25 =	vld [tilespmem:s14+$0x1430]  }
0x4e8: {  	v26 =	vld [tilespmem:s14+$0x2430]  }
0x4e9: {  	v27 =	vld [tilespmem:s14+$0x3430]  }
0x4ea: {  	v28 =	vld [tilespmem:s14+$0x4430]  }
0x4eb: {  	v29 =	vld [tilespmem:s14+$0x5430]  }
0x4ec: {  	v30 =	vld [tilespmem:s14+$0x6430]  }
0x4ed: {  	v31 =	vld [tilespmem:s14+$0x7430]  }
0x4ee: {  	v32 =	vld [tilespmem:s14+$0x440]  }
0x4ef: {  	v33 =	vld [tilespmem:s14+$0x1440]  }
0x4f0: {  	v34 =	vld [tilespmem:s14+$0x2440]  }
0x4f1: {  	v35 =	vld [tilespmem:s14+$0x3440]  }
0x4f2: {  	v36 =	vld [tilespmem:s14+$0x4440]  }
0x4f3: {  	v37 =	vld [tilespmem:s14+$0x5440]  }
0x4f4: {  	v38 =	vld [tilespmem:s14+$0x6440]  }
0x4f5: {  	v39 =	vld [tilespmem:s14+$0x7440]  }
0x4f6: {  	v40 =	vld [tilespmem:s14+$0x450]  }
0x4f7: {  	v41 =	vld [tilespmem:s14+$0x1450]  }
0x4f8: {  	v42 =	vld [tilespmem:s14+$0x2450]  }
0x4f9: {  	v43 =	vld [tilespmem:s14+$0x3450]  }
0x4fa: {  	v44 =	vld [tilespmem:s14+$0x4450]  }
0x4fb: {  	v45 =	vld [tilespmem:s14+$0x5450]  }
0x4fc: {  	v46 =	vld [tilespmem:s14+$0x6450]  }
0x4fd: {  	v57 =	vld [tilespmem:s14+$0x8400]  }
0x4fe: {  	v58 =	vld [tilespmem:s14+$0x9400]  }
0x4ff: {  	v61 =	vld [tilespmem:s14+$0x8410];
	v0 =	vadd.f32 v1, v0;
	v1 =	vadd.f32 v3, v2  }
0x500: {  	v48 =	vld [tilespmem:s14+$0x9430];
	v3 =	vadd.f32 v5, v4;
	v4 =	vadd.f32 v7, v6  }
0x501: {  	v2 =	vld [tilespmem:s14+$0x2400];
	v7 =	vadd.f32 v11, v10;
	v8 =	vadd.f32 v9, v8  }
0x502: {  	v5 =	vld [tilespmem:s14+$0x3400];
	v51 =	vadd.f32 v13, v12;
	v52 =	vadd.f32 v15, v14  }
0x503: {  	v6 =	vld [tilespmem:s14+$0x4400];
	v53 =	vadd.f32 v17, v16;
	v54 =	vadd.f32 v19, v18  }
0x504: {  	v55 =	vadd.f32 v21, v20;
	v62 =	vadd.f32 v25, v24;
	v24 =	vld [tilespmem:s14+$0x9410]  }
0x505: {  	v56 =	vadd.f32 v23, v22;
	v63 =	vadd.f32 v27, v26;
	v27 =	vld [tilespmem:s14+$0x8420]  }
0x506: {  	v25 =	vadd.f32 v29, v28;
	v26 =	vadd.f32 v31, v30;
	v28 =	vld [tilespmem:s14+$0x9420]  }
0x507: {  	v31 =	vld [tilespmem:s14+$0x8430];
	v33 =	vadd.f32 v33, v32;
	v9 =	vadd.f32 v58, v57  }
0x508: {  	v0 =	vadd.f32 v1, v0;
	v1 =	vadd.f32 v4, v3;
	v3 =	vld [tilespmem:s14+$0x5400]  }
0x509: {  	v57 =	vadd.f32 v43, v42;
	v58 =	vadd.f32 v45, v44;
	v4 =	vld [tilespmem:s14+$0x6400]  }
0x50a: {  	v59 =	vadd.f32 v54, v53;
	v60 =	vadd.f32 v56, v55;
	v54 =	vld [tilespmem:s14+$0x8450]  }
0x50b: {  	v29 =	vadd.f32 v63, v62;
	v0 =	vadd.f32 v1, v0;
	v1 =	vld [tilespmem:s14+$0x7400]  }
0x50c: {  	v30 =	vadd.f32 v26, v25;
	v53 =	vadd.f32 v39, v38;
	v56 =	vld [tilespmem:s14+$0x9450]  }
0x50d: {  	v2 =	vadd.f32 v5, v2;
	v5 =	vld [tilespmem:s14+$0x460];
	v0 =	vadd.f32 v7, v0  }
0x50e: {  	v55 =	vadd.f32 v41, v40;
	v12 =	vadd.f32 v30, v29;
	v7 =	vld [tilespmem:s14+$0x1410]  }
0x50f: {  	v13 =	vadd.f32 v24, v61;
	v10 =	vadd.f32 v28, v27;
	[tilespmem:s14+$0x16470] =	vst v0;
	v0 =	vld [tilespmem:s14+$0x3410]  }
0x510: {  	v3 =	vadd.f32 v3, v6;
	v1 =	vadd.f32 v1, v4;
	v4 =	vld [tilespmem:s14+$0x1460]  }
0x511: {  	v47 =	vld [tilespmem:s14+$0x7450];
	v16 =	vadd.f32 v48, v31;
	v2 =	vadd.f32 v2, v8  }
0x512: {  	v6 =	vld [tilespmem:s14+$0x2460];
	v62 =	vadd.f32 v56, v54;
	v1 =	vadd.f32 v1, v3  }
0x513: {  	v3 =	vld [tilespmem:s14+$0x3460];
	v7 =	vadd.f32 v7, v49;
	v49 =	vadd.f32 v35, v34  }
0x514: {  	v11 =	vld [tilespmem:s14+$0x6460];
	v1 =	vadd.f32 v1, v2;
	v0 =	vadd.f32 v0, v50  }
0x515: {  	v8 =	vld [tilespmem:s14+$0x4460];
	v15 =	vadd.f32 v49, v33;
	v4 =	vadd.f32 v4, v5  }
0x516: {  	v2 =	vld [tilespmem:s14+$0x5460];
	v0 =	vadd.f32 v0, v7;
	v7 =	vadd.f32 v52, v51  }
0x517: {  	v14 =	vld [tilespmem:s14+$0x7460];
	v1 =	vadd.f32 v9, v1;
	v52 =	vadd.f32 v37, v36  }
0x518: {  	v50 =	vld [tilespmem:s14+$0x8440];
	v3 =	vadd.f32 v3, v6;
	v6 =	vadd.f32 v16, v12  }
0x519: {  	v51 =	vld [tilespmem:s14+$0x9440];
	v0 =	vadd.f32 v7, v0;
	v7 =	vadd.f32 v60, v59  }
0x51a: {  	[tilespmem:s14+$0x16400] =	vst v1;
	v1 =	vadd.f32 v53, v52;
	v60 =	vadd.f32 v47, v46  }
0x51b: {  	v5 =	vadd.f32 v2, v8;
	v0 =	vadd.f32 v13, v0  }
0x51c: {  	v59 =	vld [tilespmem:s14+$0x8460];
	v15 =	vadd.f32 v1, v15;
	v1 =	vadd.f32 v10, v7  }
0x51d: {  	s19 =	simm.s32 $0x80;
	v8 =	vadd.f32 v14, v11;
	v13 =	vadd.f32 v57, v55;
	v7 =	vld [tilespmem:s14+$0x9460];
	[tilespmem:s14+$0x16410] =	vst v0  }
0x51e: {  	v10 =	vadd.f32 v60, v58;
	v9 =	vadd.f32 v51, v50;
	v0 =	vld [tilespmem:s19+$0x470];
	[tilespmem:s14+$0x16420] =	vst v1  }
0x51f: {  	v61 =	vadd.f32 v3, v4;
	v5 =	vadd.f32 v8, v5;
	v1 =	vld [tilespmem:s19+$0x1470]  }
0x520: {  	v8 =	vadd.f32 v10, v13;
	v2 =	vld [tilespmem:s19+$0x2470];
	[tilespmem:s14+$0x16430] =	vst v6;
	v6 =	vadd.f32 v9, v15  }
0x521: {  	v63 =	vadd.f32 v5, v61;
	v3 =	vld [tilespmem:s19+$0x3470]  }
0x522: {  	v8 =	vadd.f32 v62, v8;
	v4 =	vld [tilespmem:s19+$0x4470];
	v7 =	vadd.f32 v7, v59;
	[tilespmem:s14+$0x16440] =	vst v6  }
0x523: {  	v5 =	vld [tilespmem:s19+$0x5470]  }
0x524: {  	s18 =	simm.s32 $0x400;
	v6 =	vld [tilespmem:s19+$0x6470];
	[tilespmem:s14+$0x16450] =	vst v8;
	v7 =	vadd.f32 v7, v63  }
.LBB2_12:
0x525: {  	p0 =	sne.s32 s18, $0x3E00;
	v8 =	vld [tilespmem:s19+$0x7470]  }
0x526: {  	v9 =	vld [tilespmem:s19+$0x400];
	[tilespmem:s14+$0x16460] =	vst v7;
	s14 =	smov.u32 s19  }
0x527: {  	v7 =	vld [tilespmem:s14+$0x1400]  }
0x528: {  	v10 =	vld [tilespmem:s14+$0x8470]  }
0x529: {  	v0 =	vadd.f32 v1, v0;
	v1 =	vadd.f32 v3, v2;
	v11 =	vld [tilespmem:s14+$0x9470]  }
0x52a: {  	v3 =	vadd.f32 v5, v4;
	v2 =	vld [tilespmem:s14+$0x2400];
	v4 =	vadd.f32 v8, v6  }
0x52b: {  	v5 =	vld [tilespmem:s14+$0x3400]  }
0x52c: {  	v0 =	vadd.f32 v1, v0;
	v6 =	vld [tilespmem:s14+$0x4400];
	v1 =	vadd.f32 v4, v3  }
0x52d: {  	v4 =	vadd.f32 v7, v9;
	v3 =	vld [tilespmem:s14+$0x5400]  }
0x52e: {  	v7 =	vld [tilespmem:s14+$0x6400];
	v8 =	vadd.f32 v11, v10;
	v0 =	vadd.f32 v1, v0  }
0x52f: {  	v1 =	vld [tilespmem:s14+$0x7400]  }
0x530: {  	v2 =	vadd.f32 v5, v2;
	v5 =	vld [tilespmem:s14+$0x410];
	v0 =	vadd.f32 v8, v0  }
0x531: {  	v8 =	vld [tilespmem:s14+$0x1410]  }
0x532: {  	v3 =	vadd.f32 v3, v6;
	v2 =	vadd.f32 v2, v4;
	v4 =	vld [tilespmem:s14+$0x2410];
	[tilespmem:s14+$0x16470] =	vst v0  }
0x533: {  	v6 =	vld [tilespmem:s14+$0x3410]  }
0x534: {  	v0 =	vadd.f32 v1, v7;
	v1 =	vld [tilespmem:s14+$0x4410]  }
0x535: {  	v7 =	vld [tilespmem:s14+$0x5410]  }
0x536: {  	v0 =	vadd.f32 v0, v3;
	v3 =	vld [tilespmem:s14+$0x6410];
	v5 =	vadd.f32 v8, v5  }
0x537: {  	v8 =	vld [tilespmem:s14+$0x7410]  }
0x538: {  	v0 =	vadd.f32 v0, v2;
	v2 =	vadd.f32 v6, v4;
	v4 =	vld [tilespmem:s14+$0x420]  }
0x539: {  	v6 =	vld [tilespmem:s14+$0x1420]  }
0x53a: {  	v1 =	vadd.f32 v7, v1;
	v2 =	vadd.f32 v2, v5;
	v5 =	vld [tilespmem:s14+$0x2420]  }
0x53b: {  	v7 =	vld [tilespmem:s14+$0x3420]  }
0x53c: {  	v3 =	vadd.f32 v8, v3;
	v8 =	vld [tilespmem:s14+$0x4420]  }
0x53d: {  	v9 =	vld [tilespmem:s14+$0x5420]  }
0x53e: {  	v1 =	vadd.f32 v3, v1;
	v3 =	vld [tilespmem:s14+$0x6420];
	v4 =	vadd.f32 v6, v4  }
0x53f: {  	v6 =	vld [tilespmem:s14+$0x7420]  }
0x540: {  	v1 =	vadd.f32 v1, v2;
	v2 =	vadd.f32 v7, v5;
	v5 =	vld [tilespmem:s14+$0x430]  }
0x541: {  	v7 =	vld [tilespmem:s14+$0x1430]  }
0x542: {  	v8 =	vadd.f32 v9, v8;
	v2 =	vadd.f32 v2, v4;
	v4 =	vld [tilespmem:s14+$0x2430]  }
0x543: {  	v9 =	vld [tilespmem:s14+$0x3430]  }
0x544: {  	v3 =	vadd.f32 v6, v3;
	v6 =	vld [tilespmem:s14+$0x4430]  }
0x545: {  	v10 =	vld [tilespmem:s14+$0x5430]  }
0x546: {  	v3 =	vadd.f32 v3, v8;
	v8 =	vld [tilespmem:s14+$0x6430];
	v5 =	vadd.f32 v7, v5  }
0x547: {  	v7 =	vld [tilespmem:s14+$0x7430]  }
0x548: {  	v2 =	vadd.f32 v3, v2;
	v3 =	vadd.f32 v9, v4;
	v4 =	vld [tilespmem:s14+$0x440]  }
0x549: {  	v9 =	vld [tilespmem:s14+$0x1440]  }
0x54a: {  	v6 =	vadd.f32 v10, v6;
	v3 =	vadd.f32 v3, v5;
	v5 =	vld [tilespmem:s14+$0x2440]  }
0x54b: {  	v10 =	vld [tilespmem:s14+$0x3440]  }
0x54c: {  	v7 =	vadd.f32 v7, v8;
	v8 =	vld [tilespmem:s14+$0x4440]  }
0x54d: {  	v11 =	vld [tilespmem:s14+$0x5440]  }
0x54e: {  	v6 =	vadd.f32 v7, v6;
	v7 =	vld [tilespmem:s14+$0x6440];
	v4 =	vadd.f32 v9, v4  }
0x54f: {  	v9 =	vld [tilespmem:s14+$0x7440]  }
0x550: {  	v3 =	vadd.f32 v6, v3;
	v5 =	vadd.f32 v10, v5;
	v6 =	vld [tilespmem:s14+$0x450]  }
0x551: {  	v10 =	vld [tilespmem:s14+$0x1450]  }
0x552: {  	v8 =	vadd.f32 v11, v8;
	v4 =	vadd.f32 v5, v4;
	v5 =	vld [tilespmem:s14+$0x2450]  }
0x553: {  	v11 =	vld [tilespmem:s14+$0x3450]  }
0x554: {  	v7 =	vadd.f32 v9, v7;
	v9 =	vld [tilespmem:s14+$0x4450]  }
0x555: {  	v12 =	vld [tilespmem:s14+$0x5450]  }
0x556: {  	v7 =	vadd.f32 v7, v8;
	v8 =	vld [tilespmem:s14+$0x6450];
	v6 =	vadd.f32 v10, v6  }
0x557: {  	v10 =	vld [tilespmem:s14+$0x7450]  }
0x558: {  	v4 =	vadd.f32 v7, v4;
	v5 =	vadd.f32 v11, v5;
	v7 =	vld [tilespmem:s14+$0x460]  }
0x559: {  	v11 =	vld [tilespmem:s14+$0x1460]  }
0x55a: {  	v9 =	vadd.f32 v12, v9;
	v5 =	vadd.f32 v5, v6;
	v6 =	vld [tilespmem:s14+$0x2460]  }
0x55b: {  	v12 =	vld [tilespmem:s14+$0x3460]  }
0x55c: {  	v8 =	vadd.f32 v10, v8;
	v10 =	vld [tilespmem:s14+$0x4460]  }
0x55d: {  	v13 =	vld [tilespmem:s14+$0x5460]  }
0x55e: {  	v8 =	vadd.f32 v8, v9;
	v9 =	vld [tilespmem:s14+$0x6460];
	v7 =	vadd.f32 v11, v7  }
0x55f: {  	v11 =	vld [tilespmem:s14+$0x7460]  }
0x560: {  	v14 =	vld [tilespmem:s14+$0x8400];
	v5 =	vadd.f32 v8, v5;
	v6 =	vadd.f32 v12, v6  }
0x561: {  	v8 =	vld [tilespmem:s14+$0x9400]  }
0x562: {  	v12 =	vld [tilespmem:s14+$0x8410];
	v10 =	vadd.f32 v13, v10;
	v6 =	vadd.f32 v6, v7  }
0x563: {  	v7 =	vld [tilespmem:s14+$0x9410]  }
0x564: {  	v13 =	vld [tilespmem:s14+$0x8420];
	v9 =	vadd.f32 v11, v9  }
0x565: {  	v11 =	vld [tilespmem:s14+$0x9420]  }
0x566: {  	v8 =	vadd.f32 v8, v14;
	v14 =	vld [tilespmem:s14+$0x8430];
	v9 =	vadd.f32 v9, v10  }
0x567: {  	v10 =	vld [tilespmem:s14+$0x9430]  }
0x568: {  	v7 =	vadd.f32 v7, v12;
	v12 =	vld [tilespmem:s14+$0x8440];
	v9 =	vadd.f32 v9, v6  }
0x569: {  	v0 =	vadd.f32 v8, v0;
	v6 =	vld [tilespmem:s14+$0x9440]  }
0x56a: {  	v1 =	vadd.f32 v7, v1;
	v7 =	vadd.f32 v11, v13;
	v8 =	vld [tilespmem:s14+$0x8450]  }
0x56b: {  	[tilespmem:s14+$0x16400] =	vst v0;
	v11 =	vld [tilespmem:s14+$0x9450]  }
0x56c: {  	[tilespmem:s14+$0x16410] =	vst v1;
	v1 =	vadd.f32 v7, v2;
	v2 =	vadd.f32 v10, v14;
	v7 =	vld [tilespmem:s14+$0x8460]  }
0x56d: {  	s19 =	sshra.s32 s18, $0x2;
	v10 =	vld [tilespmem:s14+$0x9460]  }
0x56e: {  	v0 =	vld [tilespmem:s19+$0x470];
	[tilespmem:s14+$0x16420] =	vst v1;
	v3 =	vadd.f32 v2, v3;
	v6 =	vadd.f32 v6, v12  }
0x56f: {  	v1 =	vld [tilespmem:s19+$0x1470]  }
.Ltmp5:
0x570: {  	v2 =	vld [tilespmem:s19+$0x2470];
	[tilespmem:s14+$0x16430] =	vst v3;
	v6 =	vadd.f32 v6, v4;
	v8 =	vadd.f32 v11, v8;
	(pc) =	sbr.rel @p0 .LBB2_12-.Ltmp5, $4  }
0x571: {  	v3 =	vld [tilespmem:s19+$0x3470]  }
0x572: {  	v4 =	vld [tilespmem:s19+$0x4470];
	[tilespmem:s14+$0x16440] =	vst v6;
	v8 =	vadd.f32 v8, v5;
	v7 =	vadd.f32 v10, v7  }
0x573: {  	v5 =	vld [tilespmem:s19+$0x5470]  }
0x574: {  	s18 =	sadd.s32 $0x200, s18;
	v6 =	vld [tilespmem:s19+$0x6470];
	[tilespmem:s14+$0x16450] =	vst v8;
	v7 =	vadd.f32 v7, v9  }
0x575: {  	v8 =	vld [tilespmem:s19+$0x7470]  }
0x576: {  	v9 =	vld [tilespmem:s19+$0x400];
	[tilespmem:s14+$0x16460] =	vst v7  }
0x577: {  	v7 =	vld [tilespmem:s19+$0x1400]  }
0x578: {  	v10 =	vld [tilespmem:s19+$0x8470]  }
0x579: {  	v11 =	vld [tilespmem:s19+$0x9470]  }
0x57a: {  	v0 =	vadd.f32 v1, v0;
	v1 =	vadd.f32 v3, v2;
	v2 =	vld [tilespmem:s19+$0x2400]  }
0x57b: {  	v62 =	vld [tilespmem:s19+$0x410]  }
0x57c: {  	v63 =	vld [tilespmem:s19+$0x2410]  }
0x57d: {  	v12 =	vld [tilespmem:s19+$0x4410]  }
0x57e: {  	v13 =	vld [tilespmem:s19+$0x5410]  }
0x57f: {  	v14 =	vld [tilespmem:s19+$0x6410]  }
0x580: {  	v15 =	vld [tilespmem:s19+$0x7410]  }
0x581: {  	v16 =	vld [tilespmem:s19+$0x420]  }
0x582: {  	v17 =	vld [tilespmem:s19+$0x1420]  }
0x583: {  	v18 =	vld [tilespmem:s19+$0x2420]  }
0x584: {  	v19 =	vld [tilespmem:s19+$0x3420]  }
0x585: {  	v20 =	vld [tilespmem:s19+$0x4420]  }
0x586: {  	v21 =	vld [tilespmem:s19+$0x5420]  }
0x587: {  	v22 =	vld [tilespmem:s19+$0x6420]  }
0x588: {  	v23 =	vld [tilespmem:s19+$0x7420]  }
0x589: {  	v24 =	vld [tilespmem:s19+$0x430]  }
0x58a: {  	v25 =	vld [tilespmem:s19+$0x1430]  }
0x58b: {  	v26 =	vld [tilespmem:s19+$0x2430]  }
0x58c: {  	v27 =	vld [tilespmem:s19+$0x3430]  }
0x58d: {  	v28 =	vld [tilespmem:s19+$0x4430]  }
0x58e: {  	v29 =	vld [tilespmem:s19+$0x5430]  }
0x58f: {  	v30 =	vld [tilespmem:s19+$0x6430]  }
0x590: {  	v31 =	vld [tilespmem:s19+$0x7430]  }
0x591: {  	v32 =	vld [tilespmem:s19+$0x440]  }
0x592: {  	v33 =	vld [tilespmem:s19+$0x1440]  }
0x593: {  	v34 =	vld [tilespmem:s19+$0x2440]  }
0x594: {  	v35 =	vld [tilespmem:s19+$0x3440]  }
0x595: {  	v36 =	vld [tilespmem:s19+$0x4440]  }
0x596: {  	v37 =	vld [tilespmem:s19+$0x5440]  }
0x597: {  	v38 =	vld [tilespmem:s19+$0x6440]  }
0x598: {  	v39 =	vld [tilespmem:s19+$0x7440]  }
0x599: {  	v40 =	vld [tilespmem:s19+$0x450]  }
0x59a: {  	v41 =	vld [tilespmem:s19+$0x1450]  }
0x59b: {  	v42 =	vld [tilespmem:s19+$0x2450]  }
0x59c: {  	v43 =	vld [tilespmem:s19+$0x3450]  }
0x59d: {  	v44 =	vld [tilespmem:s19+$0x4450]  }
0x59e: {  	v49 =	vld [tilespmem:s19+$0x4460]  }
0x59f: {  	v52 =	vld [tilespmem:s19+$0x5460]  }
0x5a0: {  	v53 =	vld [tilespmem:s19+$0x6460];
	v3 =	vadd.f32 v5, v4;
	v4 =	vadd.f32 v8, v6  }
0x5a1: {  	v56 =	vld [tilespmem:s19+$0x7460]  }
0x5a2: {  	v57 =	vld [tilespmem:s19+$0x8400];
	v0 =	vadd.f32 v1, v0;
	v1 =	vadd.f32 v4, v3  }
0x5a3: {  	v59 =	vld [tilespmem:s19+$0x9400];
	v8 =	vadd.f32 v11, v10;
	v7 =	vadd.f32 v7, v9  }
0x5a4: {  	v5 =	vld [tilespmem:s19+$0x3400];
	v45 =	vadd.f32 v13, v12;
	v46 =	vadd.f32 v15, v14  }
0x5a5: {  	v6 =	vld [tilespmem:s19+$0x4400];
	v47 =	vadd.f32 v17, v16;
	v48 =	vadd.f32 v19, v18  }
0x5a6: {  	v3 =	vld [tilespmem:s19+$0x5400];
	v50 =	vadd.f32 v21, v20;
	v51 =	vadd.f32 v23, v22  }
0x5a7: {  	v4 =	vld [tilespmem:s19+$0x6400];
	v58 =	vadd.f32 v27, v26;
	v60 =	vadd.f32 v29, v28  }
0x5a8: {  	v11 =	vld [tilespmem:s19+$0x3460];
	v61 =	vadd.f32 v31, v30;
	v28 =	vadd.f32 v35, v34  }
0x5a9: {  	v30 =	vadd.f32 v37, v36;
	v0 =	vadd.f32 v1, v0;
	v1 =	vld [tilespmem:s19+$0x7400]  }
0x5aa: {  	v29 =	vld [tilespmem:s19+$0x9410];
	v31 =	vadd.f32 v39, v38;
	v38 =	vadd.f32 v59, v57  }
0x5ab: {  	v2 =	vadd.f32 v5, v2;
	v5 =	vld [tilespmem:s19+$0x5450];
	v0 =	vadd.f32 v8, v0  }
0x5ac: {  	v41 =	vadd.f32 v41, v40;
	v54 =	vadd.f32 v48, v47;
	v8 =	vld [tilespmem:s19+$0x1410]  }
0x5ad: {  	v55 =	vadd.f32 v51, v50;
	v36 =	vadd.f32 v31, v30;
	[tilespmem:s19+$0x16470] =	vst v0;
	v0 =	vld [tilespmem:s19+$0x3410]  }
0x5ae: {  	v3 =	vadd.f32 v3, v6;
	v6 =	vld [tilespmem:s19+$0x7450];
	v1 =	vadd.f32 v1, v4  }
0x5af: {  	v47 =	vadd.f32 v43, v42;
	v2 =	vadd.f32 v2, v7;
	v4 =	vld [tilespmem:s19+$0x6450]  }
0x5b0: {  	v34 =	vld [tilespmem:s19+$0x9420];
	v10 =	vadd.f32 v55, v54;
	v1 =	vadd.f32 v1, v3  }
0x5b1: {  	v37 =	vld [tilespmem:s19+$0x8430];
	v5 =	vadd.f32 v5, v44;
	v7 =	vadd.f32 v8, v62  }
0x5b2: {  	v62 =	vld [tilespmem:s19+$0x8410];
	v1 =	vadd.f32 v1, v2;
	v0 =	vadd.f32 v0, v63  }
0x5b3: {  	v3 =	vld [tilespmem:s19+$0x460];
	v63 =	vadd.f32 v33, v32;
	v33 =	vadd.f32 v61, v60  }
0x5b4: {  	v8 =	vld [tilespmem:s19+$0x1460];
	v4 =	vadd.f32 v6, v4;
	v6 =	vadd.f32 v52, v49  }
0x5b5: {  	v2 =	vld [tilespmem:s19+$0x2460];
	v0 =	vadd.f32 v0, v7;
	v7 =	vadd.f32 v46, v45  }
0x5b6: {  	v39 =	vld [tilespmem:s19+$0x9430];
	v35 =	vadd.f32 v28, v63;
	v1 =	vadd.f32 v38, v1  }
0x5b7: {  	v48 =	vld [tilespmem:s19+$0x8450];
	v20 =	vadd.f32 v29, v62;
	v4 =	vadd.f32 v4, v5  }
0x5b8: {  	v32 =	vld [tilespmem:s19+$0x8420];
	v0 =	vadd.f32 v7, v0;
	v7 =	vadd.f32 v25, v24  }
0x5b9: {  	v45 =	vld [tilespmem:s19+$0x8440];
	v19 =	vadd.f32 v36, v35;
	[tilespmem:s19+$0x16400] =	vst v1;
	v1 =	vadd.f32 v8, v3  }
0x5ba: {  	v46 =	vld [tilespmem:s19+$0x9440];
	v8 =	vadd.f32 v56, v53;
	v2 =	vadd.f32 v11, v2  }
0x5bb: {  	v3 =	vld [tilespmem:s19+$0x9450];
	v7 =	vadd.f32 v58, v7;
	v0 =	vadd.f32 v20, v0  }
0x5bc: {  	v5 =	vld [tilespmem:s19+$0x8460];
	v1 =	vadd.f32 v2, v1;
	v2 =	vadd.f32 v8, v6  }
0x5bd: {  	v6 =	vld [tilespmem:s19+$0x9460];
	v7 =	vadd.f32 v33, v7;
	[tilespmem:s19+$0x16410] =	vst v0;
	v0 =	vadd.f32 v47, v41  }
0x5be: {  	v1 =	vadd.f32 v2, v1;
	v2 =	vadd.f32 v39, v37  }
0x5bf: {  	v0 =	vadd.f32 v4, v0;
	v4 =	vadd.f32 v34, v32  }
0x5c0: {  	v3 =	vadd.f32 v3, v48;
	v2 =	vadd.f32 v2, v7  }
0x5c1: {  	v8 =	vadd.f32 v46, v45;
	v4 =	vadd.f32 v4, v10  }
0x5c2: {  	v5 =	vadd.f32 v6, v5;
	v0 =	vadd.f32 v3, v0;
	[tilespmem:s19+$0x16430] =	vst v2  }
0x5c3: {  	[tilespmem:s19+$0x16420] =	vst v4;
	v4 =	vadd.f32 v8, v19  }
0x5c4: {  	v1 =	vadd.f32 v5, v1;
	[tilespmem:s19+$0x16450] =	vst v0  }
0x5c5: {  	[tilespmem:s19+$0x16440] =	vst v4  }
0x5c6: {  	s21 =	simm.s32 $0x0;
	s18 =	rddreg [dreg:$0xf];
	[tilespmem:s19+$0x16460] =	vst v1  }
0x5c7: {  	[hbm4b:s18+s21] =	stream.linear.scatter [tilespmem:s31], [sflag:$0x5], $0x1000, $0x38;
	[tilespmem:$0x18400] =	vst v63  }
0x5c8: {  	s22 =	rddreg [dreg:$0x10]  }
0x5c9: {  	[hbm4b:s22+s21] =	stream.linear.scatter [tilespmem:s25], [sflag:$0x5], $0x1000, $0x38;
	[tilespmem:$0x18400] =	vst v63  }
0x5ca: {  	_ =	swait.ge [sflag:s26], $0x1000  }
0x5cb: {  	[sflag:s26] =	ssyncset.done $0x0  }
0x5cc: {  	[sflag:s26] =	ssyncadd.s32 $0xFFFFF000  }
0x5cd: {  	_ =	swait.ge [sflag:s26], $0x1000  }
0x5ce: {  	[sflag:s26] =	ssyncset.done $0x0  }
0x5cf: {  	[sflag:s26] =	ssyncadd.s32 $0xFFFFF000  }
0x5d0: {  	_ =	swait.ge [sflag:s10], $0x1000  }
0x5d1: {  	[sflag:s10] =	ssyncset.done $0x0  }
0x5d2: {  	[sflag:s10] =	ssyncadd.s32 $0xFFFFF000  }
0x5d3: {  	_ =	swait.ge [sflag:s2], $0x3400  }
0x5d4: {  	[sflag:s2] =	ssyncset.done $0x0  }
0x5d5: {  	[sflag:s2] =	ssyncadd.s32 $0xFFFFCC00  }
0x5d6: {  	_ =	swait.ge [sflag:s2], $0x3400  }
0x5d7: {  	[sflag:s2] =	ssyncset.done $0x0  }
0x5d8: {  	[sflag:s2] =	ssyncadd.s32 $0xFFFFCC00  }
0x5d9: {  	_ =	swait.ge [sflag:s2], $0x3800  }
0x5da: {  	[sflag:s2] =	ssyncset.done $0x0  }
0x5db: {  	s14 =	simm.s32 $0x0;
	[sflag:s2] =	ssyncadd.s32 $0xFFFFC800  }
0x5dc: {  	v0 =	vld [tilespmem:s14+$0xA470]  }
0x5dd: {  	v1 =	vld [tilespmem:s14+$0xB470]  }
0x5de: {  	v2 =	vld [tilespmem:s14+$0xC470]  }
0x5df: {  	v3 =	vld [tilespmem:s14+$0xD470]  }
0x5e0: {  	v4 =	vld [tilespmem:s14+$0xE470]  }
0x5e1: {  	v5 =	vld [tilespmem:s14+$0xF470]  }
0x5e2: {  	v6 =	vld [tilespmem:s14+$0x10470]  }
0x5e3: {  	v7 =	vld [tilespmem:s14+$0x11470]  }
0x5e4: {  	v8 =	vld [tilespmem:s14+$0xA400]  }
0x5e5: {  	v9 =	vld [tilespmem:s14+$0xB400]  }
0x5e6: {  	v49 =	vld [tilespmem:s14+$0x12470]  }
0x5e7: {  	v50 =	vld [tilespmem:s14+$0x13470]  }
0x5e8: {  	v10 =	vld [tilespmem:s14+$0xA410]  }
0x5e9: {  	v11 =	vld [tilespmem:s14+$0xC410]  }
0x5ea: {  	v12 =	vld [tilespmem:s14+$0xE410]  }
0x5eb: {  	v51 =	vld [tilespmem:s14+$0xF410]  }
0x5ec: {  	v52 =	vld [tilespmem:s14+$0x10410]  }
0x5ed: {  	v53 =	vld [tilespmem:s14+$0x11410]  }
0x5ee: {  	v54 =	vld [tilespmem:s14+$0xA420]  }
0x5ef: {  	v55 =	vld [tilespmem:s14+$0xB420]  }
0x5f0: {  	v56 =	vld [tilespmem:s14+$0xC420]  }
0x5f1: {  	v57 =	vld [tilespmem:s14+$0xD420]  }
0x5f2: {  	v58 =	vld [tilespmem:s14+$0xE420]  }
0x5f3: {  	v59 =	vld [tilespmem:s14+$0xF420]  }
0x5f4: {  	v60 =	vld [tilespmem:s14+$0x10420]  }
0x5f5: {  	v61 =	vld [tilespmem:s14+$0x11420]  }
0x5f6: {  	v24 =	vld [tilespmem:s14+$0xA430]  }
0x5f7: {  	v62 =	vld [tilespmem:s14+$0xB430]  }
0x5f8: {  	v26 =	vld [tilespmem:s14+$0xC430]  }
0x5f9: {  	v63 =	vld [tilespmem:s14+$0xD430]  }
0x5fa: {  	v28 =	vld [tilespmem:s14+$0xE430]  }
0x5fb: {  	v29 =	vld [tilespmem:s14+$0xF430]  }
0x5fc: {  	v30 =	vld [tilespmem:s14+$0x10430]  }
0x5fd: {  	v31 =	vld [tilespmem:s14+$0x11430]  }
0x5fe: {  	v32 =	vld [tilespmem:s14+$0xA440]  }
0x5ff: {  	v48 =	vld [tilespmem:s14+$0xB440]  }
0x600: {  	v36 =	vld [tilespmem:s14+$0xE440]  }
0x601: {  	v37 =	vld [tilespmem:s14+$0xF440]  }
0x602: {  	v38 =	vld [tilespmem:s14+$0x10440]  }
0x603: {  	v39 =	vld [tilespmem:s14+$0x11440]  }
0x604: {  	v40 =	vld [tilespmem:s14+$0xA450]  }
0x605: {  	v41 =	vld [tilespmem:s14+$0xB450]  }
0x606: {  	v42 =	vld [tilespmem:s14+$0xC450]  }
0x607: {  	v43 =	vld [tilespmem:s14+$0xD450]  }
0x608: {  	v44 =	vld [tilespmem:s14+$0xE450]  }
0x609: {  	v45 =	vld [tilespmem:s14+$0xF450]  }
0x60a: {  	v46 =	vld [tilespmem:s14+$0x10450]  }
0x60b: {  	v27 =	vld [tilespmem:s14+$0x12420]  }
0x60c: {  	v0 =	vadd.f32 v1, v0;
	v1 =	vadd.f32 v3, v2;
	v2 =	vld [tilespmem:s14+$0xC400]  }
0x60d: {  	v3 =	vadd.f32 v5, v4;
	v5 =	vld [tilespmem:s14+$0xD400]  }
0x60e: {  	v4 =	vadd.f32 v7, v6;
	v6 =	vld [tilespmem:s14+$0xE400]  }
0x60f: {  	v7 =	vadd.f32 v50, v49;
	v49 =	vld [tilespmem:s14+$0xC440]  }
0x610: {  	v50 =	vld [tilespmem:s14+$0xD440];
	v52 =	vadd.f32 v53, v52  }
0x611: {  	v53 =	vadd.f32 v55, v54;
	v54 =	vadd.f32 v57, v56;
	v57 =	vld [tilespmem:s14+$0x12400]  }
0x612: {  	v55 =	vadd.f32 v59, v58;
	v58 =	vld [tilespmem:s14+$0x13400]  }
0x613: {  	v56 =	vadd.f32 v61, v60;
	v61 =	vld [tilespmem:s14+$0x12410]  }
0x614: {  	v8 =	vadd.f32 v9, v8;
	v62 =	vadd.f32 v62, v24;
	v24 =	vld [tilespmem:s14+$0x13410]  }
0x615: {  	v51 =	vadd.f32 v51, v12;
	v25 =	vadd.f32 v29, v28;
	v28 =	vld [tilespmem:s14+$0x13420]  }
0x616: {  	v63 =	vadd.f32 v63, v26;
	v26 =	vadd.f32 v31, v30;
	v31 =	vld [tilespmem:s14+$0x12430]  }
0x617: {  	v33 =	vadd.f32 v48, v32;
	v48 =	vld [tilespmem:s14+$0x13430];
	v0 =	vadd.f32 v1, v0  }
0x618: {  	v1 =	vadd.f32 v4, v3;
	v3 =	vld [tilespmem:s14+$0xF400];
	v59 =	vadd.f32 v54, v53  }
0x619: {  	v4 =	vld [tilespmem:s14+$0x10400];
	v60 =	vadd.f32 v56, v55;
	v29 =	vadd.f32 v63, v62  }
0x61a: {  	v30 =	vadd.f32 v26, v25;
	v53 =	vadd.f32 v39, v38;
	v54 =	vld [tilespmem:s14+$0x12450]  }
0x61b: {  	v55 =	vadd.f32 v41, v40;
	v0 =	vadd.f32 v1, v0;
	v1 =	vld [tilespmem:s14+$0x11400]  }
0x61c: {  	v56 =	vld [tilespmem:s14+$0x13450];
	v12 =	vadd.f32 v30, v29;
	v2 =	vadd.f32 v5, v2  }
0x61d: {  	v5 =	vld [tilespmem:s14+$0xA460];
	v9 =	vadd.f32 v58, v57;
	v0 =	vadd.f32 v7, v0  }
0x61e: {  	v49 =	vadd.f32 v50, v49;
	v13 =	vadd.f32 v24, v61;
	v7 =	vld [tilespmem:s14+$0xB410]  }
0x61f: {  	v57 =	vadd.f32 v43, v42;
	v58 =	vadd.f32 v45, v44;
	[tilespmem:s14+$0x17470] =	vst v0;
	v0 =	vld [tilespmem:s14+$0xD410]  }
0x620: {  	v16 =	vadd.f32 v48, v31;
	v1 =	vadd.f32 v1, v4;
	v4 =	vld [tilespmem:s14+$0xB460]  }
0x621: {  	v47 =	vld [tilespmem:s14+$0x11450];
	v3 =	vadd.f32 v3, v6;
	v2 =	vadd.f32 v2, v8  }
0x622: {  	v6 =	vld [tilespmem:s14+$0xC460];
	v15 =	vadd.f32 v49, v33;
	v62 =	vadd.f32 v56, v54  }
0x623: {  	v1 =	vadd.f32 v1, v3;
	v3 =	vld [tilespmem:s14+$0xD460];
	v7 =	vadd.f32 v7, v10  }
0x624: {  	v14 =	vld [tilespmem:s14+$0x11460];
	v10 =	vadd.f32 v28, v27;
	v0 =	vadd.f32 v0, v11  }
0x625: {  	v8 =	vld [tilespmem:s14+$0xE460];
	v1 =	vadd.f32 v1, v2;
	v4 =	vadd.f32 v4, v5  }
0x626: {  	v2 =	vld [tilespmem:s14+$0xF460];
	v0 =	vadd.f32 v0, v7;
	v7 =	vadd.f32 v52, v51  }
0x627: {  	v50 =	vld [tilespmem:s14+$0x12440];
	v1 =	vadd.f32 v9, v1;
	v52 =	vadd.f32 v37, v36  }
0x628: {  	v11 =	vld [tilespmem:s14+$0x10460];
	v3 =	vadd.f32 v3, v6;
	v6 =	vadd.f32 v16, v12  }
0x629: {  	v51 =	vld [tilespmem:s14+$0x13440];
	v0 =	vadd.f32 v7, v0;
	v7 =	vadd.f32 v60, v59  }
0x62a: {  	[tilespmem:s14+$0x17400] =	vst v1;
	v1 =	vadd.f32 v53, v52;
	v60 =	vadd.f32 v47, v46  }
0x62b: {  	v5 =	vadd.f32 v2, v8;
	v0 =	vadd.f32 v13, v0  }
0x62c: {  	v59 =	vld [tilespmem:s14+$0x12460];
	v15 =	vadd.f32 v1, v15;
	v1 =	vadd.f32 v10, v7  }
0x62d: {  	s19 =	simm.s32 $0x80;
	v8 =	vadd.f32 v14, v11;
	v13 =	vadd.f32 v57, v55;
	v7 =	vld [tilespmem:s14+$0x13460];
	[tilespmem:s14+$0x17410] =	vst v0  }
0x62e: {  	v10 =	vadd.f32 v60, v58;
	v9 =	vadd.f32 v51, v50;
	v0 =	vld [tilespmem:s19+$0xA470];
	[tilespmem:s14+$0x17420] =	vst v1  }
0x62f: {  	v61 =	vadd.f32 v3, v4;
	v5 =	vadd.f32 v8, v5;
	v1 =	vld [tilespmem:s19+$0xB470]  }
0x630: {  	v8 =	vadd.f32 v10, v13;
	v2 =	vld [tilespmem:s19+$0xC470];
	[tilespmem:s14+$0x17430] =	vst v6;
	v6 =	vadd.f32 v9, v15  }
0x631: {  	v63 =	vadd.f32 v5, v61;
	v3 =	vld [tilespmem:s19+$0xD470]  }
0x632: {  	v8 =	vadd.f32 v62, v8;
	v4 =	vld [tilespmem:s19+$0xE470];
	v7 =	vadd.f32 v7, v59;
	[tilespmem:s14+$0x17440] =	vst v6  }
0x633: {  	v5 =	vld [tilespmem:s19+$0xF470]  }
0x634: {  	s18 =	simm.s32 $0x400;
	v6 =	vld [tilespmem:s19+$0x10470];
	[tilespmem:s14+$0x17450] =	vst v8;
	v7 =	vadd.f32 v7, v63  }
.LBB2_14:
0x635: {  	p0 =	sne.s32 s18, $0x3E00;
	v8 =	vld [tilespmem:s19+$0x11470]  }
0x636: {  	v9 =	vld [tilespmem:s19+$0xA400];
	[tilespmem:s14+$0x17460] =	vst v7;
	s14 =	smov.u32 s19  }
0x637: {  	v7 =	vld [tilespmem:s14+$0xB400]  }
0x638: {  	v10 =	vld [tilespmem:s14+$0x12470]  }
0x639: {  	v0 =	vadd.f32 v1, v0;
	v1 =	vadd.f32 v3, v2;
	v11 =	vld [tilespmem:s14+$0x13470]  }
0x63a: {  	v3 =	vadd.f32 v5, v4;
	v2 =	vld [tilespmem:s14+$0xC400];
	v4 =	vadd.f32 v8, v6  }
0x63b: {  	v5 =	vld [tilespmem:s14+$0xD400]  }
0x63c: {  	v0 =	vadd.f32 v1, v0;
	v6 =	vld [tilespmem:s14+$0xE400];
	v1 =	vadd.f32 v4, v3  }
0x63d: {  	v4 =	vadd.f32 v7, v9;
	v3 =	vld [tilespmem:s14+$0xF400]  }
0x63e: {  	v7 =	vld [tilespmem:s14+$0x10400];
	v8 =	vadd.f32 v11, v10;
	v0 =	vadd.f32 v1, v0  }
0x63f: {  	v1 =	vld [tilespmem:s14+$0x11400]  }
0x640: {  	v2 =	vadd.f32 v5, v2;
	v5 =	vld [tilespmem:s14+$0xA410];
	v0 =	vadd.f32 v8, v0  }
0x641: {  	v8 =	vld [tilespmem:s14+$0xB410]  }
0x642: {  	v3 =	vadd.f32 v3, v6;
	v2 =	vadd.f32 v2, v4;
	v4 =	vld [tilespmem:s14+$0xC410];
	[tilespmem:s14+$0x17470] =	vst v0  }
0x643: {  	v6 =	vld [tilespmem:s14+$0xD410]  }
0x644: {  	v0 =	vadd.f32 v1, v7;
	v1 =	vld [tilespmem:s14+$0xE410]  }
0x645: {  	v7 =	vld [tilespmem:s14+$0xF410]  }
0x646: {  	v0 =	vadd.f32 v0, v3;
	v3 =	vld [tilespmem:s14+$0x10410];
	v5 =	vadd.f32 v8, v5  }
0x647: {  	v8 =	vld [tilespmem:s14+$0x11410]  }
0x648: {  	v0 =	vadd.f32 v0, v2;
	v2 =	vadd.f32 v6, v4;
	v4 =	vld [tilespmem:s14+$0xA420]  }
0x649: {  	v6 =	vld [tilespmem:s14+$0xB420]  }
0x64a: {  	v1 =	vadd.f32 v7, v1;
	v2 =	vadd.f32 v2, v5;
	v5 =	vld [tilespmem:s14+$0xC420]  }
0x64b: {  	v7 =	vld [tilespmem:s14+$0xD420]  }
0x64c: {  	v3 =	vadd.f32 v8, v3;
	v8 =	vld [tilespmem:s14+$0xE420]  }
0x64d: {  	v9 =	vld [tilespmem:s14+$0xF420]  }
0x64e: {  	v1 =	vadd.f32 v3, v1;
	v3 =	vld [tilespmem:s14+$0x10420];
	v4 =	vadd.f32 v6, v4  }
0x64f: {  	v6 =	vld [tilespmem:s14+$0x11420]  }
0x650: {  	v1 =	vadd.f32 v1, v2;
	v2 =	vadd.f32 v7, v5;
	v5 =	vld [tilespmem:s14+$0xA430]  }
0x651: {  	v7 =	vld [tilespmem:s14+$0xB430]  }
0x652: {  	v8 =	vadd.f32 v9, v8;
	v2 =	vadd.f32 v2, v4;
	v4 =	vld [tilespmem:s14+$0xC430]  }
0x653: {  	v9 =	vld [tilespmem:s14+$0xD430]  }
0x654: {  	v3 =	vadd.f32 v6, v3;
	v6 =	vld [tilespmem:s14+$0xE430]  }
0x655: {  	v10 =	vld [tilespmem:s14+$0xF430]  }
0x656: {  	v3 =	vadd.f32 v3, v8;
	v8 =	vld [tilespmem:s14+$0x10430];
	v5 =	vadd.f32 v7, v5  }
0x657: {  	v7 =	vld [tilespmem:s14+$0x11430]  }
0x658: {  	v2 =	vadd.f32 v3, v2;
	v3 =	vadd.f32 v9, v4;
	v4 =	vld [tilespmem:s14+$0xA440]  }
0x659: {  	v9 =	vld [tilespmem:s14+$0xB440]  }
0x65a: {  	v6 =	vadd.f32 v10, v6;
	v3 =	vadd.f32 v3, v5;
	v5 =	vld [tilespmem:s14+$0xC440]  }
0x65b: {  	v10 =	vld [tilespmem:s14+$0xD440]  }
0x65c: {  	v7 =	vadd.f32 v7, v8;
	v8 =	vld [tilespmem:s14+$0xE440]  }
0x65d: {  	v11 =	vld [tilespmem:s14+$0xF440]  }
0x65e: {  	v6 =	vadd.f32 v7, v6;
	v7 =	vld [tilespmem:s14+$0x10440];
	v4 =	vadd.f32 v9, v4  }
0x65f: {  	v9 =	vld [tilespmem:s14+$0x11440]  }
0x660: {  	v3 =	vadd.f32 v6, v3;
	v5 =	vadd.f32 v10, v5;
	v6 =	vld [tilespmem:s14+$0xA450]  }
0x661: {  	v10 =	vld [tilespmem:s14+$0xB450]  }
0x662: {  	v8 =	vadd.f32 v11, v8;
	v4 =	vadd.f32 v5, v4;
	v5 =	vld [tilespmem:s14+$0xC450]  }
0x663: {  	v11 =	vld [tilespmem:s14+$0xD450]  }
0x664: {  	v7 =	vadd.f32 v9, v7;
	v9 =	vld [tilespmem:s14+$0xE450]  }
0x665: {  	v12 =	vld [tilespmem:s14+$0xF450]  }
0x666: {  	v7 =	vadd.f32 v7, v8;
	v8 =	vld [tilespmem:s14+$0x10450];
	v6 =	vadd.f32 v10, v6  }
0x667: {  	v10 =	vld [tilespmem:s14+$0x11450]  }
0x668: {  	v4 =	vadd.f32 v7, v4;
	v5 =	vadd.f32 v11, v5;
	v7 =	vld [tilespmem:s14+$0xA460]  }
0x669: {  	v11 =	vld [tilespmem:s14+$0xB460]  }
0x66a: {  	v9 =	vadd.f32 v12, v9;
	v5 =	vadd.f32 v5, v6;
	v6 =	vld [tilespmem:s14+$0xC460]  }
0x66b: {  	v12 =	vld [tilespmem:s14+$0xD460]  }
0x66c: {  	v8 =	vadd.f32 v10, v8;
	v10 =	vld [tilespmem:s14+$0xE460]  }
0x66d: {  	v13 =	vld [tilespmem:s14+$0xF460]  }
0x66e: {  	v8 =	vadd.f32 v8, v9;
	v9 =	vld [tilespmem:s14+$0x10460];
	v7 =	vadd.f32 v11, v7  }
0x66f: {  	v11 =	vld [tilespmem:s14+$0x11460]  }
0x670: {  	v14 =	vld [tilespmem:s14+$0x12400];
	v5 =	vadd.f32 v8, v5;
	v6 =	vadd.f32 v12, v6  }
0x671: {  	v8 =	vld [tilespmem:s14+$0x13400]  }
0x672: {  	v12 =	vld [tilespmem:s14+$0x12410];
	v10 =	vadd.f32 v13, v10;
	v6 =	vadd.f32 v6, v7  }
0x673: {  	v7 =	vld [tilespmem:s14+$0x13410]  }
0x674: {  	v13 =	vld [tilespmem:s14+$0x12420];
	v9 =	vadd.f32 v11, v9  }
0x675: {  	v11 =	vld [tilespmem:s14+$0x13420]  }
0x676: {  	v8 =	vadd.f32 v8, v14;
	v14 =	vld [tilespmem:s14+$0x12430];
	v9 =	vadd.f32 v9, v10  }
0x677: {  	v10 =	vld [tilespmem:s14+$0x13430]  }
0x678: {  	v7 =	vadd.f32 v7, v12;
	v12 =	vld [tilespmem:s14+$0x12440];
	v9 =	vadd.f32 v9, v6  }
0x679: {  	v0 =	vadd.f32 v8, v0;
	v6 =	vld [tilespmem:s14+$0x13440]  }
0x67a: {  	v1 =	vadd.f32 v7, v1;
	v7 =	vadd.f32 v11, v13;
	v8 =	vld [tilespmem:s14+$0x12450]  }
0x67b: {  	[tilespmem:s14+$0x17400] =	vst v0;
	v11 =	vld [tilespmem:s14+$0x13450]  }
0x67c: {  	[tilespmem:s14+$0x17410] =	vst v1;
	v1 =	vadd.f32 v7, v2;
	v2 =	vadd.f32 v10, v14;
	v7 =	vld [tilespmem:s14+$0x12460]  }
0x67d: {  	s19 =	sshra.s32 s18, $0x2;
	v10 =	vld [tilespmem:s14+$0x13460]  }
0x67e: {  	v0 =	vld [tilespmem:s19+$0xA470];
	[tilespmem:s14+$0x17420] =	vst v1;
	v3 =	vadd.f32 v2, v3;
	v6 =	vadd.f32 v6, v12  }
0x67f: {  	v1 =	vld [tilespmem:s19+$0xB470]  }
.Ltmp6:
0x680: {  	v2 =	vld [tilespmem:s19+$0xC470];
	[tilespmem:s14+$0x17430] =	vst v3;
	v6 =	vadd.f32 v6, v4;
	v8 =	vadd.f32 v11, v8;
	(pc) =	sbr.rel @p0 .LBB2_14-.Ltmp6, $4  }
0x681: {  	v3 =	vld [tilespmem:s19+$0xD470]  }
0x682: {  	v4 =	vld [tilespmem:s19+$0xE470];
	[tilespmem:s14+$0x17440] =	vst v6;
	v8 =	vadd.f32 v8, v5;
	v7 =	vadd.f32 v10, v7  }
0x683: {  	v5 =	vld [tilespmem:s19+$0xF470]  }
0x684: {  	s18 =	sadd.s32 $0x200, s18;
	v6 =	vld [tilespmem:s19+$0x10470];
	[tilespmem:s14+$0x17450] =	vst v8;
	v7 =	vadd.f32 v7, v9  }
0x685: {  	v8 =	vld [tilespmem:s19+$0x11470]  }
0x686: {  	v9 =	vld [tilespmem:s19+$0xA400];
	[tilespmem:s14+$0x17460] =	vst v7  }
0x687: {  	v7 =	vld [tilespmem:s19+$0xB400]  }
0x688: {  	v10 =	vld [tilespmem:s19+$0x12470]  }
0x689: {  	v11 =	vld [tilespmem:s19+$0x13470]  }
0x68a: {  	v50 =	vld [tilespmem:s19+$0xC400]  }
0x68b: {  	v53 =	vld [tilespmem:s19+$0xD400]  }
0x68c: {  	v54 =	vld [tilespmem:s19+$0xE400]  }
0x68d: {  	v56 =	vld [tilespmem:s19+$0xF400]  }
0x68e: {  	v57 =	vld [tilespmem:s19+$0x10400]  }
0x68f: {  	v59 =	vld [tilespmem:s19+$0x11400]  }
0x690: {  	v60 =	vld [tilespmem:s19+$0xA410]  }
0x691: {  	v61 =	vld [tilespmem:s19+$0xB410]  }
0x692: {  	v62 =	vld [tilespmem:s19+$0xC410]  }
0x693: {  	v63 =	vld [tilespmem:s19+$0xD410]  }
0x694: {  	v12 =	vld [tilespmem:s19+$0xE410]  }
0x695: {  	v13 =	vld [tilespmem:s19+$0xF410]  }
0x696: {  	v14 =	vld [tilespmem:s19+$0x10410]  }
0x697: {  	v15 =	vld [tilespmem:s19+$0x11410]  }
0x698: {  	v16 =	vld [tilespmem:s19+$0xA420]  }
0x699: {  	v17 =	vld [tilespmem:s19+$0xB420]  }
0x69a: {  	v18 =	vld [tilespmem:s19+$0xC420]  }
0x69b: {  	v19 =	vld [tilespmem:s19+$0xD420]  }
0x69c: {  	v20 =	vld [tilespmem:s19+$0xE420]  }
0x69d: {  	v21 =	vld [tilespmem:s19+$0xF420]  }
0x69e: {  	v22 =	vld [tilespmem:s19+$0x10420]  }
0x69f: {  	v23 =	vld [tilespmem:s19+$0x11420]  }
0x6a0: {  	v24 =	vld [tilespmem:s19+$0xA430]  }
0x6a1: {  	v25 =	vld [tilespmem:s19+$0xB430]  }
0x6a2: {  	v26 =	vld [tilespmem:s19+$0xC430]  }
0x6a3: {  	v27 =	vld [tilespmem:s19+$0xD430]  }
0x6a4: {  	v28 =	vld [tilespmem:s19+$0xE430]  }
0x6a5: {  	v29 =	vld [tilespmem:s19+$0xF430]  }
0x6a6: {  	v30 =	vld [tilespmem:s19+$0x10430]  }
0x6a7: {  	v31 =	vld [tilespmem:s19+$0x11430]  }
0x6a8: {  	v32 =	vld [tilespmem:s19+$0xA440]  }
0x6a9: {  	v33 =	vld [tilespmem:s19+$0xB440]  }
0x6aa: {  	v34 =	vld [tilespmem:s19+$0xC440]  }
0x6ab: {  	v35 =	vld [tilespmem:s19+$0xD440]  }
0x6ac: {  	v36 =	vld [tilespmem:s19+$0xE440]  }
0x6ad: {  	v37 =	vld [tilespmem:s19+$0xF440]  }
0x6ae: {  	v38 =	vld [tilespmem:s19+$0x10440]  }
0x6af: {  	v39 =	vld [tilespmem:s19+$0x11440]  }
0x6b0: {  	v40 =	vld [tilespmem:s19+$0xA450]  }
0x6b1: {  	v0 =	vadd.f32 v1, v0;
	v49 =	vadd.f32 v3, v2;
	v41 =	vld [tilespmem:s19+$0xB450]  }
0x6b2: {  	v42 =	vld [tilespmem:s19+$0xC450];
	v51 =	vadd.f32 v5, v4;
	v52 =	vadd.f32 v8, v6  }
0x6b3: {  	v43 =	vld [tilespmem:s19+$0xD450]  }
0x6b4: {  	v44 =	vld [tilespmem:s19+$0xE450];
	v0 =	vadd.f32 v49, v0;
	v55 =	vadd.f32 v52, v51  }
0x6b5: {  	v46 =	vld [tilespmem:s19+$0x13430];
	v58 =	vadd.f32 v11, v10;
	v7 =	vadd.f32 v7, v9  }
0x6b6: {  	v5 =	vld [tilespmem:s19+$0xF450];
	v2 =	vadd.f32 v53, v50;
	v3 =	vadd.f32 v56, v54  }
0x6b7: {  	v4 =	vld [tilespmem:s19+$0x10450];
	v1 =	vadd.f32 v59, v57;
	v47 =	vadd.f32 v61, v60  }
0x6b8: {  	v6 =	vld [tilespmem:s19+$0x11450];
	v48 =	vadd.f32 v13, v12;
	v49 =	vadd.f32 v15, v14  }
0x6b9: {  	v8 =	vld [tilespmem:s19+$0xB460];
	v50 =	vadd.f32 v17, v16;
	v51 =	vadd.f32 v19, v18  }
0x6ba: {  	v52 =	vadd.f32 v21, v20;
	v53 =	vadd.f32 v23, v22;
	v9 =	vld [tilespmem:s19+$0x10460]  }
0x6bb: {  	v57 =	vld [tilespmem:s19+$0x11460];
	v60 =	vadd.f32 v27, v26;
	v5 =	vadd.f32 v5, v44  }
0x6bc: {  	v59 =	vld [tilespmem:s19+$0x12400];
	v0 =	vadd.f32 v55, v0;
	v2 =	vadd.f32 v2, v7  }
0x6bd: {  	v61 =	vld [tilespmem:s19+$0x13400];
	v1 =	vadd.f32 v1, v3;
	v54 =	vadd.f32 v49, v48  }
0x6be: {  	v11 =	vld [tilespmem:s19+$0xD460];
	v55 =	vadd.f32 v51, v50;
	v56 =	vadd.f32 v53, v52  }
0x6bf: {  	v14 =	vld [tilespmem:s19+$0xE460];
	v50 =	vadd.f32 v43, v42;
	v4 =	vadd.f32 v6, v4  }
0x6c0: {  	v17 =	vld [tilespmem:s19+$0xF460];
	v0 =	vadd.f32 v58, v0;
	v1 =	vadd.f32 v1, v2  }
0x6c1: {  	v3 =	vld [tilespmem:s19+$0xA460];
	v58 =	vadd.f32 v25, v24;
	v10 =	vadd.f32 v56, v55  }
0x6c2: {  	v51 =	vld [tilespmem:s19+$0x12450];
	v45 =	vadd.f32 v61, v59;
	v55 =	vadd.f32 v57, v9  }
0x6c3: {  	v53 =	vld [tilespmem:s19+$0x13450];
	v4 =	vadd.f32 v4, v5;
	[tilespmem:s19+$0x17470] =	vst v0;
	v0 =	vadd.f32 v63, v62  }
0x6c4: {  	v48 =	vld [tilespmem:s19+$0x12440];
	v62 =	vadd.f32 v29, v28;
	v63 =	vadd.f32 v31, v30  }
0x6c5: {  	v49 =	vld [tilespmem:s19+$0x13440];
	v29 =	vadd.f32 v33, v32;
	v30 =	vadd.f32 v35, v34  }
0x6c6: {  	v2 =	vld [tilespmem:s19+$0xC460];
	v32 =	vadd.f32 v37, v36;
	v33 =	vadd.f32 v39, v38  }
0x6c7: {  	v57 =	vld [tilespmem:s19+$0x12460];
	v7 =	vadd.f32 v60, v58;
	v1 =	vadd.f32 v45, v1  }
0x6c8: {  	v59 =	vld [tilespmem:s19+$0x13460];
	v52 =	vadd.f32 v8, v3;
	v3 =	vadd.f32 v53, v51  }
0x6c9: {  	v28 =	vld [tilespmem:s19+$0x12410];
	v0 =	vadd.f32 v0, v47;
	v35 =	vadd.f32 v63, v62  }
0x6ca: {  	v31 =	vld [tilespmem:s19+$0x13410];
	v37 =	vadd.f32 v30, v29;
	v38 =	vadd.f32 v33, v32  }
0x6cb: {  	v39 =	vld [tilespmem:s19+$0x12430];
	v47 =	vadd.f32 v41, v40;
	v62 =	vadd.f32 v49, v48  }
0x6cc: {  	v34 =	vld [tilespmem:s19+$0x12420];
	v2 =	vadd.f32 v11, v2;
	v0 =	vadd.f32 v54, v0  }
0x6cd: {  	v36 =	vld [tilespmem:s19+$0x13420];
	v7 =	vadd.f32 v35, v7;
	v19 =	vadd.f32 v38, v37  }
0x6ce: {  	v54 =	vadd.f32 v17, v14;
	v56 =	vadd.f32 v50, v47  }
0x6cf: {  	v5 =	vadd.f32 v59, v57;
	v20 =	vadd.f32 v31, v28  }
0x6d0: {  	[tilespmem:s19+$0x17400] =	vst v1;
	v1 =	vadd.f32 v2, v52;
	v61 =	vadd.f32 v46, v39  }
0x6d1: {  	v58 =	vadd.f32 v55, v54;
	v63 =	vadd.f32 v62, v19  }
0x6d2: {  	v60 =	vadd.f32 v36, v34;
	v0 =	vadd.f32 v20, v0  }
0x6d3: {  	v2 =	vadd.f32 v61, v7;
	v1 =	vadd.f32 v58, v1;
	[tilespmem:s19+$0x17440] =	vst v63  }
0x6d4: {  	[tilespmem:s19+$0x17410] =	vst v0;
	v0 =	vadd.f32 v4, v56;
	v4 =	vadd.f32 v60, v10  }
0x6d5: {  	[tilespmem:s19+$0x17430] =	vst v2;
	v1 =	vadd.f32 v5, v1  }
0x6d6: {  	[tilespmem:s19+$0x17420] =	vst v4;
	v0 =	vadd.f32 v3, v0  }
0x6d7: {  	[tilespmem:s19+$0x17460] =	vst v1  }
0x6d8: {  	s20 =	rddreg [dreg:$0x11];
	[tilespmem:s19+$0x17450] =	vst v0  }
0x6d9: {  	[hbm4b:s20+s4] =	stream.linear.scatter [tilespmem:s17], [sflag:$0x6], $0x1000, $0x38;
	[tilespmem:$0x18400] =	vst v63  }
0x6da: {  	s21 =	rddreg [dreg:$0x12]  }
0x6db: {  	[hbm4b:s21+s4] =	stream.linear.scatter [tilespmem:s9], [sflag:$0x6], $0x1000, $0x38;
	[tilespmem:$0x18400] =	vst v63  }
0x6dc: {  	_ =	swait.ge [sflag:s12], $0x1000  }
0x6dd: {  	[sflag:s12] =	ssyncset.done $0x0  }
0x6de: {  	[sflag:s12] =	ssyncadd.s32 $0xFFFFF000  }
0x6df: {  	_ =	swait.ge [sflag:s12], $0x1000  }
0x6e0: {  	s18 =	rddreg [dreg:$0x15]  }
0x6e1: {  	s22 =	rddreg [dreg:$0x13];
	s18 =	sadd.s32 $0x1, s18  }
0x6e2: {  	p0 =	sne.s32 s18, s22  }
.Ltmp7:
0x6e3: {  	_ = 	snop;
	(pc) =	sbr.rel @p0 .LBB2_1-.Ltmp7, $3  }
0x6e4: {  	_ =	sdelay $0x1  }
0x6e5: {  	[sflag:s12] =	ssyncset.done $0x0  }
0x6e6: {  	[sflag:s12] =	ssyncadd.s32 $0xFFFFF000  }
0x6e7: {  	_ =	sfence.sel $0x180000  }
0x6e8: {  	[bflag:$0x0] =	sbarrier.arrive $0xFFFF  }
0x6e9: {  	_ =	strace $0x90000047  }
0x6ea: {  	s0 =	stileid.u32;
	[bflag:$0x2] =	sbarrier.arrive $0xFFFF  }
0x6eb: {  	p0 =	sne.s32 s0, $0x0;
	s0 =	rddreg [dreg:$0x3]  }
0x6ec: {  	s0 =	sadd.s32 @!p0 $0x100000, s0  }
0x6ed: {  	[sflag:s0] =	ssyncadd.tile.s32 @!p0 $0x1;
	_ =	shalt  }
.Lfunc_end2:
_tile_overlayer_lowered:
.L_overlay_start_2:
0x6ee: {  	(tag) =	ssettag $0x2  }
0x6ef: {  	s0 =	rddreg [dreg:$0x0];
	s2 =	stileid.u32  }
0x6f0: {  	s1 =	rddreg [dreg:$0x1];
	p0 =	sne.s32 s2, $0x0  }
0x6f1: {  	s3 =	rddreg [dreg:$0x2];
	[bflag:$0x3] =	sbarrier.arrive $0xFFFF;
	s2 =	simm.s32 @!p0 $0x1C07  }
0x6f2: {  	[timem:s3], [sflag:s2] =	dma.local @!p0 [hbm:s0], s1  }
0x6f3: {  	s0 =	simm.s32 @!p0 $0x7  }
0x6f4: {  	_ =	swait.ge @!p0 [sflag:s0], s1  }
0x6f5: {  	s1 =	ssub.s32 @!p0 $0x0, s1;
	[sflag:s0] =	ssyncset.done @!p0 $0x0  }
0x6f6: {  	[sflag:s0] =	ssyncadd.s32 @!p0 s1  }
0x6f7: {  	[bflag:$0x3] =	sbarrier.arrive $0xFFFF  }
0x6f8: {  	_ =	shalt  }

</sc_bundles>
